<compile_context>
chip_gen: v7x
topology: tpu7x:2x2x1
jax: 0.10.2.dev20260603
libtpu: 0.0.44.dev20260713+nightly
codegen_flags: <defaults>
</compile_context>

<pallas_src>
import jax
import jax.numpy as jnp
from jax import lax
from jax.experimental import pallas as pl
from jax.experimental.pallas import tpu as pltpu
from jax.experimental.pallas import tpu_sc as plsc

N = 10000
NP = 10240
E = 320000
NG = 16
NC = 2
NS = 16
NW = NC * NS
L = 128
SUB = 2
NCH = 40
NSTR = NCH * SUB
EPT = NSTR * L
EPAD = NW * EPT
RPT = NP // NS
DS = 64

_mesh = plsc.VectorSubcoreMesh(core_axis_name="c", subcore_axis_name="s")
_params = pltpu.CompilerParams(needs_layout_passes=False)


def _deg_body(dst_h, ew_h, z_h, out0_h, out1_h, acc, dstv, ewv, zv):
    c = lax.axis_index("c")
    s = lax.axis_index("s")
    r = c * NS + s
    pltpu.sync_copy(z_h, zv)
    pltpu.sync_copy(zv, acc.at[pl.ds(s * RPT, RPT)])
    plsc.subcore_barrier()

    def chunk(k, carry):
        pltpu.sync_copy(dst_h.at[r, k], dstv)
        pltpu.sync_copy(ew_h.at[r, k], ewv)
        pltpu.sync_copy(ewv, acc.at[dstv], add=True)
        return carry

    lax.fori_loop(0, NSTR, chunk, 0)
    plsc.subcore_barrier()
    pltpu.sync_copy(acc.at[pl.ds(s * RPT, RPT)], zv)

    @pl.when(c == 0)
    def _():
        pltpu.sync_copy(zv, out0_h.at[pl.ds(s * RPT, RPT)])

    @pl.when(c == 1)
    def _():
        pltpu.sync_copy(zv, out1_h.at[pl.ds(s * RPT, RPT)])


_deg_call = pl.kernel(
    _deg_body,
    out_type=[jax.ShapeDtypeStruct((NP,), jnp.float32),
              jax.ShapeDtypeStruct((NP,), jnp.float32)],
    mesh=_mesh,
    compiler_params=_params,
    scratch_types=[
        pltpu.VMEM_SHARED((NP,), jnp.float32),
        pltpu.VMEM((L,), jnp.int32),
        pltpu.VMEM((L,), jnp.float32),
        pltpu.VMEM((RPT,), jnp.float32),
    ],
)


def _make_agg(F):
    def body(h_h, src_h, dst_h, ew_h, dinv_h, z1d_h, z128_h, out_h,
             acc1, dinv_v, srcv, dstv, ewv, wv, rows, rowcT, idxT, zv1,
             hv, accc1, accv, sem):
        c = lax.axis_index("c")
        s = lax.axis_index("s")
        r = c * NS + s
        lane = lax.iota(jnp.int32, 16)
        slab = (NP * F) // NS

        pltpu.sync_copy(z1d_h, zv1)
        pltpu.sync_copy(z128_h.at[pl.ds(0, DS)], accv)
        for d in range(slab // (F * L)):
            pltpu.sync_copy(zv1, acc1.at[pl.ds(s * slab + d * F * L, F * L)])
        pltpu.sync_copy(dinv_h, dinv_v)
        plsc.subcore_barrier()

        def chunk(k, carry):
            pltpu.sync_copy(src_h.at[r, k], srcv)
            pltpu.sync_copy(dst_h.at[r, k], dstv)
            pltpu.sync_copy(ew_h.at[r, k], ewv)
            pltpu.async_copy(h_h.at[srcv], rows, sem).wait()
            for g in range(L // 16):
                gb = lane + (g * 16)
                s16 = plsc.load_gather(srcv, [gb])
                e16 = plsc.load_gather(ewv, [gb])
                plsc.store_scatter(wv, [gb],
                                   e16 * plsc.load_gather(dinv_v, [s16]))

            def ibuild(f, cc):
                fb16 = lax.broadcast(f, (16,))
                for g in range(L // 16):
                    gb = lane + (g * 16)
                    d16 = plsc.load_gather(dstv, [gb])
                    plsc.store_scatter(idxT, [fb16, gb], d16 * F + f)
                return cc
            lax.fori_loop(0, F, ibuild, 0)

            def scale(j, cc):
                jb = lax.broadcast(j, (16,))
                wj = plsc.load_gather(wv, [jb])
                for fb in range(F // 16):
                    col = lane + (fb * 16)
                    v = plsc.load_gather(rows, [jb, col])
                    plsc.store_scatter(rowcT, [col, jb], v * wj)
                return cc
            lax.fori_loop(0, L, scale, 0)

            def fscat(f, cc):
                pltpu.sync_copy(rowcT.at[f], acc1.at[idxT.at[f]], add=True)
                return cc
            lax.fori_loop(0, F, fscat, 0)
            return carry

        lax.fori_loop(0, NSTR, chunk, 0)
        plsc.subcore_barrier()

        selfw = jnp.where(c == 0, jnp.float32(1.0), jnp.float32(0.0))
        sv = lax.broadcast(selfw, (16,))
        for d in range(RPT // DS):
            base = s * RPT + d * DS
            pltpu.sync_copy(h_h.at[pl.ds(base, DS)], hv)
            pltpu.sync_copy(acc1.at[pl.ds(base * F, DS * F)], accc1)

            def drow(t, carry, base=base):
                tb = lax.broadcast(t, (16,))
                dv = plsc.load_gather(dinv_v, [lax.broadcast(base + t, (16,))])
                for fb in range(F // 16):
                    col = lane + (fb * 16)
                    a = plsc.load_gather(accc1, [lax.broadcast(t * F, (16,))
                                                 + col])
                    hh = plsc.load_gather(hv, [tb, col])
                    plsc.store_scatter(accv, [tb, col],
                                       dv * (a + sv * dv * hh))
                return carry

            lax.fori_loop(0, DS, drow, 0)
            pltpu.sync_copy(accv, out_h.at[c, pl.ds(base, DS)])

    return pl.kernel(
        body,
        out_type=jax.ShapeDtypeStruct((NC, NP, 128), jnp.float32),
        mesh=_mesh,
        compiler_params=_params,
        scratch_types=[
            pltpu.VMEM_SHARED((NP * F,), jnp.float32),
            pltpu.VMEM((NP,), jnp.float32),
            pltpu.VMEM((L,), jnp.int32),
            pltpu.VMEM((L,), jnp.int32),
            pltpu.VMEM((L,), jnp.float32),
            pltpu.VMEM((L,), jnp.float32),
            pltpu.VMEM((L, 128), jnp.float32),
            pltpu.VMEM((F, L), jnp.float32),
            pltpu.VMEM((F, L), jnp.int32),
            pltpu.VMEM((F * L,), jnp.float32),
            pltpu.VMEM((DS, 128), jnp.float32),
            pltpu.VMEM((DS * F,), jnp.float32),
            pltpu.VMEM((DS, 128), jnp.float32),
            pltpu.SemaphoreType.DMA,
        ],
    )


_agg16 = _make_agg(16)
_agg32 = _make_agg(32)


def _dense1_body(x_ref, w1_ref, deg0_ref, deg1_ref, h_ref, dinv_ref):
    deg = deg0_ref[...] + deg1_ref[...] + 1.0
    dinv_ref[...] = lax.rsqrt(deg)
    h_ref[...] = jnp.dot(x_ref[...], w1_ref[...],
                         preferred_element_type=jnp.float32,
                         precision=lax.Precision.HIGHEST)


def _dense2_body(q_ref, b1_ref, w2_ref, h2_ref):
    o = jnp.maximum(q_ref[0] + q_ref[1] + b1_ref[...], 0.0)
    h2_ref[...] = jnp.dot(o, w2_ref[...], preferred_element_type=jnp.float32,
                          precision=lax.Precision.HIGHEST)


def _dense3_body(q_ref, b2_ref, bat_ref, wfc_ref, bfc_ref, y_ref):
    o = jnp.maximum(q_ref[0] + q_ref[1] + b2_ref[...], 0.0)
    gi = lax.broadcasted_iota(jnp.int32, (NG, NP), 0)
    m = (gi == bat_ref[...][None, :]).astype(jnp.float32)
    sums = jnp.dot(m, o, preferred_element_type=jnp.float32,
                   precision=lax.Precision.HIGHEST)
    cnt = jnp.sum(m, axis=1, keepdims=True)
    g = sums / jnp.maximum(cnt, 1.0)
    y_ref[...] = jnp.dot(g, wfc_ref[...],
                         preferred_element_type=jnp.float32,
                         precision=lax.Precision.HIGHEST) + bfc_ref[...]


def kernel(x, edge_index, edge_attr, batch, W1, b1, W2, b2, Wfc, bfc):
    f32 = jnp.float32
    src = edge_index[0].astype(jnp.int32)
    dst = edge_index[1].astype(jnp.int32)
    ew = edge_attr.astype(f32)
    pad = EPAD - E
    src3 = jnp.concatenate([src, jnp.zeros((pad,), jnp.int32)]).reshape(
        NW, NSTR, L)
    dst3 = jnp.concatenate([dst, jnp.zeros((pad,), jnp.int32)]).reshape(
        NW, NSTR, L)
    ew3 = jnp.concatenate([ew, jnp.zeros((pad,), f32)]).reshape(NW, NSTR, L)
    xp = jnp.concatenate([x, jnp.zeros((NP - N, x.shape[1]), f32)])
    batp = jnp.concatenate(
        [batch.astype(jnp.int32), jnp.full((NP - N,), NG, jnp.int32)])
    W1p = jnp.zeros((128, 128), f32).at[:, :16].set(W1)
    b1p = jnp.zeros((128,), f32).at[:16].set(b1)
    W2p = jnp.zeros((128, 128), f32).at[:16, :32].set(W2)
    b2p = jnp.zeros((128,), f32).at[:32].set(b2)
    Wfcp = jnp.zeros((128, 1), f32).at[:32, :].set(Wfc)
    z1 = jnp.zeros((RPT,), f32)

    z16f = jnp.zeros((16 * L,), f32)
    z32f = jnp.zeros((32 * L,), f32)
    z128f = jnp.zeros((L, 128), f32)

    deg0, deg1 = _deg_call(dst3, ew3, z1)

    h1, dinv = pl.pallas_call(
        _dense1_body,
        out_shape=[
            jax.ShapeDtypeStruct((NP, 128), f32),
            jax.ShapeDtypeStruct((NP,), f32),
        ],
    )(xp, W1p, deg0, deg1)

    q1 = _agg16(h1, src3, dst3, ew3, dinv, z16f, z128f)

    h2 = pl.pallas_call(
        _dense2_body,
        out_shape=jax.ShapeDtypeStruct((NP, 128), f32),
    )(q1, b1p, W2p)

    q2 = _agg32(h2, src3, dst3, ew3, dinv, z32f, z128f)

    y = pl.pallas_call(
        _dense3_body,
        out_shape=jax.ShapeDtypeStruct((NG, 1), f32),
    )(q2, b2p, batp, Wfcp, bfc)
    return y

# --- scband reference (transcript-rebuilt; emitter-appended) ---
"""Pipeline reference for scband-hi-cgnn-42734924595362 (READ-ONLY COPY).

The authoritative reference and input builder live on the scoring server;
editing this copy changes nothing except your own understanding.
"""

import jax, jax.numpy as jnp
import numpy as np

N_NODES = 10000
N_EDGES = 320000
D_FEAT = 128
N_GRAPHS = 16


def setup_inputs(seed: int = 0) -> dict:
    key = jax.random.key(seed)
    k = jax.random.split(key, 10)
    x = jax.random.normal(k[0], (N_NODES, D_FEAT), dtype=jnp.float32)
    edge_index = jax.random.randint(k[1], (2, N_EDGES), 0, N_NODES, dtype=jnp.int64)
    edge_attr = jax.random.uniform(k[2], (N_EDGES,), dtype=jnp.float32)
    batch = jnp.sort(jax.random.randint(k[3], (N_NODES,), 0, N_GRAPHS, dtype=jnp.int64))
    W1 = jax.random.normal(k[4], (D_FEAT, 16), dtype=jnp.float32) * 0.1
    b1 = jnp.zeros((16,), dtype=jnp.float32)
    W2 = jax.random.normal(k[5], (16, 32), dtype=jnp.float32) * 0.1
    b2 = jnp.zeros((32,), dtype=jnp.float32)
    Wfc = jax.random.normal(k[6], (32, 1), dtype=jnp.float32) * 0.1
    bfc = jnp.zeros((1,), dtype=jnp.float32)
    return {"x": x, "edge_index": edge_index, "edge_attr": edge_attr, "batch": batch,
            "W1": W1, "b1": b1, "W2": W2, "b2": b2, "Wfc": Wfc, "bfc": bfc}


def _gcn_conv(x, edge_index, edge_weight, W, b, n_nodes):
    # GCNConv: h = x @ W; add self-loops (weight 1); sym-normalized scatter-add; + bias
    src = edge_index[0]
    dst = edge_index[1]
    loop = jnp.arange(n_nodes, dtype=src.dtype)
    src2 = jnp.concatenate([src, loop])
    dst2 = jnp.concatenate([dst, loop])
    ew2 = jnp.concatenate([edge_weight, jnp.ones((n_nodes,), dtype=edge_weight.dtype)])
    deg = jax.ops.segment_sum(ew2, dst2, num_segments=n_nodes)
    dinv = jnp.where(deg > 0, deg ** -0.5, 0.0)
    norm = dinv[src2] * ew2 * dinv[dst2]
    h = x @ W
    msg = h[src2] * norm[:, None]
    out = jax.ops.segment_sum(msg, dst2, num_segments=n_nodes) + b
    return out


def _global_mean_pool(x, batch, num_graphs):
    sums = jax.ops.segment_sum(x, batch, num_segments=num_graphs)
    cnt = jax.ops.segment_sum(jnp.ones((x.shape[0],), dtype=x.dtype), batch, num_segments=num_graphs)
    return sums / jnp.maximum(cnt, 1.0)[:, None]


def reference(x, edge_index, edge_attr, batch, W1, b1, W2, b2, Wfc, bfc):
    n = x.shape[0]
    h = jax.nn.relu(_gcn_conv(x, edge_index, edge_attr, W1, b1, n))
    h = jax.nn.relu(_gcn_conv(h, edge_index, edge_attr, W2, b2, n))
    g = _global_mean_pool(h, batch, N_GRAPHS)
    return g @ Wfc + bfc

if __name__ == "__main__":
    import jax
    _d = setup_inputs()
    print(jax.jit(kernel)(*tuple(_d.values())))

</pallas_src>

<mosaic_0001>
#map = affine_map<(d0, d1) -> (0, 0)>
#map1 = affine_map<(d0, d1) -> (0, 0, 0)>
#map2 = affine_map<(d0, d1) -> (0)>
module attributes {stable_mosaic.version = 14 : i64} {
  func.func @body(%arg0: i32, %arg1: i32, %arg2: memref<10240x128xf32, #tpu.memory_space<hbm>>, %arg3: memref<32x80x128xi32, #tpu.memory_space<hbm>>, %arg4: memref<32x80x128xi32, #tpu.memory_space<hbm>>, %arg5: memref<32x80x128xf32, #tpu.memory_space<hbm>>, %arg6: memref<10240xf32, #tpu.memory_space<hbm>>, %arg7: memref<4096xf32, #tpu.memory_space<hbm>>, %arg8: memref<128x128xf32, #tpu.memory_space<hbm>>, %arg9: memref<2x10240x128xf32, #tpu.memory_space<hbm>>, %arg10: memref<327680xf32, #tpu.memory_space<vmem_shared>>, %arg11: memref<10240xf32, #tpu.memory_space<vmem>>, %arg12: memref<128xi32, #tpu.memory_space<vmem>>, %arg13: memref<128xi32, #tpu.memory_space<vmem>>, %arg14: memref<128xf32, #tpu.memory_space<vmem>>, %arg15: memref<128xf32, #tpu.memory_space<vmem>>, %arg16: memref<128x128xf32, #tpu.memory_space<vmem>>, %arg17: memref<32x128xf32, #tpu.memory_space<vmem>>, %arg18: memref<32x128xi32, #tpu.memory_space<vmem>>, %arg19: memref<4096xf32, #tpu.memory_space<vmem>>, %arg20: memref<64x128xf32, #tpu.memory_space<vmem>>, %arg21: memref<2048xf32, #tpu.memory_space<vmem>>, %arg22: memref<64x128xf32, #tpu.memory_space<vmem>>, %arg23: memref<!tpu.dma_semaphore, #tpu.memory_space<semaphore_mem>>) attributes {dimension_semantics = [#tpu.dimension_semantics<core_parallel>, #tpu.dimension_semantics<subcore_parallel>], iteration_bounds = array<i64: 2, 16>, scalar_prefetch = 0 : i64, scratch_operands = 14 : i64, tpu.core_type = #tpu.core_type<sc_vector_subcore>, window_params = [{transform_indices = #map}, {transform_indices = #map1}, {transform_indices = #map1}, {transform_indices = #map1}, {transform_indices = #map2}, {transform_indices = #map2}, {transform_indices = #map}, {transform_indices = #map1}]} {
    %mul3A = arith.constant 16 : i32
    %mul3A_0 = arith.muli %arg0, %mul3A : i32
    %add3A = arith.addi %mul3A_0, %arg1 : i32
    %iota3A = tpu.iota {dimensions = array<i32: 0>} : vector<16xi32>
    "tpu.region"() ({
      %run_scoped3A = tpu.sem_alloc : memref<!tpu.dma_semaphore, #tpu.memory_space<semaphore_mem>>
      tpu.enqueue_dma source(%arg7 : memref<4096xf32, #tpu.memory_space<hbm>>) target(%arg19 : memref<4096xf32, #tpu.memory_space<vmem>>) target_semaphore(%run_scoped3A : memref<!tpu.dma_semaphore, #tpu.memory_space<semaphore_mem>>)
      tpu.wait_dma2 semaphore(%run_scoped3A : memref<!tpu.dma_semaphore, #tpu.memory_space<semaphore_mem>>) src(%arg7 : memref<4096xf32, #tpu.memory_space<hbm>>) dst(%arg19 : memref<4096xf32, #tpu.memory_space<vmem>>)
      tpu.yield
    }) : () -> ()
    "tpu.region"() ({
      %run_scoped3A = tpu.sem_alloc : memref<!tpu.dma_semaphore, #tpu.memory_space<semaphore_mem>>
      %dma_start3A = arith.constant 0 : i32
      %dma_start3A_149 = arith.constant 0 : i32
      %dma_start3A_150 = tpu.memref_slice %arg8[%dma_start3A, %dma_start3A_149] : memref<128x128xf32, #tpu.memory_space<hbm>> -> memref<64x128xf32, #tpu.memory_space<hbm>>
      %dma_start3A_151 = arith.constant 0 : i32
      %dma_start3A_152 = arith.constant 0 : i32
      %dma_start3A_153 = tpu.memref_slice %arg8[%dma_start3A_151, %dma_start3A_152] : memref<128x128xf32, #tpu.memory_space<hbm>> -> memref<64x128xf32, #tpu.memory_space<hbm>>
      tpu.enqueue_dma source(%dma_start3A_153 : memref<64x128xf32, #tpu.memory_space<hbm>>) target(%arg22 : memref<64x128xf32, #tpu.memory_space<vmem>>) target_semaphore(%run_scoped3A : memref<!tpu.dma_semaphore, #tpu.memory_space<semaphore_mem>>)
      %dma_wait3A = arith.constant 0 : i32
      %dma_wait3A_154 = arith.constant 0 : i32
      %dma_wait3A_155 = tpu.memref_slice %arg8[%dma_wait3A, %dma_wait3A_154] : memref<128x128xf32, #tpu.memory_space<hbm>> -> memref<64x128xf32, #tpu.memory_space<hbm>>
      %dma_wait3A_156 = arith.constant 0 : i32
      %dma_wait3A_157 = arith.constant 0 : i32
      %dma_wait3A_158 = tpu.memref_slice %arg8[%dma_wait3A_156, %dma_wait3A_157] : memref<128x128xf32, #tpu.memory_space<hbm>> -> memref<64x128xf32, #tpu.memory_space<hbm>>
      tpu.wait_dma2 semaphore(%run_scoped3A : memref<!tpu.dma_semaphore, #tpu.memory_space<semaphore_mem>>) src(%dma_wait3A_158 : memref<64x128xf32, #tpu.memory_space<hbm>>) dst(%arg22 : memref<64x128xf32, #tpu.memory_space<vmem>>)
      tpu.yield
    }) : () -> ()
    %mul3A_1 = arith.constant 20480 : i32
    %mul3A_2 = arith.muli %arg1, %mul3A_1 : i32
    %add3A_3 = arith.constant 0 : i32
    %add3A_4 = arith.addi %mul3A_2, %add3A_3 : i32
    "tpu.region"() ({
      %run_scoped3A = tpu.sem_alloc : memref<!tpu.dma_semaphore, #tpu.memory_space<semaphore_mem>>
      %dma_start3A = tpu.memref_slice %arg10[%add3A_4] : memref<327680xf32, #tpu.memory_space<vmem_shared>> -> memref<4096xf32, #tpu.memory_space<vmem_shared>>
      %dma_start3A_149 = tpu.memref_slice %arg10[%add3A_4] : memref<327680xf32, #tpu.memory_space<vmem_shared>> -> memref<4096xf32, #tpu.memory_space<vmem_shared>>
      tpu.enqueue_dma source(%arg19 : memref<4096xf32, #tpu.memory_space<vmem>>) target(%dma_start3A_149 : memref<4096xf32, #tpu.memory_space<vmem_shared>>) target_semaphore(%run_scoped3A : memref<!tpu.dma_semaphore, #tpu.memory_space<semaphore_mem>>)
      %dma_wait3A = tpu.memref_slice %arg10[%add3A_4] : memref<327680xf32, #tpu.memory_space<vmem_shared>> -> memref<4096xf32, #tpu.memory_space<vmem_shared>>
      %dma_wait3A_150 = tpu.memref_slice %arg10[%add3A_4] : memref<327680xf32, #tpu.memory_space<vmem_shared>> -> memref<4096xf32, #tpu.memory_space<vmem_shared>>
      tpu.wait_dma2 semaphore(%run_scoped3A : memref<!tpu.dma_semaphore, #tpu.memory_space<semaphore_mem>>) src(%arg19 : memref<4096xf32, #tpu.memory_space<vmem>>) dst(%dma_wait3A_150 : memref<4096xf32, #tpu.memory_space<vmem_shared>>)
      tpu.yield
    }) : () -> ()
    %mul3A_5 = arith.constant 20480 : i32
    %mul3A_6 = arith.muli %arg1, %mul3A_5 : i32
    %add3A_7 = arith.constant 4096 : i32
    %add3A_8 = arith.addi %mul3A_6, %add3A_7 : i32
    "tpu.region"() ({
      %run_scoped3A = tpu.sem_alloc : memref<!tpu.dma_semaphore, #tpu.memory_space<semaphore_mem>>
      %dma_start3A = tpu.memref_slice %arg10[%add3A_8] : memref<327680xf32, #tpu.memory_space<vmem_shared>> -> memref<4096xf32, #tpu.memory_space<vmem_shared>>
      %dma_start3A_149 = tpu.memref_slice %arg10[%add3A_8] : memref<327680xf32, #tpu.memory_space<vmem_shared>> -> memref<4096xf32, #tpu.memory_space<vmem_shared>>
      tpu.enqueue_dma source(%arg19 : memref<4096xf32, #tpu.memory_space<vmem>>) target(%dma_start3A_149 : memref<4096xf32, #tpu.memory_space<vmem_shared>>) target_semaphore(%run_scoped3A : memref<!tpu.dma_semaphore, #tpu.memory_space<semaphore_mem>>)
      %dma_wait3A = tpu.memref_slice %arg10[%add3A_8] : memref<327680xf32, #tpu.memory_space<vmem_shared>> -> memref<4096xf32, #tpu.memory_space<vmem_shared>>
      %dma_wait3A_150 = tpu.memref_slice %arg10[%add3A_8] : memref<327680xf32, #tpu.memory_space<vmem_shared>> -> memref<4096xf32, #tpu.memory_space<vmem_shared>>
      tpu.wait_dma2 semaphore(%run_scoped3A : memref<!tpu.dma_semaphore, #tpu.memory_space<semaphore_mem>>) src(%arg19 : memref<4096xf32, #tpu.memory_space<vmem>>) dst(%dma_wait3A_150 : memref<4096xf32, #tpu.memory_space<vmem_shared>>)
      tpu.yield
    }) : () -> ()
    %mul3A_9 = arith.constant 20480 : i32
    %mul3A_10 = arith.muli %arg1, %mul3A_9 : i32
    %add3A_11 = arith.constant 8192 : i32
    %add3A_12 = arith.addi %mul3A_10, %add3A_11 : i32
    "tpu.region"() ({
      %run_scoped3A = tpu.sem_alloc : memref<!tpu.dma_semaphore, #tpu.memory_space<semaphore_mem>>
      %dma_start3A = tpu.memref_slice %arg10[%add3A_12] : memref<327680xf32, #tpu.memory_space<vmem_shared>> -> memref<4096xf32, #tpu.memory_space<vmem_shared>>
      %dma_start3A_149 = tpu.memref_slice %arg10[%add3A_12] : memref<327680xf32, #tpu.memory_space<vmem_shared>> -> memref<4096xf32, #tpu.memory_space<vmem_shared>>
      tpu.enqueue_dma source(%arg19 : memref<4096xf32, #tpu.memory_space<vmem>>) target(%dma_start3A_149 : memref<4096xf32, #tpu.memory_space<vmem_shared>>) target_semaphore(%run_scoped3A : memref<!tpu.dma_semaphore, #tpu.memory_space<semaphore_mem>>)
      %dma_wait3A = tpu.memref_slice %arg10[%add3A_12] : memref<327680xf32, #tpu.memory_space<vmem_shared>> -> memref<4096xf32, #tpu.memory_space<vmem_shared>>
      %dma_wait3A_150 = tpu.memref_slice %arg10[%add3A_12] : memref<327680xf32, #tpu.memory_space<vmem_shared>> -> memref<4096xf32, #tpu.memory_space<vmem_shared>>
      tpu.wait_dma2 semaphore(%run_scoped3A : memref<!tpu.dma_semaphore, #tpu.memory_space<semaphore_mem>>) src(%arg19 : memref<4096xf32, #tpu.memory_space<vmem>>) dst(%dma_wait3A_150 : memref<4096xf32, #tpu.memory_space<vmem_shared>>)
      tpu.yield
    }) : () -> ()
    %mul3A_13 = arith.constant 20480 : i32
    %mul3A_14 = arith.muli %arg1, %mul3A_13 : i32
    %add3A_15 = arith.constant 12288 : i32
    %add3A_16 = arith.addi %mul3A_14, %add3A_15 : i32
    "tpu.region"() ({
      %run_scoped3A = tpu.sem_alloc : memref<!tpu.dma_semaphore, #tpu.memory_space<semaphore_mem>>
      %dma_start3A = tpu.memref_slice %arg10[%add3A_16] : memref<327680xf32, #tpu.memory_space<vmem_shared>> -> memref<4096xf32, #tpu.memory_space<vmem_shared>>
      %dma_start3A_149 = tpu.memref_slice %arg10[%add3A_16] : memref<327680xf32, #tpu.memory_space<vmem_shared>> -> memref<4096xf32, #tpu.memory_space<vmem_shared>>
      tpu.enqueue_dma source(%arg19 : memref<4096xf32, #tpu.memory_space<vmem>>) target(%dma_start3A_149 : memref<4096xf32, #tpu.memory_space<vmem_shared>>) target_semaphore(%run_scoped3A : memref<!tpu.dma_semaphore, #tpu.memory_space<semaphore_mem>>)
      %dma_wait3A = tpu.memref_slice %arg10[%add3A_16] : memref<327680xf32, #tpu.memory_space<vmem_shared>> -> memref<4096xf32, #tpu.memory_space<vmem_shared>>
      %dma_wait3A_150 = tpu.memref_slice %arg10[%add3A_16] : memref<327680xf32, #tpu.memory_space<vmem_shared>> -> memref<4096xf32, #tpu.memory_space<vmem_shared>>
      tpu.wait_dma2 semaphore(%run_scoped3A : memref<!tpu.dma_semaphore, #tpu.memory_space<semaphore_mem>>) src(%arg19 : memref<4096xf32, #tpu.memory_space<vmem>>) dst(%dma_wait3A_150 : memref<4096xf32, #tpu.memory_space<vmem_shared>>)
      tpu.yield
    }) : () -> ()
    %mul3A_17 = arith.constant 20480 : i32
    %mul3A_18 = arith.muli %arg1, %mul3A_17 : i32
    %add3A_19 = arith.constant 16384 : i32
    %add3A_20 = arith.addi %mul3A_18, %add3A_19 : i32
    "tpu.region"() ({
      %run_scoped3A = tpu.sem_alloc : memref<!tpu.dma_semaphore, #tpu.memory_space<semaphore_mem>>
      %dma_start3A = tpu.memref_slice %arg10[%add3A_20] : memref<327680xf32, #tpu.memory_space<vmem_shared>> -> memref<4096xf32, #tpu.memory_space<vmem_shared>>
      %dma_start3A_149 = tpu.memref_slice %arg10[%add3A_20] : memref<327680xf32, #tpu.memory_space<vmem_shared>> -> memref<4096xf32, #tpu.memory_space<vmem_shared>>
      tpu.enqueue_dma source(%arg19 : memref<4096xf32, #tpu.memory_space<vmem>>) target(%dma_start3A_149 : memref<4096xf32, #tpu.memory_space<vmem_shared>>) target_semaphore(%run_scoped3A : memref<!tpu.dma_semaphore, #tpu.memory_space<semaphore_mem>>)
      %dma_wait3A = tpu.memref_slice %arg10[%add3A_20] : memref<327680xf32, #tpu.memory_space<vmem_shared>> -> memref<4096xf32, #tpu.memory_space<vmem_shared>>
      %dma_wait3A_150 = tpu.memref_slice %arg10[%add3A_20] : memref<327680xf32, #tpu.memory_space<vmem_shared>> -> memref<4096xf32, #tpu.memory_space<vmem_shared>>
      tpu.wait_dma2 semaphore(%run_scoped3A : memref<!tpu.dma_semaphore, #tpu.memory_space<semaphore_mem>>) src(%arg19 : memref<4096xf32, #tpu.memory_space<vmem>>) dst(%dma_wait3A_150 : memref<4096xf32, #tpu.memory_space<vmem_shared>>)
      tpu.yield
    }) : () -> ()
    "tpu.region"() ({
      %run_scoped3A = tpu.sem_alloc : memref<!tpu.dma_semaphore, #tpu.memory_space<semaphore_mem>>
      tpu.enqueue_dma source(%arg6 : memref<10240xf32, #tpu.memory_space<hbm>>) target(%arg11 : memref<10240xf32, #tpu.memory_space<vmem>>) target_semaphore(%run_scoped3A : memref<!tpu.dma_semaphore, #tpu.memory_space<semaphore_mem>>)
      tpu.wait_dma2 semaphore(%run_scoped3A : memref<!tpu.dma_semaphore, #tpu.memory_space<semaphore_mem>>) src(%arg6 : memref<10240xf32, #tpu.memory_space<hbm>>) dst(%arg11 : memref<10240xf32, #tpu.memory_space<vmem>>)
      tpu.yield
    }) : () -> ()
    %barrier3A = arith.constant 0 : index
    tpu.barrier barrier_id(%barrier3A)
    %scan3A = arith.constant 0 : i32
    %scan3A_21 = arith.constant 0 : i32
    %scan3A_22 = arith.constant 80 : i32
    %scan3A_23 = arith.addi %scan3A_21, %scan3A_22 : i32
    %scan3A_24 = arith.constant 1 : i32
    scf.for %scan3A_149 = %scan3A_21 to %scan3A_23 step %scan3A_24  : i32 {
      "tpu.region"() ({
        %run_scoped3A = tpu.sem_alloc : memref<!tpu.dma_semaphore, #tpu.memory_space<semaphore_mem>>
        %dma_start3A_227 = arith.constant 0 : i32
        %dma_start3A_228 = tpu.memref_slice %arg3[%add3A, %scan3A_149, %dma_start3A_227] : memref<32x80x128xi32, #tpu.memory_space<hbm>> -> memref<1x1x128xi32, #tpu.memory_space<hbm>>
        %dma_start3A_229 = tpu.memref_squeeze %dma_start3A_228 : memref<1x1x128xi32, #tpu.memory_space<hbm>> -> memref<128xi32, #tpu.memory_space<hbm>>
        %dma_start3A_230 = arith.constant 0 : i32
        %dma_start3A_231 = tpu.memref_slice %arg3[%add3A, %scan3A_149, %dma_start3A_230] : memref<32x80x128xi32, #tpu.memory_space<hbm>> -> memref<1x1x128xi32, #tpu.memory_space<hbm>>
        %dma_start3A_232 = tpu.memref_squeeze %dma_start3A_231 : memref<1x1x128xi32, #tpu.memory_space<hbm>> -> memref<128xi32, #tpu.memory_space<hbm>>
        tpu.enqueue_dma source(%dma_start3A_232 : memref<128xi32, #tpu.memory_space<hbm>>) target(%arg12 : memref<128xi32, #tpu.memory_space<vmem>>) target_semaphore(%run_scoped3A : memref<!tpu.dma_semaphore, #tpu.memory_space<semaphore_mem>>)
        %dma_wait3A_233 = arith.constant 0 : i32
        %dma_wait3A_234 = tpu.memref_slice %arg3[%add3A, %scan3A_149, %dma_wait3A_233] : memref<32x80x128xi32, #tpu.memory_space<hbm>> -> memref<1x1x128xi32, #tpu.memory_space<hbm>>
        %dma_wait3A_235 = tpu.memref_squeeze %dma_wait3A_234 : memref<1x1x128xi32, #tpu.memory_space<hbm>> -> memref<128xi32, #tpu.memory_space<hbm>>
        %dma_wait3A_236 = arith.constant 0 : i32
        %dma_wait3A_237 = tpu.memref_slice %arg3[%add3A, %scan3A_149, %dma_wait3A_236] : memref<32x80x128xi32, #tpu.memory_space<hbm>> -> memref<1x1x128xi32, #tpu.memory_space<hbm>>
        %dma_wait3A_238 = tpu.memref_squeeze %dma_wait3A_237 : memref<1x1x128xi32, #tpu.memory_space<hbm>> -> memref<128xi32, #tpu.memory_space<hbm>>
        tpu.wait_dma2 semaphore(%run_scoped3A : memref<!tpu.dma_semaphore, #tpu.memory_space<semaphore_mem>>) src(%dma_wait3A_238 : memref<128xi32, #tpu.memory_space<hbm>>) dst(%arg12 : memref<128xi32, #tpu.memory_space<vmem>>)
        tpu.yield
      }) : () -> ()
      "tpu.region"() ({
        %run_scoped3A = tpu.sem_alloc : memref<!tpu.dma_semaphore, #tpu.memory_space<semaphore_mem>>
        %dma_start3A_227 = arith.constant 0 : i32
        %dma_start3A_228 = tpu.memref_slice %arg4[%add3A, %scan3A_149, %dma_start3A_227] : memref<32x80x128xi32, #tpu.memory_space<hbm>> -> memref<1x1x128xi32, #tpu.memory_space<hbm>>
        %dma_start3A_229 = tpu.memref_squeeze %dma_start3A_228 : memref<1x1x128xi32, #tpu.memory_space<hbm>> -> memref<128xi32, #tpu.memory_space<hbm>>
        %dma_start3A_230 = arith.constant 0 : i32
        %dma_start3A_231 = tpu.memref_slice %arg4[%add3A, %scan3A_149, %dma_start3A_230] : memref<32x80x128xi32, #tpu.memory_space<hbm>> -> memref<1x1x128xi32, #tpu.memory_space<hbm>>
        %dma_start3A_232 = tpu.memref_squeeze %dma_start3A_231 : memref<1x1x128xi32, #tpu.memory_space<hbm>> -> memref<128xi32, #tpu.memory_space<hbm>>
        tpu.enqueue_dma source(%dma_start3A_232 : memref<128xi32, #tpu.memory_space<hbm>>) target(%arg13 : memref<128xi32, #tpu.memory_space<vmem>>) target_semaphore(%run_scoped3A : memref<!tpu.dma_semaphore, #tpu.memory_space<semaphore_mem>>)
        %dma_wait3A_233 = arith.constant 0 : i32
        %dma_wait3A_234 = tpu.memref_slice %arg4[%add3A, %scan3A_149, %dma_wait3A_233] : memref<32x80x128xi32, #tpu.memory_space<hbm>> -> memref<1x1x128xi32, #tpu.memory_space<hbm>>
        %dma_wait3A_235 = tpu.memref_squeeze %dma_wait3A_234 : memref<1x1x128xi32, #tpu.memory_space<hbm>> -> memref<128xi32, #tpu.memory_space<hbm>>
        %dma_wait3A_236 = arith.constant 0 : i32
        %dma_wait3A_237 = tpu.memref_slice %arg4[%add3A, %scan3A_149, %dma_wait3A_236] : memref<32x80x128xi32, #tpu.memory_space<hbm>> -> memref<1x1x128xi32, #tpu.memory_space<hbm>>
        %dma_wait3A_238 = tpu.memref_squeeze %dma_wait3A_237 : memref<1x1x128xi32, #tpu.memory_space<hbm>> -> memref<128xi32, #tpu.memory_space<hbm>>
        tpu.wait_dma2 semaphore(%run_scoped3A : memref<!tpu.dma_semaphore, #tpu.memory_space<semaphore_mem>>) src(%dma_wait3A_238 : memref<128xi32, #tpu.memory_space<hbm>>) dst(%arg13 : memref<128xi32, #tpu.memory_space<vmem>>)
        tpu.yield
      }) : () -> ()
      "tpu.region"() ({
        %run_scoped3A = tpu.sem_alloc : memref<!tpu.dma_semaphore, #tpu.memory_space<semaphore_mem>>
        %dma_start3A_227 = arith.constant 0 : i32
        %dma_start3A_228 = tpu.memref_slice %arg5[%add3A, %scan3A_149, %dma_start3A_227] : memref<32x80x128xf32, #tpu.memory_space<hbm>> -> memref<1x1x128xf32, #tpu.memory_space<hbm>>
        %dma_start3A_229 = tpu.memref_squeeze %dma_start3A_228 : memref<1x1x128xf32, #tpu.memory_space<hbm>> -> memref<128xf32, #tpu.memory_space<hbm>>
        %dma_start3A_230 = arith.constant 0 : i32
        %dma_start3A_231 = tpu.memref_slice %arg5[%add3A, %scan3A_149, %dma_start3A_230] : memref<32x80x128xf32, #tpu.memory_space<hbm>> -> memref<1x1x128xf32, #tpu.memory_space<hbm>>
        %dma_start3A_232 = tpu.memref_squeeze %dma_start3A_231 : memref<1x1x128xf32, #tpu.memory_space<hbm>> -> memref<128xf32, #tpu.memory_space<hbm>>
        tpu.enqueue_dma source(%dma_start3A_232 : memref<128xf32, #tpu.memory_space<hbm>>) target(%arg14 : memref<128xf32, #tpu.memory_space<vmem>>) target_semaphore(%run_scoped3A : memref<!tpu.dma_semaphore, #tpu.memory_space<semaphore_mem>>)
        %dma_wait3A_233 = arith.constant 0 : i32
        %dma_wait3A_234 = tpu.memref_slice %arg5[%add3A, %scan3A_149, %dma_wait3A_233] : memref<32x80x128xf32, #tpu.memory_space<hbm>> -> memref<1x1x128xf32, #tpu.memory_space<hbm>>
        %dma_wait3A_235 = tpu.memref_squeeze %dma_wait3A_234 : memref<1x1x128xf32, #tpu.memory_space<hbm>> -> memref<128xf32, #tpu.memory_space<hbm>>
        %dma_wait3A_236 = arith.constant 0 : i32
        %dma_wait3A_237 = tpu.memref_slice %arg5[%add3A, %scan3A_149, %dma_wait3A_236] : memref<32x80x128xf32, #tpu.memory_space<hbm>> -> memref<1x1x128xf32, #tpu.memory_space<hbm>>
        %dma_wait3A_238 = tpu.memref_squeeze %dma_wait3A_237 : memref<1x1x128xf32, #tpu.memory_space<hbm>> -> memref<128xf32, #tpu.memory_space<hbm>>
        tpu.wait_dma2 semaphore(%run_scoped3A : memref<!tpu.dma_semaphore, #tpu.memory_space<semaphore_mem>>) src(%dma_wait3A_238 : memref<128xf32, #tpu.memory_space<hbm>>) dst(%arg14 : memref<128xf32, #tpu.memory_space<vmem>>)
        tpu.yield
      }) : () -> ()
      %dma_start3A = arith.constant 0 : i32
      %dma_start3A_150 = arith.constant 0 : i32
      %dma_start3A_151 = tpu.memref_slice %arg2[%dma_start3A, %dma_start3A_150] : memref<10240x128xf32, #tpu.memory_space<hbm>> -> memref<10240x128xf32, #tpu.memory_space<hbm>>
      tpu.enqueue_indirect_dma source(%dma_start3A_151 : memref<10240x128xf32, #tpu.memory_space<hbm>>) target(%arg16 : memref<128x128xf32, #tpu.memory_space<vmem>>) offsets(%arg12 : memref<128xi32, #tpu.memory_space<vmem>>) semaphore(%arg23 : memref<!tpu.dma_semaphore, #tpu.memory_space<semaphore_mem>>)
      %dma_wait3A = arith.constant 0 : i32
      %dma_wait3A_152 = arith.constant 0 : i32
      %dma_wait3A_153 = tpu.memref_slice %arg2[%dma_wait3A, %dma_wait3A_152] : memref<10240x128xf32, #tpu.memory_space<hbm>> -> memref<10240x128xf32, #tpu.memory_space<hbm>>
      tpu.wait_indirect_dma semaphore(%arg23 : memref<!tpu.dma_semaphore, #tpu.memory_space<semaphore_mem>>) src(%dma_wait3A_153 : memref<10240x128xf32, #tpu.memory_space<hbm>>) dst(%arg16 : memref<128x128xf32, #tpu.memory_space<vmem>>)
      %add3A_154 = arith.constant 0 : i32
      %add3A_155 = vector.broadcast %add3A_154 : i32 to vector<16xi32>
      %add3A_156 = arith.addi %iota3A, %add3A_155 : vector<16xi32>
      %gather3A = tpu.vector_load_idx %arg12[%add3A_156] : memref<128xi32, #tpu.memory_space<vmem>>[vector<16xi32>], vector<16xi32>,
      %gather3A_157 = tpu.vector_load_idx %arg14[%add3A_156] : memref<128xf32, #tpu.memory_space<vmem>>[vector<16xi32>], vector<16xf32>,
      %gather3A_158 = tpu.vector_load_idx %arg11[%gather3A] : memref<10240xf32, #tpu.memory_space<vmem>>[vector<16xi32>], vector<16xf32>,
      %mul3A_159 = arith.mulf %gather3A_157, %gather3A_158 : vector<16xf32>
      tpu.vector_store_idx %arg15[%add3A_156], %mul3A_159 : memref<128xf32, #tpu.memory_space<vmem>>[vector<16xi32>], vector<16xf32>,
      %add3A_160 = arith.constant 16 : i32
      %add3A_161 = vector.broadcast %add3A_160 : i32 to vector<16xi32>
      %add3A_162 = arith.addi %iota3A, %add3A_161 : vector<16xi32>
      %gather3A_163 = tpu.vector_load_idx %arg12[%add3A_162] : memref<128xi32, #tpu.memory_space<vmem>>[vector<16xi32>], vector<16xi32>,
      %gather3A_164 = tpu.vector_load_idx %arg14[%add3A_162] : memref<128xf32, #tpu.memory_space<vmem>>[vector<16xi32>], vector<16xf32>,
      %gather3A_165 = tpu.vector_load_idx %arg11[%gather3A_163] : memref<10240xf32, #tpu.memory_space<vmem>>[vector<16xi32>], vector<16xf32>,
      %mul3A_166 = arith.mulf %gather3A_164, %gather3A_165 : vector<16xf32>
      tpu.vector_store_idx %arg15[%add3A_162], %mul3A_166 : memref<128xf32, #tpu.memory_space<vmem>>[vector<16xi32>], vector<16xf32>,
      %add3A_167 = arith.constant 32 : i32
      %add3A_168 = vector.broadcast %add3A_167 : i32 to vector<16xi32>
      %add3A_169 = arith.addi %iota3A, %add3A_168 : vector<16xi32>
      %gather3A_170 = tpu.vector_load_idx %arg12[%add3A_169] : memref<128xi32, #tpu.memory_space<vmem>>[vector<16xi32>], vector<16xi32>,
      %gather3A_171 = tpu.vector_load_idx %arg14[%add3A_169] : memref<128xf32, #tpu.memory_space<vmem>>[vector<16xi32>], vector<16xf32>,
      %gather3A_172 = tpu.vector_load_idx %arg11[%gather3A_170] : memref<10240xf32, #tpu.memory_space<vmem>>[vector<16xi32>], vector<16xf32>,
      %mul3A_173 = arith.mulf %gather3A_171, %gather3A_172 : vector<16xf32>
      tpu.vector_store_idx %arg15[%add3A_169], %mul3A_173 : memref<128xf32, #tpu.memory_space<vmem>>[vector<16xi32>], vector<16xf32>,
      %add3A_174 = arith.constant 48 : i32
      %add3A_175 = vector.broadcast %add3A_174 : i32 to vector<16xi32>
      %add3A_176 = arith.addi %iota3A, %add3A_175 : vector<16xi32>
      %gather3A_177 = tpu.vector_load_idx %arg12[%add3A_176] : memref<128xi32, #tpu.memory_space<vmem>>[vector<16xi32>], vector<16xi32>,
      %gather3A_178 = tpu.vector_load_idx %arg14[%add3A_176] : memref<128xf32, #tpu.memory_space<vmem>>[vector<16xi32>], vector<16xf32>,
      %gather3A_179 = tpu.vector_load_idx %arg11[%gather3A_177] : memref<10240xf32, #tpu.memory_space<vmem>>[vector<16xi32>], vector<16xf32>,
      %mul3A_180 = arith.mulf %gather3A_178, %gather3A_179 : vector<16xf32>
      tpu.vector_store_idx %arg15[%add3A_176], %mul3A_180 : memref<128xf32, #tpu.memory_space<vmem>>[vector<16xi32>], vector<16xf32>,
      %add3A_181 = arith.constant 64 : i32
      %add3A_182 = vector.broadcast %add3A_181 : i32 to vector<16xi32>
      %add3A_183 = arith.addi %iota3A, %add3A_182 : vector<16xi32>
      %gather3A_184 = tpu.vector_load_idx %arg12[%add3A_183] : memref<128xi32, #tpu.memory_space<vmem>>[vector<16xi32>], vector<16xi32>,
      %gather3A_185 = tpu.vector_load_idx %arg14[%add3A_183] : memref<128xf32, #tpu.memory_space<vmem>>[vector<16xi32>], vector<16xf32>,
      %gather3A_186 = tpu.vector_load_idx %arg11[%gather3A_184] : memref<10240xf32, #tpu.memory_space<vmem>>[vector<16xi32>], vector<16xf32>,
      %mul3A_187 = arith.mulf %gather3A_185, %gather3A_186 : vector<16xf32>
      tpu.vector_store_idx %arg15[%add3A_183], %mul3A_187 : memref<128xf32, #tpu.memory_space<vmem>>[vector<16xi32>], vector<16xf32>,
      %add3A_188 = arith.constant 80 : i32
      %add3A_189 = vector.broadcast %add3A_188 : i32 to vector<16xi32>
      %add3A_190 = arith.addi %iota3A, %add3A_189 : vector<16xi32>
      %gather3A_191 = tpu.vector_load_idx %arg12[%add3A_190] : memref<128xi32, #tpu.memory_space<vmem>>[vector<16xi32>], vector<16xi32>,
      %gather3A_192 = tpu.vector_load_idx %arg14[%add3A_190] : memref<128xf32, #tpu.memory_space<vmem>>[vector<16xi32>], vector<16xf32>,
      %gather3A_193 = tpu.vector_load_idx %arg11[%gather3A_191] : memref<10240xf32, #tpu.memory_space<vmem>>[vector<16xi32>], vector<16xf32>,
      %mul3A_194 = arith.mulf %gather3A_192, %gather3A_193 : vector<16xf32>
      tpu.vector_store_idx %arg15[%add3A_190], %mul3A_194 : memref<128xf32, #tpu.memory_space<vmem>>[vector<16xi32>], vector<16xf32>,
      %add3A_195 = arith.constant 96 : i32
      %add3A_196 = vector.broadcast %add3A_195 : i32 to vector<16xi32>
      %add3A_197 = arith.addi %iota3A, %add3A_196 : vector<16xi32>
      %gather3A_198 = tpu.vector_load_idx %arg12[%add3A_197] : memref<128xi32, #tpu.memory_space<vmem>>[vector<16xi32>], vector<16xi32>,
      %gather3A_199 = tpu.vector_load_idx %arg14[%add3A_197] : memref<128xf32, #tpu.memory_space<vmem>>[vector<16xi32>], vector<16xf32>,
      %gather3A_200 = tpu.vector_load_idx %arg11[%gather3A_198] : memref<10240xf32, #tpu.memory_space<vmem>>[vector<16xi32>], vector<16xf32>,
      %mul3A_201 = arith.mulf %gather3A_199, %gather3A_200 : vector<16xf32>
      tpu.vector_store_idx %arg15[%add3A_197], %mul3A_201 : memref<128xf32, #tpu.memory_space<vmem>>[vector<16xi32>], vector<16xf32>,
      %add3A_202 = arith.constant 112 : i32
      %add3A_203 = vector.broadcast %add3A_202 : i32 to vector<16xi32>
      %add3A_204 = arith.addi %iota3A, %add3A_203 : vector<16xi32>
      %gather3A_205 = tpu.vector_load_idx %arg12[%add3A_204] : memref<128xi32, #tpu.memory_space<vmem>>[vector<16xi32>], vector<16xi32>,
      %gather3A_206 = tpu.vector_load_idx %arg14[%add3A_204] : memref<128xf32, #tpu.memory_space<vmem>>[vector<16xi32>], vector<16xf32>,
      %gather3A_207 = tpu.vector_load_idx %arg11[%gather3A_205] : memref<10240xf32, #tpu.memory_space<vmem>>[vector<16xi32>], vector<16xf32>,
      %mul3A_208 = arith.mulf %gather3A_206, %gather3A_207 : vector<16xf32>
      tpu.vector_store_idx %arg15[%add3A_204], %mul3A_208 : memref<128xf32, #tpu.memory_space<vmem>>[vector<16xi32>], vector<16xf32>,
      %scan3A_209 = arith.constant 0 : i32
      %scan3A_210 = arith.constant 0 : i32
      %scan3A_211 = arith.constant 32 : i32
      %scan3A_212 = arith.addi %scan3A_210, %scan3A_211 : i32
      %scan3A_213 = arith.constant 1 : i32
      scf.for %scan3A_227 = %scan3A_210 to %scan3A_212 step %scan3A_213  : i32 {
        %broadcast_in_dim3A_228 = vector.broadcast %scan3A_227 : i32 to vector<16xi32>
        %add3A_229 = arith.constant 0 : i32
        %add3A_230 = vector.broadcast %add3A_229 : i32 to vector<16xi32>
        %add3A_231 = arith.addi %iota3A, %add3A_230 : vector<16xi32>
        %gather3A_232 = tpu.vector_load_idx %arg13[%add3A_231] : memref<128xi32, #tpu.memory_space<vmem>>[vector<16xi32>], vector<16xi32>,
        %mul3A_233 = arith.constant 32 : i32
        %mul3A_234 = vector.broadcast %mul3A_233 : i32 to vector<16xi32>
        %mul3A_235 = arith.muli %gather3A_232, %mul3A_234 : vector<16xi32>
        %add3A_236 = vector.broadcast %scan3A_227 : i32 to vector<16xi32>
        %add3A_237 = arith.addi %mul3A_235, %add3A_236 : vector<16xi32>
        tpu.vector_store_idx %arg18[%broadcast_in_dim3A_228, %add3A_231], %add3A_237 : memref<32x128xi32, #tpu.memory_space<vmem>>[vector<16xi32>, vector<16xi32>], vector<16xi32>,
        %add3A_238 = arith.constant 16 : i32
        %add3A_239 = vector.broadcast %add3A_238 : i32 to vector<16xi32>
        %add3A_240 = arith.addi %iota3A, %add3A_239 : vector<16xi32>
        %gather3A_241 = tpu.vector_load_idx %arg13[%add3A_240] : memref<128xi32, #tpu.memory_space<vmem>>[vector<16xi32>], vector<16xi32>,
        %mul3A_242 = arith.constant 32 : i32
        %mul3A_243 = vector.broadcast %mul3A_242 : i32 to vector<16xi32>
        %mul3A_244 = arith.muli %gather3A_241, %mul3A_243 : vector<16xi32>
        %add3A_245 = vector.broadcast %scan3A_227 : i32 to vector<16xi32>
        %add3A_246 = arith.addi %mul3A_244, %add3A_245 : vector<16xi32>
        tpu.vector_store_idx %arg18[%broadcast_in_dim3A_228, %add3A_240], %add3A_246 : memref<32x128xi32, #tpu.memory_space<vmem>>[vector<16xi32>, vector<16xi32>], vector<16xi32>,
        %add3A_247 = arith.constant 32 : i32
        %add3A_248 = vector.broadcast %add3A_247 : i32 to vector<16xi32>
        %add3A_249 = arith.addi %iota3A, %add3A_248 : vector<16xi32>
        %gather3A_250 = tpu.vector_load_idx %arg13[%add3A_249] : memref<128xi32, #tpu.memory_space<vmem>>[vector<16xi32>], vector<16xi32>,
        %mul3A_251 = arith.constant 32 : i32
        %mul3A_252 = vector.broadcast %mul3A_251 : i32 to vector<16xi32>
        %mul3A_253 = arith.muli %gather3A_250, %mul3A_252 : vector<16xi32>
        %add3A_254 = vector.broadcast %scan3A_227 : i32 to vector<16xi32>
        %add3A_255 = arith.addi %mul3A_253, %add3A_254 : vector<16xi32>
        tpu.vector_store_idx %arg18[%broadcast_in_dim3A_228, %add3A_249], %add3A_255 : memref<32x128xi32, #tpu.memory_space<vmem>>[vector<16xi32>, vector<16xi32>], vector<16xi32>,
        %add3A_256 = arith.constant 48 : i32
        %add3A_257 = vector.broadcast %add3A_256 : i32 to vector<16xi32>
        %add3A_258 = arith.addi %iota3A, %add3A_257 : vector<16xi32>
        %gather3A_259 = tpu.vector_load_idx %arg13[%add3A_258] : memref<128xi32, #tpu.memory_space<vmem>>[vector<16xi32>], vector<16xi32>,
        %mul3A_260 = arith.constant 32 : i32
        %mul3A_261 = vector.broadcast %mul3A_260 : i32 to vector<16xi32>
        %mul3A_262 = arith.muli %gather3A_259, %mul3A_261 : vector<16xi32>
        %add3A_263 = vector.broadcast %scan3A_227 : i32 to vector<16xi32>
        %add3A_264 = arith.addi %mul3A_262, %add3A_263 : vector<16xi32>
        tpu.vector_store_idx %arg18[%broadcast_in_dim3A_228, %add3A_258], %add3A_264 : memref<32x128xi32, #tpu.memory_space<vmem>>[vector<16xi32>, vector<16xi32>], vector<16xi32>,
        %add3A_265 = arith.constant 64 : i32
        %add3A_266 = vector.broadcast %add3A_265 : i32 to vector<16xi32>
        %add3A_267 = arith.addi %iota3A, %add3A_266 : vector<16xi32>
        %gather3A_268 = tpu.vector_load_idx %arg13[%add3A_267] : memref<128xi32, #tpu.memory_space<vmem>>[vector<16xi32>], vector<16xi32>,
        %mul3A_269 = arith.constant 32 : i32
        %mul3A_270 = vector.broadcast %mul3A_269 : i32 to vector<16xi32>
        %mul3A_271 = arith.muli %gather3A_268, %mul3A_270 : vector<16xi32>
        %add3A_272 = vector.broadcast %scan3A_227 : i32 to vector<16xi32>
        %add3A_273 = arith.addi %mul3A_271, %add3A_272 : vector<16xi32>
        tpu.vector_store_idx %arg18[%broadcast_in_dim3A_228, %add3A_267], %add3A_273 : memref<32x128xi32, #tpu.memory_space<vmem>>[vector<16xi32>, vector<16xi32>], vector<16xi32>,
        %add3A_274 = arith.constant 80 : i32
        %add3A_275 = vector.broadcast %add3A_274 : i32 to vector<16xi32>
        %add3A_276 = arith.addi %iota3A, %add3A_275 : vector<16xi32>
        %gather3A_277 = tpu.vector_load_idx %arg13[%add3A_276] : memref<128xi32, #tpu.memory_space<vmem>>[vector<16xi32>], vector<16xi32>,
        %mul3A_278 = arith.constant 32 : i32
        %mul3A_279 = vector.broadcast %mul3A_278 : i32 to vector<16xi32>
        %mul3A_280 = arith.muli %gather3A_277, %mul3A_279 : vector<16xi32>
        %add3A_281 = vector.broadcast %scan3A_227 : i32 to vector<16xi32>
        %add3A_282 = arith.addi %mul3A_280, %add3A_281 : vector<16xi32>
        tpu.vector_store_idx %arg18[%broadcast_in_dim3A_228, %add3A_276], %add3A_282 : memref<32x128xi32, #tpu.memory_space<vmem>>[vector<16xi32>, vector<16xi32>], vector<16xi32>,
        %add3A_283 = arith.constant 96 : i32
        %add3A_284 = vector.broadcast %add3A_283 : i32 to vector<16xi32>
        %add3A_285 = arith.addi %iota3A, %add3A_284 : vector<16xi32>
        %gather3A_286 = tpu.vector_load_idx %arg13[%add3A_285] : memref<128xi32, #tpu.memory_space<vmem>>[vector<16xi32>], vector<16xi32>,
        %mul3A_287 = arith.constant 32 : i32
        %mul3A_288 = vector.broadcast %mul3A_287 : i32 to vector<16xi32>
        %mul3A_289 = arith.muli %gather3A_286, %mul3A_288 : vector<16xi32>
        %add3A_290 = vector.broadcast %scan3A_227 : i32 to vector<16xi32>
        %add3A_291 = arith.addi %mul3A_289, %add3A_290 : vector<16xi32>
        tpu.vector_store_idx %arg18[%broadcast_in_dim3A_228, %add3A_285], %add3A_291 : memref<32x128xi32, #tpu.memory_space<vmem>>[vector<16xi32>, vector<16xi32>], vector<16xi32>,
        %add3A_292 = arith.constant 112 : i32
        %add3A_293 = vector.broadcast %add3A_292 : i32 to vector<16xi32>
        %add3A_294 = arith.addi %iota3A, %add3A_293 : vector<16xi32>
        %gather3A_295 = tpu.vector_load_idx %arg13[%add3A_294] : memref<128xi32, #tpu.memory_space<vmem>>[vector<16xi32>], vector<16xi32>,
        %mul3A_296 = arith.constant 32 : i32
        %mul3A_297 = vector.broadcast %mul3A_296 : i32 to vector<16xi32>
        %mul3A_298 = arith.muli %gather3A_295, %mul3A_297 : vector<16xi32>
        %add3A_299 = vector.broadcast %scan3A_227 : i32 to vector<16xi32>
        %add3A_300 = arith.addi %mul3A_298, %add3A_299 : vector<16xi32>
        tpu.vector_store_idx %arg18[%broadcast_in_dim3A_228, %add3A_294], %add3A_300 : memref<32x128xi32, #tpu.memory_space<vmem>>[vector<16xi32>, vector<16xi32>], vector<16xi32>,
      }
      %scan3A_214 = arith.constant 32 : i32
      %scan3A_215 = arith.constant 0 : i32
      %scan3A_216 = arith.constant 0 : i32
      %scan3A_217 = arith.constant 128 : i32
      %scan3A_218 = arith.addi %scan3A_216, %scan3A_217 : i32
      %scan3A_219 = arith.constant 1 : i32
      scf.for %scan3A_227 = %scan3A_216 to %scan3A_218 step %scan3A_219  : i32 {
        %broadcast_in_dim3A_228 = vector.broadcast %scan3A_227 : i32 to vector<16xi32>
        %gather3A_229 = tpu.vector_load_idx %arg15[%broadcast_in_dim3A_228] : memref<128xf32, #tpu.memory_space<vmem>>[vector<16xi32>], vector<16xf32>,
        %add3A_230 = arith.constant 0 : i32
        %add3A_231 = vector.broadcast %add3A_230 : i32 to vector<16xi32>
        %add3A_232 = arith.addi %iota3A, %add3A_231 : vector<16xi32>
        %gather3A_233 = tpu.vector_load_idx %arg16[%broadcast_in_dim3A_228, %add3A_232] : memref<128x128xf32, #tpu.memory_space<vmem>>[vector<16xi32>, vector<16xi32>], vector<16xf32>,
        %mul3A_234 = arith.mulf %gather3A_233, %gather3A_229 : vector<16xf32>
        tpu.vector_store_idx %arg17[%add3A_232, %broadcast_in_dim3A_228], %mul3A_234 : memref<32x128xf32, #tpu.memory_space<vmem>>[vector<16xi32>, vector<16xi32>], vector<16xf32>,
        %add3A_235 = arith.constant 16 : i32
        %add3A_236 = vector.broadcast %add3A_235 : i32 to vector<16xi32>
        %add3A_237 = arith.addi %iota3A, %add3A_236 : vector<16xi32>
        %gather3A_238 = tpu.vector_load_idx %arg16[%broadcast_in_dim3A_228, %add3A_237] : memref<128x128xf32, #tpu.memory_space<vmem>>[vector<16xi32>, vector<16xi32>], vector<16xf32>,
        %mul3A_239 = arith.mulf %gather3A_238, %gather3A_229 : vector<16xf32>
        tpu.vector_store_idx %arg17[%add3A_237, %broadcast_in_dim3A_228], %mul3A_239 : memref<32x128xf32, #tpu.memory_space<vmem>>[vector<16xi32>, vector<16xi32>], vector<16xf32>,
      }
      %scan3A_220 = arith.constant 128 : i32
      %scan3A_221 = arith.constant 0 : i32
      %scan3A_222 = arith.constant 0 : i32
      %scan3A_223 = arith.constant 32 : i32
      %scan3A_224 = arith.addi %scan3A_222, %scan3A_223 : i32
      %scan3A_225 = arith.constant 1 : i32
      scf.for %scan3A_227 = %scan3A_222 to %scan3A_224 step %scan3A_225  : i32 {
        "tpu.region"() ({
          %run_scoped3A = tpu.sem_alloc : memref<!tpu.dma_semaphore, #tpu.memory_space<semaphore_mem>>
          %dma_start3A_228 = arith.constant 0 : i32
          %dma_start3A_229 = tpu.memref_slice %arg17[%scan3A_227, %dma_start3A_228] : memref<32x128xf32, #tpu.memory_space<vmem>> -> memref<1x128xf32, #tpu.memory_space<vmem>>
          %dma_start3A_230 = tpu.memref_squeeze %dma_start3A_229 : memref<1x128xf32, #tpu.memory_space<vmem>> -> memref<128xf32, #tpu.memory_space<vmem>>
          %dma_start3A_231 = arith.constant 0 : i32
          %dma_start3A_232 = tpu.memref_slice %arg18[%scan3A_227, %dma_start3A_231] : memref<32x128xi32, #tpu.memory_space<vmem>> -> memref<1x128xi32, #tpu.memory_space<vmem>>
          %dma_start3A_233 = tpu.memref_squeeze %dma_start3A_232 : memref<1x128xi32, #tpu.memory_space<vmem>> -> memref<128xi32, #tpu.memory_space<vmem>>
          %dma_start3A_234 = arith.constant 0 : i32
          %dma_start3A_235 = tpu.memref_slice %arg10[%dma_start3A_234] : memref<327680xf32, #tpu.memory_space<vmem_shared>> -> memref<327680xf32, #tpu.memory_space<vmem_shared>>
          tpu.enqueue_indirect_dma source(%dma_start3A_230 : memref<128xf32, #tpu.memory_space<vmem>>) target(%dma_start3A_235 : memref<327680xf32, #tpu.memory_space<vmem_shared>>) offsets(%dma_start3A_233 : memref<128xi32, #tpu.memory_space<vmem>>) semaphore(%run_scoped3A : memref<!tpu.dma_semaphore, #tpu.memory_space<semaphore_mem>>) {add = true}
          %dma_wait3A_236 = arith.constant 0 : i32
          %dma_wait3A_237 = tpu.memref_slice %arg17[%scan3A_227, %dma_wait3A_236] : memref<32x128xf32, #tpu.memory_space<vmem>> -> memref<1x128xf32, #tpu.memory_space<vmem>>
          %dma_wait3A_238 = tpu.memref_squeeze %dma_wait3A_237 : memref<1x128xf32, #tpu.memory_space<vmem>> -> memref<128xf32, #tpu.memory_space<vmem>>
          %dma_wait3A_239 = arith.constant 0 : i32
          %dma_wait3A_240 = tpu.memref_slice %arg18[%scan3A_227, %dma_wait3A_239] : memref<32x128xi32, #tpu.memory_space<vmem>> -> memref<1x128xi32, #tpu.memory_space<vmem>>
          %dma_wait3A_241 = tpu.memref_squeeze %dma_wait3A_240 : memref<1x128xi32, #tpu.memory_space<vmem>> -> memref<128xi32, #tpu.memory_space<vmem>>
          %dma_wait3A_242 = arith.constant 0 : i32
          %dma_wait3A_243 = tpu.memref_slice %arg10[%dma_wait3A_242] : memref<327680xf32, #tpu.memory_space<vmem_shared>> -> memref<327680xf32, #tpu.memory_space<vmem_shared>>
          tpu.wait_indirect_dma semaphore(%run_scoped3A : memref<!tpu.dma_semaphore, #tpu.memory_space<semaphore_mem>>) src(%dma_wait3A_238 : memref<128xf32, #tpu.memory_space<vmem>>) dst(%dma_wait3A_243 : memref<327680xf32, #tpu.memory_space<vmem_shared>>)
          tpu.yield
        }) : () -> ()
      }
      %scan3A_226 = arith.constant 32 : i32
    }
    %scan3A_25 = arith.constant 80 : i32
    %barrier3A_26 = arith.constant 0 : index
    tpu.barrier barrier_id(%barrier3A_26)
    %eq3A = arith.constant 0 : i32
    %eq3A_27 = arith.cmpi eq, %arg0, %eq3A : i32
    %jit3A = arith.constant 1.000000e+00 : f32
    %jit3A_28 = arith.constant 0.000000e+00 : f32
    %select_n3A = arith.select %eq3A_27, %jit3A, %jit3A_28 : f32
    %broadcast_in_dim3A = vector.broadcast %select_n3A : f32 to vector<16xf32>
    %mul3A_29 = arith.constant 640 : i32
    %mul3A_30 = arith.muli %arg1, %mul3A_29 : i32
    %add3A_31 = arith.constant 0 : i32
    %add3A_32 = arith.addi %mul3A_30, %add3A_31 : i32
    "tpu.region"() ({
      %run_scoped3A = tpu.sem_alloc : memref<!tpu.dma_semaphore, #tpu.memory_space<semaphore_mem>>
      %dma_start3A = arith.constant 0 : i32
      %dma_start3A_149 = tpu.memref_slice %arg2[%add3A_32, %dma_start3A] : memref<10240x128xf32, #tpu.memory_space<hbm>> -> memref<64x128xf32, #tpu.memory_space<hbm>>
      %dma_start3A_150 = arith.constant 0 : i32
      %dma_start3A_151 = tpu.memref_slice %arg2[%add3A_32, %dma_start3A_150] : memref<10240x128xf32, #tpu.memory_space<hbm>> -> memref<64x128xf32, #tpu.memory_space<hbm>>
      tpu.enqueue_dma source(%dma_start3A_151 : memref<64x128xf32, #tpu.memory_space<hbm>>) target(%arg20 : memref<64x128xf32, #tpu.memory_space<vmem>>) target_semaphore(%run_scoped3A : memref<!tpu.dma_semaphore, #tpu.memory_space<semaphore_mem>>)
      %dma_wait3A = arith.constant 0 : i32
      %dma_wait3A_152 = tpu.memref_slice %arg2[%add3A_32, %dma_wait3A] : memref<10240x128xf32, #tpu.memory_space<hbm>> -> memref<64x128xf32, #tpu.memory_space<hbm>>
      %dma_wait3A_153 = arith.constant 0 : i32
      %dma_wait3A_154 = tpu.memref_slice %arg2[%add3A_32, %dma_wait3A_153] : memref<10240x128xf32, #tpu.memory_space<hbm>> -> memref<64x128xf32, #tpu.memory_space<hbm>>
      tpu.wait_dma2 semaphore(%run_scoped3A : memref<!tpu.dma_semaphore, #tpu.memory_space<semaphore_mem>>) src(%dma_wait3A_154 : memref<64x128xf32, #tpu.memory_space<hbm>>) dst(%arg20 : memref<64x128xf32, #tpu.memory_space<vmem>>)
      tpu.yield
    }) : () -> ()
    %mul3A_33 = arith.constant 32 : i32
    %mul3A_34 = arith.muli %add3A_32, %mul3A_33 : i32
    "tpu.region"() ({
      %run_scoped3A = tpu.sem_alloc : memref<!tpu.dma_semaphore, #tpu.memory_space<semaphore_mem>>
      %dma_start3A = tpu.memref_slice %arg10[%mul3A_34] : memref<327680xf32, #tpu.memory_space<vmem_shared>> -> memref<2048xf32, #tpu.memory_space<vmem_shared>>
      %dma_start3A_149 = tpu.memref_slice %arg10[%mul3A_34] : memref<327680xf32, #tpu.memory_space<vmem_shared>> -> memref<2048xf32, #tpu.memory_space<vmem_shared>>
      tpu.enqueue_dma source(%dma_start3A_149 : memref<2048xf32, #tpu.memory_space<vmem_shared>>) target(%arg21 : memref<2048xf32, #tpu.memory_space<vmem>>) target_semaphore(%run_scoped3A : memref<!tpu.dma_semaphore, #tpu.memory_space<semaphore_mem>>)
      %dma_wait3A = tpu.memref_slice %arg10[%mul3A_34] : memref<327680xf32, #tpu.memory_space<vmem_shared>> -> memref<2048xf32, #tpu.memory_space<vmem_shared>>
      %dma_wait3A_150 = tpu.memref_slice %arg10[%mul3A_34] : memref<327680xf32, #tpu.memory_space<vmem_shared>> -> memref<2048xf32, #tpu.memory_space<vmem_shared>>
      tpu.wait_dma2 semaphore(%run_scoped3A : memref<!tpu.dma_semaphore, #tpu.memory_space<semaphore_mem>>) src(%dma_wait3A_150 : memref<2048xf32, #tpu.memory_space<vmem_shared>>) dst(%arg21 : memref<2048xf32, #tpu.memory_space<vmem>>)
      tpu.yield
    }) : () -> ()
    %scan3A_35 = arith.constant 0 : i32
    %scan3A_36 = arith.constant 0 : i32
    %scan3A_37 = arith.constant 64 : i32
    %scan3A_38 = arith.addi %scan3A_36, %scan3A_37 : i32
    %scan3A_39 = arith.constant 1 : i32
    scf.for %scan3A_149 = %scan3A_36 to %scan3A_38 step %scan3A_39  : i32 {
      %broadcast_in_dim3A_150 = vector.broadcast %scan3A_149 : i32 to vector<16xi32>
      %add3A_151 = arith.addi %add3A_32, %scan3A_149 : i32
      %broadcast_in_dim3A_152 = vector.broadcast %add3A_151 : i32 to vector<16xi32>
      %gather3A = tpu.vector_load_idx %arg11[%broadcast_in_dim3A_152] : memref<10240xf32, #tpu.memory_space<vmem>>[vector<16xi32>], vector<16xf32>,
      %add3A_153 = arith.constant 0 : i32
      %add3A_154 = vector.broadcast %add3A_153 : i32 to vector<16xi32>
      %add3A_155 = arith.addi %iota3A, %add3A_154 : vector<16xi32>
      %mul3A_156 = arith.constant 32 : i32
      %mul3A_157 = arith.muli %scan3A_149, %mul3A_156 : i32
      %broadcast_in_dim3A_158 = vector.broadcast %mul3A_157 : i32 to vector<16xi32>
      %add3A_159 = arith.addi %broadcast_in_dim3A_158, %add3A_155 : vector<16xi32>
      %gather3A_160 = tpu.vector_load_idx %arg21[%add3A_159] : memref<2048xf32, #tpu.memory_space<vmem>>[vector<16xi32>], vector<16xf32>,
      %gather3A_161 = tpu.vector_load_idx %arg20[%broadcast_in_dim3A_150, %add3A_155] : memref<64x128xf32, #tpu.memory_space<vmem>>[vector<16xi32>, vector<16xi32>], vector<16xf32>,
      %mul3A_162 = arith.mulf %broadcast_in_dim3A, %gather3A : vector<16xf32>
      %mul3A_163 = arith.mulf %mul3A_162, %gather3A_161 : vector<16xf32>
      %add3A_164 = arith.addf %gather3A_160, %mul3A_163 : vector<16xf32>
      %mul3A_165 = arith.mulf %gather3A, %add3A_164 : vector<16xf32>
      tpu.vector_store_idx %arg22[%broadcast_in_dim3A_150, %add3A_155], %mul3A_165 : memref<64x128xf32, #tpu.memory_space<vmem>>[vector<16xi32>, vector<16xi32>], vector<16xf32>,
      %add3A_166 = arith.constant 16 : i32
      %add3A_167 = vector.broadcast %add3A_166 : i32 to vector<16xi32>
      %add3A_168 = arith.addi %iota3A, %add3A_167 : vector<16xi32>
      %mul3A_169 = arith.constant 32 : i32
      %mul3A_170 = arith.muli %scan3A_149, %mul3A_169 : i32
      %broadcast_in_dim3A_171 = vector.broadcast %mul3A_170 : i32 to vector<16xi32>
      %add3A_172 = arith.addi %broadcast_in_dim3A_171, %add3A_168 : vector<16xi32>
      %gather3A_173 = tpu.vector_load_idx %arg21[%add3A_172] : memref<2048xf32, #tpu.memory_space<vmem>>[vector<16xi32>], vector<16xf32>,
      %gather3A_174 = tpu.vector_load_idx %arg20[%broadcast_in_dim3A_150, %add3A_168] : memref<64x128xf32, #tpu.memory_space<vmem>>[vector<16xi32>, vector<16xi32>], vector<16xf32>,
      %mul3A_175 = arith.mulf %broadcast_in_dim3A, %gather3A : vector<16xf32>
      %mul3A_176 = arith.mulf %mul3A_175, %gather3A_174 : vector<16xf32>
      %add3A_177 = arith.addf %gather3A_173, %mul3A_176 : vector<16xf32>
      %mul3A_178 = arith.mulf %gather3A, %add3A_177 : vector<16xf32>
      tpu.vector_store_idx %arg22[%broadcast_in_dim3A_150, %add3A_168], %mul3A_178 : memref<64x128xf32, #tpu.memory_space<vmem>>[vector<16xi32>, vector<16xi32>], vector<16xf32>,
    }
    %scan3A_40 = arith.constant 64 : i32
    "tpu.region"() ({
      %run_scoped3A = tpu.sem_alloc : memref<!tpu.dma_semaphore, #tpu.memory_space<semaphore_mem>>
      %dma_start3A = arith.constant 0 : i32
      %dma_start3A_149 = tpu.memref_slice %arg9[%arg0, %add3A_32, %dma_start3A] : memref<2x10240x128xf32, #tpu.memory_space<hbm>> -> memref<1x64x128xf32, #tpu.memory_space<hbm>>
      %dma_start3A_150 = tpu.memref_squeeze %dma_start3A_149 : memref<1x64x128xf32, #tpu.memory_space<hbm>> -> memref<64x128xf32, #tpu.memory_space<hbm>>
      %dma_start3A_151 = arith.constant 0 : i32
      %dma_start3A_152 = tpu.memref_slice %arg9[%arg0, %add3A_32, %dma_start3A_151] : memref<2x10240x128xf32, #tpu.memory_space<hbm>> -> memref<1x64x128xf32, #tpu.memory_space<hbm>>
      %dma_start3A_153 = tpu.memref_squeeze %dma_start3A_152 : memref<1x64x128xf32, #tpu.memory_space<hbm>> -> memref<64x128xf32, #tpu.memory_space<hbm>>
      tpu.enqueue_dma source(%arg22 : memref<64x128xf32, #tpu.memory_space<vmem>>) target(%dma_start3A_153 : memref<64x128xf32, #tpu.memory_space<hbm>>) target_semaphore(%run_scoped3A : memref<!tpu.dma_semaphore, #tpu.memory_space<semaphore_mem>>)
      %dma_wait3A = arith.constant 0 : i32
      %dma_wait3A_154 = tpu.memref_slice %arg9[%arg0, %add3A_32, %dma_wait3A] : memref<2x10240x128xf32, #tpu.memory_space<hbm>> -> memref<1x64x128xf32, #tpu.memory_space<hbm>>
      %dma_wait3A_155 = tpu.memref_squeeze %dma_wait3A_154 : memref<1x64x128xf32, #tpu.memory_space<hbm>> -> memref<64x128xf32, #tpu.memory_space<hbm>>
      %dma_wait3A_156 = arith.constant 0 : i32
      %dma_wait3A_157 = tpu.memref_slice %arg9[%arg0, %add3A_32, %dma_wait3A_156] : memref<2x10240x128xf32, #tpu.memory_space<hbm>> -> memref<1x64x128xf32, #tpu.memory_space<hbm>>
      %dma_wait3A_158 = tpu.memref_squeeze %dma_wait3A_157 : memref<1x64x128xf32, #tpu.memory_space<hbm>> -> memref<64x128xf32, #tpu.memory_space<hbm>>
      tpu.wait_dma2 semaphore(%run_scoped3A : memref<!tpu.dma_semaphore, #tpu.memory_space<semaphore_mem>>) src(%arg22 : memref<64x128xf32, #tpu.memory_space<vmem>>) dst(%dma_wait3A_158 : memref<64x128xf32, #tpu.memory_space<hbm>>)
      tpu.yield
    }) : () -> ()
    %mul3A_41 = arith.constant 640 : i32
    %mul3A_42 = arith.muli %arg1, %mul3A_41 : i32
    %add3A_43 = arith.constant 64 : i32
    %add3A_44 = arith.addi %mul3A_42, %add3A_43 : i32
    "tpu.region"() ({
      %run_scoped3A = tpu.sem_alloc : memref<!tpu.dma_semaphore, #tpu.memory_space<semaphore_mem>>
      %dma_start3A = arith.constant 0 : i32
      %dma_start3A_149 = tpu.memref_slice %arg2[%add3A_44, %dma_start3A] : memref<10240x128xf32, #tpu.memory_space<hbm>> -> memref<64x128xf32, #tpu.memory_space<hbm>>
      %dma_start3A_150 = arith.constant 0 : i32
      %dma_start3A_151 = tpu.memref_slice %arg2[%add3A_44, %dma_start3A_150] : memref<10240x128xf32, #tpu.memory_space<hbm>> -> memref<64x128xf32, #tpu.memory_space<hbm>>
      tpu.enqueue_dma source(%dma_start3A_151 : memref<64x128xf32, #tpu.memory_space<hbm>>) target(%arg20 : memref<64x128xf32, #tpu.memory_space<vmem>>) target_semaphore(%run_scoped3A : memref<!tpu.dma_semaphore, #tpu.memory_space<semaphore_mem>>)
      %dma_wait3A = arith.constant 0 : i32
      %dma_wait3A_152 = tpu.memref_slice %arg2[%add3A_44, %dma_wait3A] : memref<10240x128xf32, #tpu.memory_space<hbm>> -> memref<64x128xf32, #tpu.memory_space<hbm>>
      %dma_wait3A_153 = arith.constant 0 : i32
      %dma_wait3A_154 = tpu.memref_slice %arg2[%add3A_44, %dma_wait3A_153] : memref<10240x128xf32, #tpu.memory_space<hbm>> -> memref<64x128xf32, #tpu.memory_space<hbm>>
      tpu.wait_dma2 semaphore(%run_scoped3A : memref<!tpu.dma_semaphore, #tpu.memory_space<semaphore_mem>>) src(%dma_wait3A_154 : memref<64x128xf32, #tpu.memory_space<hbm>>) dst(%arg20 : memref<64x128xf32, #tpu.memory_space<vmem>>)
      tpu.yield
    }) : () -> ()
    %mul3A_45 = arith.constant 32 : i32
    %mul3A_46 = arith.muli %add3A_44, %mul3A_45 : i32
    "tpu.region"() ({
      %run_scoped3A = tpu.sem_alloc : memref<!tpu.dma_semaphore, #tpu.memory_space<semaphore_mem>>
      %dma_start3A = tpu.memref_slice %arg10[%mul3A_46] : memref<327680xf32, #tpu.memory_space<vmem_shared>> -> memref<2048xf32, #tpu.memory_space<vmem_shared>>
      %dma_start3A_149 = tpu.memref_slice %arg10[%mul3A_46] : memref<327680xf32, #tpu.memory_space<vmem_shared>> -> memref<2048xf32, #tpu.memory_space<vmem_shared>>
      tpu.enqueue_dma source(%dma_start3A_149 : memref<2048xf32, #tpu.memory_space<vmem_shared>>) target(%arg21 : memref<2048xf32, #tpu.memory_space<vmem>>) target_semaphore(%run_scoped3A : memref<!tpu.dma_semaphore, #tpu.memory_space<semaphore_mem>>)
      %dma_wait3A = tpu.memref_slice %arg10[%mul3A_46] : memref<327680xf32, #tpu.memory_space<vmem_shared>> -> memref<2048xf32, #tpu.memory_space<vmem_shared>>
      %dma_wait3A_150 = tpu.memref_slice %arg10[%mul3A_46] : memref<327680xf32, #tpu.memory_space<vmem_shared>> -> memref<2048xf32, #tpu.memory_space<vmem_shared>>
      tpu.wait_dma2 semaphore(%run_scoped3A : memref<!tpu.dma_semaphore, #tpu.memory_space<semaphore_mem>>) src(%dma_wait3A_150 : memref<2048xf32, #tpu.memory_space<vmem_shared>>) dst(%arg21 : memref<2048xf32, #tpu.memory_space<vmem>>)
      tpu.yield
    }) : () -> ()
    %scan3A_47 = arith.constant 0 : i32
    %scan3A_48 = arith.constant 0 : i32
    %scan3A_49 = arith.constant 64 : i32
    %scan3A_50 = arith.addi %scan3A_48, %scan3A_49 : i32
    %scan3A_51 = arith.constant 1 : i32
    scf.for %scan3A_149 = %scan3A_48 to %scan3A_50 step %scan3A_51  : i32 {
      %broadcast_in_dim3A_150 = vector.broadcast %scan3A_149 : i32 to vector<16xi32>
      %add3A_151 = arith.addi %add3A_44, %scan3A_149 : i32
      %broadcast_in_dim3A_152 = vector.broadcast %add3A_151 : i32 to vector<16xi32>
      %gather3A = tpu.vector_load_idx %arg11[%broadcast_in_dim3A_152] : memref<10240xf32, #tpu.memory_space<vmem>>[vector<16xi32>], vector<16xf32>,
      %add3A_153 = arith.constant 0 : i32
      %add3A_154 = vector.broadcast %add3A_153 : i32 to vector<16xi32>
      %add3A_155 = arith.addi %iota3A, %add3A_154 : vector<16xi32>
      %mul3A_156 = arith.constant 32 : i32
      %mul3A_157 = arith.muli %scan3A_149, %mul3A_156 : i32
      %broadcast_in_dim3A_158 = vector.broadcast %mul3A_157 : i32 to vector<16xi32>
      %add3A_159 = arith.addi %broadcast_in_dim3A_158, %add3A_155 : vector<16xi32>
      %gather3A_160 = tpu.vector_load_idx %arg21[%add3A_159] : memref<2048xf32, #tpu.memory_space<vmem>>[vector<16xi32>], vector<16xf32>,
      %gather3A_161 = tpu.vector_load_idx %arg20[%broadcast_in_dim3A_150, %add3A_155] : memref<64x128xf32, #tpu.memory_space<vmem>>[vector<16xi32>, vector<16xi32>], vector<16xf32>,
      %mul3A_162 = arith.mulf %broadcast_in_dim3A, %gather3A : vector<16xf32>
      %mul3A_163 = arith.mulf %mul3A_162, %gather3A_161 : vector<16xf32>
      %add3A_164 = arith.addf %gather3A_160, %mul3A_163 : vector<16xf32>
      %mul3A_165 = arith.mulf %gather3A, %add3A_164 : vector<16xf32>
      tpu.vector_store_idx %arg22[%broadcast_in_dim3A_150, %add3A_155], %mul3A_165 : memref<64x128xf32, #tpu.memory_space<vmem>>[vector<16xi32>, vector<16xi32>], vector<16xf32>,
      %add3A_166 = arith.constant 16 : i32
      %add3A_167 = vector.broadcast %add3A_166 : i32 to vector<16xi32>
      %add3A_168 = arith.addi %iota3A, %add3A_167 : vector<16xi32>
      %mul3A_169 = arith.constant 32 : i32
      %mul3A_170 = arith.muli %scan3A_149, %mul3A_169 : i32
      %broadcast_in_dim3A_171 = vector.broadcast %mul3A_170 : i32 to vector<16xi32>
      %add3A_172 = arith.addi %broadcast_in_dim3A_171, %add3A_168 : vector<16xi32>
      %gather3A_173 = tpu.vector_load_idx %arg21[%add3A_172] : memref<2048xf32, #tpu.memory_space<vmem>>[vector<16xi32>], vector<16xf32>,
      %gather3A_174 = tpu.vector_load_idx %arg20[%broadcast_in_dim3A_150, %add3A_168] : memref<64x128xf32, #tpu.memory_space<vmem>>[vector<16xi32>, vector<16xi32>], vector<16xf32>,
      %mul3A_175 = arith.mulf %broadcast_in_dim3A, %gather3A : vector<16xf32>
      %mul3A_176 = arith.mulf %mul3A_175, %gather3A_174 : vector<16xf32>
      %add3A_177 = arith.addf %gather3A_173, %mul3A_176 : vector<16xf32>
      %mul3A_178 = arith.mulf %gather3A, %add3A_177 : vector<16xf32>
      tpu.vector_store_idx %arg22[%broadcast_in_dim3A_150, %add3A_168], %mul3A_178 : memref<64x128xf32, #tpu.memory_space<vmem>>[vector<16xi32>, vector<16xi32>], vector<16xf32>,
    }
    %scan3A_52 = arith.constant 64 : i32
    "tpu.region"() ({
      %run_scoped3A = tpu.sem_alloc : memref<!tpu.dma_semaphore, #tpu.memory_space<semaphore_mem>>
      %dma_start3A = arith.constant 0 : i32
      %dma_start3A_149 = tpu.memref_slice %arg9[%arg0, %add3A_44, %dma_start3A] : memref<2x10240x128xf32, #tpu.memory_space<hbm>> -> memref<1x64x128xf32, #tpu.memory_space<hbm>>
      %dma_start3A_150 = tpu.memref_squeeze %dma_start3A_149 : memref<1x64x128xf32, #tpu.memory_space<hbm>> -> memref<64x128xf32, #tpu.memory_space<hbm>>
      %dma_start3A_151 = arith.constant 0 : i32
      %dma_start3A_152 = tpu.memref_slice %arg9[%arg0, %add3A_44, %dma_start3A_151] : memref<2x10240x128xf32, #tpu.memory_space<hbm>> -> memref<1x64x128xf32, #tpu.memory_space<hbm>>
      %dma_start3A_153 = tpu.memref_squeeze %dma_start3A_152 : memref<1x64x128xf32, #tpu.memory_space<hbm>> -> memref<64x128xf32, #tpu.memory_space<hbm>>
      tpu.enqueue_dma source(%arg22 : memref<64x128xf32, #tpu.memory_space<vmem>>) target(%dma_start3A_153 : memref<64x128xf32, #tpu.memory_space<hbm>>) target_semaphore(%run_scoped3A : memref<!tpu.dma_semaphore, #tpu.memory_space<semaphore_mem>>)
      %dma_wait3A = arith.constant 0 : i32
      %dma_wait3A_154 = tpu.memref_slice %arg9[%arg0, %add3A_44, %dma_wait3A] : memref<2x10240x128xf32, #tpu.memory_space<hbm>> -> memref<1x64x128xf32, #tpu.memory_space<hbm>>
      %dma_wait3A_155 = tpu.memref_squeeze %dma_wait3A_154 : memref<1x64x128xf32, #tpu.memory_space<hbm>> -> memref<64x128xf32, #tpu.memory_space<hbm>>
      %dma_wait3A_156 = arith.constant 0 : i32
      %dma_wait3A_157 = tpu.memref_slice %arg9[%arg0, %add3A_44, %dma_wait3A_156] : memref<2x10240x128xf32, #tpu.memory_space<hbm>> -> memref<1x64x128xf32, #tpu.memory_space<hbm>>
      %dma_wait3A_158 = tpu.memref_squeeze %dma_wait3A_157 : memref<1x64x128xf32, #tpu.memory_space<hbm>> -> memref<64x128xf32, #tpu.memory_space<hbm>>
      tpu.wait_dma2 semaphore(%run_scoped3A : memref<!tpu.dma_semaphore, #tpu.memory_space<semaphore_mem>>) src(%arg22 : memref<64x128xf32, #tpu.memory_space<vmem>>) dst(%dma_wait3A_158 : memref<64x128xf32, #tpu.memory_space<hbm>>)
      tpu.yield
    }) : () -> ()
    %mul3A_53 = arith.constant 640 : i32
    %mul3A_54 = arith.muli %arg1, %mul3A_53 : i32
    %add3A_55 = arith.constant 128 : i32
    %add3A_56 = arith.addi %mul3A_54, %add3A_55 : i32
    "tpu.region"() ({
      %run_scoped3A = tpu.sem_alloc : memref<!tpu.dma_semaphore, #tpu.memory_space<semaphore_mem>>
      %dma_start3A = arith.constant 0 : i32
      %dma_start3A_149 = tpu.memref_slice %arg2[%add3A_56, %dma_start3A] : memref<10240x128xf32, #tpu.memory_space<hbm>> -> memref<64x128xf32, #tpu.memory_space<hbm>>
      %dma_start3A_150 = arith.constant 0 : i32
      %dma_start3A_151 = tpu.memref_slice %arg2[%add3A_56, %dma_start3A_150] : memref<10240x128xf32, #tpu.memory_space<hbm>> -> memref<64x128xf32, #tpu.memory_space<hbm>>
      tpu.enqueue_dma source(%dma_start3A_151 : memref<64x128xf32, #tpu.memory_space<hbm>>) target(%arg20 : memref<64x128xf32, #tpu.memory_space<vmem>>) target_semaphore(%run_scoped3A : memref<!tpu.dma_semaphore, #tpu.memory_space<semaphore_mem>>)
      %dma_wait3A = arith.constant 0 : i32
      %dma_wait3A_152 = tpu.memref_slice %arg2[%add3A_56, %dma_wait3A] : memref<10240x128xf32, #tpu.memory_space<hbm>> -> memref<64x128xf32, #tpu.memory_space<hbm>>
      %dma_wait3A_153 = arith.constant 0 : i32
      %dma_wait3A_154 = tpu.memref_slice %arg2[%add3A_56, %dma_wait3A_153] : memref<10240x128xf32, #tpu.memory_space<hbm>> -> memref<64x128xf32, #tpu.memory_space<hbm>>
      tpu.wait_dma2 semaphore(%run_scoped3A : memref<!tpu.dma_semaphore, #tpu.memory_space<semaphore_mem>>) src(%dma_wait3A_154 : memref<64x128xf32, #tpu.memory_space<hbm>>) dst(%arg20 : memref<64x128xf32, #tpu.memory_space<vmem>>)
      tpu.yield
    }) : () -> ()
    %mul3A_57 = arith.constant 32 : i32
    %mul3A_58 = arith.muli %add3A_56, %mul3A_57 : i32
    "tpu.region"() ({
      %run_scoped3A = tpu.sem_alloc : memref<!tpu.dma_semaphore, #tpu.memory_space<semaphore_mem>>
      %dma_start3A = tpu.memref_slice %arg10[%mul3A_58] : memref<327680xf32, #tpu.memory_space<vmem_shared>> -> memref<2048xf32, #tpu.memory_space<vmem_shared>>
      %dma_start3A_149 = tpu.memref_slice %arg10[%mul3A_58] : memref<327680xf32, #tpu.memory_space<vmem_shared>> -> memref<2048xf32, #tpu.memory_space<vmem_shared>>
      tpu.enqueue_dma source(%dma_start3A_149 : memref<2048xf32, #tpu.memory_space<vmem_shared>>) target(%arg21 : memref<2048xf32, #tpu.memory_space<vmem>>) target_semaphore(%run_scoped3A : memref<!tpu.dma_semaphore, #tpu.memory_space<semaphore_mem>>)
      %dma_wait3A = tpu.memref_slice %arg10[%mul3A_58] : memref<327680xf32, #tpu.memory_space<vmem_shared>> -> memref<2048xf32, #tpu.memory_space<vmem_shared>>
      %dma_wait3A_150 = tpu.memref_slice %arg10[%mul3A_58] : memref<327680xf32, #tpu.memory_space<vmem_shared>> -> memref<2048xf32, #tpu.memory_space<vmem_shared>>
      tpu.wait_dma2 semaphore(%run_scoped3A : memref<!tpu.dma_semaphore, #tpu.memory_space<semaphore_mem>>) src(%dma_wait3A_150 : memref<2048xf32, #tpu.memory_space<vmem_shared>>) dst(%arg21 : memref<2048xf32, #tpu.memory_space<vmem>>)
      tpu.yield
    }) : () -> ()
    %scan3A_59 = arith.constant 0 : i32
    %scan3A_60 = arith.constant 0 : i32
    %scan3A_61 = arith.constant 64 : i32
    %scan3A_62 = arith.addi %scan3A_60, %scan3A_61 : i32
    %scan3A_63 = arith.constant 1 : i32
    scf.for %scan3A_149 = %scan3A_60 to %scan3A_62 step %scan3A_63  : i32 {
      %broadcast_in_dim3A_150 = vector.broadcast %scan3A_149 : i32 to vector<16xi32>
      %add3A_151 = arith.addi %add3A_56, %scan3A_149 : i32
      %broadcast_in_dim3A_152 = vector.broadcast %add3A_151 : i32 to vector<16xi32>
      %gather3A = tpu.vector_load_idx %arg11[%broadcast_in_dim3A_152] : memref<10240xf32, #tpu.memory_space<vmem>>[vector<16xi32>], vector<16xf32>,
      %add3A_153 = arith.constant 0 : i32
      %add3A_154 = vector.broadcast %add3A_153 : i32 to vector<16xi32>
      %add3A_155 = arith.addi %iota3A, %add3A_154 : vector<16xi32>
      %mul3A_156 = arith.constant 32 : i32
      %mul3A_157 = arith.muli %scan3A_149, %mul3A_156 : i32
      %broadcast_in_dim3A_158 = vector.broadcast %mul3A_157 : i32 to vector<16xi32>
      %add3A_159 = arith.addi %broadcast_in_dim3A_158, %add3A_155 : vector<16xi32>
      %gather3A_160 = tpu.vector_load_idx %arg21[%add3A_159] : memref<2048xf32, #tpu.memory_space<vmem>>[vector<16xi32>], vector<16xf32>,
      %gather3A_161 = tpu.vector_load_idx %arg20[%broadcast_in_dim3A_150, %add3A_155] : memref<64x128xf32, #tpu.memory_space<vmem>>[vector<16xi32>, vector<16xi32>], vector<16xf32>,
      %mul3A_162 = arith.mulf %broadcast_in_dim3A, %gather3A : vector<16xf32>
      %mul3A_163 = arith.mulf %mul3A_162, %gather3A_161 : vector<16xf32>
      %add3A_164 = arith.addf %gather3A_160, %mul3A_163 : vector<16xf32>
      %mul3A_165 = arith.mulf %gather3A, %add3A_164 : vector<16xf32>
      tpu.vector_store_idx %arg22[%broadcast_in_dim3A_150, %add3A_155], %mul3A_165 : memref<64x128xf32, #tpu.memory_space<vmem>>[vector<16xi32>, vector<16xi32>], vector<16xf32>,
      %add3A_166 = arith.constant 16 : i32
      %add3A_167 = vector.broadcast %add3A_166 : i32 to vector<16xi32>
      %add3A_168 = arith.addi %iota3A, %add3A_167 : vector<16xi32>
      %mul3A_169 = arith.constant 32 : i32
      %mul3A_170 = arith.muli %scan3A_149, %mul3A_169 : i32
      %broadcast_in_dim3A_171 = vector.broadcast %mul3A_170 : i32 to vector<16xi32>
      %add3A_172 = arith.addi %broadcast_in_dim3A_171, %add3A_168 : vector<16xi32>
      %gather3A_173 = tpu.vector_load_idx %arg21[%add3A_172] : memref<2048xf32, #tpu.memory_space<vmem>>[vector<16xi32>], vector<16xf32>,
      %gather3A_174 = tpu.vector_load_idx %arg20[%broadcast_in_dim3A_150, %add3A_168] : memref<64x128xf32, #tpu.memory_space<vmem>>[vector<16xi32>, vector<16xi32>], vector<16xf32>,
      %mul3A_175 = arith.mulf %broadcast_in_dim3A, %gather3A : vector<16xf32>
      %mul3A_176 = arith.mulf %mul3A_175, %gather3A_174 : vector<16xf32>
      %add3A_177 = arith.addf %gather3A_173, %mul3A_176 : vector<16xf32>
      %mul3A_178 = arith.mulf %gather3A, %add3A_177 : vector<16xf32>
      tpu.vector_store_idx %arg22[%broadcast_in_dim3A_150, %add3A_168], %mul3A_178 : memref<64x128xf32, #tpu.memory_space<vmem>>[vector<16xi32>, vector<16xi32>], vector<16xf32>,
    }
    %scan3A_64 = arith.constant 64 : i32
    "tpu.region"() ({
      %run_scoped3A = tpu.sem_alloc : memref<!tpu.dma_semaphore, #tpu.memory_space<semaphore_mem>>
      %dma_start3A = arith.constant 0 : i32
      %dma_start3A_149 = tpu.memref_slice %arg9[%arg0, %add3A_56, %dma_start3A] : memref<2x10240x128xf32, #tpu.memory_space<hbm>> -> memref<1x64x128xf32, #tpu.memory_space<hbm>>
      %dma_start3A_150 = tpu.memref_squeeze %dma_start3A_149 : memref<1x64x128xf32, #tpu.memory_space<hbm>> -> memref<64x128xf32, #tpu.memory_space<hbm>>
      %dma_start3A_151 = arith.constant 0 : i32
      %dma_start3A_152 = tpu.memref_slice %arg9[%arg0, %add3A_56, %dma_start3A_151] : memref<2x10240x128xf32, #tpu.memory_space<hbm>> -> memref<1x64x128xf32, #tpu.memory_space<hbm>>
      %dma_start3A_153 = tpu.memref_squeeze %dma_start3A_152 : memref<1x64x128xf32, #tpu.memory_space<hbm>> -> memref<64x128xf32, #tpu.memory_space<hbm>>
      tpu.enqueue_dma source(%arg22 : memref<64x128xf32, #tpu.memory_space<vmem>>) target(%dma_start3A_153 : memref<64x128xf32, #tpu.memory_space<hbm>>) target_semaphore(%run_scoped3A : memref<!tpu.dma_semaphore, #tpu.memory_space<semaphore_mem>>)
      %dma_wait3A = arith.constant 0 : i32
      %dma_wait3A_154 = tpu.memref_slice %arg9[%arg0, %add3A_56, %dma_wait3A] : memref<2x10240x128xf32, #tpu.memory_space<hbm>> -> memref<1x64x128xf32, #tpu.memory_space<hbm>>
      %dma_wait3A_155 = tpu.memref_squeeze %dma_wait3A_154 : memref<1x64x128xf32, #tpu.memory_space<hbm>> -> memref<64x128xf32, #tpu.memory_space<hbm>>
      %dma_wait3A_156 = arith.constant 0 : i32
      %dma_wait3A_157 = tpu.memref_slice %arg9[%arg0, %add3A_56, %dma_wait3A_156] : memref<2x10240x128xf32, #tpu.memory_space<hbm>> -> memref<1x64x128xf32, #tpu.memory_space<hbm>>
      %dma_wait3A_158 = tpu.memref_squeeze %dma_wait3A_157 : memref<1x64x128xf32, #tpu.memory_space<hbm>> -> memref<64x128xf32, #tpu.memory_space<hbm>>
      tpu.wait_dma2 semaphore(%run_scoped3A : memref<!tpu.dma_semaphore, #tpu.memory_space<semaphore_mem>>) src(%arg22 : memref<64x128xf32, #tpu.memory_space<vmem>>) dst(%dma_wait3A_158 : memref<64x128xf32, #tpu.memory_space<hbm>>)
      tpu.yield
    }) : () -> ()
    %mul3A_65 = arith.constant 640 : i32
    %mul3A_66 = arith.muli %arg1, %mul3A_65 : i32
    %add3A_67 = arith.constant 192 : i32
    %add3A_68 = arith.addi %mul3A_66, %add3A_67 : i32
    "tpu.region"() ({
      %run_scoped3A = tpu.sem_alloc : memref<!tpu.dma_semaphore, #tpu.memory_space<semaphore_mem>>
      %dma_start3A = arith.constant 0 : i32
      %dma_start3A_149 = tpu.memref_slice %arg2[%add3A_68, %dma_start3A] : memref<10240x128xf32, #tpu.memory_space<hbm>> -> memref<64x128xf32, #tpu.memory_space<hbm>>
      %dma_start3A_150 = arith.constant 0 : i32
      %dma_start3A_151 = tpu.memref_slice %arg2[%add3A_68, %dma_start3A_150] : memref<10240x128xf32, #tpu.memory_space<hbm>> -> memref<64x128xf32, #tpu.memory_space<hbm>>
      tpu.enqueue_dma source(%dma_start3A_151 : memref<64x128xf32, #tpu.memory_space<hbm>>) target(%arg20 : memref<64x128xf32, #tpu.memory_space<vmem>>) target_semaphore(%run_scoped3A : memref<!tpu.dma_semaphore, #tpu.memory_space<semaphore_mem>>)
      %dma_wait3A = arith.constant 0 : i32
      %dma_wait3A_152 = tpu.memref_slice %arg2[%add3A_68, %dma_wait3A] : memref<10240x128xf32, #tpu.memory_space<hbm>> -> memref<64x128xf32, #tpu.memory_space<hbm>>
      %dma_wait3A_153 = arith.constant 0 : i32
      %dma_wait3A_154 = tpu.memref_slice %arg2[%add3A_68, %dma_wait3A_153] : memref<10240x128xf32, #tpu.memory_space<hbm>> -> memref<64x128xf32, #tpu.memory_space<hbm>>
      tpu.wait_dma2 semaphore(%run_scoped3A : memref<!tpu.dma_semaphore, #tpu.memory_space<semaphore_mem>>) src(%dma_wait3A_154 : memref<64x128xf32, #tpu.memory_space<hbm>>) dst(%arg20 : memref<64x128xf32, #tpu.memory_space<vmem>>)
      tpu.yield
    }) : () -> ()
    %mul3A_69 = arith.constant 32 : i32
    %mul3A_70 = arith.muli %add3A_68, %mul3A_69 : i32
    "tpu.region"() ({
      %run_scoped3A = tpu.sem_alloc : memref<!tpu.dma_semaphore, #tpu.memory_space<semaphore_mem>>
      %dma_start3A = tpu.memref_slice %arg10[%mul3A_70] : memref<327680xf32, #tpu.memory_space<vmem_shared>> -> memref<2048xf32, #tpu.memory_space<vmem_shared>>
      %dma_start3A_149 = tpu.memref_slice %arg10[%mul3A_70] : memref<327680xf32, #tpu.memory_space<vmem_shared>> -> memref<2048xf32, #tpu.memory_space<vmem_shared>>
      tpu.enqueue_dma source(%dma_start3A_149 : memref<2048xf32, #tpu.memory_space<vmem_shared>>) target(%arg21 : memref<2048xf32, #tpu.memory_space<vmem>>) target_semaphore(%run_scoped3A : memref<!tpu.dma_semaphore, #tpu.memory_space<semaphore_mem>>)
      %dma_wait3A = tpu.memref_slice %arg10[%mul3A_70] : memref<327680xf32, #tpu.memory_space<vmem_shared>> -> memref<2048xf32, #tpu.memory_space<vmem_shared>>
      %dma_wait3A_150 = tpu.memref_slice %arg10[%mul3A_70] : memref<327680xf32, #tpu.memory_space<vmem_shared>> -> memref<2048xf32, #tpu.memory_space<vmem_shared>>
      tpu.wait_dma2 semaphore(%run_scoped3A : memref<!tpu.dma_semaphore, #tpu.memory_space<semaphore_mem>>) src(%dma_wait3A_150 : memref<2048xf32, #tpu.memory_space<vmem_shared>>) dst(%arg21 : memref<2048xf32, #tpu.memory_space<vmem>>)
      tpu.yield
    }) : () -> ()
    %scan3A_71 = arith.constant 0 : i32
    %scan3A_72 = arith.constant 0 : i32
    %scan3A_73 = arith.constant 64 : i32
    %scan3A_74 = arith.addi %scan3A_72, %scan3A_73 : i32
    %scan3A_75 = arith.constant 1 : i32
    scf.for %scan3A_149 = %scan3A_72 to %scan3A_74 step %scan3A_75  : i32 {
      %broadcast_in_dim3A_150 = vector.broadcast %scan3A_149 : i32 to vector<16xi32>
      %add3A_151 = arith.addi %add3A_68, %scan3A_149 : i32
      %broadcast_in_dim3A_152 = vector.broadcast %add3A_151 : i32 to vector<16xi32>
      %gather3A = tpu.vector_load_idx %arg11[%broadcast_in_dim3A_152] : memref<10240xf32, #tpu.memory_space<vmem>>[vector<16xi32>], vector<16xf32>,
      %add3A_153 = arith.constant 0 : i32
      %add3A_154 = vector.broadcast %add3A_153 : i32 to vector<16xi32>
      %add3A_155 = arith.addi %iota3A, %add3A_154 : vector<16xi32>
      %mul3A_156 = arith.constant 32 : i32
      %mul3A_157 = arith.muli %scan3A_149, %mul3A_156 : i32
      %broadcast_in_dim3A_158 = vector.broadcast %mul3A_157 : i32 to vector<16xi32>
      %add3A_159 = arith.addi %broadcast_in_dim3A_158, %add3A_155 : vector<16xi32>
      %gather3A_160 = tpu.vector_load_idx %arg21[%add3A_159] : memref<2048xf32, #tpu.memory_space<vmem>>[vector<16xi32>], vector<16xf32>,
      %gather3A_161 = tpu.vector_load_idx %arg20[%broadcast_in_dim3A_150, %add3A_155] : memref<64x128xf32, #tpu.memory_space<vmem>>[vector<16xi32>, vector<16xi32>], vector<16xf32>,
      %mul3A_162 = arith.mulf %broadcast_in_dim3A, %gather3A : vector<16xf32>
      %mul3A_163 = arith.mulf %mul3A_162, %gather3A_161 : vector<16xf32>
      %add3A_164 = arith.addf %gather3A_160, %mul3A_163 : vector<16xf32>
      %mul3A_165 = arith.mulf %gather3A, %add3A_164 : vector<16xf32>
      tpu.vector_store_idx %arg22[%broadcast_in_dim3A_150, %add3A_155], %mul3A_165 : memref<64x128xf32, #tpu.memory_space<vmem>>[vector<16xi32>, vector<16xi32>], vector<16xf32>,
      %add3A_166 = arith.constant 16 : i32
      %add3A_167 = vector.broadcast %add3A_166 : i32 to vector<16xi32>
      %add3A_168 = arith.addi %iota3A, %add3A_167 : vector<16xi32>
      %mul3A_169 = arith.constant 32 : i32
      %mul3A_170 = arith.muli %scan3A_149, %mul3A_169 : i32
      %broadcast_in_dim3A_171 = vector.broadcast %mul3A_170 : i32 to vector<16xi32>
      %add3A_172 = arith.addi %broadcast_in_dim3A_171, %add3A_168 : vector<16xi32>
      %gather3A_173 = tpu.vector_load_idx %arg21[%add3A_172] : memref<2048xf32, #tpu.memory_space<vmem>>[vector<16xi32>], vector<16xf32>,
      %gather3A_174 = tpu.vector_load_idx %arg20[%broadcast_in_dim3A_150, %add3A_168] : memref<64x128xf32, #tpu.memory_space<vmem>>[vector<16xi32>, vector<16xi32>], vector<16xf32>,
      %mul3A_175 = arith.mulf %broadcast_in_dim3A, %gather3A : vector<16xf32>
      %mul3A_176 = arith.mulf %mul3A_175, %gather3A_174 : vector<16xf32>
      %add3A_177 = arith.addf %gather3A_173, %mul3A_176 : vector<16xf32>
      %mul3A_178 = arith.mulf %gather3A, %add3A_177 : vector<16xf32>
      tpu.vector_store_idx %arg22[%broadcast_in_dim3A_150, %add3A_168], %mul3A_178 : memref<64x128xf32, #tpu.memory_space<vmem>>[vector<16xi32>, vector<16xi32>], vector<16xf32>,
    }
    %scan3A_76 = arith.constant 64 : i32
    "tpu.region"() ({
      %run_scoped3A = tpu.sem_alloc : memref<!tpu.dma_semaphore, #tpu.memory_space<semaphore_mem>>
      %dma_start3A = arith.constant 0 : i32
      %dma_start3A_149 = tpu.memref_slice %arg9[%arg0, %add3A_68, %dma_start3A] : memref<2x10240x128xf32, #tpu.memory_space<hbm>> -> memref<1x64x128xf32, #tpu.memory_space<hbm>>
      %dma_start3A_150 = tpu.memref_squeeze %dma_start3A_149 : memref<1x64x128xf32, #tpu.memory_space<hbm>> -> memref<64x128xf32, #tpu.memory_space<hbm>>
      %dma_start3A_151 = arith.constant 0 : i32
      %dma_start3A_152 = tpu.memref_slice %arg9[%arg0, %add3A_68, %dma_start3A_151] : memref<2x10240x128xf32, #tpu.memory_space<hbm>> -> memref<1x64x128xf32, #tpu.memory_space<hbm>>
      %dma_start3A_153 = tpu.memref_squeeze %dma_start3A_152 : memref<1x64x128xf32, #tpu.memory_space<hbm>> -> memref<64x128xf32, #tpu.memory_space<hbm>>
      tpu.enqueue_dma source(%arg22 : memref<64x128xf32, #tpu.memory_space<vmem>>) target(%dma_start3A_153 : memref<64x128xf32, #tpu.memory_space<hbm>>) target_semaphore(%run_scoped3A : memref<!tpu.dma_semaphore, #tpu.memory_space<semaphore_mem>>)
      %dma_wait3A = arith.constant 0 : i32
      %dma_wait3A_154 = tpu.memref_slice %arg9[%arg0, %add3A_68, %dma_wait3A] : memref<2x10240x128xf32, #tpu.memory_space<hbm>> -> memref<1x64x128xf32, #tpu.memory_space<hbm>>
      %dma_wait3A_155 = tpu.memref_squeeze %dma_wait3A_154 : memref<1x64x128xf32, #tpu.memory_space<hbm>> -> memref<64x128xf32, #tpu.memory_space<hbm>>
      %dma_wait3A_156 = arith.constant 0 : i32
      %dma_wait3A_157 = tpu.memref_slice %arg9[%arg0, %add3A_68, %dma_wait3A_156] : memref<2x10240x128xf32, #tpu.memory_space<hbm>> -> memref<1x64x128xf32, #tpu.memory_space<hbm>>
      %dma_wait3A_158 = tpu.memref_squeeze %dma_wait3A_157 : memref<1x64x128xf32, #tpu.memory_space<hbm>> -> memref<64x128xf32, #tpu.memory_space<hbm>>
      tpu.wait_dma2 semaphore(%run_scoped3A : memref<!tpu.dma_semaphore, #tpu.memory_space<semaphore_mem>>) src(%arg22 : memref<64x128xf32, #tpu.memory_space<vmem>>) dst(%dma_wait3A_158 : memref<64x128xf32, #tpu.memory_space<hbm>>)
      tpu.yield
    }) : () -> ()
    %mul3A_77 = arith.constant 640 : i32
    %mul3A_78 = arith.muli %arg1, %mul3A_77 : i32
    %add3A_79 = arith.constant 256 : i32
    %add3A_80 = arith.addi %mul3A_78, %add3A_79 : i32
    "tpu.region"() ({
      %run_scoped3A = tpu.sem_alloc : memref<!tpu.dma_semaphore, #tpu.memory_space<semaphore_mem>>
      %dma_start3A = arith.constant 0 : i32
      %dma_start3A_149 = tpu.memref_slice %arg2[%add3A_80, %dma_start3A] : memref<10240x128xf32, #tpu.memory_space<hbm>> -> memref<64x128xf32, #tpu.memory_space<hbm>>
      %dma_start3A_150 = arith.constant 0 : i32
      %dma_start3A_151 = tpu.memref_slice %arg2[%add3A_80, %dma_start3A_150] : memref<10240x128xf32, #tpu.memory_space<hbm>> -> memref<64x128xf32, #tpu.memory_space<hbm>>
      tpu.enqueue_dma source(%dma_start3A_151 : memref<64x128xf32, #tpu.memory_space<hbm>>) target(%arg20 : memref<64x128xf32, #tpu.memory_space<vmem>>) target_semaphore(%run_scoped3A : memref<!tpu.dma_semaphore, #tpu.memory_space<semaphore_mem>>)
      %dma_wait3A = arith.constant 0 : i32
      %dma_wait3A_152 = tpu.memref_slice %arg2[%add3A_80, %dma_wait3A] : memref<10240x128xf32, #tpu.memory_space<hbm>> -> memref<64x128xf32, #tpu.memory_space<hbm>>
      %dma_wait3A_153 = arith.constant 0 : i32
      %dma_wait3A_154 = tpu.memref_slice %arg2[%add3A_80, %dma_wait3A_153] : memref<10240x128xf32, #tpu.memory_space<hbm>> -> memref<64x128xf32, #tpu.memory_space<hbm>>
      tpu.wait_dma2 semaphore(%run_scoped3A : memref<!tpu.dma_semaphore, #tpu.memory_space<semaphore_mem>>) src(%dma_wait3A_154 : memref<64x128xf32, #tpu.memory_space<hbm>>) dst(%arg20 : memref<64x128xf32, #tpu.memory_space<vmem>>)
      tpu.yield
    }) : () -> ()
    %mul3A_81 = arith.constant 32 : i32
    %mul3A_82 = arith.muli %add3A_80, %mul3A_81 : i32
    "tpu.region"() ({
      %run_scoped3A = tpu.sem_alloc : memref<!tpu.dma_semaphore, #tpu.memory_space<semaphore_mem>>
      %dma_start3A = tpu.memref_slice %arg10[%mul3A_82] : memref<327680xf32, #tpu.memory_space<vmem_shared>> -> memref<2048xf32, #tpu.memory_space<vmem_shared>>
      %dma_start3A_149 = tpu.memref_slice %arg10[%mul3A_82] : memref<327680xf32, #tpu.memory_space<vmem_shared>> -> memref<2048xf32, #tpu.memory_space<vmem_shared>>
      tpu.enqueue_dma source(%dma_start3A_149 : memref<2048xf32, #tpu.memory_space<vmem_shared>>) target(%arg21 : memref<2048xf32, #tpu.memory_space<vmem>>) target_semaphore(%run_scoped3A : memref<!tpu.dma_semaphore, #tpu.memory_space<semaphore_mem>>)
      %dma_wait3A = tpu.memref_slice %arg10[%mul3A_82] : memref<327680xf32, #tpu.memory_space<vmem_shared>> -> memref<2048xf32, #tpu.memory_space<vmem_shared>>
      %dma_wait3A_150 = tpu.memref_slice %arg10[%mul3A_82] : memref<327680xf32, #tpu.memory_space<vmem_shared>> -> memref<2048xf32, #tpu.memory_space<vmem_shared>>
      tpu.wait_dma2 semaphore(%run_scoped3A : memref<!tpu.dma_semaphore, #tpu.memory_space<semaphore_mem>>) src(%dma_wait3A_150 : memref<2048xf32, #tpu.memory_space<vmem_shared>>) dst(%arg21 : memref<2048xf32, #tpu.memory_space<vmem>>)
      tpu.yield
    }) : () -> ()
    %scan3A_83 = arith.constant 0 : i32
    %scan3A_84 = arith.constant 0 : i32
    %scan3A_85 = arith.constant 64 : i32
    %scan3A_86 = arith.addi %scan3A_84, %scan3A_85 : i32
    %scan3A_87 = arith.constant 1 : i32
    scf.for %scan3A_149 = %scan3A_84 to %scan3A_86 step %scan3A_87  : i32 {
      %broadcast_in_dim3A_150 = vector.broadcast %scan3A_149 : i32 to vector<16xi32>
      %add3A_151 = arith.addi %add3A_80, %scan3A_149 : i32
      %broadcast_in_dim3A_152 = vector.broadcast %add3A_151 : i32 to vector<16xi32>
      %gather3A = tpu.vector_load_idx %arg11[%broadcast_in_dim3A_152] : memref<10240xf32, #tpu.memory_space<vmem>>[vector<16xi32>], vector<16xf32>,
      %add3A_153 = arith.constant 0 : i32
      %add3A_154 = vector.broadcast %add3A_153 : i32 to vector<16xi32>
      %add3A_155 = arith.addi %iota3A, %add3A_154 : vector<16xi32>
      %mul3A_156 = arith.constant 32 : i32
      %mul3A_157 = arith.muli %scan3A_149, %mul3A_156 : i32
      %broadcast_in_dim3A_158 = vector.broadcast %mul3A_157 : i32 to vector<16xi32>
      %add3A_159 = arith.addi %broadcast_in_dim3A_158, %add3A_155 : vector<16xi32>
      %gather3A_160 = tpu.vector_load_idx %arg21[%add3A_159] : memref<2048xf32, #tpu.memory_space<vmem>>[vector<16xi32>], vector<16xf32>,
      %gather3A_161 = tpu.vector_load_idx %arg20[%broadcast_in_dim3A_150, %add3A_155] : memref<64x128xf32, #tpu.memory_space<vmem>>[vector<16xi32>, vector<16xi32>], vector<16xf32>,
      %mul3A_162 = arith.mulf %broadcast_in_dim3A, %gather3A : vector<16xf32>
      %mul3A_163 = arith.mulf %mul3A_162, %gather3A_161 : vector<16xf32>
      %add3A_164 = arith.addf %gather3A_160, %mul3A_163 : vector<16xf32>
      %mul3A_165 = arith.mulf %gather3A, %add3A_164 : vector<16xf32>
      tpu.vector_store_idx %arg22[%broadcast_in_dim3A_150, %add3A_155], %mul3A_165 : memref<64x128xf32, #tpu.memory_space<vmem>>[vector<16xi32>, vector<16xi32>], vector<16xf32>,
      %add3A_166 = arith.constant 16 : i32
      %add3A_167 = vector.broadcast %add3A_166 : i32 to vector<16xi32>
      %add3A_168 = arith.addi %iota3A, %add3A_167 : vector<16xi32>
      %mul3A_169 = arith.constant 32 : i32
      %mul3A_170 = arith.muli %scan3A_149, %mul3A_169 : i32
      %broadcast_in_dim3A_171 = vector.broadcast %mul3A_170 : i32 to vector<16xi32>
      %add3A_172 = arith.addi %broadcast_in_dim3A_171, %add3A_168 : vector<16xi32>
      %gather3A_173 = tpu.vector_load_idx %arg21[%add3A_172] : memref<2048xf32, #tpu.memory_space<vmem>>[vector<16xi32>], vector<16xf32>,
      %gather3A_174 = tpu.vector_load_idx %arg20[%broadcast_in_dim3A_150, %add3A_168] : memref<64x128xf32, #tpu.memory_space<vmem>>[vector<16xi32>, vector<16xi32>], vector<16xf32>,
      %mul3A_175 = arith.mulf %broadcast_in_dim3A, %gather3A : vector<16xf32>
      %mul3A_176 = arith.mulf %mul3A_175, %gather3A_174 : vector<16xf32>
      %add3A_177 = arith.addf %gather3A_173, %mul3A_176 : vector<16xf32>
      %mul3A_178 = arith.mulf %gather3A, %add3A_177 : vector<16xf32>
      tpu.vector_store_idx %arg22[%broadcast_in_dim3A_150, %add3A_168], %mul3A_178 : memref<64x128xf32, #tpu.memory_space<vmem>>[vector<16xi32>, vector<16xi32>], vector<16xf32>,
    }
    %scan3A_88 = arith.constant 64 : i32
    "tpu.region"() ({
      %run_scoped3A = tpu.sem_alloc : memref<!tpu.dma_semaphore, #tpu.memory_space<semaphore_mem>>
      %dma_start3A = arith.constant 0 : i32
      %dma_start3A_149 = tpu.memref_slice %arg9[%arg0, %add3A_80, %dma_start3A] : memref<2x10240x128xf32, #tpu.memory_space<hbm>> -> memref<1x64x128xf32, #tpu.memory_space<hbm>>
      %dma_start3A_150 = tpu.memref_squeeze %dma_start3A_149 : memref<1x64x128xf32, #tpu.memory_space<hbm>> -> memref<64x128xf32, #tpu.memory_space<hbm>>
      %dma_start3A_151 = arith.constant 0 : i32
      %dma_start3A_152 = tpu.memref_slice %arg9[%arg0, %add3A_80, %dma_start3A_151] : memref<2x10240x128xf32, #tpu.memory_space<hbm>> -> memref<1x64x128xf32, #tpu.memory_space<hbm>>
      %dma_start3A_153 = tpu.memref_squeeze %dma_start3A_152 : memref<1x64x128xf32, #tpu.memory_space<hbm>> -> memref<64x128xf32, #tpu.memory_space<hbm>>
      tpu.enqueue_dma source(%arg22 : memref<64x128xf32, #tpu.memory_space<vmem>>) target(%dma_start3A_153 : memref<64x128xf32, #tpu.memory_space<hbm>>) target_semaphore(%run_scoped3A : memref<!tpu.dma_semaphore, #tpu.memory_space<semaphore_mem>>)
      %dma_wait3A = arith.constant 0 : i32
      %dma_wait3A_154 = tpu.memref_slice %arg9[%arg0, %add3A_80, %dma_wait3A] : memref<2x10240x128xf32, #tpu.memory_space<hbm>> -> memref<1x64x128xf32, #tpu.memory_space<hbm>>
      %dma_wait3A_155 = tpu.memref_squeeze %dma_wait3A_154 : memref<1x64x128xf32, #tpu.memory_space<hbm>> -> memref<64x128xf32, #tpu.memory_space<hbm>>
      %dma_wait3A_156 = arith.constant 0 : i32
      %dma_wait3A_157 = tpu.memref_slice %arg9[%arg0, %add3A_80, %dma_wait3A_156] : memref<2x10240x128xf32, #tpu.memory_space<hbm>> -> memref<1x64x128xf32, #tpu.memory_space<hbm>>
      %dma_wait3A_158 = tpu.memref_squeeze %dma_wait3A_157 : memref<1x64x128xf32, #tpu.memory_space<hbm>> -> memref<64x128xf32, #tpu.memory_space<hbm>>
      tpu.wait_dma2 semaphore(%run_scoped3A : memref<!tpu.dma_semaphore, #tpu.memory_space<semaphore_mem>>) src(%arg22 : memref<64x128xf32, #tpu.memory_space<vmem>>) dst(%dma_wait3A_158 : memref<64x128xf32, #tpu.memory_space<hbm>>)
      tpu.yield
    }) : () -> ()
    %mul3A_89 = arith.constant 640 : i32
    %mul3A_90 = arith.muli %arg1, %mul3A_89 : i32
    %add3A_91 = arith.constant 320 : i32
    %add3A_92 = arith.addi %mul3A_90, %add3A_91 : i32
    "tpu.region"() ({
      %run_scoped3A = tpu.sem_alloc : memref<!tpu.dma_semaphore, #tpu.memory_space<semaphore_mem>>
      %dma_start3A = arith.constant 0 : i32
      %dma_start3A_149 = tpu.memref_slice %arg2[%add3A_92, %dma_start3A] : memref<10240x128xf32, #tpu.memory_space<hbm>> -> memref<64x128xf32, #tpu.memory_space<hbm>>
      %dma_start3A_150 = arith.constant 0 : i32
      %dma_start3A_151 = tpu.memref_slice %arg2[%add3A_92, %dma_start3A_150] : memref<10240x128xf32, #tpu.memory_space<hbm>> -> memref<64x128xf32, #tpu.memory_space<hbm>>
      tpu.enqueue_dma source(%dma_start3A_151 : memref<64x128xf32, #tpu.memory_space<hbm>>) target(%arg20 : memref<64x128xf32, #tpu.memory_space<vmem>>) target_semaphore(%run_scoped3A : memref<!tpu.dma_semaphore, #tpu.memory_space<semaphore_mem>>)
      %dma_wait3A = arith.constant 0 : i32
      %dma_wait3A_152 = tpu.memref_slice %arg2[%add3A_92, %dma_wait3A] : memref<10240x128xf32, #tpu.memory_space<hbm>> -> memref<64x128xf32, #tpu.memory_space<hbm>>
      %dma_wait3A_153 = arith.constant 0 : i32
      %dma_wait3A_154 = tpu.memref_slice %arg2[%add3A_92, %dma_wait3A_153] : memref<10240x128xf32, #tpu.memory_space<hbm>> -> memref<64x128xf32, #tpu.memory_space<hbm>>
      tpu.wait_dma2 semaphore(%run_scoped3A : memref<!tpu.dma_semaphore, #tpu.memory_space<semaphore_mem>>) src(%dma_wait3A_154 : memref<64x128xf32, #tpu.memory_space<hbm>>) dst(%arg20 : memref<64x128xf32, #tpu.memory_space<vmem>>)
      tpu.yield
    }) : () -> ()
    %mul3A_93 = arith.constant 32 : i32
    %mul3A_94 = arith.muli %add3A_92, %mul3A_93 : i32
    "tpu.region"() ({
      %run_scoped3A = tpu.sem_alloc : memref<!tpu.dma_semaphore, #tpu.memory_space<semaphore_mem>>
      %dma_start3A = tpu.memref_slice %arg10[%mul3A_94] : memref<327680xf32, #tpu.memory_space<vmem_shared>> -> memref<2048xf32, #tpu.memory_space<vmem_shared>>
      %dma_start3A_149 = tpu.memref_slice %arg10[%mul3A_94] : memref<327680xf32, #tpu.memory_space<vmem_shared>> -> memref<2048xf32, #tpu.memory_space<vmem_shared>>
      tpu.enqueue_dma source(%dma_start3A_149 : memref<2048xf32, #tpu.memory_space<vmem_shared>>) target(%arg21 : memref<2048xf32, #tpu.memory_space<vmem>>) target_semaphore(%run_scoped3A : memref<!tpu.dma_semaphore, #tpu.memory_space<semaphore_mem>>)
      %dma_wait3A = tpu.memref_slice %arg10[%mul3A_94] : memref<327680xf32, #tpu.memory_space<vmem_shared>> -> memref<2048xf32, #tpu.memory_space<vmem_shared>>
      %dma_wait3A_150 = tpu.memref_slice %arg10[%mul3A_94] : memref<327680xf32, #tpu.memory_space<vmem_shared>> -> memref<2048xf32, #tpu.memory_space<vmem_shared>>
      tpu.wait_dma2 semaphore(%run_scoped3A : memref<!tpu.dma_semaphore, #tpu.memory_space<semaphore_mem>>) src(%dma_wait3A_150 : memref<2048xf32, #tpu.memory_space<vmem_shared>>) dst(%arg21 : memref<2048xf32, #tpu.memory_space<vmem>>)
      tpu.yield
    }) : () -> ()
    %scan3A_95 = arith.constant 0 : i32
    %scan3A_96 = arith.constant 0 : i32
    %scan3A_97 = arith.constant 64 : i32
    %scan3A_98 = arith.addi %scan3A_96, %scan3A_97 : i32
    %scan3A_99 = arith.constant 1 : i32
    scf.for %scan3A_149 = %scan3A_96 to %scan3A_98 step %scan3A_99  : i32 {
      %broadcast_in_dim3A_150 = vector.broadcast %scan3A_149 : i32 to vector<16xi32>
      %add3A_151 = arith.addi %add3A_92, %scan3A_149 : i32
      %broadcast_in_dim3A_152 = vector.broadcast %add3A_151 : i32 to vector<16xi32>
      %gather3A = tpu.vector_load_idx %arg11[%broadcast_in_dim3A_152] : memref<10240xf32, #tpu.memory_space<vmem>>[vector<16xi32>], vector<16xf32>,
      %add3A_153 = arith.constant 0 : i32
      %add3A_154 = vector.broadcast %add3A_153 : i32 to vector<16xi32>
      %add3A_155 = arith.addi %iota3A, %add3A_154 : vector<16xi32>
      %mul3A_156 = arith.constant 32 : i32
      %mul3A_157 = arith.muli %scan3A_149, %mul3A_156 : i32
      %broadcast_in_dim3A_158 = vector.broadcast %mul3A_157 : i32 to vector<16xi32>
      %add3A_159 = arith.addi %broadcast_in_dim3A_158, %add3A_155 : vector<16xi32>
      %gather3A_160 = tpu.vector_load_idx %arg21[%add3A_159] : memref<2048xf32, #tpu.memory_space<vmem>>[vector<16xi32>], vector<16xf32>,
      %gather3A_161 = tpu.vector_load_idx %arg20[%broadcast_in_dim3A_150, %add3A_155] : memref<64x128xf32, #tpu.memory_space<vmem>>[vector<16xi32>, vector<16xi32>], vector<16xf32>,
      %mul3A_162 = arith.mulf %broadcast_in_dim3A, %gather3A : vector<16xf32>
      %mul3A_163 = arith.mulf %mul3A_162, %gather3A_161 : vector<16xf32>
      %add3A_164 = arith.addf %gather3A_160, %mul3A_163 : vector<16xf32>
      %mul3A_165 = arith.mulf %gather3A, %add3A_164 : vector<16xf32>
      tpu.vector_store_idx %arg22[%broadcast_in_dim3A_150, %add3A_155], %mul3A_165 : memref<64x128xf32, #tpu.memory_space<vmem>>[vector<16xi32>, vector<16xi32>], vector<16xf32>,
      %add3A_166 = arith.constant 16 : i32
      %add3A_167 = vector.broadcast %add3A_166 : i32 to vector<16xi32>
      %add3A_168 = arith.addi %iota3A, %add3A_167 : vector<16xi32>
      %mul3A_169 = arith.constant 32 : i32
      %mul3A_170 = arith.muli %scan3A_149, %mul3A_169 : i32
      %broadcast_in_dim3A_171 = vector.broadcast %mul3A_170 : i32 to vector<16xi32>
      %add3A_172 = arith.addi %broadcast_in_dim3A_171, %add3A_168 : vector<16xi32>
      %gather3A_173 = tpu.vector_load_idx %arg21[%add3A_172] : memref<2048xf32, #tpu.memory_space<vmem>>[vector<16xi32>], vector<16xf32>,
      %gather3A_174 = tpu.vector_load_idx %arg20[%broadcast_in_dim3A_150, %add3A_168] : memref<64x128xf32, #tpu.memory_space<vmem>>[vector<16xi32>, vector<16xi32>], vector<16xf32>,
      %mul3A_175 = arith.mulf %broadcast_in_dim3A, %gather3A : vector<16xf32>
      %mul3A_176 = arith.mulf %mul3A_175, %gather3A_174 : vector<16xf32>
      %add3A_177 = arith.addf %gather3A_173, %mul3A_176 : vector<16xf32>
      %mul3A_178 = arith.mulf %gather3A, %add3A_177 : vector<16xf32>
      tpu.vector_store_idx %arg22[%broadcast_in_dim3A_150, %add3A_168], %mul3A_178 : memref<64x128xf32, #tpu.memory_space<vmem>>[vector<16xi32>, vector<16xi32>], vector<16xf32>,
    }
    %scan3A_100 = arith.constant 64 : i32
    "tpu.region"() ({
      %run_scoped3A = tpu.sem_alloc : memref<!tpu.dma_semaphore, #tpu.memory_space<semaphore_mem>>
      %dma_start3A = arith.constant 0 : i32
      %dma_start3A_149 = tpu.memref_slice %arg9[%arg0, %add3A_92, %dma_start3A] : memref<2x10240x128xf32, #tpu.memory_space<hbm>> -> memref<1x64x128xf32, #tpu.memory_space<hbm>>
      %dma_start3A_150 = tpu.memref_squeeze %dma_start3A_149 : memref<1x64x128xf32, #tpu.memory_space<hbm>> -> memref<64x128xf32, #tpu.memory_space<hbm>>
      %dma_start3A_151 = arith.constant 0 : i32
      %dma_start3A_152 = tpu.memref_slice %arg9[%arg0, %add3A_92, %dma_start3A_151] : memref<2x10240x128xf32, #tpu.memory_space<hbm>> -> memref<1x64x128xf32, #tpu.memory_space<hbm>>
      %dma_start3A_153 = tpu.memref_squeeze %dma_start3A_152 : memref<1x64x128xf32, #tpu.memory_space<hbm>> -> memref<64x128xf32, #tpu.memory_space<hbm>>
      tpu.enqueue_dma source(%arg22 : memref<64x128xf32, #tpu.memory_space<vmem>>) target(%dma_start3A_153 : memref<64x128xf32, #tpu.memory_space<hbm>>) target_semaphore(%run_scoped3A : memref<!tpu.dma_semaphore, #tpu.memory_space<semaphore_mem>>)
      %dma_wait3A = arith.constant 0 : i32
      %dma_wait3A_154 = tpu.memref_slice %arg9[%arg0, %add3A_92, %dma_wait3A] : memref<2x10240x128xf32, #tpu.memory_space<hbm>> -> memref<1x64x128xf32, #tpu.memory_space<hbm>>
      %dma_wait3A_155 = tpu.memref_squeeze %dma_wait3A_154 : memref<1x64x128xf32, #tpu.memory_space<hbm>> -> memref<64x128xf32, #tpu.memory_space<hbm>>
      %dma_wait3A_156 = arith.constant 0 : i32
      %dma_wait3A_157 = tpu.memref_slice %arg9[%arg0, %add3A_92, %dma_wait3A_156] : memref<2x10240x128xf32, #tpu.memory_space<hbm>> -> memref<1x64x128xf32, #tpu.memory_space<hbm>>
      %dma_wait3A_158 = tpu.memref_squeeze %dma_wait3A_157 : memref<1x64x128xf32, #tpu.memory_space<hbm>> -> memref<64x128xf32, #tpu.memory_space<hbm>>
      tpu.wait_dma2 semaphore(%run_scoped3A : memref<!tpu.dma_semaphore, #tpu.memory_space<semaphore_mem>>) src(%arg22 : memref<64x128xf32, #tpu.memory_space<vmem>>) dst(%dma_wait3A_158 : memref<64x128xf32, #tpu.memory_space<hbm>>)
      tpu.yield
    }) : () -> ()
    %mul3A_101 = arith.constant 640 : i32
    %mul3A_102 = arith.muli %arg1, %mul3A_101 : i32
    %add3A_103 = arith.constant 384 : i32
    %add3A_104 = arith.addi %mul3A_102, %add3A_103 : i32
    "tpu.region"() ({
      %run_scoped3A = tpu.sem_alloc : memref<!tpu.dma_semaphore, #tpu.memory_space<semaphore_mem>>
      %dma_start3A = arith.constant 0 : i32
      %dma_start3A_149 = tpu.memref_slice %arg2[%add3A_104, %dma_start3A] : memref<10240x128xf32, #tpu.memory_space<hbm>> -> memref<64x128xf32, #tpu.memory_space<hbm>>
      %dma_start3A_150 = arith.constant 0 : i32
      %dma_start3A_151 = tpu.memref_slice %arg2[%add3A_104, %dma_start3A_150] : memref<10240x128xf32, #tpu.memory_space<hbm>> -> memref<64x128xf32, #tpu.memory_space<hbm>>
      tpu.enqueue_dma source(%dma_start3A_151 : memref<64x128xf32, #tpu.memory_space<hbm>>) target(%arg20 : memref<64x128xf32, #tpu.memory_space<vmem>>) target_semaphore(%run_scoped3A : memref<!tpu.dma_semaphore, #tpu.memory_space<semaphore_mem>>)
      %dma_wait3A = arith.constant 0 : i32
      %dma_wait3A_152 = tpu.memref_slice %arg2[%add3A_104, %dma_wait3A] : memref<10240x128xf32, #tpu.memory_space<hbm>> -> memref<64x128xf32, #tpu.memory_space<hbm>>
      %dma_wait3A_153 = arith.constant 0 : i32
      %dma_wait3A_154 = tpu.memref_slice %arg2[%add3A_104, %dma_wait3A_153] : memref<10240x128xf32, #tpu.memory_space<hbm>> -> memref<64x128xf32, #tpu.memory_space<hbm>>
      tpu.wait_dma2 semaphore(%run_scoped3A : memref<!tpu.dma_semaphore, #tpu.memory_space<semaphore_mem>>) src(%dma_wait3A_154 : memref<64x128xf32, #tpu.memory_space<hbm>>) dst(%arg20 : memref<64x128xf32, #tpu.memory_space<vmem>>)
      tpu.yield
    }) : () -> ()
    %mul3A_105 = arith.constant 32 : i32
    %mul3A_106 = arith.muli %add3A_104, %mul3A_105 : i32
    "tpu.region"() ({
      %run_scoped3A = tpu.sem_alloc : memref<!tpu.dma_semaphore, #tpu.memory_space<semaphore_mem>>
      %dma_start3A = tpu.memref_slice %arg10[%mul3A_106] : memref<327680xf32, #tpu.memory_space<vmem_shared>> -> memref<2048xf32, #tpu.memory_space<vmem_shared>>
      %dma_start3A_149 = tpu.memref_slice %arg10[%mul3A_106] : memref<327680xf32, #tpu.memory_space<vmem_shared>> -> memref<2048xf32, #tpu.memory_space<vmem_shared>>
      tpu.enqueue_dma source(%dma_start3A_149 : memref<2048xf32, #tpu.memory_space<vmem_shared>>) target(%arg21 : memref<2048xf32, #tpu.memory_space<vmem>>) target_semaphore(%run_scoped3A : memref<!tpu.dma_semaphore, #tpu.memory_space<semaphore_mem>>)
      %dma_wait3A = tpu.memref_slice %arg10[%mul3A_106] : memref<327680xf32, #tpu.memory_space<vmem_shared>> -> memref<2048xf32, #tpu.memory_space<vmem_shared>>
      %dma_wait3A_150 = tpu.memref_slice %arg10[%mul3A_106] : memref<327680xf32, #tpu.memory_space<vmem_shared>> -> memref<2048xf32, #tpu.memory_space<vmem_shared>>
      tpu.wait_dma2 semaphore(%run_scoped3A : memref<!tpu.dma_semaphore, #tpu.memory_space<semaphore_mem>>) src(%dma_wait3A_150 : memref<2048xf32, #tpu.memory_space<vmem_shared>>) dst(%arg21 : memref<2048xf32, #tpu.memory_space<vmem>>)
      tpu.yield
    }) : () -> ()
    %scan3A_107 = arith.constant 0 : i32
    %scan3A_108 = arith.constant 0 : i32
    %scan3A_109 = arith.constant 64 : i32
    %scan3A_110 = arith.addi %scan3A_108, %scan3A_109 : i32
    %scan3A_111 = arith.constant 1 : i32
    scf.for %scan3A_149 = %scan3A_108 to %scan3A_110 step %scan3A_111  : i32 {
      %broadcast_in_dim3A_150 = vector.broadcast %scan3A_149 : i32 to vector<16xi32>
      %add3A_151 = arith.addi %add3A_104, %scan3A_149 : i32
      %broadcast_in_dim3A_152 = vector.broadcast %add3A_151 : i32 to vector<16xi32>
      %gather3A = tpu.vector_load_idx %arg11[%broadcast_in_dim3A_152] : memref<10240xf32, #tpu.memory_space<vmem>>[vector<16xi32>], vector<16xf32>,
      %add3A_153 = arith.constant 0 : i32
      %add3A_154 = vector.broadcast %add3A_153 : i32 to vector<16xi32>
      %add3A_155 = arith.addi %iota3A, %add3A_154 : vector<16xi32>
      %mul3A_156 = arith.constant 32 : i32
      %mul3A_157 = arith.muli %scan3A_149, %mul3A_156 : i32
      %broadcast_in_dim3A_158 = vector.broadcast %mul3A_157 : i32 to vector<16xi32>
      %add3A_159 = arith.addi %broadcast_in_dim3A_158, %add3A_155 : vector<16xi32>
      %gather3A_160 = tpu.vector_load_idx %arg21[%add3A_159] : memref<2048xf32, #tpu.memory_space<vmem>>[vector<16xi32>], vector<16xf32>,
      %gather3A_161 = tpu.vector_load_idx %arg20[%broadcast_in_dim3A_150, %add3A_155] : memref<64x128xf32, #tpu.memory_space<vmem>>[vector<16xi32>, vector<16xi32>], vector<16xf32>,
      %mul3A_162 = arith.mulf %broadcast_in_dim3A, %gather3A : vector<16xf32>
      %mul3A_163 = arith.mulf %mul3A_162, %gather3A_161 : vector<16xf32>
      %add3A_164 = arith.addf %gather3A_160, %mul3A_163 : vector<16xf32>
      %mul3A_165 = arith.mulf %gather3A, %add3A_164 : vector<16xf32>
      tpu.vector_store_idx %arg22[%broadcast_in_dim3A_150, %add3A_155], %mul3A_165 : memref<64x128xf32, #tpu.memory_space<vmem>>[vector<16xi32>, vector<16xi32>], vector<16xf32>,
      %add3A_166 = arith.constant 16 : i32
      %add3A_167 = vector.broadcast %add3A_166 : i32 to vector<16xi32>
      %add3A_168 = arith.addi %iota3A, %add3A_167 : vector<16xi32>
      %mul3A_169 = arith.constant 32 : i32
      %mul3A_170 = arith.muli %scan3A_149, %mul3A_169 : i32
      %broadcast_in_dim3A_171 = vector.broadcast %mul3A_170 : i32 to vector<16xi32>
      %add3A_172 = arith.addi %broadcast_in_dim3A_171, %add3A_168 : vector<16xi32>
      %gather3A_173 = tpu.vector_load_idx %arg21[%add3A_172] : memref<2048xf32, #tpu.memory_space<vmem>>[vector<16xi32>], vector<16xf32>,
      %gather3A_174 = tpu.vector_load_idx %arg20[%broadcast_in_dim3A_150, %add3A_168] : memref<64x128xf32, #tpu.memory_space<vmem>>[vector<16xi32>, vector<16xi32>], vector<16xf32>,
      %mul3A_175 = arith.mulf %broadcast_in_dim3A, %gather3A : vector<16xf32>
      %mul3A_176 = arith.mulf %mul3A_175, %gather3A_174 : vector<16xf32>
      %add3A_177 = arith.addf %gather3A_173, %mul3A_176 : vector<16xf32>
      %mul3A_178 = arith.mulf %gather3A, %add3A_177 : vector<16xf32>
      tpu.vector_store_idx %arg22[%broadcast_in_dim3A_150, %add3A_168], %mul3A_178 : memref<64x128xf32, #tpu.memory_space<vmem>>[vector<16xi32>, vector<16xi32>], vector<16xf32>,
    }
    %scan3A_112 = arith.constant 64 : i32
    "tpu.region"() ({
      %run_scoped3A = tpu.sem_alloc : memref<!tpu.dma_semaphore, #tpu.memory_space<semaphore_mem>>
      %dma_start3A = arith.constant 0 : i32
      %dma_start3A_149 = tpu.memref_slice %arg9[%arg0, %add3A_104, %dma_start3A] : memref<2x10240x128xf32, #tpu.memory_space<hbm>> -> memref<1x64x128xf32, #tpu.memory_space<hbm>>
      %dma_start3A_150 = tpu.memref_squeeze %dma_start3A_149 : memref<1x64x128xf32, #tpu.memory_space<hbm>> -> memref<64x128xf32, #tpu.memory_space<hbm>>
      %dma_start3A_151 = arith.constant 0 : i32
      %dma_start3A_152 = tpu.memref_slice %arg9[%arg0, %add3A_104, %dma_start3A_151] : memref<2x10240x128xf32, #tpu.memory_space<hbm>> -> memref<1x64x128xf32, #tpu.memory_space<hbm>>
      %dma_start3A_153 = tpu.memref_squeeze %dma_start3A_152 : memref<1x64x128xf32, #tpu.memory_space<hbm>> -> memref<64x128xf32, #tpu.memory_space<hbm>>
      tpu.enqueue_dma source(%arg22 : memref<64x128xf32, #tpu.memory_space<vmem>>) target(%dma_start3A_153 : memref<64x128xf32, #tpu.memory_space<hbm>>) target_semaphore(%run_scoped3A : memref<!tpu.dma_semaphore, #tpu.memory_space<semaphore_mem>>)
      %dma_wait3A = arith.constant 0 : i32
      %dma_wait3A_154 = tpu.memref_slice %arg9[%arg0, %add3A_104, %dma_wait3A] : memref<2x10240x128xf32, #tpu.memory_space<hbm>> -> memref<1x64x128xf32, #tpu.memory_space<hbm>>
      %dma_wait3A_155 = tpu.memref_squeeze %dma_wait3A_154 : memref<1x64x128xf32, #tpu.memory_space<hbm>> -> memref<64x128xf32, #tpu.memory_space<hbm>>
      %dma_wait3A_156 = arith.constant 0 : i32
      %dma_wait3A_157 = tpu.memref_slice %arg9[%arg0, %add3A_104, %dma_wait3A_156] : memref<2x10240x128xf32, #tpu.memory_space<hbm>> -> memref<1x64x128xf32, #tpu.memory_space<hbm>>
      %dma_wait3A_158 = tpu.memref_squeeze %dma_wait3A_157 : memref<1x64x128xf32, #tpu.memory_space<hbm>> -> memref<64x128xf32, #tpu.memory_space<hbm>>
      tpu.wait_dma2 semaphore(%run_scoped3A : memref<!tpu.dma_semaphore, #tpu.memory_space<semaphore_mem>>) src(%arg22 : memref<64x128xf32, #tpu.memory_space<vmem>>) dst(%dma_wait3A_158 : memref<64x128xf32, #tpu.memory_space<hbm>>)
      tpu.yield
    }) : () -> ()
    %mul3A_113 = arith.constant 640 : i32
    %mul3A_114 = arith.muli %arg1, %mul3A_113 : i32
    %add3A_115 = arith.constant 448 : i32
    %add3A_116 = arith.addi %mul3A_114, %add3A_115 : i32
    "tpu.region"() ({
      %run_scoped3A = tpu.sem_alloc : memref<!tpu.dma_semaphore, #tpu.memory_space<semaphore_mem>>
      %dma_start3A = arith.constant 0 : i32
      %dma_start3A_149 = tpu.memref_slice %arg2[%add3A_116, %dma_start3A] : memref<10240x128xf32, #tpu.memory_space<hbm>> -> memref<64x128xf32, #tpu.memory_space<hbm>>
      %dma_start3A_150 = arith.constant 0 : i32
      %dma_start3A_151 = tpu.memref_slice %arg2[%add3A_116, %dma_start3A_150] : memref<10240x128xf32, #tpu.memory_space<hbm>> -> memref<64x128xf32, #tpu.memory_space<hbm>>
      tpu.enqueue_dma source(%dma_start3A_151 : memref<64x128xf32, #tpu.memory_space<hbm>>) target(%arg20 : memref<64x128xf32, #tpu.memory_space<vmem>>) target_semaphore(%run_scoped3A : memref<!tpu.dma_semaphore, #tpu.memory_space<semaphore_mem>>)
      %dma_wait3A = arith.constant 0 : i32
      %dma_wait3A_152 = tpu.memref_slice %arg2[%add3A_116, %dma_wait3A] : memref<10240x128xf32, #tpu.memory_space<hbm>> -> memref<64x128xf32, #tpu.memory_space<hbm>>
      %dma_wait3A_153 = arith.constant 0 : i32
      %dma_wait3A_154 = tpu.memref_slice %arg2[%add3A_116, %dma_wait3A_153] : memref<10240x128xf32, #tpu.memory_space<hbm>> -> memref<64x128xf32, #tpu.memory_space<hbm>>
      tpu.wait_dma2 semaphore(%run_scoped3A : memref<!tpu.dma_semaphore, #tpu.memory_space<semaphore_mem>>) src(%dma_wait3A_154 : memref<64x128xf32, #tpu.memory_space<hbm>>) dst(%arg20 : memref<64x128xf32, #tpu.memory_space<vmem>>)
      tpu.yield
    }) : () -> ()
    %mul3A_117 = arith.constant 32 : i32
    %mul3A_118 = arith.muli %add3A_116, %mul3A_117 : i32
    "tpu.region"() ({
      %run_scoped3A = tpu.sem_alloc : memref<!tpu.dma_semaphore, #tpu.memory_space<semaphore_mem>>
      %dma_start3A = tpu.memref_slice %arg10[%mul3A_118] : memref<327680xf32, #tpu.memory_space<vmem_shared>> -> memref<2048xf32, #tpu.memory_space<vmem_shared>>
      %dma_start3A_149 = tpu.memref_slice %arg10[%mul3A_118] : memref<327680xf32, #tpu.memory_space<vmem_shared>> -> memref<2048xf32, #tpu.memory_space<vmem_shared>>
      tpu.enqueue_dma source(%dma_start3A_149 : memref<2048xf32, #tpu.memory_space<vmem_shared>>) target(%arg21 : memref<2048xf32, #tpu.memory_space<vmem>>) target_semaphore(%run_scoped3A : memref<!tpu.dma_semaphore, #tpu.memory_space<semaphore_mem>>)
      %dma_wait3A = tpu.memref_slice %arg10[%mul3A_118] : memref<327680xf32, #tpu.memory_space<vmem_shared>> -> memref<2048xf32, #tpu.memory_space<vmem_shared>>
      %dma_wait3A_150 = tpu.memref_slice %arg10[%mul3A_118] : memref<327680xf32, #tpu.memory_space<vmem_shared>> -> memref<2048xf32, #tpu.memory_space<vmem_shared>>
      tpu.wait_dma2 semaphore(%run_scoped3A : memref<!tpu.dma_semaphore, #tpu.memory_space<semaphore_mem>>) src(%dma_wait3A_150 : memref<2048xf32, #tpu.memory_space<vmem_shared>>) dst(%arg21 : memref<2048xf32, #tpu.memory_space<vmem>>)
      tpu.yield
    }) : () -> ()
    %scan3A_119 = arith.constant 0 : i32
    %scan3A_120 = arith.constant 0 : i32
    %scan3A_121 = arith.constant 64 : i32
    %scan3A_122 = arith.addi %scan3A_120, %scan3A_121 : i32
    %scan3A_123 = arith.constant 1 : i32
    scf.for %scan3A_149 = %scan3A_120 to %scan3A_122 step %scan3A_123  : i32 {
      %broadcast_in_dim3A_150 = vector.broadcast %scan3A_149 : i32 to vector<16xi32>
      %add3A_151 = arith.addi %add3A_116, %scan3A_149 : i32
      %broadcast_in_dim3A_152 = vector.broadcast %add3A_151 : i32 to vector<16xi32>
      %gather3A = tpu.vector_load_idx %arg11[%broadcast_in_dim3A_152] : memref<10240xf32, #tpu.memory_space<vmem>>[vector<16xi32>], vector<16xf32>,
      %add3A_153 = arith.constant 0 : i32
      %add3A_154 = vector.broadcast %add3A_153 : i32 to vector<16xi32>
      %add3A_155 = arith.addi %iota3A, %add3A_154 : vector<16xi32>
      %mul3A_156 = arith.constant 32 : i32
      %mul3A_157 = arith.muli %scan3A_149, %mul3A_156 : i32
      %broadcast_in_dim3A_158 = vector.broadcast %mul3A_157 : i32 to vector<16xi32>
      %add3A_159 = arith.addi %broadcast_in_dim3A_158, %add3A_155 : vector<16xi32>
      %gather3A_160 = tpu.vector_load_idx %arg21[%add3A_159] : memref<2048xf32, #tpu.memory_space<vmem>>[vector<16xi32>], vector<16xf32>,
      %gather3A_161 = tpu.vector_load_idx %arg20[%broadcast_in_dim3A_150, %add3A_155] : memref<64x128xf32, #tpu.memory_space<vmem>>[vector<16xi32>, vector<16xi32>], vector<16xf32>,
      %mul3A_162 = arith.mulf %broadcast_in_dim3A, %gather3A : vector<16xf32>
      %mul3A_163 = arith.mulf %mul3A_162, %gather3A_161 : vector<16xf32>
      %add3A_164 = arith.addf %gather3A_160, %mul3A_163 : vector<16xf32>
      %mul3A_165 = arith.mulf %gather3A, %add3A_164 : vector<16xf32>
      tpu.vector_store_idx %arg22[%broadcast_in_dim3A_150, %add3A_155], %mul3A_165 : memref<64x128xf32, #tpu.memory_space<vmem>>[vector<16xi32>, vector<16xi32>], vector<16xf32>,
      %add3A_166 = arith.constant 16 : i32
      %add3A_167 = vector.broadcast %add3A_166 : i32 to vector<16xi32>
      %add3A_168 = arith.addi %iota3A, %add3A_167 : vector<16xi32>
      %mul3A_169 = arith.constant 32 : i32
      %mul3A_170 = arith.muli %scan3A_149, %mul3A_169 : i32
      %broadcast_in_dim3A_171 = vector.broadcast %mul3A_170 : i32 to vector<16xi32>
      %add3A_172 = arith.addi %broadcast_in_dim3A_171, %add3A_168 : vector<16xi32>
      %gather3A_173 = tpu.vector_load_idx %arg21[%add3A_172] : memref<2048xf32, #tpu.memory_space<vmem>>[vector<16xi32>], vector<16xf32>,
      %gather3A_174 = tpu.vector_load_idx %arg20[%broadcast_in_dim3A_150, %add3A_168] : memref<64x128xf32, #tpu.memory_space<vmem>>[vector<16xi32>, vector<16xi32>], vector<16xf32>,
      %mul3A_175 = arith.mulf %broadcast_in_dim3A, %gather3A : vector<16xf32>
      %mul3A_176 = arith.mulf %mul3A_175, %gather3A_174 : vector<16xf32>
      %add3A_177 = arith.addf %gather3A_173, %mul3A_176 : vector<16xf32>
      %mul3A_178 = arith.mulf %gather3A, %add3A_177 : vector<16xf32>
      tpu.vector_store_idx %arg22[%broadcast_in_dim3A_150, %add3A_168], %mul3A_178 : memref<64x128xf32, #tpu.memory_space<vmem>>[vector<16xi32>, vector<16xi32>], vector<16xf32>,
    }
    %scan3A_124 = arith.constant 64 : i32
    "tpu.region"() ({
      %run_scoped3A = tpu.sem_alloc : memref<!tpu.dma_semaphore, #tpu.memory_space<semaphore_mem>>
      %dma_start3A = arith.constant 0 : i32
      %dma_start3A_149 = tpu.memref_slice %arg9[%arg0, %add3A_116, %dma_start3A] : memref<2x10240x128xf32, #tpu.memory_space<hbm>> -> memref<1x64x128xf32, #tpu.memory_space<hbm>>
      %dma_start3A_150 = tpu.memref_squeeze %dma_start3A_149 : memref<1x64x128xf32, #tpu.memory_space<hbm>> -> memref<64x128xf32, #tpu.memory_space<hbm>>
      %dma_start3A_151 = arith.constant 0 : i32
      %dma_start3A_152 = tpu.memref_slice %arg9[%arg0, %add3A_116, %dma_start3A_151] : memref<2x10240x128xf32, #tpu.memory_space<hbm>> -> memref<1x64x128xf32, #tpu.memory_space<hbm>>
      %dma_start3A_153 = tpu.memref_squeeze %dma_start3A_152 : memref<1x64x128xf32, #tpu.memory_space<hbm>> -> memref<64x128xf32, #tpu.memory_space<hbm>>
      tpu.enqueue_dma source(%arg22 : memref<64x128xf32, #tpu.memory_space<vmem>>) target(%dma_start3A_153 : memref<64x128xf32, #tpu.memory_space<hbm>>) target_semaphore(%run_scoped3A : memref<!tpu.dma_semaphore, #tpu.memory_space<semaphore_mem>>)
      %dma_wait3A = arith.constant 0 : i32
      %dma_wait3A_154 = tpu.memref_slice %arg9[%arg0, %add3A_116, %dma_wait3A] : memref<2x10240x128xf32, #tpu.memory_space<hbm>> -> memref<1x64x128xf32, #tpu.memory_space<hbm>>
      %dma_wait3A_155 = tpu.memref_squeeze %dma_wait3A_154 : memref<1x64x128xf32, #tpu.memory_space<hbm>> -> memref<64x128xf32, #tpu.memory_space<hbm>>
      %dma_wait3A_156 = arith.constant 0 : i32
      %dma_wait3A_157 = tpu.memref_slice %arg9[%arg0, %add3A_116, %dma_wait3A_156] : memref<2x10240x128xf32, #tpu.memory_space<hbm>> -> memref<1x64x128xf32, #tpu.memory_space<hbm>>
      %dma_wait3A_158 = tpu.memref_squeeze %dma_wait3A_157 : memref<1x64x128xf32, #tpu.memory_space<hbm>> -> memref<64x128xf32, #tpu.memory_space<hbm>>
      tpu.wait_dma2 semaphore(%run_scoped3A : memref<!tpu.dma_semaphore, #tpu.memory_space<semaphore_mem>>) src(%arg22 : memref<64x128xf32, #tpu.memory_space<vmem>>) dst(%dma_wait3A_158 : memref<64x128xf32, #tpu.memory_space<hbm>>)
      tpu.yield
    }) : () -> ()
    %mul3A_125 = arith.constant 640 : i32
    %mul3A_126 = arith.muli %arg1, %mul3A_125 : i32
    %add3A_127 = arith.constant 512 : i32
    %add3A_128 = arith.addi %mul3A_126, %add3A_127 : i32
    "tpu.region"() ({
      %run_scoped3A = tpu.sem_alloc : memref<!tpu.dma_semaphore, #tpu.memory_space<semaphore_mem>>
      %dma_start3A = arith.constant 0 : i32
      %dma_start3A_149 = tpu.memref_slice %arg2[%add3A_128, %dma_start3A] : memref<10240x128xf32, #tpu.memory_space<hbm>> -> memref<64x128xf32, #tpu.memory_space<hbm>>
      %dma_start3A_150 = arith.constant 0 : i32
      %dma_start3A_151 = tpu.memref_slice %arg2[%add3A_128, %dma_start3A_150] : memref<10240x128xf32, #tpu.memory_space<hbm>> -> memref<64x128xf32, #tpu.memory_space<hbm>>
      tpu.enqueue_dma source(%dma_start3A_151 : memref<64x128xf32, #tpu.memory_space<hbm>>) target(%arg20 : memref<64x128xf32, #tpu.memory_space<vmem>>) target_semaphore(%run_scoped3A : memref<!tpu.dma_semaphore, #tpu.memory_space<semaphore_mem>>)
      %dma_wait3A = arith.constant 0 : i32
      %dma_wait3A_152 = tpu.memref_slice %arg2[%add3A_128, %dma_wait3A] : memref<10240x128xf32, #tpu.memory_space<hbm>> -> memref<64x128xf32, #tpu.memory_space<hbm>>
      %dma_wait3A_153 = arith.constant 0 : i32
      %dma_wait3A_154 = tpu.memref_slice %arg2[%add3A_128, %dma_wait3A_153] : memref<10240x128xf32, #tpu.memory_space<hbm>> -> memref<64x128xf32, #tpu.memory_space<hbm>>
      tpu.wait_dma2 semaphore(%run_scoped3A : memref<!tpu.dma_semaphore, #tpu.memory_space<semaphore_mem>>) src(%dma_wait3A_154 : memref<64x128xf32, #tpu.memory_space<hbm>>) dst(%arg20 : memref<64x128xf32, #tpu.memory_space<vmem>>)
      tpu.yield
    }) : () -> ()
    %mul3A_129 = arith.constant 32 : i32
    %mul3A_130 = arith.muli %add3A_128, %mul3A_129 : i32
    "tpu.region"() ({
      %run_scoped3A = tpu.sem_alloc : memref<!tpu.dma_semaphore, #tpu.memory_space<semaphore_mem>>
      %dma_start3A = tpu.memref_slice %arg10[%mul3A_130] : memref<327680xf32, #tpu.memory_space<vmem_shared>> -> memref<2048xf32, #tpu.memory_space<vmem_shared>>
      %dma_start3A_149 = tpu.memref_slice %arg10[%mul3A_130] : memref<327680xf32, #tpu.memory_space<vmem_shared>> -> memref<2048xf32, #tpu.memory_space<vmem_shared>>
      tpu.enqueue_dma source(%dma_start3A_149 : memref<2048xf32, #tpu.memory_space<vmem_shared>>) target(%arg21 : memref<2048xf32, #tpu.memory_space<vmem>>) target_semaphore(%run_scoped3A : memref<!tpu.dma_semaphore, #tpu.memory_space<semaphore_mem>>)
      %dma_wait3A = tpu.memref_slice %arg10[%mul3A_130] : memref<327680xf32, #tpu.memory_space<vmem_shared>> -> memref<2048xf32, #tpu.memory_space<vmem_shared>>
      %dma_wait3A_150 = tpu.memref_slice %arg10[%mul3A_130] : memref<327680xf32, #tpu.memory_space<vmem_shared>> -> memref<2048xf32, #tpu.memory_space<vmem_shared>>
      tpu.wait_dma2 semaphore(%run_scoped3A : memref<!tpu.dma_semaphore, #tpu.memory_space<semaphore_mem>>) src(%dma_wait3A_150 : memref<2048xf32, #tpu.memory_space<vmem_shared>>) dst(%arg21 : memref<2048xf32, #tpu.memory_space<vmem>>)
      tpu.yield
    }) : () -> ()
    %scan3A_131 = arith.constant 0 : i32
    %scan3A_132 = arith.constant 0 : i32
    %scan3A_133 = arith.constant 64 : i32
    %scan3A_134 = arith.addi %scan3A_132, %scan3A_133 : i32
    %scan3A_135 = arith.constant 1 : i32
    scf.for %scan3A_149 = %scan3A_132 to %scan3A_134 step %scan3A_135  : i32 {
      %broadcast_in_dim3A_150 = vector.broadcast %scan3A_149 : i32 to vector<16xi32>
      %add3A_151 = arith.addi %add3A_128, %scan3A_149 : i32
      %broadcast_in_dim3A_152 = vector.broadcast %add3A_151 : i32 to vector<16xi32>
      %gather3A = tpu.vector_load_idx %arg11[%broadcast_in_dim3A_152] : memref<10240xf32, #tpu.memory_space<vmem>>[vector<16xi32>], vector<16xf32>,
      %add3A_153 = arith.constant 0 : i32
      %add3A_154 = vector.broadcast %add3A_153 : i32 to vector<16xi32>
      %add3A_155 = arith.addi %iota3A, %add3A_154 : vector<16xi32>
      %mul3A_156 = arith.constant 32 : i32
      %mul3A_157 = arith.muli %scan3A_149, %mul3A_156 : i32
      %broadcast_in_dim3A_158 = vector.broadcast %mul3A_157 : i32 to vector<16xi32>
      %add3A_159 = arith.addi %broadcast_in_dim3A_158, %add3A_155 : vector<16xi32>
      %gather3A_160 = tpu.vector_load_idx %arg21[%add3A_159] : memref<2048xf32, #tpu.memory_space<vmem>>[vector<16xi32>], vector<16xf32>,
      %gather3A_161 = tpu.vector_load_idx %arg20[%broadcast_in_dim3A_150, %add3A_155] : memref<64x128xf32, #tpu.memory_space<vmem>>[vector<16xi32>, vector<16xi32>], vector<16xf32>,
      %mul3A_162 = arith.mulf %broadcast_in_dim3A, %gather3A : vector<16xf32>
      %mul3A_163 = arith.mulf %mul3A_162, %gather3A_161 : vector<16xf32>
      %add3A_164 = arith.addf %gather3A_160, %mul3A_163 : vector<16xf32>
      %mul3A_165 = arith.mulf %gather3A, %add3A_164 : vector<16xf32>
      tpu.vector_store_idx %arg22[%broadcast_in_dim3A_150, %add3A_155], %mul3A_165 : memref<64x128xf32, #tpu.memory_space<vmem>>[vector<16xi32>, vector<16xi32>], vector<16xf32>,
      %add3A_166 = arith.constant 16 : i32
      %add3A_167 = vector.broadcast %add3A_166 : i32 to vector<16xi32>
      %add3A_168 = arith.addi %iota3A, %add3A_167 : vector<16xi32>
      %mul3A_169 = arith.constant 32 : i32
      %mul3A_170 = arith.muli %scan3A_149, %mul3A_169 : i32
      %broadcast_in_dim3A_171 = vector.broadcast %mul3A_170 : i32 to vector<16xi32>
      %add3A_172 = arith.addi %broadcast_in_dim3A_171, %add3A_168 : vector<16xi32>
      %gather3A_173 = tpu.vector_load_idx %arg21[%add3A_172] : memref<2048xf32, #tpu.memory_space<vmem>>[vector<16xi32>], vector<16xf32>,
      %gather3A_174 = tpu.vector_load_idx %arg20[%broadcast_in_dim3A_150, %add3A_168] : memref<64x128xf32, #tpu.memory_space<vmem>>[vector<16xi32>, vector<16xi32>], vector<16xf32>,
      %mul3A_175 = arith.mulf %broadcast_in_dim3A, %gather3A : vector<16xf32>
      %mul3A_176 = arith.mulf %mul3A_175, %gather3A_174 : vector<16xf32>
      %add3A_177 = arith.addf %gather3A_173, %mul3A_176 : vector<16xf32>
      %mul3A_178 = arith.mulf %gather3A, %add3A_177 : vector<16xf32>
      tpu.vector_store_idx %arg22[%broadcast_in_dim3A_150, %add3A_168], %mul3A_178 : memref<64x128xf32, #tpu.memory_space<vmem>>[vector<16xi32>, vector<16xi32>], vector<16xf32>,
    }
    %scan3A_136 = arith.constant 64 : i32
    "tpu.region"() ({
      %run_scoped3A = tpu.sem_alloc : memref<!tpu.dma_semaphore, #tpu.memory_space<semaphore_mem>>
      %dma_start3A = arith.constant 0 : i32
      %dma_start3A_149 = tpu.memref_slice %arg9[%arg0, %add3A_128, %dma_start3A] : memref<2x10240x128xf32, #tpu.memory_space<hbm>> -> memref<1x64x128xf32, #tpu.memory_space<hbm>>
      %dma_start3A_150 = tpu.memref_squeeze %dma_start3A_149 : memref<1x64x128xf32, #tpu.memory_space<hbm>> -> memref<64x128xf32, #tpu.memory_space<hbm>>
      %dma_start3A_151 = arith.constant 0 : i32
      %dma_start3A_152 = tpu.memref_slice %arg9[%arg0, %add3A_128, %dma_start3A_151] : memref<2x10240x128xf32, #tpu.memory_space<hbm>> -> memref<1x64x128xf32, #tpu.memory_space<hbm>>
      %dma_start3A_153 = tpu.memref_squeeze %dma_start3A_152 : memref<1x64x128xf32, #tpu.memory_space<hbm>> -> memref<64x128xf32, #tpu.memory_space<hbm>>
      tpu.enqueue_dma source(%arg22 : memref<64x128xf32, #tpu.memory_space<vmem>>) target(%dma_start3A_153 : memref<64x128xf32, #tpu.memory_space<hbm>>) target_semaphore(%run_scoped3A : memref<!tpu.dma_semaphore, #tpu.memory_space<semaphore_mem>>)
      %dma_wait3A = arith.constant 0 : i32
      %dma_wait3A_154 = tpu.memref_slice %arg9[%arg0, %add3A_128, %dma_wait3A] : memref<2x10240x128xf32, #tpu.memory_space<hbm>> -> memref<1x64x128xf32, #tpu.memory_space<hbm>>
      %dma_wait3A_155 = tpu.memref_squeeze %dma_wait3A_154 : memref<1x64x128xf32, #tpu.memory_space<hbm>> -> memref<64x128xf32, #tpu.memory_space<hbm>>
      %dma_wait3A_156 = arith.constant 0 : i32
      %dma_wait3A_157 = tpu.memref_slice %arg9[%arg0, %add3A_128, %dma_wait3A_156] : memref<2x10240x128xf32, #tpu.memory_space<hbm>> -> memref<1x64x128xf32, #tpu.memory_space<hbm>>
      %dma_wait3A_158 = tpu.memref_squeeze %dma_wait3A_157 : memref<1x64x128xf32, #tpu.memory_space<hbm>> -> memref<64x128xf32, #tpu.memory_space<hbm>>
      tpu.wait_dma2 semaphore(%run_scoped3A : memref<!tpu.dma_semaphore, #tpu.memory_space<semaphore_mem>>) src(%arg22 : memref<64x128xf32, #tpu.memory_space<vmem>>) dst(%dma_wait3A_158 : memref<64x128xf32, #tpu.memory_space<hbm>>)
      tpu.yield
    }) : () -> ()
    %mul3A_137 = arith.constant 640 : i32
    %mul3A_138 = arith.muli %arg1, %mul3A_137 : i32
    %add3A_139 = arith.constant 576 : i32
    %add3A_140 = arith.addi %mul3A_138, %add3A_139 : i32
    "tpu.region"() ({
      %run_scoped3A = tpu.sem_alloc : memref<!tpu.dma_semaphore, #tpu.memory_space<semaphore_mem>>
      %dma_start3A = arith.constant 0 : i32
      %dma_start3A_149 = tpu.memref_slice %arg2[%add3A_140, %dma_start3A] : memref<10240x128xf32, #tpu.memory_space<hbm>> -> memref<64x128xf32, #tpu.memory_space<hbm>>
      %dma_start3A_150 = arith.constant 0 : i32
      %dma_start3A_151 = tpu.memref_slice %arg2[%add3A_140, %dma_start3A_150] : memref<10240x128xf32, #tpu.memory_space<hbm>> -> memref<64x128xf32, #tpu.memory_space<hbm>>
      tpu.enqueue_dma source(%dma_start3A_151 : memref<64x128xf32, #tpu.memory_space<hbm>>) target(%arg20 : memref<64x128xf32, #tpu.memory_space<vmem>>) target_semaphore(%run_scoped3A : memref<!tpu.dma_semaphore, #tpu.memory_space<semaphore_mem>>)
      %dma_wait3A = arith.constant 0 : i32
      %dma_wait3A_152 = tpu.memref_slice %arg2[%add3A_140, %dma_wait3A] : memref<10240x128xf32, #tpu.memory_space<hbm>> -> memref<64x128xf32, #tpu.memory_space<hbm>>
      %dma_wait3A_153 = arith.constant 0 : i32
      %dma_wait3A_154 = tpu.memref_slice %arg2[%add3A_140, %dma_wait3A_153] : memref<10240x128xf32, #tpu.memory_space<hbm>> -> memref<64x128xf32, #tpu.memory_space<hbm>>
      tpu.wait_dma2 semaphore(%run_scoped3A : memref<!tpu.dma_semaphore, #tpu.memory_space<semaphore_mem>>) src(%dma_wait3A_154 : memref<64x128xf32, #tpu.memory_space<hbm>>) dst(%arg20 : memref<64x128xf32, #tpu.memory_space<vmem>>)
      tpu.yield
    }) : () -> ()
    %mul3A_141 = arith.constant 32 : i32
    %mul3A_142 = arith.muli %add3A_140, %mul3A_141 : i32
    "tpu.region"() ({
      %run_scoped3A = tpu.sem_alloc : memref<!tpu.dma_semaphore, #tpu.memory_space<semaphore_mem>>
      %dma_start3A = tpu.memref_slice %arg10[%mul3A_142] : memref<327680xf32, #tpu.memory_space<vmem_shared>> -> memref<2048xf32, #tpu.memory_space<vmem_shared>>
      %dma_start3A_149 = tpu.memref_slice %arg10[%mul3A_142] : memref<327680xf32, #tpu.memory_space<vmem_shared>> -> memref<2048xf32, #tpu.memory_space<vmem_shared>>
      tpu.enqueue_dma source(%dma_start3A_149 : memref<2048xf32, #tpu.memory_space<vmem_shared>>) target(%arg21 : memref<2048xf32, #tpu.memory_space<vmem>>) target_semaphore(%run_scoped3A : memref<!tpu.dma_semaphore, #tpu.memory_space<semaphore_mem>>)
      %dma_wait3A = tpu.memref_slice %arg10[%mul3A_142] : memref<327680xf32, #tpu.memory_space<vmem_shared>> -> memref<2048xf32, #tpu.memory_space<vmem_shared>>
      %dma_wait3A_150 = tpu.memref_slice %arg10[%mul3A_142] : memref<327680xf32, #tpu.memory_space<vmem_shared>> -> memref<2048xf32, #tpu.memory_space<vmem_shared>>
      tpu.wait_dma2 semaphore(%run_scoped3A : memref<!tpu.dma_semaphore, #tpu.memory_space<semaphore_mem>>) src(%dma_wait3A_150 : memref<2048xf32, #tpu.memory_space<vmem_shared>>) dst(%arg21 : memref<2048xf32, #tpu.memory_space<vmem>>)
      tpu.yield
    }) : () -> ()
    %scan3A_143 = arith.constant 0 : i32
    %scan3A_144 = arith.constant 0 : i32
    %scan3A_145 = arith.constant 64 : i32
    %scan3A_146 = arith.addi %scan3A_144, %scan3A_145 : i32
    %scan3A_147 = arith.constant 1 : i32
    scf.for %scan3A_149 = %scan3A_144 to %scan3A_146 step %scan3A_147  : i32 {
      %broadcast_in_dim3A_150 = vector.broadcast %scan3A_149 : i32 to vector<16xi32>
      %add3A_151 = arith.addi %add3A_140, %scan3A_149 : i32
      %broadcast_in_dim3A_152 = vector.broadcast %add3A_151 : i32 to vector<16xi32>
      %gather3A = tpu.vector_load_idx %arg11[%broadcast_in_dim3A_152] : memref<10240xf32, #tpu.memory_space<vmem>>[vector<16xi32>], vector<16xf32>,
      %add3A_153 = arith.constant 0 : i32
      %add3A_154 = vector.broadcast %add3A_153 : i32 to vector<16xi32>
      %add3A_155 = arith.addi %iota3A, %add3A_154 : vector<16xi32>
      %mul3A_156 = arith.constant 32 : i32
      %mul3A_157 = arith.muli %scan3A_149, %mul3A_156 : i32
      %broadcast_in_dim3A_158 = vector.broadcast %mul3A_157 : i32 to vector<16xi32>
      %add3A_159 = arith.addi %broadcast_in_dim3A_158, %add3A_155 : vector<16xi32>
      %gather3A_160 = tpu.vector_load_idx %arg21[%add3A_159] : memref<2048xf32, #tpu.memory_space<vmem>>[vector<16xi32>], vector<16xf32>,
      %gather3A_161 = tpu.vector_load_idx %arg20[%broadcast_in_dim3A_150, %add3A_155] : memref<64x128xf32, #tpu.memory_space<vmem>>[vector<16xi32>, vector<16xi32>], vector<16xf32>,
      %mul3A_162 = arith.mulf %broadcast_in_dim3A, %gather3A : vector<16xf32>
      %mul3A_163 = arith.mulf %mul3A_162, %gather3A_161 : vector<16xf32>
      %add3A_164 = arith.addf %gather3A_160, %mul3A_163 : vector<16xf32>
      %mul3A_165 = arith.mulf %gather3A, %add3A_164 : vector<16xf32>
      tpu.vector_store_idx %arg22[%broadcast_in_dim3A_150, %add3A_155], %mul3A_165 : memref<64x128xf32, #tpu.memory_space<vmem>>[vector<16xi32>, vector<16xi32>], vector<16xf32>,
      %add3A_166 = arith.constant 16 : i32
      %add3A_167 = vector.broadcast %add3A_166 : i32 to vector<16xi32>
      %add3A_168 = arith.addi %iota3A, %add3A_167 : vector<16xi32>
      %mul3A_169 = arith.constant 32 : i32
      %mul3A_170 = arith.muli %scan3A_149, %mul3A_169 : i32
      %broadcast_in_dim3A_171 = vector.broadcast %mul3A_170 : i32 to vector<16xi32>
      %add3A_172 = arith.addi %broadcast_in_dim3A_171, %add3A_168 : vector<16xi32>
      %gather3A_173 = tpu.vector_load_idx %arg21[%add3A_172] : memref<2048xf32, #tpu.memory_space<vmem>>[vector<16xi32>], vector<16xf32>,
      %gather3A_174 = tpu.vector_load_idx %arg20[%broadcast_in_dim3A_150, %add3A_168] : memref<64x128xf32, #tpu.memory_space<vmem>>[vector<16xi32>, vector<16xi32>], vector<16xf32>,
      %mul3A_175 = arith.mulf %broadcast_in_dim3A, %gather3A : vector<16xf32>
      %mul3A_176 = arith.mulf %mul3A_175, %gather3A_174 : vector<16xf32>
      %add3A_177 = arith.addf %gather3A_173, %mul3A_176 : vector<16xf32>
      %mul3A_178 = arith.mulf %gather3A, %add3A_177 : vector<16xf32>
      tpu.vector_store_idx %arg22[%broadcast_in_dim3A_150, %add3A_168], %mul3A_178 : memref<64x128xf32, #tpu.memory_space<vmem>>[vector<16xi32>, vector<16xi32>], vector<16xf32>,
    }
    %scan3A_148 = arith.constant 64 : i32
    "tpu.region"() ({
      %run_scoped3A = tpu.sem_alloc : memref<!tpu.dma_semaphore, #tpu.memory_space<semaphore_mem>>
      %dma_start3A = arith.constant 0 : i32
      %dma_start3A_149 = tpu.memref_slice %arg9[%arg0, %add3A_140, %dma_start3A] : memref<2x10240x128xf32, #tpu.memory_space<hbm>> -> memref<1x64x128xf32, #tpu.memory_space<hbm>>
      %dma_start3A_150 = tpu.memref_squeeze %dma_start3A_149 : memref<1x64x128xf32, #tpu.memory_space<hbm>> -> memref<64x128xf32, #tpu.memory_space<hbm>>
      %dma_start3A_151 = arith.constant 0 : i32
      %dma_start3A_152 = tpu.memref_slice %arg9[%arg0, %add3A_140, %dma_start3A_151] : memref<2x10240x128xf32, #tpu.memory_space<hbm>> -> memref<1x64x128xf32, #tpu.memory_space<hbm>>
      %dma_start3A_153 = tpu.memref_squeeze %dma_start3A_152 : memref<1x64x128xf32, #tpu.memory_space<hbm>> -> memref<64x128xf32, #tpu.memory_space<hbm>>
      tpu.enqueue_dma source(%arg22 : memref<64x128xf32, #tpu.memory_space<vmem>>) target(%dma_start3A_153 : memref<64x128xf32, #tpu.memory_space<hbm>>) target_semaphore(%run_scoped3A : memref<!tpu.dma_semaphore, #tpu.memory_space<semaphore_mem>>)
      %dma_wait3A = arith.constant 0 : i32
      %dma_wait3A_154 = tpu.memref_slice %arg9[%arg0, %add3A_140, %dma_wait3A] : memref<2x10240x128xf32, #tpu.memory_space<hbm>> -> memref<1x64x128xf32, #tpu.memory_space<hbm>>
      %dma_wait3A_155 = tpu.memref_squeeze %dma_wait3A_154 : memref<1x64x128xf32, #tpu.memory_space<hbm>> -> memref<64x128xf32, #tpu.memory_space<hbm>>
      %dma_wait3A_156 = arith.constant 0 : i32
      %dma_wait3A_157 = tpu.memref_slice %arg9[%arg0, %add3A_140, %dma_wait3A_156] : memref<2x10240x128xf32, #tpu.memory_space<hbm>> -> memref<1x64x128xf32, #tpu.memory_space<hbm>>
      %dma_wait3A_158 = tpu.memref_squeeze %dma_wait3A_157 : memref<1x64x128xf32, #tpu.memory_space<hbm>> -> memref<64x128xf32, #tpu.memory_space<hbm>>
      tpu.wait_dma2 semaphore(%run_scoped3A : memref<!tpu.dma_semaphore, #tpu.memory_space<semaphore_mem>>) src(%arg22 : memref<64x128xf32, #tpu.memory_space<vmem>>) dst(%dma_wait3A_158 : memref<64x128xf32, #tpu.memory_space<hbm>>)
      tpu.yield
    }) : () -> ()
    return
  }
}

#map = affine_map<(d0, d1) -> (0, 0, 0)>
#map1 = affine_map<(d0, d1) -> (0)>
module attributes {stable_mosaic.version = 14 : i64} {
  func.func @_deg_body(%arg0: i32, %arg1: i32, %arg2: memref<32x80x128xi32, #tpu.memory_space<hbm>>, %arg3: memref<32x80x128xf32, #tpu.memory_space<hbm>>, %arg4: memref<640xf32, #tpu.memory_space<hbm>>, %arg5: memref<10240xf32, #tpu.memory_space<hbm>>, %arg6: memref<10240xf32, #tpu.memory_space<hbm>>, %arg7: memref<10240xf32, #tpu.memory_space<vmem_shared>>, %arg8: memref<128xi32, #tpu.memory_space<vmem>>, %arg9: memref<128xf32, #tpu.memory_space<vmem>>, %arg10: memref<640xf32, #tpu.memory_space<vmem>>) attributes {dimension_semantics = [#tpu.dimension_semantics<core_parallel>, #tpu.dimension_semantics<subcore_parallel>], iteration_bounds = array<i64: 2, 16>, scalar_prefetch = 0 : i64, scratch_operands = 4 : i64, tpu.core_type = #tpu.core_type<sc_vector_subcore>, window_params = [{transform_indices = #map}, {transform_indices = #map}, {transform_indices = #map1}, {transform_indices = #map1}, {transform_indices = #map1}]} {
    %mul3A = arith.constant 16 : i32
    %mul3A_0 = arith.muli %arg0, %mul3A : i32
    %add3A = arith.addi %mul3A_0, %arg1 : i32
    "tpu.region"() ({
      %run_scoped3A = tpu.sem_alloc : memref<!tpu.dma_semaphore, #tpu.memory_space<semaphore_mem>>
      tpu.enqueue_dma source(%arg4 : memref<640xf32, #tpu.memory_space<hbm>>) target(%arg10 : memref<640xf32, #tpu.memory_space<vmem>>) target_semaphore(%run_scoped3A : memref<!tpu.dma_semaphore, #tpu.memory_space<semaphore_mem>>)
      tpu.wait_dma2 semaphore(%run_scoped3A : memref<!tpu.dma_semaphore, #tpu.memory_space<semaphore_mem>>) src(%arg4 : memref<640xf32, #tpu.memory_space<hbm>>) dst(%arg10 : memref<640xf32, #tpu.memory_space<vmem>>)
      tpu.yield
    }) : () -> ()
    %mul3A_1 = arith.constant 640 : i32
    %mul3A_2 = arith.muli %arg1, %mul3A_1 : i32
    "tpu.region"() ({
      %run_scoped3A = tpu.sem_alloc : memref<!tpu.dma_semaphore, #tpu.memory_space<semaphore_mem>>
      %dma_start3A = tpu.memref_slice %arg7[%mul3A_2] : memref<10240xf32, #tpu.memory_space<vmem_shared>> -> memref<640xf32, #tpu.memory_space<vmem_shared>>
      %dma_start3A_18 = tpu.memref_slice %arg7[%mul3A_2] : memref<10240xf32, #tpu.memory_space<vmem_shared>> -> memref<640xf32, #tpu.memory_space<vmem_shared>>
      tpu.enqueue_dma source(%arg10 : memref<640xf32, #tpu.memory_space<vmem>>) target(%dma_start3A_18 : memref<640xf32, #tpu.memory_space<vmem_shared>>) target_semaphore(%run_scoped3A : memref<!tpu.dma_semaphore, #tpu.memory_space<semaphore_mem>>)
      %dma_wait3A = tpu.memref_slice %arg7[%mul3A_2] : memref<10240xf32, #tpu.memory_space<vmem_shared>> -> memref<640xf32, #tpu.memory_space<vmem_shared>>
      %dma_wait3A_19 = tpu.memref_slice %arg7[%mul3A_2] : memref<10240xf32, #tpu.memory_space<vmem_shared>> -> memref<640xf32, #tpu.memory_space<vmem_shared>>
      tpu.wait_dma2 semaphore(%run_scoped3A : memref<!tpu.dma_semaphore, #tpu.memory_space<semaphore_mem>>) src(%arg10 : memref<640xf32, #tpu.memory_space<vmem>>) dst(%dma_wait3A_19 : memref<640xf32, #tpu.memory_space<vmem_shared>>)
      tpu.yield
    }) : () -> ()
    %barrier3A = arith.constant 0 : index
    tpu.barrier barrier_id(%barrier3A)
    %scan3A = arith.constant 0 : i32
    %scan3A_3 = arith.constant 0 : i32
    %scan3A_4 = arith.constant 80 : i32
    %scan3A_5 = arith.addi %scan3A_3, %scan3A_4 : i32
    %scan3A_6 = arith.constant 1 : i32
    scf.for %scan3A_18 = %scan3A_3 to %scan3A_5 step %scan3A_6  : i32 {
      "tpu.region"() ({
        %run_scoped3A = tpu.sem_alloc : memref<!tpu.dma_semaphore, #tpu.memory_space<semaphore_mem>>
        %dma_start3A = arith.constant 0 : i32
        %dma_start3A_19 = tpu.memref_slice %arg2[%add3A, %scan3A_18, %dma_start3A] : memref<32x80x128xi32, #tpu.memory_space<hbm>> -> memref<1x1x128xi32, #tpu.memory_space<hbm>>
        %dma_start3A_20 = tpu.memref_squeeze %dma_start3A_19 : memref<1x1x128xi32, #tpu.memory_space<hbm>> -> memref<128xi32, #tpu.memory_space<hbm>>
        %dma_start3A_21 = arith.constant 0 : i32
        %dma_start3A_22 = tpu.memref_slice %arg2[%add3A, %scan3A_18, %dma_start3A_21] : memref<32x80x128xi32, #tpu.memory_space<hbm>> -> memref<1x1x128xi32, #tpu.memory_space<hbm>>
        %dma_start3A_23 = tpu.memref_squeeze %dma_start3A_22 : memref<1x1x128xi32, #tpu.memory_space<hbm>> -> memref<128xi32, #tpu.memory_space<hbm>>
        tpu.enqueue_dma source(%dma_start3A_23 : memref<128xi32, #tpu.memory_space<hbm>>) target(%arg8 : memref<128xi32, #tpu.memory_space<vmem>>) target_semaphore(%run_scoped3A : memref<!tpu.dma_semaphore, #tpu.memory_space<semaphore_mem>>)
        %dma_wait3A = arith.constant 0 : i32
        %dma_wait3A_24 = tpu.memref_slice %arg2[%add3A, %scan3A_18, %dma_wait3A] : memref<32x80x128xi32, #tpu.memory_space<hbm>> -> memref<1x1x128xi32, #tpu.memory_space<hbm>>
        %dma_wait3A_25 = tpu.memref_squeeze %dma_wait3A_24 : memref<1x1x128xi32, #tpu.memory_space<hbm>> -> memref<128xi32, #tpu.memory_space<hbm>>
        %dma_wait3A_26 = arith.constant 0 : i32
        %dma_wait3A_27 = tpu.memref_slice %arg2[%add3A, %scan3A_18, %dma_wait3A_26] : memref<32x80x128xi32, #tpu.memory_space<hbm>> -> memref<1x1x128xi32, #tpu.memory_space<hbm>>
        %dma_wait3A_28 = tpu.memref_squeeze %dma_wait3A_27 : memref<1x1x128xi32, #tpu.memory_space<hbm>> -> memref<128xi32, #tpu.memory_space<hbm>>
        tpu.wait_dma2 semaphore(%run_scoped3A : memref<!tpu.dma_semaphore, #tpu.memory_space<semaphore_mem>>) src(%dma_wait3A_28 : memref<128xi32, #tpu.memory_space<hbm>>) dst(%arg8 : memref<128xi32, #tpu.memory_space<vmem>>)
        tpu.yield
      }) : () -> ()
      "tpu.region"() ({
        %run_scoped3A = tpu.sem_alloc : memref<!tpu.dma_semaphore, #tpu.memory_space<semaphore_mem>>
        %dma_start3A = arith.constant 0 : i32
        %dma_start3A_19 = tpu.memref_slice %arg3[%add3A, %scan3A_18, %dma_start3A] : memref<32x80x128xf32, #tpu.memory_space<hbm>> -> memref<1x1x128xf32, #tpu.memory_space<hbm>>
        %dma_start3A_20 = tpu.memref_squeeze %dma_start3A_19 : memref<1x1x128xf32, #tpu.memory_space<hbm>> -> memref<128xf32, #tpu.memory_space<hbm>>
        %dma_start3A_21 = arith.constant 0 : i32
        %dma_start3A_22 = tpu.memref_slice %arg3[%add3A, %scan3A_18, %dma_start3A_21] : memref<32x80x128xf32, #tpu.memory_space<hbm>> -> memref<1x1x128xf32, #tpu.memory_space<hbm>>
        %dma_start3A_23 = tpu.memref_squeeze %dma_start3A_22 : memref<1x1x128xf32, #tpu.memory_space<hbm>> -> memref<128xf32, #tpu.memory_space<hbm>>
        tpu.enqueue_dma source(%dma_start3A_23 : memref<128xf32, #tpu.memory_space<hbm>>) target(%arg9 : memref<128xf32, #tpu.memory_space<vmem>>) target_semaphore(%run_scoped3A : memref<!tpu.dma_semaphore, #tpu.memory_space<semaphore_mem>>)
        %dma_wait3A = arith.constant 0 : i32
        %dma_wait3A_24 = tpu.memref_slice %arg3[%add3A, %scan3A_18, %dma_wait3A] : memref<32x80x128xf32, #tpu.memory_space<hbm>> -> memref<1x1x128xf32, #tpu.memory_space<hbm>>
        %dma_wait3A_25 = tpu.memref_squeeze %dma_wait3A_24 : memref<1x1x128xf32, #tpu.memory_space<hbm>> -> memref<128xf32, #tpu.memory_space<hbm>>
        %dma_wait3A_26 = arith.constant 0 : i32
        %dma_wait3A_27 = tpu.memref_slice %arg3[%add3A, %scan3A_18, %dma_wait3A_26] : memref<32x80x128xf32, #tpu.memory_space<hbm>> -> memref<1x1x128xf32, #tpu.memory_space<hbm>>
        %dma_wait3A_28 = tpu.memref_squeeze %dma_wait3A_27 : memref<1x1x128xf32, #tpu.memory_space<hbm>> -> memref<128xf32, #tpu.memory_space<hbm>>
        tpu.wait_dma2 semaphore(%run_scoped3A : memref<!tpu.dma_semaphore, #tpu.memory_space<semaphore_mem>>) src(%dma_wait3A_28 : memref<128xf32, #tpu.memory_space<hbm>>) dst(%arg9 : memref<128xf32, #tpu.memory_space<vmem>>)
        tpu.yield
      }) : () -> ()
      "tpu.region"() ({
        %run_scoped3A = tpu.sem_alloc : memref<!tpu.dma_semaphore, #tpu.memory_space<semaphore_mem>>
        %dma_start3A = arith.constant 0 : i32
        %dma_start3A_19 = tpu.memref_slice %arg7[%dma_start3A] : memref<10240xf32, #tpu.memory_space<vmem_shared>> -> memref<10240xf32, #tpu.memory_space<vmem_shared>>
        tpu.enqueue_indirect_dma source(%arg9 : memref<128xf32, #tpu.memory_space<vmem>>) target(%dma_start3A_19 : memref<10240xf32, #tpu.memory_space<vmem_shared>>) offsets(%arg8 : memref<128xi32, #tpu.memory_space<vmem>>) semaphore(%run_scoped3A : memref<!tpu.dma_semaphore, #tpu.memory_space<semaphore_mem>>) {add = true}
        %dma_wait3A = arith.constant 0 : i32
        %dma_wait3A_20 = tpu.memref_slice %arg7[%dma_wait3A] : memref<10240xf32, #tpu.memory_space<vmem_shared>> -> memref<10240xf32, #tpu.memory_space<vmem_shared>>
        tpu.wait_indirect_dma semaphore(%run_scoped3A : memref<!tpu.dma_semaphore, #tpu.memory_space<semaphore_mem>>) src(%arg9 : memref<128xf32, #tpu.memory_space<vmem>>) dst(%dma_wait3A_20 : memref<10240xf32, #tpu.memory_space<vmem_shared>>)
        tpu.yield
      }) : () -> ()
    }
    %scan3A_7 = arith.constant 80 : i32
    %barrier3A_8 = arith.constant 0 : index
    tpu.barrier barrier_id(%barrier3A_8)
    %mul3A_9 = arith.constant 640 : i32
    %mul3A_10 = arith.muli %arg1, %mul3A_9 : i32
    "tpu.region"() ({
      %run_scoped3A = tpu.sem_alloc : memref<!tpu.dma_semaphore, #tpu.memory_space<semaphore_mem>>
      %dma_start3A = tpu.memref_slice %arg7[%mul3A_10] : memref<10240xf32, #tpu.memory_space<vmem_shared>> -> memref<640xf32, #tpu.memory_space<vmem_shared>>
      %dma_start3A_18 = tpu.memref_slice %arg7[%mul3A_10] : memref<10240xf32, #tpu.memory_space<vmem_shared>> -> memref<640xf32, #tpu.memory_space<vmem_shared>>
      tpu.enqueue_dma source(%dma_start3A_18 : memref<640xf32, #tpu.memory_space<vmem_shared>>) target(%arg10 : memref<640xf32, #tpu.memory_space<vmem>>) target_semaphore(%run_scoped3A : memref<!tpu.dma_semaphore, #tpu.memory_space<semaphore_mem>>)
      %dma_wait3A = tpu.memref_slice %arg7[%mul3A_10] : memref<10240xf32, #tpu.memory_space<vmem_shared>> -> memref<640xf32, #tpu.memory_space<vmem_shared>>
      %dma_wait3A_19 = tpu.memref_slice %arg7[%mul3A_10] : memref<10240xf32, #tpu.memory_space<vmem_shared>> -> memref<640xf32, #tpu.memory_space<vmem_shared>>
      tpu.wait_dma2 semaphore(%run_scoped3A : memref<!tpu.dma_semaphore, #tpu.memory_space<semaphore_mem>>) src(%dma_wait3A_19 : memref<640xf32, #tpu.memory_space<vmem_shared>>) dst(%arg10 : memref<640xf32, #tpu.memory_space<vmem>>)
      tpu.yield
    }) : () -> ()
    %eq3A = arith.constant 0 : i32
    %eq3A_11 = arith.cmpi eq, %arg0, %eq3A : i32
    %convert_element_type3A = arith.extui %eq3A_11 : i1 to i32
    %cond3A = arith.constant 0 : i32
    %cond3A_12 = arith.cmpi ne, %convert_element_type3A, %cond3A : i32
    scf.if %cond3A_12 {
      %mul3A_18 = arith.constant 640 : i32
      %mul3A_19 = arith.muli %arg1, %mul3A_18 : i32
      "tpu.region"() ({
        %run_scoped3A = tpu.sem_alloc : memref<!tpu.dma_semaphore, #tpu.memory_space<semaphore_mem>>
        %dma_start3A = tpu.memref_slice %arg5[%mul3A_19] : memref<10240xf32, #tpu.memory_space<hbm>> -> memref<640xf32, #tpu.memory_space<hbm>>
        %dma_start3A_20 = tpu.memref_slice %arg5[%mul3A_19] : memref<10240xf32, #tpu.memory_space<hbm>> -> memref<640xf32, #tpu.memory_space<hbm>>
        tpu.enqueue_dma source(%arg10 : memref<640xf32, #tpu.memory_space<vmem>>) target(%dma_start3A_20 : memref<640xf32, #tpu.memory_space<hbm>>) target_semaphore(%run_scoped3A : memref<!tpu.dma_semaphore, #tpu.memory_space<semaphore_mem>>)
        %dma_wait3A = tpu.memref_slice %arg5[%mul3A_19] : memref<10240xf32, #tpu.memory_space<hbm>> -> memref<640xf32, #tpu.memory_space<hbm>>
        %dma_wait3A_21 = tpu.memref_slice %arg5[%mul3A_19] : memref<10240xf32, #tpu.memory_space<hbm>> -> memref<640xf32, #tpu.memory_space<hbm>>
        tpu.wait_dma2 semaphore(%run_scoped3A : memref<!tpu.dma_semaphore, #tpu.memory_space<semaphore_mem>>) src(%arg10 : memref<640xf32, #tpu.memory_space<vmem>>) dst(%dma_wait3A_21 : memref<640xf32, #tpu.memory_space<hbm>>)
        tpu.yield
      }) : () -> ()
    } else {
    }
    %eq3A_13 = arith.constant 1 : i32
    %eq3A_14 = arith.cmpi eq, %arg0, %eq3A_13 : i32
    %convert_element_type3A_15 = arith.extui %eq3A_14 : i1 to i32
    %cond3A_16 = arith.constant 0 : i32
    %cond3A_17 = arith.cmpi ne, %convert_element_type3A_15, %cond3A_16 : i32
    scf.if %cond3A_17 {
      %mul3A_18 = arith.constant 640 : i32
      %mul3A_19 = arith.muli %arg1, %mul3A_18 : i32
      "tpu.region"() ({
        %run_scoped3A = tpu.sem_alloc : memref<!tpu.dma_semaphore, #tpu.memory_space<semaphore_mem>>
        %dma_start3A = tpu.memref_slice %arg6[%mul3A_19] : memref<10240xf32, #tpu.memory_space<hbm>> -> memref<640xf32, #tpu.memory_space<hbm>>
        %dma_start3A_20 = tpu.memref_slice %arg6[%mul3A_19] : memref<10240xf32, #tpu.memory_space<hbm>> -> memref<640xf32, #tpu.memory_space<hbm>>
        tpu.enqueue_dma source(%arg10 : memref<640xf32, #tpu.memory_space<vmem>>) target(%dma_start3A_20 : memref<640xf32, #tpu.memory_space<hbm>>) target_semaphore(%run_scoped3A : memref<!tpu.dma_semaphore, #tpu.memory_space<semaphore_mem>>)
        %dma_wait3A = tpu.memref_slice %arg6[%mul3A_19] : memref<10240xf32, #tpu.memory_space<hbm>> -> memref<640xf32, #tpu.memory_space<hbm>>
        %dma_wait3A_21 = tpu.memref_slice %arg6[%mul3A_19] : memref<10240xf32, #tpu.memory_space<hbm>> -> memref<640xf32, #tpu.memory_space<hbm>>
        tpu.wait_dma2 semaphore(%run_scoped3A : memref<!tpu.dma_semaphore, #tpu.memory_space<semaphore_mem>>) src(%arg10 : memref<640xf32, #tpu.memory_space<vmem>>) dst(%dma_wait3A_21 : memref<640xf32, #tpu.memory_space<hbm>>)
        tpu.yield
      }) : () -> ()
    } else {
    }
    return
  }
}

#map = affine_map<(d0, d1) -> (0, 0)>
#map1 = affine_map<(d0, d1) -> (0, 0, 0)>
#map2 = affine_map<(d0, d1) -> (0)>
module attributes {stable_mosaic.version = 14 : i64} {
  func.func @body(%arg0: i32, %arg1: i32, %arg2: memref<10240x128xf32, #tpu.memory_space<hbm>>, %arg3: memref<32x80x128xi32, #tpu.memory_space<hbm>>, %arg4: memref<32x80x128xi32, #tpu.memory_space<hbm>>, %arg5: memref<32x80x128xf32, #tpu.memory_space<hbm>>, %arg6: memref<10240xf32, #tpu.memory_space<hbm>>, %arg7: memref<2048xf32, #tpu.memory_space<hbm>>, %arg8: memref<128x128xf32, #tpu.memory_space<hbm>>, %arg9: memref<2x10240x128xf32, #tpu.memory_space<hbm>>, %arg10: memref<163840xf32, #tpu.memory_space<vmem_shared>>, %arg11: memref<10240xf32, #tpu.memory_space<vmem>>, %arg12: memref<128xi32, #tpu.memory_space<vmem>>, %arg13: memref<128xi32, #tpu.memory_space<vmem>>, %arg14: memref<128xf32, #tpu.memory_space<vmem>>, %arg15: memref<128xf32, #tpu.memory_space<vmem>>, %arg16: memref<128x128xf32, #tpu.memory_space<vmem>>, %arg17: memref<16x128xf32, #tpu.memory_space<vmem>>, %arg18: memref<16x128xi32, #tpu.memory_space<vmem>>, %arg19: memref<2048xf32, #tpu.memory_space<vmem>>, %arg20: memref<64x128xf32, #tpu.memory_space<vmem>>, %arg21: memref<1024xf32, #tpu.memory_space<vmem>>, %arg22: memref<64x128xf32, #tpu.memory_space<vmem>>, %arg23: memref<!tpu.dma_semaphore, #tpu.memory_space<semaphore_mem>>) attributes {dimension_semantics = [#tpu.dimension_semantics<core_parallel>, #tpu.dimension_semantics<subcore_parallel>], iteration_bounds = array<i64: 2, 16>, scalar_prefetch = 0 : i64, scratch_operands = 14 : i64, tpu.core_type = #tpu.core_type<sc_vector_subcore>, window_params = [{transform_indices = #map}, {transform_indices = #map1}, {transform_indices = #map1}, {transform_indices = #map1}, {transform_indices = #map2}, {transform_indices = #map2}, {transform_indices = #map}, {transform_indices = #map1}]} {
    %mul3A = arith.constant 16 : i32
    %mul3A_0 = arith.muli %arg0, %mul3A : i32
    %add3A = arith.addi %mul3A_0, %arg1 : i32
    %iota3A = tpu.iota {dimensions = array<i32: 0>} : vector<16xi32>
    "tpu.region"() ({
      %run_scoped3A = tpu.sem_alloc : memref<!tpu.dma_semaphore, #tpu.memory_space<semaphore_mem>>
      tpu.enqueue_dma source(%arg7 : memref<2048xf32, #tpu.memory_space<hbm>>) target(%arg19 : memref<2048xf32, #tpu.memory_space<vmem>>) target_semaphore(%run_scoped3A : memref<!tpu.dma_semaphore, #tpu.memory_space<semaphore_mem>>)
      tpu.wait_dma2 semaphore(%run_scoped3A : memref<!tpu.dma_semaphore, #tpu.memory_space<semaphore_mem>>) src(%arg7 : memref<2048xf32, #tpu.memory_space<hbm>>) dst(%arg19 : memref<2048xf32, #tpu.memory_space<vmem>>)
      tpu.yield
    }) : () -> ()
    "tpu.region"() ({
      %run_scoped3A = tpu.sem_alloc : memref<!tpu.dma_semaphore, #tpu.memory_space<semaphore_mem>>
      %dma_start3A = arith.constant 0 : i32
      %dma_start3A_149 = arith.constant 0 : i32
      %dma_start3A_150 = tpu.memref_slice %arg8[%dma_start3A, %dma_start3A_149] : memref<128x128xf32, #tpu.memory_space<hbm>> -> memref<64x128xf32, #tpu.memory_space<hbm>>
      %dma_start3A_151 = arith.constant 0 : i32
      %dma_start3A_152 = arith.constant 0 : i32
      %dma_start3A_153 = tpu.memref_slice %arg8[%dma_start3A_151, %dma_start3A_152] : memref<128x128xf32, #tpu.memory_space<hbm>> -> memref<64x128xf32, #tpu.memory_space<hbm>>
      tpu.enqueue_dma source(%dma_start3A_153 : memref<64x128xf32, #tpu.memory_space<hbm>>) target(%arg22 : memref<64x128xf32, #tpu.memory_space<vmem>>) target_semaphore(%run_scoped3A : memref<!tpu.dma_semaphore, #tpu.memory_space<semaphore_mem>>)
      %dma_wait3A = arith.constant 0 : i32
      %dma_wait3A_154 = arith.constant 0 : i32
      %dma_wait3A_155 = tpu.memref_slice %arg8[%dma_wait3A, %dma_wait3A_154] : memref<128x128xf32, #tpu.memory_space<hbm>> -> memref<64x128xf32, #tpu.memory_space<hbm>>
      %dma_wait3A_156 = arith.constant 0 : i32
      %dma_wait3A_157 = arith.constant 0 : i32
      %dma_wait3A_158 = tpu.memref_slice %arg8[%dma_wait3A_156, %dma_wait3A_157] : memref<128x128xf32, #tpu.memory_space<hbm>> -> memref<64x128xf32, #tpu.memory_space<hbm>>
      tpu.wait_dma2 semaphore(%run_scoped3A : memref<!tpu.dma_semaphore, #tpu.memory_space<semaphore_mem>>) src(%dma_wait3A_158 : memref<64x128xf32, #tpu.memory_space<hbm>>) dst(%arg22 : memref<64x128xf32, #tpu.memory_space<vmem>>)
      tpu.yield
    }) : () -> ()
    %mul3A_1 = arith.constant 10240 : i32
    %mul3A_2 = arith.muli %arg1, %mul3A_1 : i32
    %add3A_3 = arith.constant 0 : i32
    %add3A_4 = arith.addi %mul3A_2, %add3A_3 : i32
    "tpu.region"() ({
      %run_scoped3A = tpu.sem_alloc : memref<!tpu.dma_semaphore, #tpu.memory_space<semaphore_mem>>
      %dma_start3A = tpu.memref_slice %arg10[%add3A_4] : memref<163840xf32, #tpu.memory_space<vmem_shared>> -> memref<2048xf32, #tpu.memory_space<vmem_shared>>
      %dma_start3A_149 = tpu.memref_slice %arg10[%add3A_4] : memref<163840xf32, #tpu.memory_space<vmem_shared>> -> memref<2048xf32, #tpu.memory_space<vmem_shared>>
      tpu.enqueue_dma source(%arg19 : memref<2048xf32, #tpu.memory_space<vmem>>) target(%dma_start3A_149 : memref<2048xf32, #tpu.memory_space<vmem_shared>>) target_semaphore(%run_scoped3A : memref<!tpu.dma_semaphore, #tpu.memory_space<semaphore_mem>>)
      %dma_wait3A = tpu.memref_slice %arg10[%add3A_4] : memref<163840xf32, #tpu.memory_space<vmem_shared>> -> memref<2048xf32, #tpu.memory_space<vmem_shared>>
      %dma_wait3A_150 = tpu.memref_slice %arg10[%add3A_4] : memref<163840xf32, #tpu.memory_space<vmem_shared>> -> memref<2048xf32, #tpu.memory_space<vmem_shared>>
      tpu.wait_dma2 semaphore(%run_scoped3A : memref<!tpu.dma_semaphore, #tpu.memory_space<semaphore_mem>>) src(%arg19 : memref<2048xf32, #tpu.memory_space<vmem>>) dst(%dma_wait3A_150 : memref<2048xf32, #tpu.memory_space<vmem_shared>>)
      tpu.yield
    }) : () -> ()
    %mul3A_5 = arith.constant 10240 : i32
    %mul3A_6 = arith.muli %arg1, %mul3A_5 : i32
    %add3A_7 = arith.constant 2048 : i32
    %add3A_8 = arith.addi %mul3A_6, %add3A_7 : i32
    "tpu.region"() ({
      %run_scoped3A = tpu.sem_alloc : memref<!tpu.dma_semaphore, #tpu.memory_space<semaphore_mem>>
      %dma_start3A = tpu.memref_slice %arg10[%add3A_8] : memref<163840xf32, #tpu.memory_space<vmem_shared>> -> memref<2048xf32, #tpu.memory_space<vmem_shared>>
      %dma_start3A_149 = tpu.memref_slice %arg10[%add3A_8] : memref<163840xf32, #tpu.memory_space<vmem_shared>> -> memref<2048xf32, #tpu.memory_space<vmem_shared>>
      tpu.enqueue_dma source(%arg19 : memref<2048xf32, #tpu.memory_space<vmem>>) target(%dma_start3A_149 : memref<2048xf32, #tpu.memory_space<vmem_shared>>) target_semaphore(%run_scoped3A : memref<!tpu.dma_semaphore, #tpu.memory_space<semaphore_mem>>)
      %dma_wait3A = tpu.memref_slice %arg10[%add3A_8] : memref<163840xf32, #tpu.memory_space<vmem_shared>> -> memref<2048xf32, #tpu.memory_space<vmem_shared>>
      %dma_wait3A_150 = tpu.memref_slice %arg10[%add3A_8] : memref<163840xf32, #tpu.memory_space<vmem_shared>> -> memref<2048xf32, #tpu.memory_space<vmem_shared>>
      tpu.wait_dma2 semaphore(%run_scoped3A : memref<!tpu.dma_semaphore, #tpu.memory_space<semaphore_mem>>) src(%arg19 : memref<2048xf32, #tpu.memory_space<vmem>>) dst(%dma_wait3A_150 : memref<2048xf32, #tpu.memory_space<vmem_shared>>)
      tpu.yield
    }) : () -> ()
    %mul3A_9 = arith.constant 10240 : i32
    %mul3A_10 = arith.muli %arg1, %mul3A_9 : i32
    %add3A_11 = arith.constant 4096 : i32
    %add3A_12 = arith.addi %mul3A_10, %add3A_11 : i32
    "tpu.region"() ({
      %run_scoped3A = tpu.sem_alloc : memref<!tpu.dma_semaphore, #tpu.memory_space<semaphore_mem>>
      %dma_start3A = tpu.memref_slice %arg10[%add3A_12] : memref<163840xf32, #tpu.memory_space<vmem_shared>> -> memref<2048xf32, #tpu.memory_space<vmem_shared>>
      %dma_start3A_149 = tpu.memref_slice %arg10[%add3A_12] : memref<163840xf32, #tpu.memory_space<vmem_shared>> -> memref<2048xf32, #tpu.memory_space<vmem_shared>>
      tpu.enqueue_dma source(%arg19 : memref<2048xf32, #tpu.memory_space<vmem>>) target(%dma_start3A_149 : memref<2048xf32, #tpu.memory_space<vmem_shared>>) target_semaphore(%run_scoped3A : memref<!tpu.dma_semaphore, #tpu.memory_space<semaphore_mem>>)
      %dma_wait3A = tpu.memref_slice %arg10[%add3A_12] : memref<163840xf32, #tpu.memory_space<vmem_shared>> -> memref<2048xf32, #tpu.memory_space<vmem_shared>>
      %dma_wait3A_150 = tpu.memref_slice %arg10[%add3A_12] : memref<163840xf32, #tpu.memory_space<vmem_shared>> -> memref<2048xf32, #tpu.memory_space<vmem_shared>>
      tpu.wait_dma2 semaphore(%run_scoped3A : memref<!tpu.dma_semaphore, #tpu.memory_space<semaphore_mem>>) src(%arg19 : memref<2048xf32, #tpu.memory_space<vmem>>) dst(%dma_wait3A_150 : memref<2048xf32, #tpu.memory_space<vmem_shared>>)
      tpu.yield
    }) : () -> ()
    %mul3A_13 = arith.constant 10240 : i32
    %mul3A_14 = arith.muli %arg1, %mul3A_13 : i32
    %add3A_15 = arith.constant 6144 : i32
    %add3A_16 = arith.addi %mul3A_14, %add3A_15 : i32
    "tpu.region"() ({
      %run_scoped3A = tpu.sem_alloc : memref<!tpu.dma_semaphore, #tpu.memory_space<semaphore_mem>>
      %dma_start3A = tpu.memref_slice %arg10[%add3A_16] : memref<163840xf32, #tpu.memory_space<vmem_shared>> -> memref<2048xf32, #tpu.memory_space<vmem_shared>>
      %dma_start3A_149 = tpu.memref_slice %arg10[%add3A_16] : memref<163840xf32, #tpu.memory_space<vmem_shared>> -> memref<2048xf32, #tpu.memory_space<vmem_shared>>
      tpu.enqueue_dma source(%arg19 : memref<2048xf32, #tpu.memory_space<vmem>>) target(%dma_start3A_149 : memref<2048xf32, #tpu.memory_space<vmem_shared>>) target_semaphore(%run_scoped3A : memref<!tpu.dma_semaphore, #tpu.memory_space<semaphore_mem>>)
      %dma_wait3A = tpu.memref_slice %arg10[%add3A_16] : memref<163840xf32, #tpu.memory_space<vmem_shared>> -> memref<2048xf32, #tpu.memory_space<vmem_shared>>
      %dma_wait3A_150 = tpu.memref_slice %arg10[%add3A_16] : memref<163840xf32, #tpu.memory_space<vmem_shared>> -> memref<2048xf32, #tpu.memory_space<vmem_shared>>
      tpu.wait_dma2 semaphore(%run_scoped3A : memref<!tpu.dma_semaphore, #tpu.memory_space<semaphore_mem>>) src(%arg19 : memref<2048xf32, #tpu.memory_space<vmem>>) dst(%dma_wait3A_150 : memref<2048xf32, #tpu.memory_space<vmem_shared>>)
      tpu.yield
    }) : () -> ()
    %mul3A_17 = arith.constant 10240 : i32
    %mul3A_18 = arith.muli %arg1, %mul3A_17 : i32
    %add3A_19 = arith.constant 8192 : i32
    %add3A_20 = arith.addi %mul3A_18, %add3A_19 : i32
    "tpu.region"() ({
      %run_scoped3A = tpu.sem_alloc : memref<!tpu.dma_semaphore, #tpu.memory_space<semaphore_mem>>
      %dma_start3A = tpu.memref_slice %arg10[%add3A_20] : memref<163840xf32, #tpu.memory_space<vmem_shared>> -> memref<2048xf32, #tpu.memory_space<vmem_shared>>
      %dma_start3A_149 = tpu.memref_slice %arg10[%add3A_20] : memref<163840xf32, #tpu.memory_space<vmem_shared>> -> memref<2048xf32, #tpu.memory_space<vmem_shared>>
      tpu.enqueue_dma source(%arg19 : memref<2048xf32, #tpu.memory_space<vmem>>) target(%dma_start3A_149 : memref<2048xf32, #tpu.memory_space<vmem_shared>>) target_semaphore(%run_scoped3A : memref<!tpu.dma_semaphore, #tpu.memory_space<semaphore_mem>>)
      %dma_wait3A = tpu.memref_slice %arg10[%add3A_20] : memref<163840xf32, #tpu.memory_space<vmem_shared>> -> memref<2048xf32, #tpu.memory_space<vmem_shared>>
      %dma_wait3A_150 = tpu.memref_slice %arg10[%add3A_20] : memref<163840xf32, #tpu.memory_space<vmem_shared>> -> memref<2048xf32, #tpu.memory_space<vmem_shared>>
      tpu.wait_dma2 semaphore(%run_scoped3A : memref<!tpu.dma_semaphore, #tpu.memory_space<semaphore_mem>>) src(%arg19 : memref<2048xf32, #tpu.memory_space<vmem>>) dst(%dma_wait3A_150 : memref<2048xf32, #tpu.memory_space<vmem_shared>>)
      tpu.yield
    }) : () -> ()
    "tpu.region"() ({
      %run_scoped3A = tpu.sem_alloc : memref<!tpu.dma_semaphore, #tpu.memory_space<semaphore_mem>>
      tpu.enqueue_dma source(%arg6 : memref<10240xf32, #tpu.memory_space<hbm>>) target(%arg11 : memref<10240xf32, #tpu.memory_space<vmem>>) target_semaphore(%run_scoped3A : memref<!tpu.dma_semaphore, #tpu.memory_space<semaphore_mem>>)
      tpu.wait_dma2 semaphore(%run_scoped3A : memref<!tpu.dma_semaphore, #tpu.memory_space<semaphore_mem>>) src(%arg6 : memref<10240xf32, #tpu.memory_space<hbm>>) dst(%arg11 : memref<10240xf32, #tpu.memory_space<vmem>>)
      tpu.yield
    }) : () -> ()
    %barrier3A = arith.constant 0 : index
    tpu.barrier barrier_id(%barrier3A)
    %scan3A = arith.constant 0 : i32
    %scan3A_21 = arith.constant 0 : i32
    %scan3A_22 = arith.constant 80 : i32
    %scan3A_23 = arith.addi %scan3A_21, %scan3A_22 : i32
    %scan3A_24 = arith.constant 1 : i32
    scf.for %scan3A_149 = %scan3A_21 to %scan3A_23 step %scan3A_24  : i32 {
      "tpu.region"() ({
        %run_scoped3A = tpu.sem_alloc : memref<!tpu.dma_semaphore, #tpu.memory_space<semaphore_mem>>
        %dma_start3A_227 = arith.constant 0 : i32
        %dma_start3A_228 = tpu.memref_slice %arg3[%add3A, %scan3A_149, %dma_start3A_227] : memref<32x80x128xi32, #tpu.memory_space<hbm>> -> memref<1x1x128xi32, #tpu.memory_space<hbm>>
        %dma_start3A_229 = tpu.memref_squeeze %dma_start3A_228 : memref<1x1x128xi32, #tpu.memory_space<hbm>> -> memref<128xi32, #tpu.memory_space<hbm>>
        %dma_start3A_230 = arith.constant 0 : i32
        %dma_start3A_231 = tpu.memref_slice %arg3[%add3A, %scan3A_149, %dma_start3A_230] : memref<32x80x128xi32, #tpu.memory_space<hbm>> -> memref<1x1x128xi32, #tpu.memory_space<hbm>>
        %dma_start3A_232 = tpu.memref_squeeze %dma_start3A_231 : memref<1x1x128xi32, #tpu.memory_space<hbm>> -> memref<128xi32, #tpu.memory_space<hbm>>
        tpu.enqueue_dma source(%dma_start3A_232 : memref<128xi32, #tpu.memory_space<hbm>>) target(%arg12 : memref<128xi32, #tpu.memory_space<vmem>>) target_semaphore(%run_scoped3A : memref<!tpu.dma_semaphore, #tpu.memory_space<semaphore_mem>>)
        %dma_wait3A_233 = arith.constant 0 : i32
        %dma_wait3A_234 = tpu.memref_slice %arg3[%add3A, %scan3A_149, %dma_wait3A_233] : memref<32x80x128xi32, #tpu.memory_space<hbm>> -> memref<1x1x128xi32, #tpu.memory_space<hbm>>
        %dma_wait3A_235 = tpu.memref_squeeze %dma_wait3A_234 : memref<1x1x128xi32, #tpu.memory_space<hbm>> -> memref<128xi32, #tpu.memory_space<hbm>>
        %dma_wait3A_236 = arith.constant 0 : i32
        %dma_wait3A_237 = tpu.memref_slice %arg3[%add3A, %scan3A_149, %dma_wait3A_236] : memref<32x80x128xi32, #tpu.memory_space<hbm>> -> memref<1x1x128xi32, #tpu.memory_space<hbm>>
        %dma_wait3A_238 = tpu.memref_squeeze %dma_wait3A_237 : memref<1x1x128xi32, #tpu.memory_space<hbm>> -> memref<128xi32, #tpu.memory_space<hbm>>
        tpu.wait_dma2 semaphore(%run_scoped3A : memref<!tpu.dma_semaphore, #tpu.memory_space<semaphore_mem>>) src(%dma_wait3A_238 : memref<128xi32, #tpu.memory_space<hbm>>) dst(%arg12 : memref<128xi32, #tpu.memory_space<vmem>>)
        tpu.yield
      }) : () -> ()
      "tpu.region"() ({
        %run_scoped3A = tpu.sem_alloc : memref<!tpu.dma_semaphore, #tpu.memory_space<semaphore_mem>>
        %dma_start3A_227 = arith.constant 0 : i32
        %dma_start3A_228 = tpu.memref_slice %arg4[%add3A, %scan3A_149, %dma_start3A_227] : memref<32x80x128xi32, #tpu.memory_space<hbm>> -> memref<1x1x128xi32, #tpu.memory_space<hbm>>
        %dma_start3A_229 = tpu.memref_squeeze %dma_start3A_228 : memref<1x1x128xi32, #tpu.memory_space<hbm>> -> memref<128xi32, #tpu.memory_space<hbm>>
        %dma_start3A_230 = arith.constant 0 : i32
        %dma_start3A_231 = tpu.memref_slice %arg4[%add3A, %scan3A_149, %dma_start3A_230] : memref<32x80x128xi32, #tpu.memory_space<hbm>> -> memref<1x1x128xi32, #tpu.memory_space<hbm>>
        %dma_start3A_232 = tpu.memref_squeeze %dma_start3A_231 : memref<1x1x128xi32, #tpu.memory_space<hbm>> -> memref<128xi32, #tpu.memory_space<hbm>>
        tpu.enqueue_dma source(%dma_start3A_232 : memref<128xi32, #tpu.memory_space<hbm>>) target(%arg13 : memref<128xi32, #tpu.memory_space<vmem>>) target_semaphore(%run_scoped3A : memref<!tpu.dma_semaphore, #tpu.memory_space<semaphore_mem>>)
        %dma_wait3A_233 = arith.constant 0 : i32
        %dma_wait3A_234 = tpu.memref_slice %arg4[%add3A, %scan3A_149, %dma_wait3A_233] : memref<32x80x128xi32, #tpu.memory_space<hbm>> -> memref<1x1x128xi32, #tpu.memory_space<hbm>>
        %dma_wait3A_235 = tpu.memref_squeeze %dma_wait3A_234 : memref<1x1x128xi32, #tpu.memory_space<hbm>> -> memref<128xi32, #tpu.memory_space<hbm>>
        %dma_wait3A_236 = arith.constant 0 : i32
        %dma_wait3A_237 = tpu.memref_slice %arg4[%add3A, %scan3A_149, %dma_wait3A_236] : memref<32x80x128xi32, #tpu.memory_space<hbm>> -> memref<1x1x128xi32, #tpu.memory_space<hbm>>
        %dma_wait3A_238 = tpu.memref_squeeze %dma_wait3A_237 : memref<1x1x128xi32, #tpu.memory_space<hbm>> -> memref<128xi32, #tpu.memory_space<hbm>>
        tpu.wait_dma2 semaphore(%run_scoped3A : memref<!tpu.dma_semaphore, #tpu.memory_space<semaphore_mem>>) src(%dma_wait3A_238 : memref<128xi32, #tpu.memory_space<hbm>>) dst(%arg13 : memref<128xi32, #tpu.memory_space<vmem>>)
        tpu.yield
      }) : () -> ()
      "tpu.region"() ({
        %run_scoped3A = tpu.sem_alloc : memref<!tpu.dma_semaphore, #tpu.memory_space<semaphore_mem>>
        %dma_start3A_227 = arith.constant 0 : i32
        %dma_start3A_228 = tpu.memref_slice %arg5[%add3A, %scan3A_149, %dma_start3A_227] : memref<32x80x128xf32, #tpu.memory_space<hbm>> -> memref<1x1x128xf32, #tpu.memory_space<hbm>>
        %dma_start3A_229 = tpu.memref_squeeze %dma_start3A_228 : memref<1x1x128xf32, #tpu.memory_space<hbm>> -> memref<128xf32, #tpu.memory_space<hbm>>
        %dma_start3A_230 = arith.constant 0 : i32
        %dma_start3A_231 = tpu.memref_slice %arg5[%add3A, %scan3A_149, %dma_start3A_230] : memref<32x80x128xf32, #tpu.memory_space<hbm>> -> memref<1x1x128xf32, #tpu.memory_space<hbm>>
        %dma_start3A_232 = tpu.memref_squeeze %dma_start3A_231 : memref<1x1x128xf32, #tpu.memory_space<hbm>> -> memref<128xf32, #tpu.memory_space<hbm>>
        tpu.enqueue_dma source(%dma_start3A_232 : memref<128xf32, #tpu.memory_space<hbm>>) target(%arg14 : memref<128xf32, #tpu.memory_space<vmem>>) target_semaphore(%run_scoped3A : memref<!tpu.dma_semaphore, #tpu.memory_space<semaphore_mem>>)
        %dma_wait3A_233 = arith.constant 0 : i32
        %dma_wait3A_234 = tpu.memref_slice %arg5[%add3A, %scan3A_149, %dma_wait3A_233] : memref<32x80x128xf32, #tpu.memory_space<hbm>> -> memref<1x1x128xf32, #tpu.memory_space<hbm>>
        %dma_wait3A_235 = tpu.memref_squeeze %dma_wait3A_234 : memref<1x1x128xf32, #tpu.memory_space<hbm>> -> memref<128xf32, #tpu.memory_space<hbm>>
        %dma_wait3A_236 = arith.constant 0 : i32
        %dma_wait3A_237 = tpu.memref_slice %arg5[%add3A, %scan3A_149, %dma_wait3A_236] : memref<32x80x128xf32, #tpu.memory_space<hbm>> -> memref<1x1x128xf32, #tpu.memory_space<hbm>>
        %dma_wait3A_238 = tpu.memref_squeeze %dma_wait3A_237 : memref<1x1x128xf32, #tpu.memory_space<hbm>> -> memref<128xf32, #tpu.memory_space<hbm>>
        tpu.wait_dma2 semaphore(%run_scoped3A : memref<!tpu.dma_semaphore, #tpu.memory_space<semaphore_mem>>) src(%dma_wait3A_238 : memref<128xf32, #tpu.memory_space<hbm>>) dst(%arg14 : memref<128xf32, #tpu.memory_space<vmem>>)
        tpu.yield
      }) : () -> ()
      %dma_start3A = arith.constant 0 : i32
      %dma_start3A_150 = arith.constant 0 : i32
      %dma_start3A_151 = tpu.memref_slice %arg2[%dma_start3A, %dma_start3A_150] : memref<10240x128xf32, #tpu.memory_space<hbm>> -> memref<10240x128xf32, #tpu.memory_space<hbm>>
      tpu.enqueue_indirect_dma source(%dma_start3A_151 : memref<10240x128xf32, #tpu.memory_space<hbm>>) target(%arg16 : memref<128x128xf32, #tpu.memory_space<vmem>>) offsets(%arg12 : memref<128xi32, #tpu.memory_space<vmem>>) semaphore(%arg23 : memref<!tpu.dma_semaphore, #tpu.memory_space<semaphore_mem>>)
      %dma_wait3A = arith.constant 0 : i32
      %dma_wait3A_152 = arith.constant 0 : i32
      %dma_wait3A_153 = tpu.memref_slice %arg2[%dma_wait3A, %dma_wait3A_152] : memref<10240x128xf32, #tpu.memory_space<hbm>> -> memref<10240x128xf32, #tpu.memory_space<hbm>>
      tpu.wait_indirect_dma semaphore(%arg23 : memref<!tpu.dma_semaphore, #tpu.memory_space<semaphore_mem>>) src(%dma_wait3A_153 : memref<10240x128xf32, #tpu.memory_space<hbm>>) dst(%arg16 : memref<128x128xf32, #tpu.memory_space<vmem>>)
      %add3A_154 = arith.constant 0 : i32
      %add3A_155 = vector.broadcast %add3A_154 : i32 to vector<16xi32>
      %add3A_156 = arith.addi %iota3A, %add3A_155 : vector<16xi32>
      %gather3A = tpu.vector_load_idx %arg12[%add3A_156] : memref<128xi32, #tpu.memory_space<vmem>>[vector<16xi32>], vector<16xi32>,
      %gather3A_157 = tpu.vector_load_idx %arg14[%add3A_156] : memref<128xf32, #tpu.memory_space<vmem>>[vector<16xi32>], vector<16xf32>,
      %gather3A_158 = tpu.vector_load_idx %arg11[%gather3A] : memref<10240xf32, #tpu.memory_space<vmem>>[vector<16xi32>], vector<16xf32>,
      %mul3A_159 = arith.mulf %gather3A_157, %gather3A_158 : vector<16xf32>
      tpu.vector_store_idx %arg15[%add3A_156], %mul3A_159 : memref<128xf32, #tpu.memory_space<vmem>>[vector<16xi32>], vector<16xf32>,
      %add3A_160 = arith.constant 16 : i32
      %add3A_161 = vector.broadcast %add3A_160 : i32 to vector<16xi32>
      %add3A_162 = arith.addi %iota3A, %add3A_161 : vector<16xi32>
      %gather3A_163 = tpu.vector_load_idx %arg12[%add3A_162] : memref<128xi32, #tpu.memory_space<vmem>>[vector<16xi32>], vector<16xi32>,
      %gather3A_164 = tpu.vector_load_idx %arg14[%add3A_162] : memref<128xf32, #tpu.memory_space<vmem>>[vector<16xi32>], vector<16xf32>,
      %gather3A_165 = tpu.vector_load_idx %arg11[%gather3A_163] : memref<10240xf32, #tpu.memory_space<vmem>>[vector<16xi32>], vector<16xf32>,
      %mul3A_166 = arith.mulf %gather3A_164, %gather3A_165 : vector<16xf32>
      tpu.vector_store_idx %arg15[%add3A_162], %mul3A_166 : memref<128xf32, #tpu.memory_space<vmem>>[vector<16xi32>], vector<16xf32>,
      %add3A_167 = arith.constant 32 : i32
      %add3A_168 = vector.broadcast %add3A_167 : i32 to vector<16xi32>
      %add3A_169 = arith.addi %iota3A, %add3A_168 : vector<16xi32>
      %gather3A_170 = tpu.vector_load_idx %arg12[%add3A_169] : memref<128xi32, #tpu.memory_space<vmem>>[vector<16xi32>], vector<16xi32>,
      %gather3A_171 = tpu.vector_load_idx %arg14[%add3A_169] : memref<128xf32, #tpu.memory_space<vmem>>[vector<16xi32>], vector<16xf32>,
      %gather3A_172 = tpu.vector_load_idx %arg11[%gather3A_170] : memref<10240xf32, #tpu.memory_space<vmem>>[vector<16xi32>], vector<16xf32>,
      %mul3A_173 = arith.mulf %gather3A_171, %gather3A_172 : vector<16xf32>
      tpu.vector_store_idx %arg15[%add3A_169], %mul3A_173 : memref<128xf32, #tpu.memory_space<vmem>>[vector<16xi32>], vector<16xf32>,
      %add3A_174 = arith.constant 48 : i32
      %add3A_175 = vector.broadcast %add3A_174 : i32 to vector<16xi32>
      %add3A_176 = arith.addi %iota3A, %add3A_175 : vector<16xi32>
      %gather3A_177 = tpu.vector_load_idx %arg12[%add3A_176] : memref<128xi32, #tpu.memory_space<vmem>>[vector<16xi32>], vector<16xi32>,
      %gather3A_178 = tpu.vector_load_idx %arg14[%add3A_176] : memref<128xf32, #tpu.memory_space<vmem>>[vector<16xi32>], vector<16xf32>,
      %gather3A_179 = tpu.vector_load_idx %arg11[%gather3A_177] : memref<10240xf32, #tpu.memory_space<vmem>>[vector<16xi32>], vector<16xf32>,
      %mul3A_180 = arith.mulf %gather3A_178, %gather3A_179 : vector<16xf32>
      tpu.vector_store_idx %arg15[%add3A_176], %mul3A_180 : memref<128xf32, #tpu.memory_space<vmem>>[vector<16xi32>], vector<16xf32>,
      %add3A_181 = arith.constant 64 : i32
      %add3A_182 = vector.broadcast %add3A_181 : i32 to vector<16xi32>
      %add3A_183 = arith.addi %iota3A, %add3A_182 : vector<16xi32>
      %gather3A_184 = tpu.vector_load_idx %arg12[%add3A_183] : memref<128xi32, #tpu.memory_space<vmem>>[vector<16xi32>], vector<16xi32>,
      %gather3A_185 = tpu.vector_load_idx %arg14[%add3A_183] : memref<128xf32, #tpu.memory_space<vmem>>[vector<16xi32>], vector<16xf32>,
      %gather3A_186 = tpu.vector_load_idx %arg11[%gather3A_184] : memref<10240xf32, #tpu.memory_space<vmem>>[vector<16xi32>], vector<16xf32>,
      %mul3A_187 = arith.mulf %gather3A_185, %gather3A_186 : vector<16xf32>
      tpu.vector_store_idx %arg15[%add3A_183], %mul3A_187 : memref<128xf32, #tpu.memory_space<vmem>>[vector<16xi32>], vector<16xf32>,
      %add3A_188 = arith.constant 80 : i32
      %add3A_189 = vector.broadcast %add3A_188 : i32 to vector<16xi32>
      %add3A_190 = arith.addi %iota3A, %add3A_189 : vector<16xi32>
      %gather3A_191 = tpu.vector_load_idx %arg12[%add3A_190] : memref<128xi32, #tpu.memory_space<vmem>>[vector<16xi32>], vector<16xi32>,
      %gather3A_192 = tpu.vector_load_idx %arg14[%add3A_190] : memref<128xf32, #tpu.memory_space<vmem>>[vector<16xi32>], vector<16xf32>,
      %gather3A_193 = tpu.vector_load_idx %arg11[%gather3A_191] : memref<10240xf32, #tpu.memory_space<vmem>>[vector<16xi32>], vector<16xf32>,
      %mul3A_194 = arith.mulf %gather3A_192, %gather3A_193 : vector<16xf32>
      tpu.vector_store_idx %arg15[%add3A_190], %mul3A_194 : memref<128xf32, #tpu.memory_space<vmem>>[vector<16xi32>], vector<16xf32>,
      %add3A_195 = arith.constant 96 : i32
      %add3A_196 = vector.broadcast %add3A_195 : i32 to vector<16xi32>
      %add3A_197 = arith.addi %iota3A, %add3A_196 : vector<16xi32>
      %gather3A_198 = tpu.vector_load_idx %arg12[%add3A_197] : memref<128xi32, #tpu.memory_space<vmem>>[vector<16xi32>], vector<16xi32>,
      %gather3A_199 = tpu.vector_load_idx %arg14[%add3A_197] : memref<128xf32, #tpu.memory_space<vmem>>[vector<16xi32>], vector<16xf32>,
      %gather3A_200 = tpu.vector_load_idx %arg11[%gather3A_198] : memref<10240xf32, #tpu.memory_space<vmem>>[vector<16xi32>], vector<16xf32>,
      %mul3A_201 = arith.mulf %gather3A_199, %gather3A_200 : vector<16xf32>
      tpu.vector_store_idx %arg15[%add3A_197], %mul3A_201 : memref<128xf32, #tpu.memory_space<vmem>>[vector<16xi32>], vector<16xf32>,
      %add3A_202 = arith.constant 112 : i32
      %add3A_203 = vector.broadcast %add3A_202 : i32 to vector<16xi32>
      %add3A_204 = arith.addi %iota3A, %add3A_203 : vector<16xi32>
      %gather3A_205 = tpu.vector_load_idx %arg12[%add3A_204] : memref<128xi32, #tpu.memory_space<vmem>>[vector<16xi32>], vector<16xi32>,
      %gather3A_206 = tpu.vector_load_idx %arg14[%add3A_204] : memref<128xf32, #tpu.memory_space<vmem>>[vector<16xi32>], vector<16xf32>,
      %gather3A_207 = tpu.vector_load_idx %arg11[%gather3A_205] : memref<10240xf32, #tpu.memory_space<vmem>>[vector<16xi32>], vector<16xf32>,
      %mul3A_208 = arith.mulf %gather3A_206, %gather3A_207 : vector<16xf32>
      tpu.vector_store_idx %arg15[%add3A_204], %mul3A_208 : memref<128xf32, #tpu.memory_space<vmem>>[vector<16xi32>], vector<16xf32>,
      %scan3A_209 = arith.constant 0 : i32
      %scan3A_210 = arith.constant 0 : i32
      %scan3A_211 = arith.constant 16 : i32
      %scan3A_212 = arith.addi %scan3A_210, %scan3A_211 : i32
      %scan3A_213 = arith.constant 1 : i32
      scf.for %scan3A_227 = %scan3A_210 to %scan3A_212 step %scan3A_213  : i32 {
        %broadcast_in_dim3A_228 = vector.broadcast %scan3A_227 : i32 to vector<16xi32>
        %add3A_229 = arith.constant 0 : i32
        %add3A_230 = vector.broadcast %add3A_229 : i32 to vector<16xi32>
        %add3A_231 = arith.addi %iota3A, %add3A_230 : vector<16xi32>
        %gather3A_232 = tpu.vector_load_idx %arg13[%add3A_231] : memref<128xi32, #tpu.memory_space<vmem>>[vector<16xi32>], vector<16xi32>,
        %mul3A_233 = arith.constant 16 : i32
        %mul3A_234 = vector.broadcast %mul3A_233 : i32 to vector<16xi32>
        %mul3A_235 = arith.muli %gather3A_232, %mul3A_234 : vector<16xi32>
        %add3A_236 = vector.broadcast %scan3A_227 : i32 to vector<16xi32>
        %add3A_237 = arith.addi %mul3A_235, %add3A_236 : vector<16xi32>
        tpu.vector_store_idx %arg18[%broadcast_in_dim3A_228, %add3A_231], %add3A_237 : memref<16x128xi32, #tpu.memory_space<vmem>>[vector<16xi32>, vector<16xi32>], vector<16xi32>,
        %add3A_238 = arith.constant 16 : i32
        %add3A_239 = vector.broadcast %add3A_238 : i32 to vector<16xi32>
        %add3A_240 = arith.addi %iota3A, %add3A_239 : vector<16xi32>
        %gather3A_241 = tpu.vector_load_idx %arg13[%add3A_240] : memref<128xi32, #tpu.memory_space<vmem>>[vector<16xi32>], vector<16xi32>,
        %mul3A_242 = arith.constant 16 : i32
        %mul3A_243 = vector.broadcast %mul3A_242 : i32 to vector<16xi32>
        %mul3A_244 = arith.muli %gather3A_241, %mul3A_243 : vector<16xi32>
        %add3A_245 = vector.broadcast %scan3A_227 : i32 to vector<16xi32>
        %add3A_246 = arith.addi %mul3A_244, %add3A_245 : vector<16xi32>
        tpu.vector_store_idx %arg18[%broadcast_in_dim3A_228, %add3A_240], %add3A_246 : memref<16x128xi32, #tpu.memory_space<vmem>>[vector<16xi32>, vector<16xi32>], vector<16xi32>,
        %add3A_247 = arith.constant 32 : i32
        %add3A_248 = vector.broadcast %add3A_247 : i32 to vector<16xi32>
        %add3A_249 = arith.addi %iota3A, %add3A_248 : vector<16xi32>
        %gather3A_250 = tpu.vector_load_idx %arg13[%add3A_249] : memref<128xi32, #tpu.memory_space<vmem>>[vector<16xi32>], vector<16xi32>,
        %mul3A_251 = arith.constant 16 : i32
        %mul3A_252 = vector.broadcast %mul3A_251 : i32 to vector<16xi32>
        %mul3A_253 = arith.muli %gather3A_250, %mul3A_252 : vector<16xi32>
        %add3A_254 = vector.broadcast %scan3A_227 : i32 to vector<16xi32>
        %add3A_255 = arith.addi %mul3A_253, %add3A_254 : vector<16xi32>
        tpu.vector_store_idx %arg18[%broadcast_in_dim3A_228, %add3A_249], %add3A_255 : memref<16x128xi32, #tpu.memory_space<vmem>>[vector<16xi32>, vector<16xi32>], vector<16xi32>,
        %add3A_256 = arith.constant 48 : i32
        %add3A_257 = vector.broadcast %add3A_256 : i32 to vector<16xi32>
        %add3A_258 = arith.addi %iota3A, %add3A_257 : vector<16xi32>
        %gather3A_259 = tpu.vector_load_idx %arg13[%add3A_258] : memref<128xi32, #tpu.memory_space<vmem>>[vector<16xi32>], vector<16xi32>,
        %mul3A_260 = arith.constant 16 : i32
        %mul3A_261 = vector.broadcast %mul3A_260 : i32 to vector<16xi32>
        %mul3A_262 = arith.muli %gather3A_259, %mul3A_261 : vector<16xi32>
        %add3A_263 = vector.broadcast %scan3A_227 : i32 to vector<16xi32>
        %add3A_264 = arith.addi %mul3A_262, %add3A_263 : vector<16xi32>
        tpu.vector_store_idx %arg18[%broadcast_in_dim3A_228, %add3A_258], %add3A_264 : memref<16x128xi32, #tpu.memory_space<vmem>>[vector<16xi32>, vector<16xi32>], vector<16xi32>,
        %add3A_265 = arith.constant 64 : i32
        %add3A_266 = vector.broadcast %add3A_265 : i32 to vector<16xi32>
        %add3A_267 = arith.addi %iota3A, %add3A_266 : vector<16xi32>
        %gather3A_268 = tpu.vector_load_idx %arg13[%add3A_267] : memref<128xi32, #tpu.memory_space<vmem>>[vector<16xi32>], vector<16xi32>,
        %mul3A_269 = arith.constant 16 : i32
        %mul3A_270 = vector.broadcast %mul3A_269 : i32 to vector<16xi32>
        %mul3A_271 = arith.muli %gather3A_268, %mul3A_270 : vector<16xi32>
        %add3A_272 = vector.broadcast %scan3A_227 : i32 to vector<16xi32>
        %add3A_273 = arith.addi %mul3A_271, %add3A_272 : vector<16xi32>
        tpu.vector_store_idx %arg18[%broadcast_in_dim3A_228, %add3A_267], %add3A_273 : memref<16x128xi32, #tpu.memory_space<vmem>>[vector<16xi32>, vector<16xi32>], vector<16xi32>,
        %add3A_274 = arith.constant 80 : i32
        %add3A_275 = vector.broadcast %add3A_274 : i32 to vector<16xi32>
        %add3A_276 = arith.addi %iota3A, %add3A_275 : vector<16xi32>
        %gather3A_277 = tpu.vector_load_idx %arg13[%add3A_276] : memref<128xi32, #tpu.memory_space<vmem>>[vector<16xi32>], vector<16xi32>,
        %mul3A_278 = arith.constant 16 : i32
        %mul3A_279 = vector.broadcast %mul3A_278 : i32 to vector<16xi32>
        %mul3A_280 = arith.muli %gather3A_277, %mul3A_279 : vector<16xi32>
        %add3A_281 = vector.broadcast %scan3A_227 : i32 to vector<16xi32>
        %add3A_282 = arith.addi %mul3A_280, %add3A_281 : vector<16xi32>
        tpu.vector_store_idx %arg18[%broadcast_in_dim3A_228, %add3A_276], %add3A_282 : memref<16x128xi32, #tpu.memory_space<vmem>>[vector<16xi32>, vector<16xi32>], vector<16xi32>,
        %add3A_283 = arith.constant 96 : i32
        %add3A_284 = vector.broadcast %add3A_283 : i32 to vector<16xi32>
        %add3A_285 = arith.addi %iota3A, %add3A_284 : vector<16xi32>
        %gather3A_286 = tpu.vector_load_idx %arg13[%add3A_285] : memref<128xi32, #tpu.memory_space<vmem>>[vector<16xi32>], vector<16xi32>,
        %mul3A_287 = arith.constant 16 : i32
        %mul3A_288 = vector.broadcast %mul3A_287 : i32 to vector<16xi32>
        %mul3A_289 = arith.muli %gather3A_286, %mul3A_288 : vector<16xi32>
        %add3A_290 = vector.broadcast %scan3A_227 : i32 to vector<16xi32>
        %add3A_291 = arith.addi %mul3A_289, %add3A_290 : vector<16xi32>
        tpu.vector_store_idx %arg18[%broadcast_in_dim3A_228, %add3A_285], %add3A_291 : memref<16x128xi32, #tpu.memory_space<vmem>>[vector<16xi32>, vector<16xi32>], vector<16xi32>,
        %add3A_292 = arith.constant 112 : i32
        %add3A_293 = vector.broadcast %add3A_292 : i32 to vector<16xi32>
        %add3A_294 = arith.addi %iota3A, %add3A_293 : vector<16xi32>
        %gather3A_295 = tpu.vector_load_idx %arg13[%add3A_294] : memref<128xi32, #tpu.memory_space<vmem>>[vector<16xi32>], vector<16xi32>,
        %mul3A_296 = arith.constant 16 : i32
        %mul3A_297 = vector.broadcast %mul3A_296 : i32 to vector<16xi32>
        %mul3A_298 = arith.muli %gather3A_295, %mul3A_297 : vector<16xi32>
        %add3A_299 = vector.broadcast %scan3A_227 : i32 to vector<16xi32>
        %add3A_300 = arith.addi %mul3A_298, %add3A_299 : vector<16xi32>
        tpu.vector_store_idx %arg18[%broadcast_in_dim3A_228, %add3A_294], %add3A_300 : memref<16x128xi32, #tpu.memory_space<vmem>>[vector<16xi32>, vector<16xi32>], vector<16xi32>,
      }
      %scan3A_214 = arith.constant 16 : i32
      %scan3A_215 = arith.constant 0 : i32
      %scan3A_216 = arith.constant 0 : i32
      %scan3A_217 = arith.constant 128 : i32
      %scan3A_218 = arith.addi %scan3A_216, %scan3A_217 : i32
      %scan3A_219 = arith.constant 1 : i32
      scf.for %scan3A_227 = %scan3A_216 to %scan3A_218 step %scan3A_219  : i32 {
        %broadcast_in_dim3A_228 = vector.broadcast %scan3A_227 : i32 to vector<16xi32>
        %gather3A_229 = tpu.vector_load_idx %arg15[%broadcast_in_dim3A_228] : memref<128xf32, #tpu.memory_space<vmem>>[vector<16xi32>], vector<16xf32>,
        %add3A_230 = arith.constant 0 : i32
        %add3A_231 = vector.broadcast %add3A_230 : i32 to vector<16xi32>
        %add3A_232 = arith.addi %iota3A, %add3A_231 : vector<16xi32>
        %gather3A_233 = tpu.vector_load_idx %arg16[%broadcast_in_dim3A_228, %add3A_232] : memref<128x128xf32, #tpu.memory_space<vmem>>[vector<16xi32>, vector<16xi32>], vector<16xf32>,
        %mul3A_234 = arith.mulf %gather3A_233, %gather3A_229 : vector<16xf32>
        tpu.vector_store_idx %arg17[%add3A_232, %broadcast_in_dim3A_228], %mul3A_234 : memref<16x128xf32, #tpu.memory_space<vmem>>[vector<16xi32>, vector<16xi32>], vector<16xf32>,
      }
      %scan3A_220 = arith.constant 128 : i32
      %scan3A_221 = arith.constant 0 : i32
      %scan3A_222 = arith.constant 0 : i32
      %scan3A_223 = arith.constant 16 : i32
      %scan3A_224 = arith.addi %scan3A_222, %scan3A_223 : i32
      %scan3A_225 = arith.constant 1 : i32
      scf.for %scan3A_227 = %scan3A_222 to %scan3A_224 step %scan3A_225  : i32 {
        "tpu.region"() ({
          %run_scoped3A = tpu.sem_alloc : memref<!tpu.dma_semaphore, #tpu.memory_space<semaphore_mem>>
          %dma_start3A_228 = arith.constant 0 : i32
          %dma_start3A_229 = tpu.memref_slice %arg17[%scan3A_227, %dma_start3A_228] : memref<16x128xf32, #tpu.memory_space<vmem>> -> memref<1x128xf32, #tpu.memory_space<vmem>>
          %dma_start3A_230 = tpu.memref_squeeze %dma_start3A_229 : memref<1x128xf32, #tpu.memory_space<vmem>> -> memref<128xf32, #tpu.memory_space<vmem>>
          %dma_start3A_231 = arith.constant 0 : i32
          %dma_start3A_232 = tpu.memref_slice %arg18[%scan3A_227, %dma_start3A_231] : memref<16x128xi32, #tpu.memory_space<vmem>> -> memref<1x128xi32, #tpu.memory_space<vmem>>
          %dma_start3A_233 = tpu.memref_squeeze %dma_start3A_232 : memref<1x128xi32, #tpu.memory_space<vmem>> -> memref<128xi32, #tpu.memory_space<vmem>>
          %dma_start3A_234 = arith.constant 0 : i32
          %dma_start3A_235 = tpu.memref_slice %arg10[%dma_start3A_234] : memref<163840xf32, #tpu.memory_space<vmem_shared>> -> memref<163840xf32, #tpu.memory_space<vmem_shared>>
          tpu.enqueue_indirect_dma source(%dma_start3A_230 : memref<128xf32, #tpu.memory_space<vmem>>) target(%dma_start3A_235 : memref<163840xf32, #tpu.memory_space<vmem_shared>>) offsets(%dma_start3A_233 : memref<128xi32, #tpu.memory_space<vmem>>) semaphore(%run_scoped3A : memref<!tpu.dma_semaphore, #tpu.memory_space<semaphore_mem>>) {add = true}
          %dma_wait3A_236 = arith.constant 0 : i32
          %dma_wait3A_237 = tpu.memref_slice %arg17[%scan3A_227, %dma_wait3A_236] : memref<16x128xf32, #tpu.memory_space<vmem>> -> memref<1x128xf32, #tpu.memory_space<vmem>>
          %dma_wait3A_238 = tpu.memref_squeeze %dma_wait3A_237 : memref<1x128xf32, #tpu.memory_space<vmem>> -> memref<128xf32, #tpu.memory_space<vmem>>
          %dma_wait3A_239 = arith.constant 0 : i32
          %dma_wait3A_240 = tpu.memref_slice %arg18[%scan3A_227, %dma_wait3A_239] : memref<16x128xi32, #tpu.memory_space<vmem>> -> memref<1x128xi32, #tpu.memory_space<vmem>>
          %dma_wait3A_241 = tpu.memref_squeeze %dma_wait3A_240 : memref<1x128xi32, #tpu.memory_space<vmem>> -> memref<128xi32, #tpu.memory_space<vmem>>
          %dma_wait3A_242 = arith.constant 0 : i32
          %dma_wait3A_243 = tpu.memref_slice %arg10[%dma_wait3A_242] : memref<163840xf32, #tpu.memory_space<vmem_shared>> -> memref<163840xf32, #tpu.memory_space<vmem_shared>>
          tpu.wait_indirect_dma semaphore(%run_scoped3A : memref<!tpu.dma_semaphore, #tpu.memory_space<semaphore_mem>>) src(%dma_wait3A_238 : memref<128xf32, #tpu.memory_space<vmem>>) dst(%dma_wait3A_243 : memref<163840xf32, #tpu.memory_space<vmem_shared>>)
          tpu.yield
        }) : () -> ()
      }
      %scan3A_226 = arith.constant 16 : i32
    }
    %scan3A_25 = arith.constant 80 : i32
    %barrier3A_26 = arith.constant 0 : index
    tpu.barrier barrier_id(%barrier3A_26)
    %eq3A = arith.constant 0 : i32
    %eq3A_27 = arith.cmpi eq, %arg0, %eq3A : i32
    %jit3A = arith.constant 1.000000e+00 : f32
    %jit3A_28 = arith.constant 0.000000e+00 : f32
    %select_n3A = arith.select %eq3A_27, %jit3A, %jit3A_28 : f32
    %broadcast_in_dim3A = vector.broadcast %select_n3A : f32 to vector<16xf32>
    %mul3A_29 = arith.constant 640 : i32
    %mul3A_30 = arith.muli %arg1, %mul3A_29 : i32
    %add3A_31 = arith.constant 0 : i32
    %add3A_32 = arith.addi %mul3A_30, %add3A_31 : i32
    "tpu.region"() ({
      %run_scoped3A = tpu.sem_alloc : memref<!tpu.dma_semaphore, #tpu.memory_space<semaphore_mem>>
      %dma_start3A = arith.constant 0 : i32
      %dma_start3A_149 = tpu.memref_slice %arg2[%add3A_32, %dma_start3A] : memref<10240x128xf32, #tpu.memory_space<hbm>> -> memref<64x128xf32, #tpu.memory_space<hbm>>
      %dma_start3A_150 = arith.constant 0 : i32
      %dma_start3A_151 = tpu.memref_slice %arg2[%add3A_32, %dma_start3A_150] : memref<10240x128xf32, #tpu.memory_space<hbm>> -> memref<64x128xf32, #tpu.memory_space<hbm>>
      tpu.enqueue_dma source(%dma_start3A_151 : memref<64x128xf32, #tpu.memory_space<hbm>>) target(%arg20 : memref<64x128xf32, #tpu.memory_space<vmem>>) target_semaphore(%run_scoped3A : memref<!tpu.dma_semaphore, #tpu.memory_space<semaphore_mem>>)
      %dma_wait3A = arith.constant 0 : i32
      %dma_wait3A_152 = tpu.memref_slice %arg2[%add3A_32, %dma_wait3A] : memref<10240x128xf32, #tpu.memory_space<hbm>> -> memref<64x128xf32, #tpu.memory_space<hbm>>
      %dma_wait3A_153 = arith.constant 0 : i32
      %dma_wait3A_154 = tpu.memref_slice %arg2[%add3A_32, %dma_wait3A_153] : memref<10240x128xf32, #tpu.memory_space<hbm>> -> memref<64x128xf32, #tpu.memory_space<hbm>>
      tpu.wait_dma2 semaphore(%run_scoped3A : memref<!tpu.dma_semaphore, #tpu.memory_space<semaphore_mem>>) src(%dma_wait3A_154 : memref<64x128xf32, #tpu.memory_space<hbm>>) dst(%arg20 : memref<64x128xf32, #tpu.memory_space<vmem>>)
      tpu.yield
    }) : () -> ()
    %mul3A_33 = arith.constant 16 : i32
    %mul3A_34 = arith.muli %add3A_32, %mul3A_33 : i32
    "tpu.region"() ({
      %run_scoped3A = tpu.sem_alloc : memref<!tpu.dma_semaphore, #tpu.memory_space<semaphore_mem>>
      %dma_start3A = tpu.memref_slice %arg10[%mul3A_34] : memref<163840xf32, #tpu.memory_space<vmem_shared>> -> memref<1024xf32, #tpu.memory_space<vmem_shared>>
      %dma_start3A_149 = tpu.memref_slice %arg10[%mul3A_34] : memref<163840xf32, #tpu.memory_space<vmem_shared>> -> memref<1024xf32, #tpu.memory_space<vmem_shared>>
      tpu.enqueue_dma source(%dma_start3A_149 : memref<1024xf32, #tpu.memory_space<vmem_shared>>) target(%arg21 : memref<1024xf32, #tpu.memory_space<vmem>>) target_semaphore(%run_scoped3A : memref<!tpu.dma_semaphore, #tpu.memory_space<semaphore_mem>>)
      %dma_wait3A = tpu.memref_slice %arg10[%mul3A_34] : memref<163840xf32, #tpu.memory_space<vmem_shared>> -> memref<1024xf32, #tpu.memory_space<vmem_shared>>
      %dma_wait3A_150 = tpu.memref_slice %arg10[%mul3A_34] : memref<163840xf32, #tpu.memory_space<vmem_shared>> -> memref<1024xf32, #tpu.memory_space<vmem_shared>>
      tpu.wait_dma2 semaphore(%run_scoped3A : memref<!tpu.dma_semaphore, #tpu.memory_space<semaphore_mem>>) src(%dma_wait3A_150 : memref<1024xf32, #tpu.memory_space<vmem_shared>>) dst(%arg21 : memref<1024xf32, #tpu.memory_space<vmem>>)
      tpu.yield
    }) : () -> ()
    %scan3A_35 = arith.constant 0 : i32
    %scan3A_36 = arith.constant 0 : i32
    %scan3A_37 = arith.constant 64 : i32
    %scan3A_38 = arith.addi %scan3A_36, %scan3A_37 : i32
    %scan3A_39 = arith.constant 1 : i32
    scf.for %scan3A_149 = %scan3A_36 to %scan3A_38 step %scan3A_39  : i32 {
      %broadcast_in_dim3A_150 = vector.broadcast %scan3A_149 : i32 to vector<16xi32>
      %add3A_151 = arith.addi %add3A_32, %scan3A_149 : i32
      %broadcast_in_dim3A_152 = vector.broadcast %add3A_151 : i32 to vector<16xi32>
      %gather3A = tpu.vector_load_idx %arg11[%broadcast_in_dim3A_152] : memref<10240xf32, #tpu.memory_space<vmem>>[vector<16xi32>], vector<16xf32>,
      %add3A_153 = arith.constant 0 : i32
      %add3A_154 = vector.broadcast %add3A_153 : i32 to vector<16xi32>
      %add3A_155 = arith.addi %iota3A, %add3A_154 : vector<16xi32>
      %mul3A_156 = arith.constant 16 : i32
      %mul3A_157 = arith.muli %scan3A_149, %mul3A_156 : i32
      %broadcast_in_dim3A_158 = vector.broadcast %mul3A_157 : i32 to vector<16xi32>
      %add3A_159 = arith.addi %broadcast_in_dim3A_158, %add3A_155 : vector<16xi32>
      %gather3A_160 = tpu.vector_load_idx %arg21[%add3A_159] : memref<1024xf32, #tpu.memory_space<vmem>>[vector<16xi32>], vector<16xf32>,
      %gather3A_161 = tpu.vector_load_idx %arg20[%broadcast_in_dim3A_150, %add3A_155] : memref<64x128xf32, #tpu.memory_space<vmem>>[vector<16xi32>, vector<16xi32>], vector<16xf32>,
      %mul3A_162 = arith.mulf %broadcast_in_dim3A, %gather3A : vector<16xf32>
      %mul3A_163 = arith.mulf %mul3A_162, %gather3A_161 : vector<16xf32>
      %add3A_164 = arith.addf %gather3A_160, %mul3A_163 : vector<16xf32>
      %mul3A_165 = arith.mulf %gather3A, %add3A_164 : vector<16xf32>
      tpu.vector_store_idx %arg22[%broadcast_in_dim3A_150, %add3A_155], %mul3A_165 : memref<64x128xf32, #tpu.memory_space<vmem>>[vector<16xi32>, vector<16xi32>], vector<16xf32>,
    }
    %scan3A_40 = arith.constant 64 : i32
    "tpu.region"() ({
      %run_scoped3A = tpu.sem_alloc : memref<!tpu.dma_semaphore, #tpu.memory_space<semaphore_mem>>
      %dma_start3A = arith.constant 0 : i32
      %dma_start3A_149 = tpu.memref_slice %arg9[%arg0, %add3A_32, %dma_start3A] : memref<2x10240x128xf32, #tpu.memory_space<hbm>> -> memref<1x64x128xf32, #tpu.memory_space<hbm>>
      %dma_start3A_150 = tpu.memref_squeeze %dma_start3A_149 : memref<1x64x128xf32, #tpu.memory_space<hbm>> -> memref<64x128xf32, #tpu.memory_space<hbm>>
      %dma_start3A_151 = arith.constant 0 : i32
      %dma_start3A_152 = tpu.memref_slice %arg9[%arg0, %add3A_32, %dma_start3A_151] : memref<2x10240x128xf32, #tpu.memory_space<hbm>> -> memref<1x64x128xf32, #tpu.memory_space<hbm>>
      %dma_start3A_153 = tpu.memref_squeeze %dma_start3A_152 : memref<1x64x128xf32, #tpu.memory_space<hbm>> -> memref<64x128xf32, #tpu.memory_space<hbm>>
      tpu.enqueue_dma source(%arg22 : memref<64x128xf32, #tpu.memory_space<vmem>>) target(%dma_start3A_153 : memref<64x128xf32, #tpu.memory_space<hbm>>) target_semaphore(%run_scoped3A : memref<!tpu.dma_semaphore, #tpu.memory_space<semaphore_mem>>)
      %dma_wait3A = arith.constant 0 : i32
      %dma_wait3A_154 = tpu.memref_slice %arg9[%arg0, %add3A_32, %dma_wait3A] : memref<2x10240x128xf32, #tpu.memory_space<hbm>> -> memref<1x64x128xf32, #tpu.memory_space<hbm>>
      %dma_wait3A_155 = tpu.memref_squeeze %dma_wait3A_154 : memref<1x64x128xf32, #tpu.memory_space<hbm>> -> memref<64x128xf32, #tpu.memory_space<hbm>>
      %dma_wait3A_156 = arith.constant 0 : i32
      %dma_wait3A_157 = tpu.memref_slice %arg9[%arg0, %add3A_32, %dma_wait3A_156] : memref<2x10240x128xf32, #tpu.memory_space<hbm>> -> memref<1x64x128xf32, #tpu.memory_space<hbm>>
      %dma_wait3A_158 = tpu.memref_squeeze %dma_wait3A_157 : memref<1x64x128xf32, #tpu.memory_space<hbm>> -> memref<64x128xf32, #tpu.memory_space<hbm>>
      tpu.wait_dma2 semaphore(%run_scoped3A : memref<!tpu.dma_semaphore, #tpu.memory_space<semaphore_mem>>) src(%arg22 : memref<64x128xf32, #tpu.memory_space<vmem>>) dst(%dma_wait3A_158 : memref<64x128xf32, #tpu.memory_space<hbm>>)
      tpu.yield
    }) : () -> ()
    %mul3A_41 = arith.constant 640 : i32
    %mul3A_42 = arith.muli %arg1, %mul3A_41 : i32
    %add3A_43 = arith.constant 64 : i32
    %add3A_44 = arith.addi %mul3A_42, %add3A_43 : i32
    "tpu.region"() ({
      %run_scoped3A = tpu.sem_alloc : memref<!tpu.dma_semaphore, #tpu.memory_space<semaphore_mem>>
      %dma_start3A = arith.constant 0 : i32
      %dma_start3A_149 = tpu.memref_slice %arg2[%add3A_44, %dma_start3A] : memref<10240x128xf32, #tpu.memory_space<hbm>> -> memref<64x128xf32, #tpu.memory_space<hbm>>
      %dma_start3A_150 = arith.constant 0 : i32
      %dma_start3A_151 = tpu.memref_slice %arg2[%add3A_44, %dma_start3A_150] : memref<10240x128xf32, #tpu.memory_space<hbm>> -> memref<64x128xf32, #tpu.memory_space<hbm>>
      tpu.enqueue_dma source(%dma_start3A_151 : memref<64x128xf32, #tpu.memory_space<hbm>>) target(%arg20 : memref<64x128xf32, #tpu.memory_space<vmem>>) target_semaphore(%run_scoped3A : memref<!tpu.dma_semaphore, #tpu.memory_space<semaphore_mem>>)
      %dma_wait3A = arith.constant 0 : i32
      %dma_wait3A_152 = tpu.memref_slice %arg2[%add3A_44, %dma_wait3A] : memref<10240x128xf32, #tpu.memory_space<hbm>> -> memref<64x128xf32, #tpu.memory_space<hbm>>
      %dma_wait3A_153 = arith.constant 0 : i32
      %dma_wait3A_154 = tpu.memref_slice %arg2[%add3A_44, %dma_wait3A_153] : memref<10240x128xf32, #tpu.memory_space<hbm>> -> memref<64x128xf32, #tpu.memory_space<hbm>>
      tpu.wait_dma2 semaphore(%run_scoped3A : memref<!tpu.dma_semaphore, #tpu.memory_space<semaphore_mem>>) src(%dma_wait3A_154 : memref<64x128xf32, #tpu.memory_space<hbm>>) dst(%arg20 : memref<64x128xf32, #tpu.memory_space<vmem>>)
      tpu.yield
    }) : () -> ()
    %mul3A_45 = arith.constant 16 : i32
    %mul3A_46 = arith.muli %add3A_44, %mul3A_45 : i32
    "tpu.region"() ({
      %run_scoped3A = tpu.sem_alloc : memref<!tpu.dma_semaphore, #tpu.memory_space<semaphore_mem>>
      %dma_start3A = tpu.memref_slice %arg10[%mul3A_46] : memref<163840xf32, #tpu.memory_space<vmem_shared>> -> memref<1024xf32, #tpu.memory_space<vmem_shared>>
      %dma_start3A_149 = tpu.memref_slice %arg10[%mul3A_46] : memref<163840xf32, #tpu.memory_space<vmem_shared>> -> memref<1024xf32, #tpu.memory_space<vmem_shared>>
      tpu.enqueue_dma source(%dma_start3A_149 : memref<1024xf32, #tpu.memory_space<vmem_shared>>) target(%arg21 : memref<1024xf32, #tpu.memory_space<vmem>>) target_semaphore(%run_scoped3A : memref<!tpu.dma_semaphore, #tpu.memory_space<semaphore_mem>>)
      %dma_wait3A = tpu.memref_slice %arg10[%mul3A_46] : memref<163840xf32, #tpu.memory_space<vmem_shared>> -> memref<1024xf32, #tpu.memory_space<vmem_shared>>
      %dma_wait3A_150 = tpu.memref_slice %arg10[%mul3A_46] : memref<163840xf32, #tpu.memory_space<vmem_shared>> -> memref<1024xf32, #tpu.memory_space<vmem_shared>>
      tpu.wait_dma2 semaphore(%run_scoped3A : memref<!tpu.dma_semaphore, #tpu.memory_space<semaphore_mem>>) src(%dma_wait3A_150 : memref<1024xf32, #tpu.memory_space<vmem_shared>>) dst(%arg21 : memref<1024xf32, #tpu.memory_space<vmem>>)
      tpu.yield
    }) : () -> ()
    %scan3A_47 = arith.constant 0 : i32
    %scan3A_48 = arith.constant 0 : i32
    %scan3A_49 = arith.constant 64 : i32
    %scan3A_50 = arith.addi %scan3A_48, %scan3A_49 : i32
    %scan3A_51 = arith.constant 1 : i32
    scf.for %scan3A_149 = %scan3A_48 to %scan3A_50 step %scan3A_51  : i32 {
      %broadcast_in_dim3A_150 = vector.broadcast %scan3A_149 : i32 to vector<16xi32>
      %add3A_151 = arith.addi %add3A_44, %scan3A_149 : i32
      %broadcast_in_dim3A_152 = vector.broadcast %add3A_151 : i32 to vector<16xi32>
      %gather3A = tpu.vector_load_idx %arg11[%broadcast_in_dim3A_152] : memref<10240xf32, #tpu.memory_space<vmem>>[vector<16xi32>], vector<16xf32>,
      %add3A_153 = arith.constant 0 : i32
      %add3A_154 = vector.broadcast %add3A_153 : i32 to vector<16xi32>
      %add3A_155 = arith.addi %iota3A, %add3A_154 : vector<16xi32>
      %mul3A_156 = arith.constant 16 : i32
      %mul3A_157 = arith.muli %scan3A_149, %mul3A_156 : i32
      %broadcast_in_dim3A_158 = vector.broadcast %mul3A_157 : i32 to vector<16xi32>
      %add3A_159 = arith.addi %broadcast_in_dim3A_158, %add3A_155 : vector<16xi32>
      %gather3A_160 = tpu.vector_load_idx %arg21[%add3A_159] : memref<1024xf32, #tpu.memory_space<vmem>>[vector<16xi32>], vector<16xf32>,
      %gather3A_161 = tpu.vector_load_idx %arg20[%broadcast_in_dim3A_150, %add3A_155] : memref<64x128xf32, #tpu.memory_space<vmem>>[vector<16xi32>, vector<16xi32>], vector<16xf32>,
      %mul3A_162 = arith.mulf %broadcast_in_dim3A, %gather3A : vector<16xf32>
      %mul3A_163 = arith.mulf %mul3A_162, %gather3A_161 : vector<16xf32>
      %add3A_164 = arith.addf %gather3A_160, %mul3A_163 : vector<16xf32>
      %mul3A_165 = arith.mulf %gather3A, %add3A_164 : vector<16xf32>
      tpu.vector_store_idx %arg22[%broadcast_in_dim3A_150, %add3A_155], %mul3A_165 : memref<64x128xf32, #tpu.memory_space<vmem>>[vector<16xi32>, vector<16xi32>], vector<16xf32>,
    }
    %scan3A_52 = arith.constant 64 : i32
    "tpu.region"() ({
      %run_scoped3A = tpu.sem_alloc : memref<!tpu.dma_semaphore, #tpu.memory_space<semaphore_mem>>
      %dma_start3A = arith.constant 0 : i32
      %dma_start3A_149 = tpu.memref_slice %arg9[%arg0, %add3A_44, %dma_start3A] : memref<2x10240x128xf32, #tpu.memory_space<hbm>> -> memref<1x64x128xf32, #tpu.memory_space<hbm>>
      %dma_start3A_150 = tpu.memref_squeeze %dma_start3A_149 : memref<1x64x128xf32, #tpu.memory_space<hbm>> -> memref<64x128xf32, #tpu.memory_space<hbm>>
      %dma_start3A_151 = arith.constant 0 : i32
      %dma_start3A_152 = tpu.memref_slice %arg9[%arg0, %add3A_44, %dma_start3A_151] : memref<2x10240x128xf32, #tpu.memory_space<hbm>> -> memref<1x64x128xf32, #tpu.memory_space<hbm>>
      %dma_start3A_153 = tpu.memref_squeeze %dma_start3A_152 : memref<1x64x128xf32, #tpu.memory_space<hbm>> -> memref<64x128xf32, #tpu.memory_space<hbm>>
      tpu.enqueue_dma source(%arg22 : memref<64x128xf32, #tpu.memory_space<vmem>>) target(%dma_start3A_153 : memref<64x128xf32, #tpu.memory_space<hbm>>) target_semaphore(%run_scoped3A : memref<!tpu.dma_semaphore, #tpu.memory_space<semaphore_mem>>)
      %dma_wait3A = arith.constant 0 : i32
      %dma_wait3A_154 = tpu.memref_slice %arg9[%arg0, %add3A_44, %dma_wait3A] : memref<2x10240x128xf32, #tpu.memory_space<hbm>> -> memref<1x64x128xf32, #tpu.memory_space<hbm>>
      %dma_wait3A_155 = tpu.memref_squeeze %dma_wait3A_154 : memref<1x64x128xf32, #tpu.memory_space<hbm>> -> memref<64x128xf32, #tpu.memory_space<hbm>>
      %dma_wait3A_156 = arith.constant 0 : i32
      %dma_wait3A_157 = tpu.memref_slice %arg9[%arg0, %add3A_44, %dma_wait3A_156] : memref<2x10240x128xf32, #tpu.memory_space<hbm>> -> memref<1x64x128xf32, #tpu.memory_space<hbm>>
      %dma_wait3A_158 = tpu.memref_squeeze %dma_wait3A_157 : memref<1x64x128xf32, #tpu.memory_space<hbm>> -> memref<64x128xf32, #tpu.memory_space<hbm>>
      tpu.wait_dma2 semaphore(%run_scoped3A : memref<!tpu.dma_semaphore, #tpu.memory_space<semaphore_mem>>) src(%arg22 : memref<64x128xf32, #tpu.memory_space<vmem>>) dst(%dma_wait3A_158 : memref<64x128xf32, #tpu.memory_space<hbm>>)
      tpu.yield
    }) : () -> ()
    %mul3A_53 = arith.constant 640 : i32
    %mul3A_54 = arith.muli %arg1, %mul3A_53 : i32
    %add3A_55 = arith.constant 128 : i32
    %add3A_56 = arith.addi %mul3A_54, %add3A_55 : i32
    "tpu.region"() ({
      %run_scoped3A = tpu.sem_alloc : memref<!tpu.dma_semaphore, #tpu.memory_space<semaphore_mem>>
      %dma_start3A = arith.constant 0 : i32
      %dma_start3A_149 = tpu.memref_slice %arg2[%add3A_56, %dma_start3A] : memref<10240x128xf32, #tpu.memory_space<hbm>> -> memref<64x128xf32, #tpu.memory_space<hbm>>
      %dma_start3A_150 = arith.constant 0 : i32
      %dma_start3A_151 = tpu.memref_slice %arg2[%add3A_56, %dma_start3A_150] : memref<10240x128xf32, #tpu.memory_space<hbm>> -> memref<64x128xf32, #tpu.memory_space<hbm>>
      tpu.enqueue_dma source(%dma_start3A_151 : memref<64x128xf32, #tpu.memory_space<hbm>>) target(%arg20 : memref<64x128xf32, #tpu.memory_space<vmem>>) target_semaphore(%run_scoped3A : memref<!tpu.dma_semaphore, #tpu.memory_space<semaphore_mem>>)
      %dma_wait3A = arith.constant 0 : i32
      %dma_wait3A_152 = tpu.memref_slice %arg2[%add3A_56, %dma_wait3A] : memref<10240x128xf32, #tpu.memory_space<hbm>> -> memref<64x128xf32, #tpu.memory_space<hbm>>
      %dma_wait3A_153 = arith.constant 0 : i32
      %dma_wait3A_154 = tpu.memref_slice %arg2[%add3A_56, %dma_wait3A_153] : memref<10240x128xf32, #tpu.memory_space<hbm>> -> memref<64x128xf32, #tpu.memory_space<hbm>>
      tpu.wait_dma2 semaphore(%run_scoped3A : memref<!tpu.dma_semaphore, #tpu.memory_space<semaphore_mem>>) src(%dma_wait3A_154 : memref<64x128xf32, #tpu.memory_space<hbm>>) dst(%arg20 : memref<64x128xf32, #tpu.memory_space<vmem>>)
      tpu.yield
    }) : () -> ()
    %mul3A_57 = arith.constant 16 : i32
    %mul3A_58 = arith.muli %add3A_56, %mul3A_57 : i32
    "tpu.region"() ({
      %run_scoped3A = tpu.sem_alloc : memref<!tpu.dma_semaphore, #tpu.memory_space<semaphore_mem>>
      %dma_start3A = tpu.memref_slice %arg10[%mul3A_58] : memref<163840xf32, #tpu.memory_space<vmem_shared>> -> memref<1024xf32, #tpu.memory_space<vmem_shared>>
      %dma_start3A_149 = tpu.memref_slice %arg10[%mul3A_58] : memref<163840xf32, #tpu.memory_space<vmem_shared>> -> memref<1024xf32, #tpu.memory_space<vmem_shared>>
      tpu.enqueue_dma source(%dma_start3A_149 : memref<1024xf32, #tpu.memory_space<vmem_shared>>) target(%arg21 : memref<1024xf32, #tpu.memory_space<vmem>>) target_semaphore(%run_scoped3A : memref<!tpu.dma_semaphore, #tpu.memory_space<semaphore_mem>>)
      %dma_wait3A = tpu.memref_slice %arg10[%mul3A_58] : memref<163840xf32, #tpu.memory_space<vmem_shared>> -> memref<1024xf32, #tpu.memory_space<vmem_shared>>
      %dma_wait3A_150 = tpu.memref_slice %arg10[%mul3A_58] : memref<163840xf32, #tpu.memory_space<vmem_shared>> -> memref<1024xf32, #tpu.memory_space<vmem_shared>>
      tpu.wait_dma2 semaphore(%run_scoped3A : memref<!tpu.dma_semaphore, #tpu.memory_space<semaphore_mem>>) src(%dma_wait3A_150 : memref<1024xf32, #tpu.memory_space<vmem_shared>>) dst(%arg21 : memref<1024xf32, #tpu.memory_space<vmem>>)
      tpu.yield
    }) : () -> ()
    %scan3A_59 = arith.constant 0 : i32
    %scan3A_60 = arith.constant 0 : i32
    %scan3A_61 = arith.constant 64 : i32
    %scan3A_62 = arith.addi %scan3A_60, %scan3A_61 : i32
    %scan3A_63 = arith.constant 1 : i32
    scf.for %scan3A_149 = %scan3A_60 to %scan3A_62 step %scan3A_63  : i32 {
      %broadcast_in_dim3A_150 = vector.broadcast %scan3A_149 : i32 to vector<16xi32>
      %add3A_151 = arith.addi %add3A_56, %scan3A_149 : i32
      %broadcast_in_dim3A_152 = vector.broadcast %add3A_151 : i32 to vector<16xi32>
      %gather3A = tpu.vector_load_idx %arg11[%broadcast_in_dim3A_152] : memref<10240xf32, #tpu.memory_space<vmem>>[vector<16xi32>], vector<16xf32>,
      %add3A_153 = arith.constant 0 : i32
      %add3A_154 = vector.broadcast %add3A_153 : i32 to vector<16xi32>
      %add3A_155 = arith.addi %iota3A, %add3A_154 : vector<16xi32>
      %mul3A_156 = arith.constant 16 : i32
      %mul3A_157 = arith.muli %scan3A_149, %mul3A_156 : i32
      %broadcast_in_dim3A_158 = vector.broadcast %mul3A_157 : i32 to vector<16xi32>
      %add3A_159 = arith.addi %broadcast_in_dim3A_158, %add3A_155 : vector<16xi32>
      %gather3A_160 = tpu.vector_load_idx %arg21[%add3A_159] : memref<1024xf32, #tpu.memory_space<vmem>>[vector<16xi32>], vector<16xf32>,
      %gather3A_161 = tpu.vector_load_idx %arg20[%broadcast_in_dim3A_150, %add3A_155] : memref<64x128xf32, #tpu.memory_space<vmem>>[vector<16xi32>, vector<16xi32>], vector<16xf32>,
      %mul3A_162 = arith.mulf %broadcast_in_dim3A, %gather3A : vector<16xf32>
      %mul3A_163 = arith.mulf %mul3A_162, %gather3A_161 : vector<16xf32>
      %add3A_164 = arith.addf %gather3A_160, %mul3A_163 : vector<16xf32>
      %mul3A_165 = arith.mulf %gather3A, %add3A_164 : vector<16xf32>
      tpu.vector_store_idx %arg22[%broadcast_in_dim3A_150, %add3A_155], %mul3A_165 : memref<64x128xf32, #tpu.memory_space<vmem>>[vector<16xi32>, vector<16xi32>], vector<16xf32>,
    }
    %scan3A_64 = arith.constant 64 : i32
    "tpu.region"() ({
      %run_scoped3A = tpu.sem_alloc : memref<!tpu.dma_semaphore, #tpu.memory_space<semaphore_mem>>
      %dma_start3A = arith.constant 0 : i32
      %dma_start3A_149 = tpu.memref_slice %arg9[%arg0, %add3A_56, %dma_start3A] : memref<2x10240x128xf32, #tpu.memory_space<hbm>> -> memref<1x64x128xf32, #tpu.memory_space<hbm>>
      %dma_start3A_150 = tpu.memref_squeeze %dma_start3A_149 : memref<1x64x128xf32, #tpu.memory_space<hbm>> -> memref<64x128xf32, #tpu.memory_space<hbm>>
      %dma_start3A_151 = arith.constant 0 : i32
      %dma_start3A_152 = tpu.memref_slice %arg9[%arg0, %add3A_56, %dma_start3A_151] : memref<2x10240x128xf32, #tpu.memory_space<hbm>> -> memref<1x64x128xf32, #tpu.memory_space<hbm>>
      %dma_start3A_153 = tpu.memref_squeeze %dma_start3A_152 : memref<1x64x128xf32, #tpu.memory_space<hbm>> -> memref<64x128xf32, #tpu.memory_space<hbm>>
      tpu.enqueue_dma source(%arg22 : memref<64x128xf32, #tpu.memory_space<vmem>>) target(%dma_start3A_153 : memref<64x128xf32, #tpu.memory_space<hbm>>) target_semaphore(%run_scoped3A : memref<!tpu.dma_semaphore, #tpu.memory_space<semaphore_mem>>)
      %dma_wait3A = arith.constant 0 : i32
      %dma_wait3A_154 = tpu.memref_slice %arg9[%arg0, %add3A_56, %dma_wait3A] : memref<2x10240x128xf32, #tpu.memory_space<hbm>> -> memref<1x64x128xf32, #tpu.memory_space<hbm>>
      %dma_wait3A_155 = tpu.memref_squeeze %dma_wait3A_154 : memref<1x64x128xf32, #tpu.memory_space<hbm>> -> memref<64x128xf32, #tpu.memory_space<hbm>>
      %dma_wait3A_156 = arith.constant 0 : i32
      %dma_wait3A_157 = tpu.memref_slice %arg9[%arg0, %add3A_56, %dma_wait3A_156] : memref<2x10240x128xf32, #tpu.memory_space<hbm>> -> memref<1x64x128xf32, #tpu.memory_space<hbm>>
      %dma_wait3A_158 = tpu.memref_squeeze %dma_wait3A_157 : memref<1x64x128xf32, #tpu.memory_space<hbm>> -> memref<64x128xf32, #tpu.memory_space<hbm>>
      tpu.wait_dma2 semaphore(%run_scoped3A : memref<!tpu.dma_semaphore, #tpu.memory_space<semaphore_mem>>) src(%arg22 : memref<64x128xf32, #tpu.memory_space<vmem>>) dst(%dma_wait3A_158 : memref<64x128xf32, #tpu.memory_space<hbm>>)
      tpu.yield
    }) : () -> ()
    %mul3A_65 = arith.constant 640 : i32
    %mul3A_66 = arith.muli %arg1, %mul3A_65 : i32
    %add3A_67 = arith.constant 192 : i32
    %add3A_68 = arith.addi %mul3A_66, %add3A_67 : i32
    "tpu.region"() ({
      %run_scoped3A = tpu.sem_alloc : memref<!tpu.dma_semaphore, #tpu.memory_space<semaphore_mem>>
      %dma_start3A = arith.constant 0 : i32
      %dma_start3A_149 = tpu.memref_slice %arg2[%add3A_68, %dma_start3A] : memref<10240x128xf32, #tpu.memory_space<hbm>> -> memref<64x128xf32, #tpu.memory_space<hbm>>
      %dma_start3A_150 = arith.constant 0 : i32
      %dma_start3A_151 = tpu.memref_slice %arg2[%add3A_68, %dma_start3A_150] : memref<10240x128xf32, #tpu.memory_space<hbm>> -> memref<64x128xf32, #tpu.memory_space<hbm>>
      tpu.enqueue_dma source(%dma_start3A_151 : memref<64x128xf32, #tpu.memory_space<hbm>>) target(%arg20 : memref<64x128xf32, #tpu.memory_space<vmem>>) target_semaphore(%run_scoped3A : memref<!tpu.dma_semaphore, #tpu.memory_space<semaphore_mem>>)
      %dma_wait3A = arith.constant 0 : i32
      %dma_wait3A_152 = tpu.memref_slice %arg2[%add3A_68, %dma_wait3A] : memref<10240x128xf32, #tpu.memory_space<hbm>> -> memref<64x128xf32, #tpu.memory_space<hbm>>
      %dma_wait3A_153 = arith.constant 0 : i32
      %dma_wait3A_154 = tpu.memref_slice %arg2[%add3A_68, %dma_wait3A_153] : memref<10240x128xf32, #tpu.memory_space<hbm>> -> memref<64x128xf32, #tpu.memory_space<hbm>>
      tpu.wait_dma2 semaphore(%run_scoped3A : memref<!tpu.dma_semaphore, #tpu.memory_space<semaphore_mem>>) src(%dma_wait3A_154 : memref<64x128xf32, #tpu.memory_space<hbm>>) dst(%arg20 : memref<64x128xf32, #tpu.memory_space<vmem>>)
      tpu.yield
    }) : () -> ()
    %mul3A_69 = arith.constant 16 : i32
    %mul3A_70 = arith.muli %add3A_68, %mul3A_69 : i32
    "tpu.region"() ({
      %run_scoped3A = tpu.sem_alloc : memref<!tpu.dma_semaphore, #tpu.memory_space<semaphore_mem>>
      %dma_start3A = tpu.memref_slice %arg10[%mul3A_70] : memref<163840xf32, #tpu.memory_space<vmem_shared>> -> memref<1024xf32, #tpu.memory_space<vmem_shared>>
      %dma_start3A_149 = tpu.memref_slice %arg10[%mul3A_70] : memref<163840xf32, #tpu.memory_space<vmem_shared>> -> memref<1024xf32, #tpu.memory_space<vmem_shared>>
      tpu.enqueue_dma source(%dma_start3A_149 : memref<1024xf32, #tpu.memory_space<vmem_shared>>) target(%arg21 : memref<1024xf32, #tpu.memory_space<vmem>>) target_semaphore(%run_scoped3A : memref<!tpu.dma_semaphore, #tpu.memory_space<semaphore_mem>>)
      %dma_wait3A = tpu.memref_slice %arg10[%mul3A_70] : memref<163840xf32, #tpu.memory_space<vmem_shared>> -> memref<1024xf32, #tpu.memory_space<vmem_shared>>
      %dma_wait3A_150 = tpu.memref_slice %arg10[%mul3A_70] : memref<163840xf32, #tpu.memory_space<vmem_shared>> -> memref<1024xf32, #tpu.memory_space<vmem_shared>>
      tpu.wait_dma2 semaphore(%run_scoped3A : memref<!tpu.dma_semaphore, #tpu.memory_space<semaphore_mem>>) src(%dma_wait3A_150 : memref<1024xf32, #tpu.memory_space<vmem_shared>>) dst(%arg21 : memref<1024xf32, #tpu.memory_space<vmem>>)
      tpu.yield
    }) : () -> ()
    %scan3A_71 = arith.constant 0 : i32
    %scan3A_72 = arith.constant 0 : i32
    %scan3A_73 = arith.constant 64 : i32
    %scan3A_74 = arith.addi %scan3A_72, %scan3A_73 : i32
    %scan3A_75 = arith.constant 1 : i32
    scf.for %scan3A_149 = %scan3A_72 to %scan3A_74 step %scan3A_75  : i32 {
      %broadcast_in_dim3A_150 = vector.broadcast %scan3A_149 : i32 to vector<16xi32>
      %add3A_151 = arith.addi %add3A_68, %scan3A_149 : i32
      %broadcast_in_dim3A_152 = vector.broadcast %add3A_151 : i32 to vector<16xi32>
      %gather3A = tpu.vector_load_idx %arg11[%broadcast_in_dim3A_152] : memref<10240xf32, #tpu.memory_space<vmem>>[vector<16xi32>], vector<16xf32>,
      %add3A_153 = arith.constant 0 : i32
      %add3A_154 = vector.broadcast %add3A_153 : i32 to vector<16xi32>
      %add3A_155 = arith.addi %iota3A, %add3A_154 : vector<16xi32>
      %mul3A_156 = arith.constant 16 : i32
      %mul3A_157 = arith.muli %scan3A_149, %mul3A_156 : i32
      %broadcast_in_dim3A_158 = vector.broadcast %mul3A_157 : i32 to vector<16xi32>
      %add3A_159 = arith.addi %broadcast_in_dim3A_158, %add3A_155 : vector<16xi32>
      %gather3A_160 = tpu.vector_load_idx %arg21[%add3A_159] : memref<1024xf32, #tpu.memory_space<vmem>>[vector<16xi32>], vector<16xf32>,
      %gather3A_161 = tpu.vector_load_idx %arg20[%broadcast_in_dim3A_150, %add3A_155] : memref<64x128xf32, #tpu.memory_space<vmem>>[vector<16xi32>, vector<16xi32>], vector<16xf32>,
      %mul3A_162 = arith.mulf %broadcast_in_dim3A, %gather3A : vector<16xf32>
      %mul3A_163 = arith.mulf %mul3A_162, %gather3A_161 : vector<16xf32>
      %add3A_164 = arith.addf %gather3A_160, %mul3A_163 : vector<16xf32>
      %mul3A_165 = arith.mulf %gather3A, %add3A_164 : vector<16xf32>
      tpu.vector_store_idx %arg22[%broadcast_in_dim3A_150, %add3A_155], %mul3A_165 : memref<64x128xf32, #tpu.memory_space<vmem>>[vector<16xi32>, vector<16xi32>], vector<16xf32>,
    }
    %scan3A_76 = arith.constant 64 : i32
    "tpu.region"() ({
      %run_scoped3A = tpu.sem_alloc : memref<!tpu.dma_semaphore, #tpu.memory_space<semaphore_mem>>
      %dma_start3A = arith.constant 0 : i32
      %dma_start3A_149 = tpu.memref_slice %arg9[%arg0, %add3A_68, %dma_start3A] : memref<2x10240x128xf32, #tpu.memory_space<hbm>> -> memref<1x64x128xf32, #tpu.memory_space<hbm>>
      %dma_start3A_150 = tpu.memref_squeeze %dma_start3A_149 : memref<1x64x128xf32, #tpu.memory_space<hbm>> -> memref<64x128xf32, #tpu.memory_space<hbm>>
      %dma_start3A_151 = arith.constant 0 : i32
      %dma_start3A_152 = tpu.memref_slice %arg9[%arg0, %add3A_68, %dma_start3A_151] : memref<2x10240x128xf32, #tpu.memory_space<hbm>> -> memref<1x64x128xf32, #tpu.memory_space<hbm>>
      %dma_start3A_153 = tpu.memref_squeeze %dma_start3A_152 : memref<1x64x128xf32, #tpu.memory_space<hbm>> -> memref<64x128xf32, #tpu.memory_space<hbm>>
      tpu.enqueue_dma source(%arg22 : memref<64x128xf32, #tpu.memory_space<vmem>>) target(%dma_start3A_153 : memref<64x128xf32, #tpu.memory_space<hbm>>) target_semaphore(%run_scoped3A : memref<!tpu.dma_semaphore, #tpu.memory_space<semaphore_mem>>)
      %dma_wait3A = arith.constant 0 : i32
      %dma_wait3A_154 = tpu.memref_slice %arg9[%arg0, %add3A_68, %dma_wait3A] : memref<2x10240x128xf32, #tpu.memory_space<hbm>> -> memref<1x64x128xf32, #tpu.memory_space<hbm>>
      %dma_wait3A_155 = tpu.memref_squeeze %dma_wait3A_154 : memref<1x64x128xf32, #tpu.memory_space<hbm>> -> memref<64x128xf32, #tpu.memory_space<hbm>>
      %dma_wait3A_156 = arith.constant 0 : i32
      %dma_wait3A_157 = tpu.memref_slice %arg9[%arg0, %add3A_68, %dma_wait3A_156] : memref<2x10240x128xf32, #tpu.memory_space<hbm>> -> memref<1x64x128xf32, #tpu.memory_space<hbm>>
      %dma_wait3A_158 = tpu.memref_squeeze %dma_wait3A_157 : memref<1x64x128xf32, #tpu.memory_space<hbm>> -> memref<64x128xf32, #tpu.memory_space<hbm>>
      tpu.wait_dma2 semaphore(%run_scoped3A : memref<!tpu.dma_semaphore, #tpu.memory_space<semaphore_mem>>) src(%arg22 : memref<64x128xf32, #tpu.memory_space<vmem>>) dst(%dma_wait3A_158 : memref<64x128xf32, #tpu.memory_space<hbm>>)
      tpu.yield
    }) : () -> ()
    %mul3A_77 = arith.constant 640 : i32
    %mul3A_78 = arith.muli %arg1, %mul3A_77 : i32
    %add3A_79 = arith.constant 256 : i32
    %add3A_80 = arith.addi %mul3A_78, %add3A_79 : i32
    "tpu.region"() ({
      %run_scoped3A = tpu.sem_alloc : memref<!tpu.dma_semaphore, #tpu.memory_space<semaphore_mem>>
      %dma_start3A = arith.constant 0 : i32
      %dma_start3A_149 = tpu.memref_slice %arg2[%add3A_80, %dma_start3A] : memref<10240x128xf32, #tpu.memory_space<hbm>> -> memref<64x128xf32, #tpu.memory_space<hbm>>
      %dma_start3A_150 = arith.constant 0 : i32
      %dma_start3A_151 = tpu.memref_slice %arg2[%add3A_80, %dma_start3A_150] : memref<10240x128xf32, #tpu.memory_space<hbm>> -> memref<64x128xf32, #tpu.memory_space<hbm>>
      tpu.enqueue_dma source(%dma_start3A_151 : memref<64x128xf32, #tpu.memory_space<hbm>>) target(%arg20 : memref<64x128xf32, #tpu.memory_space<vmem>>) target_semaphore(%run_scoped3A : memref<!tpu.dma_semaphore, #tpu.memory_space<semaphore_mem>>)
      %dma_wait3A = arith.constant 0 : i32
      %dma_wait3A_152 = tpu.memref_slice %arg2[%add3A_80, %dma_wait3A] : memref<10240x128xf32, #tpu.memory_space<hbm>> -> memref<64x128xf32, #tpu.memory_space<hbm>>
      %dma_wait3A_153 = arith.constant 0 : i32
      %dma_wait3A_154 = tpu.memref_slice %arg2[%add3A_80, %dma_wait3A_153] : memref<10240x128xf32, #tpu.memory_space<hbm>> -> memref<64x128xf32, #tpu.memory_space<hbm>>
      tpu.wait_dma2 semaphore(%run_scoped3A : memref<!tpu.dma_semaphore, #tpu.memory_space<semaphore_mem>>) src(%dma_wait3A_154 : memref<64x128xf32, #tpu.memory_space<hbm>>) dst(%arg20 : memref<64x128xf32, #tpu.memory_space<vmem>>)
      tpu.yield
    }) : () -> ()
    %mul3A_81 = arith.constant 16 : i32
    %mul3A_82 = arith.muli %add3A_80, %mul3A_81 : i32
    "tpu.region"() ({
      %run_scoped3A = tpu.sem_alloc : memref<!tpu.dma_semaphore, #tpu.memory_space<semaphore_mem>>
      %dma_start3A = tpu.memref_slice %arg10[%mul3A_82] : memref<163840xf32, #tpu.memory_space<vmem_shared>> -> memref<1024xf32, #tpu.memory_space<vmem_shared>>
      %dma_start3A_149 = tpu.memref_slice %arg10[%mul3A_82] : memref<163840xf32, #tpu.memory_space<vmem_shared>> -> memref<1024xf32, #tpu.memory_space<vmem_shared>>
      tpu.enqueue_dma source(%dma_start3A_149 : memref<1024xf32, #tpu.memory_space<vmem_shared>>) target(%arg21 : memref<1024xf32, #tpu.memory_space<vmem>>) target_semaphore(%run_scoped3A : memref<!tpu.dma_semaphore, #tpu.memory_space<semaphore_mem>>)
      %dma_wait3A = tpu.memref_slice %arg10[%mul3A_82] : memref<163840xf32, #tpu.memory_space<vmem_shared>> -> memref<1024xf32, #tpu.memory_space<vmem_shared>>
      %dma_wait3A_150 = tpu.memref_slice %arg10[%mul3A_82] : memref<163840xf32, #tpu.memory_space<vmem_shared>> -> memref<1024xf32, #tpu.memory_space<vmem_shared>>
      tpu.wait_dma2 semaphore(%run_scoped3A : memref<!tpu.dma_semaphore, #tpu.memory_space<semaphore_mem>>) src(%dma_wait3A_150 : memref<1024xf32, #tpu.memory_space<vmem_shared>>) dst(%arg21 : memref<1024xf32, #tpu.memory_space<vmem>>)
      tpu.yield
    }) : () -> ()
    %scan3A_83 = arith.constant 0 : i32
    %scan3A_84 = arith.constant 0 : i32
    %scan3A_85 = arith.constant 64 : i32
    %scan3A_86 = arith.addi %scan3A_84, %scan3A_85 : i32
    %scan3A_87 = arith.constant 1 : i32
    scf.for %scan3A_149 = %scan3A_84 to %scan3A_86 step %scan3A_87  : i32 {
      %broadcast_in_dim3A_150 = vector.broadcast %scan3A_149 : i32 to vector<16xi32>
      %add3A_151 = arith.addi %add3A_80, %scan3A_149 : i32
      %broadcast_in_dim3A_152 = vector.broadcast %add3A_151 : i32 to vector<16xi32>
      %gather3A = tpu.vector_load_idx %arg11[%broadcast_in_dim3A_152] : memref<10240xf32, #tpu.memory_space<vmem>>[vector<16xi32>], vector<16xf32>,
      %add3A_153 = arith.constant 0 : i32
      %add3A_154 = vector.broadcast %add3A_153 : i32 to vector<16xi32>
      %add3A_155 = arith.addi %iota3A, %add3A_154 : vector<16xi32>
      %mul3A_156 = arith.constant 16 : i32
      %mul3A_157 = arith.muli %scan3A_149, %mul3A_156 : i32
      %broadcast_in_dim3A_158 = vector.broadcast %mul3A_157 : i32 to vector<16xi32>
      %add3A_159 = arith.addi %broadcast_in_dim3A_158, %add3A_155 : vector<16xi32>
      %gather3A_160 = tpu.vector_load_idx %arg21[%add3A_159] : memref<1024xf32, #tpu.memory_space<vmem>>[vector<16xi32>], vector<16xf32>,
      %gather3A_161 = tpu.vector_load_idx %arg20[%broadcast_in_dim3A_150, %add3A_155] : memref<64x128xf32, #tpu.memory_space<vmem>>[vector<16xi32>, vector<16xi32>], vector<16xf32>,
      %mul3A_162 = arith.mulf %broadcast_in_dim3A, %gather3A : vector<16xf32>
      %mul3A_163 = arith.mulf %mul3A_162, %gather3A_161 : vector<16xf32>
      %add3A_164 = arith.addf %gather3A_160, %mul3A_163 : vector<16xf32>
      %mul3A_165 = arith.mulf %gather3A, %add3A_164 : vector<16xf32>
      tpu.vector_store_idx %arg22[%broadcast_in_dim3A_150, %add3A_155], %mul3A_165 : memref<64x128xf32, #tpu.memory_space<vmem>>[vector<16xi32>, vector<16xi32>], vector<16xf32>,
    }
    %scan3A_88 = arith.constant 64 : i32
    "tpu.region"() ({
      %run_scoped3A = tpu.sem_alloc : memref<!tpu.dma_semaphore, #tpu.memory_space<semaphore_mem>>
      %dma_start3A = arith.constant 0 : i32
      %dma_start3A_149 = tpu.memref_slice %arg9[%arg0, %add3A_80, %dma_start3A] : memref<2x10240x128xf32, #tpu.memory_space<hbm>> -> memref<1x64x128xf32, #tpu.memory_space<hbm>>
      %dma_start3A_150 = tpu.memref_squeeze %dma_start3A_149 : memref<1x64x128xf32, #tpu.memory_space<hbm>> -> memref<64x128xf32, #tpu.memory_space<hbm>>
      %dma_start3A_151 = arith.constant 0 : i32
      %dma_start3A_152 = tpu.memref_slice %arg9[%arg0, %add3A_80, %dma_start3A_151] : memref<2x10240x128xf32, #tpu.memory_space<hbm>> -> memref<1x64x128xf32, #tpu.memory_space<hbm>>
      %dma_start3A_153 = tpu.memref_squeeze %dma_start3A_152 : memref<1x64x128xf32, #tpu.memory_space<hbm>> -> memref<64x128xf32, #tpu.memory_space<hbm>>
      tpu.enqueue_dma source(%arg22 : memref<64x128xf32, #tpu.memory_space<vmem>>) target(%dma_start3A_153 : memref<64x128xf32, #tpu.memory_space<hbm>>) target_semaphore(%run_scoped3A : memref<!tpu.dma_semaphore, #tpu.memory_space<semaphore_mem>>)
      %dma_wait3A = arith.constant 0 : i32
      %dma_wait3A_154 = tpu.memref_slice %arg9[%arg0, %add3A_80, %dma_wait3A] : memref<2x10240x128xf32, #tpu.memory_space<hbm>> -> memref<1x64x128xf32, #tpu.memory_space<hbm>>
      %dma_wait3A_155 = tpu.memref_squeeze %dma_wait3A_154 : memref<1x64x128xf32, #tpu.memory_space<hbm>> -> memref<64x128xf32, #tpu.memory_space<hbm>>
      %dma_wait3A_156 = arith.constant 0 : i32
      %dma_wait3A_157 = tpu.memref_slice %arg9[%arg0, %add3A_80, %dma_wait3A_156] : memref<2x10240x128xf32, #tpu.memory_space<hbm>> -> memref<1x64x128xf32, #tpu.memory_space<hbm>>
      %dma_wait3A_158 = tpu.memref_squeeze %dma_wait3A_157 : memref<1x64x128xf32, #tpu.memory_space<hbm>> -> memref<64x128xf32, #tpu.memory_space<hbm>>
      tpu.wait_dma2 semaphore(%run_scoped3A : memref<!tpu.dma_semaphore, #tpu.memory_space<semaphore_mem>>) src(%arg22 : memref<64x128xf32, #tpu.memory_space<vmem>>) dst(%dma_wait3A_158 : memref<64x128xf32, #tpu.memory_space<hbm>>)
      tpu.yield
    }) : () -> ()
    %mul3A_89 = arith.constant 640 : i32
    %mul3A_90 = arith.muli %arg1, %mul3A_89 : i32
    %add3A_91 = arith.constant 320 : i32
    %add3A_92 = arith.addi %mul3A_90, %add3A_91 : i32
    "tpu.region"() ({
      %run_scoped3A = tpu.sem_alloc : memref<!tpu.dma_semaphore, #tpu.memory_space<semaphore_mem>>
      %dma_start3A = arith.constant 0 : i32
      %dma_start3A_149 = tpu.memref_slice %arg2[%add3A_92, %dma_start3A] : memref<10240x128xf32, #tpu.memory_space<hbm>> -> memref<64x128xf32, #tpu.memory_space<hbm>>
      %dma_start3A_150 = arith.constant 0 : i32
      %dma_start3A_151 = tpu.memref_slice %arg2[%add3A_92, %dma_start3A_150] : memref<10240x128xf32, #tpu.memory_space<hbm>> -> memref<64x128xf32, #tpu.memory_space<hbm>>
      tpu.enqueue_dma source(%dma_start3A_151 : memref<64x128xf32, #tpu.memory_space<hbm>>) target(%arg20 : memref<64x128xf32, #tpu.memory_space<vmem>>) target_semaphore(%run_scoped3A : memref<!tpu.dma_semaphore, #tpu.memory_space<semaphore_mem>>)
      %dma_wait3A = arith.constant 0 : i32
      %dma_wait3A_152 = tpu.memref_slice %arg2[%add3A_92, %dma_wait3A] : memref<10240x128xf32, #tpu.memory_space<hbm>> -> memref<64x128xf32, #tpu.memory_space<hbm>>
      %dma_wait3A_153 = arith.constant 0 : i32
      %dma_wait3A_154 = tpu.memref_slice %arg2[%add3A_92, %dma_wait3A_153] : memref<10240x128xf32, #tpu.memory_space<hbm>> -> memref<64x128xf32, #tpu.memory_space<hbm>>
      tpu.wait_dma2 semaphore(%run_scoped3A : memref<!tpu.dma_semaphore, #tpu.memory_space<semaphore_mem>>) src(%dma_wait3A_154 : memref<64x128xf32, #tpu.memory_space<hbm>>) dst(%arg20 : memref<64x128xf32, #tpu.memory_space<vmem>>)
      tpu.yield
    }) : () -> ()
    %mul3A_93 = arith.constant 16 : i32
    %mul3A_94 = arith.muli %add3A_92, %mul3A_93 : i32
    "tpu.region"() ({
      %run_scoped3A = tpu.sem_alloc : memref<!tpu.dma_semaphore, #tpu.memory_space<semaphore_mem>>
      %dma_start3A = tpu.memref_slice %arg10[%mul3A_94] : memref<163840xf32, #tpu.memory_space<vmem_shared>> -> memref<1024xf32, #tpu.memory_space<vmem_shared>>
      %dma_start3A_149 = tpu.memref_slice %arg10[%mul3A_94] : memref<163840xf32, #tpu.memory_space<vmem_shared>> -> memref<1024xf32, #tpu.memory_space<vmem_shared>>
      tpu.enqueue_dma source(%dma_start3A_149 : memref<1024xf32, #tpu.memory_space<vmem_shared>>) target(%arg21 : memref<1024xf32, #tpu.memory_space<vmem>>) target_semaphore(%run_scoped3A : memref<!tpu.dma_semaphore, #tpu.memory_space<semaphore_mem>>)
      %dma_wait3A = tpu.memref_slice %arg10[%mul3A_94] : memref<163840xf32, #tpu.memory_space<vmem_shared>> -> memref<1024xf32, #tpu.memory_space<vmem_shared>>
      %dma_wait3A_150 = tpu.memref_slice %arg10[%mul3A_94] : memref<163840xf32, #tpu.memory_space<vmem_shared>> -> memref<1024xf32, #tpu.memory_space<vmem_shared>>
      tpu.wait_dma2 semaphore(%run_scoped3A : memref<!tpu.dma_semaphore, #tpu.memory_space<semaphore_mem>>) src(%dma_wait3A_150 : memref<1024xf32, #tpu.memory_space<vmem_shared>>) dst(%arg21 : memref<1024xf32, #tpu.memory_space<vmem>>)
      tpu.yield
    }) : () -> ()
    %scan3A_95 = arith.constant 0 : i32
    %scan3A_96 = arith.constant 0 : i32
    %scan3A_97 = arith.constant 64 : i32
    %scan3A_98 = arith.addi %scan3A_96, %scan3A_97 : i32
    %scan3A_99 = arith.constant 1 : i32
    scf.for %scan3A_149 = %scan3A_96 to %scan3A_98 step %scan3A_99  : i32 {
      %broadcast_in_dim3A_150 = vector.broadcast %scan3A_149 : i32 to vector<16xi32>
      %add3A_151 = arith.addi %add3A_92, %scan3A_149 : i32
      %broadcast_in_dim3A_152 = vector.broadcast %add3A_151 : i32 to vector<16xi32>
      %gather3A = tpu.vector_load_idx %arg11[%broadcast_in_dim3A_152] : memref<10240xf32, #tpu.memory_space<vmem>>[vector<16xi32>], vector<16xf32>,
      %add3A_153 = arith.constant 0 : i32
      %add3A_154 = vector.broadcast %add3A_153 : i32 to vector<16xi32>
      %add3A_155 = arith.addi %iota3A, %add3A_154 : vector<16xi32>
      %mul3A_156 = arith.constant 16 : i32
      %mul3A_157 = arith.muli %scan3A_149, %mul3A_156 : i32
      %broadcast_in_dim3A_158 = vector.broadcast %mul3A_157 : i32 to vector<16xi32>
      %add3A_159 = arith.addi %broadcast_in_dim3A_158, %add3A_155 : vector<16xi32>
      %gather3A_160 = tpu.vector_load_idx %arg21[%add3A_159] : memref<1024xf32, #tpu.memory_space<vmem>>[vector<16xi32>], vector<16xf32>,
      %gather3A_161 = tpu.vector_load_idx %arg20[%broadcast_in_dim3A_150, %add3A_155] : memref<64x128xf32, #tpu.memory_space<vmem>>[vector<16xi32>, vector<16xi32>], vector<16xf32>,
      %mul3A_162 = arith.mulf %broadcast_in_dim3A, %gather3A : vector<16xf32>
      %mul3A_163 = arith.mulf %mul3A_162, %gather3A_161 : vector<16xf32>
      %add3A_164 = arith.addf %gather3A_160, %mul3A_163 : vector<16xf32>
      %mul3A_165 = arith.mulf %gather3A, %add3A_164 : vector<16xf32>
      tpu.vector_store_idx %arg22[%broadcast_in_dim3A_150, %add3A_155], %mul3A_165 : memref<64x128xf32, #tpu.memory_space<vmem>>[vector<16xi32>, vector<16xi32>], vector<16xf32>,
    }
    %scan3A_100 = arith.constant 64 : i32
    "tpu.region"() ({
      %run_scoped3A = tpu.sem_alloc : memref<!tpu.dma_semaphore, #tpu.memory_space<semaphore_mem>>
      %dma_start3A = arith.constant 0 : i32
      %dma_start3A_149 = tpu.memref_slice %arg9[%arg0, %add3A_92, %dma_start3A] : memref<2x10240x128xf32, #tpu.memory_space<hbm>> -> memref<1x64x128xf32, #tpu.memory_space<hbm>>
      %dma_start3A_150 = tpu.memref_squeeze %dma_start3A_149 : memref<1x64x128xf32, #tpu.memory_space<hbm>> -> memref<64x128xf32, #tpu.memory_space<hbm>>
      %dma_start3A_151 = arith.constant 0 : i32
      %dma_start3A_152 = tpu.memref_slice %arg9[%arg0, %add3A_92, %dma_start3A_151] : memref<2x10240x128xf32, #tpu.memory_space<hbm>> -> memref<1x64x128xf32, #tpu.memory_space<hbm>>
      %dma_start3A_153 = tpu.memref_squeeze %dma_start3A_152 : memref<1x64x128xf32, #tpu.memory_space<hbm>> -> memref<64x128xf32, #tpu.memory_space<hbm>>
      tpu.enqueue_dma source(%arg22 : memref<64x128xf32, #tpu.memory_space<vmem>>) target(%dma_start3A_153 : memref<64x128xf32, #tpu.memory_space<hbm>>) target_semaphore(%run_scoped3A : memref<!tpu.dma_semaphore, #tpu.memory_space<semaphore_mem>>)
      %dma_wait3A = arith.constant 0 : i32
      %dma_wait3A_154 = tpu.memref_slice %arg9[%arg0, %add3A_92, %dma_wait3A] : memref<2x10240x128xf32, #tpu.memory_space<hbm>> -> memref<1x64x128xf32, #tpu.memory_space<hbm>>
      %dma_wait3A_155 = tpu.memref_squeeze %dma_wait3A_154 : memref<1x64x128xf32, #tpu.memory_space<hbm>> -> memref<64x128xf32, #tpu.memory_space<hbm>>
      %dma_wait3A_156 = arith.constant 0 : i32
      %dma_wait3A_157 = tpu.memref_slice %arg9[%arg0, %add3A_92, %dma_wait3A_156] : memref<2x10240x128xf32, #tpu.memory_space<hbm>> -> memref<1x64x128xf32, #tpu.memory_space<hbm>>
      %dma_wait3A_158 = tpu.memref_squeeze %dma_wait3A_157 : memref<1x64x128xf32, #tpu.memory_space<hbm>> -> memref<64x128xf32, #tpu.memory_space<hbm>>
      tpu.wait_dma2 semaphore(%run_scoped3A : memref<!tpu.dma_semaphore, #tpu.memory_space<semaphore_mem>>) src(%arg22 : memref<64x128xf32, #tpu.memory_space<vmem>>) dst(%dma_wait3A_158 : memref<64x128xf32, #tpu.memory_space<hbm>>)
      tpu.yield
    }) : () -> ()
    %mul3A_101 = arith.constant 640 : i32
    %mul3A_102 = arith.muli %arg1, %mul3A_101 : i32
    %add3A_103 = arith.constant 384 : i32
    %add3A_104 = arith.addi %mul3A_102, %add3A_103 : i32
    "tpu.region"() ({
      %run_scoped3A = tpu.sem_alloc : memref<!tpu.dma_semaphore, #tpu.memory_space<semaphore_mem>>
      %dma_start3A = arith.constant 0 : i32
      %dma_start3A_149 = tpu.memref_slice %arg2[%add3A_104, %dma_start3A] : memref<10240x128xf32, #tpu.memory_space<hbm>> -> memref<64x128xf32, #tpu.memory_space<hbm>>
      %dma_start3A_150 = arith.constant 0 : i32
      %dma_start3A_151 = tpu.memref_slice %arg2[%add3A_104, %dma_start3A_150] : memref<10240x128xf32, #tpu.memory_space<hbm>> -> memref<64x128xf32, #tpu.memory_space<hbm>>
      tpu.enqueue_dma source(%dma_start3A_151 : memref<64x128xf32, #tpu.memory_space<hbm>>) target(%arg20 : memref<64x128xf32, #tpu.memory_space<vmem>>) target_semaphore(%run_scoped3A : memref<!tpu.dma_semaphore, #tpu.memory_space<semaphore_mem>>)
      %dma_wait3A = arith.constant 0 : i32
      %dma_wait3A_152 = tpu.memref_slice %arg2[%add3A_104, %dma_wait3A] : memref<10240x128xf32, #tpu.memory_space<hbm>> -> memref<64x128xf32, #tpu.memory_space<hbm>>
      %dma_wait3A_153 = arith.constant 0 : i32
      %dma_wait3A_154 = tpu.memref_slice %arg2[%add3A_104, %dma_wait3A_153] : memref<10240x128xf32, #tpu.memory_space<hbm>> -> memref<64x128xf32, #tpu.memory_space<hbm>>
      tpu.wait_dma2 semaphore(%run_scoped3A : memref<!tpu.dma_semaphore, #tpu.memory_space<semaphore_mem>>) src(%dma_wait3A_154 : memref<64x128xf32, #tpu.memory_space<hbm>>) dst(%arg20 : memref<64x128xf32, #tpu.memory_space<vmem>>)
      tpu.yield
    }) : () -> ()
    %mul3A_105 = arith.constant 16 : i32
    %mul3A_106 = arith.muli %add3A_104, %mul3A_105 : i32
    "tpu.region"() ({
      %run_scoped3A = tpu.sem_alloc : memref<!tpu.dma_semaphore, #tpu.memory_space<semaphore_mem>>
      %dma_start3A = tpu.memref_slice %arg10[%mul3A_106] : memref<163840xf32, #tpu.memory_space<vmem_shared>> -> memref<1024xf32, #tpu.memory_space<vmem_shared>>
      %dma_start3A_149 = tpu.memref_slice %arg10[%mul3A_106] : memref<163840xf32, #tpu.memory_space<vmem_shared>> -> memref<1024xf32, #tpu.memory_space<vmem_shared>>
      tpu.enqueue_dma source(%dma_start3A_149 : memref<1024xf32, #tpu.memory_space<vmem_shared>>) target(%arg21 : memref<1024xf32, #tpu.memory_space<vmem>>) target_semaphore(%run_scoped3A : memref<!tpu.dma_semaphore, #tpu.memory_space<semaphore_mem>>)
      %dma_wait3A = tpu.memref_slice %arg10[%mul3A_106] : memref<163840xf32, #tpu.memory_space<vmem_shared>> -> memref<1024xf32, #tpu.memory_space<vmem_shared>>
      %dma_wait3A_150 = tpu.memref_slice %arg10[%mul3A_106] : memref<163840xf32, #tpu.memory_space<vmem_shared>> -> memref<1024xf32, #tpu.memory_space<vmem_shared>>
      tpu.wait_dma2 semaphore(%run_scoped3A : memref<!tpu.dma_semaphore, #tpu.memory_space<semaphore_mem>>) src(%dma_wait3A_150 : memref<1024xf32, #tpu.memory_space<vmem_shared>>) dst(%arg21 : memref<1024xf32, #tpu.memory_space<vmem>>)
      tpu.yield
    }) : () -> ()
    %scan3A_107 = arith.constant 0 : i32
    %scan3A_108 = arith.constant 0 : i32
    %scan3A_109 = arith.constant 64 : i32
    %scan3A_110 = arith.addi %scan3A_108, %scan3A_109 : i32
    %scan3A_111 = arith.constant 1 : i32
    scf.for %scan3A_149 = %scan3A_108 to %scan3A_110 step %scan3A_111  : i32 {
      %broadcast_in_dim3A_150 = vector.broadcast %scan3A_149 : i32 to vector<16xi32>
      %add3A_151 = arith.addi %add3A_104, %scan3A_149 : i32
      %broadcast_in_dim3A_152 = vector.broadcast %add3A_151 : i32 to vector<16xi32>
      %gather3A = tpu.vector_load_idx %arg11[%broadcast_in_dim3A_152] : memref<10240xf32, #tpu.memory_space<vmem>>[vector<16xi32>], vector<16xf32>,
      %add3A_153 = arith.constant 0 : i32
      %add3A_154 = vector.broadcast %add3A_153 : i32 to vector<16xi32>
      %add3A_155 = arith.addi %iota3A, %add3A_154 : vector<16xi32>
      %mul3A_156 = arith.constant 16 : i32
      %mul3A_157 = arith.muli %scan3A_149, %mul3A_156 : i32
      %broadcast_in_dim3A_158 = vector.broadcast %mul3A_157 : i32 to vector<16xi32>
      %add3A_159 = arith.addi %broadcast_in_dim3A_158, %add3A_155 : vector<16xi32>
      %gather3A_160 = tpu.vector_load_idx %arg21[%add3A_159] : memref<1024xf32, #tpu.memory_space<vmem>>[vector<16xi32>], vector<16xf32>,
      %gather3A_161 = tpu.vector_load_idx %arg20[%broadcast_in_dim3A_150, %add3A_155] : memref<64x128xf32, #tpu.memory_space<vmem>>[vector<16xi32>, vector<16xi32>], vector<16xf32>,
      %mul3A_162 = arith.mulf %broadcast_in_dim3A, %gather3A : vector<16xf32>
      %mul3A_163 = arith.mulf %mul3A_162, %gather3A_161 : vector<16xf32>
      %add3A_164 = arith.addf %gather3A_160, %mul3A_163 : vector<16xf32>
      %mul3A_165 = arith.mulf %gather3A, %add3A_164 : vector<16xf32>
      tpu.vector_store_idx %arg22[%broadcast_in_dim3A_150, %add3A_155], %mul3A_165 : memref<64x128xf32, #tpu.memory_space<vmem>>[vector<16xi32>, vector<16xi32>], vector<16xf32>,
    }
    %scan3A_112 = arith.constant 64 : i32
    "tpu.region"() ({
      %run_scoped3A = tpu.sem_alloc : memref<!tpu.dma_semaphore, #tpu.memory_space<semaphore_mem>>
      %dma_start3A = arith.constant 0 : i32
      %dma_start3A_149 = tpu.memref_slice %arg9[%arg0, %add3A_104, %dma_start3A] : memref<2x10240x128xf32, #tpu.memory_space<hbm>> -> memref<1x64x128xf32, #tpu.memory_space<hbm>>
      %dma_start3A_150 = tpu.memref_squeeze %dma_start3A_149 : memref<1x64x128xf32, #tpu.memory_space<hbm>> -> memref<64x128xf32, #tpu.memory_space<hbm>>
      %dma_start3A_151 = arith.constant 0 : i32
      %dma_start3A_152 = tpu.memref_slice %arg9[%arg0, %add3A_104, %dma_start3A_151] : memref<2x10240x128xf32, #tpu.memory_space<hbm>> -> memref<1x64x128xf32, #tpu.memory_space<hbm>>
      %dma_start3A_153 = tpu.memref_squeeze %dma_start3A_152 : memref<1x64x128xf32, #tpu.memory_space<hbm>> -> memref<64x128xf32, #tpu.memory_space<hbm>>
      tpu.enqueue_dma source(%arg22 : memref<64x128xf32, #tpu.memory_space<vmem>>) target(%dma_start3A_153 : memref<64x128xf32, #tpu.memory_space<hbm>>) target_semaphore(%run_scoped3A : memref<!tpu.dma_semaphore, #tpu.memory_space<semaphore_mem>>)
      %dma_wait3A = arith.constant 0 : i32
      %dma_wait3A_154 = tpu.memref_slice %arg9[%arg0, %add3A_104, %dma_wait3A] : memref<2x10240x128xf32, #tpu.memory_space<hbm>> -> memref<1x64x128xf32, #tpu.memory_space<hbm>>
      %dma_wait3A_155 = tpu.memref_squeeze %dma_wait3A_154 : memref<1x64x128xf32, #tpu.memory_space<hbm>> -> memref<64x128xf32, #tpu.memory_space<hbm>>
      %dma_wait3A_156 = arith.constant 0 : i32
      %dma_wait3A_157 = tpu.memref_slice %arg9[%arg0, %add3A_104, %dma_wait3A_156] : memref<2x10240x128xf32, #tpu.memory_space<hbm>> -> memref<1x64x128xf32, #tpu.memory_space<hbm>>
      %dma_wait3A_158 = tpu.memref_squeeze %dma_wait3A_157 : memref<1x64x128xf32, #tpu.memory_space<hbm>> -> memref<64x128xf32, #tpu.memory_space<hbm>>
      tpu.wait_dma2 semaphore(%run_scoped3A : memref<!tpu.dma_semaphore, #tpu.memory_space<semaphore_mem>>) src(%arg22 : memref<64x128xf32, #tpu.memory_space<vmem>>) dst(%dma_wait3A_158 : memref<64x128xf32, #tpu.memory_space<hbm>>)
      tpu.yield
    }) : () -> ()
    %mul3A_113 = arith.constant 640 : i32
    %mul3A_114 = arith.muli %arg1, %mul3A_113 : i32
    %add3A_115 = arith.constant 448 : i32
    %add3A_116 = arith.addi %mul3A_114, %add3A_115 : i32
    "tpu.region"() ({
      %run_scoped3A = tpu.sem_alloc : memref<!tpu.dma_semaphore, #tpu.memory_space<semaphore_mem>>
      %dma_start3A = arith.constant 0 : i32
      %dma_start3A_149 = tpu.memref_slice %arg2[%add3A_116, %dma_start3A] : memref<10240x128xf32, #tpu.memory_space<hbm>> -> memref<64x128xf32, #tpu.memory_space<hbm>>
      %dma_start3A_150 = arith.constant 0 : i32
      %dma_start3A_151 = tpu.memref_slice %arg2[%add3A_116, %dma_start3A_150] : memref<10240x128xf32, #tpu.memory_space<hbm>> -> memref<64x128xf32, #tpu.memory_space<hbm>>
      tpu.enqueue_dma source(%dma_start3A_151 : memref<64x128xf32, #tpu.memory_space<hbm>>) target(%arg20 : memref<64x128xf32, #tpu.memory_space<vmem>>) target_semaphore(%run_scoped3A : memref<!tpu.dma_semaphore, #tpu.memory_space<semaphore_mem>>)
      %dma_wait3A = arith.constant 0 : i32
      %dma_wait3A_152 = tpu.memref_slice %arg2[%add3A_116, %dma_wait3A] : memref<10240x128xf32, #tpu.memory_space<hbm>> -> memref<64x128xf32, #tpu.memory_space<hbm>>
      %dma_wait3A_153 = arith.constant 0 : i32
      %dma_wait3A_154 = tpu.memref_slice %arg2[%add3A_116, %dma_wait3A_153] : memref<10240x128xf32, #tpu.memory_space<hbm>> -> memref<64x128xf32, #tpu.memory_space<hbm>>
      tpu.wait_dma2 semaphore(%run_scoped3A : memref<!tpu.dma_semaphore, #tpu.memory_space<semaphore_mem>>) src(%dma_wait3A_154 : memref<64x128xf32, #tpu.memory_space<hbm>>) dst(%arg20 : memref<64x128xf32, #tpu.memory_space<vmem>>)
      tpu.yield
    }) : () -> ()
    %mul3A_117 = arith.constant 16 : i32
    %mul3A_118 = arith.muli %add3A_116, %mul3A_117 : i32
    "tpu.region"() ({
      %run_scoped3A = tpu.sem_alloc : memref<!tpu.dma_semaphore, #tpu.memory_space<semaphore_mem>>
      %dma_start3A = tpu.memref_slice %arg10[%mul3A_118] : memref<163840xf32, #tpu.memory_space<vmem_shared>> -> memref<1024xf32, #tpu.memory_space<vmem_shared>>
      %dma_start3A_149 = tpu.memref_slice %arg10[%mul3A_118] : memref<163840xf32, #tpu.memory_space<vmem_shared>> -> memref<1024xf32, #tpu.memory_space<vmem_shared>>
      tpu.enqueue_dma source(%dma_start3A_149 : memref<1024xf32, #tpu.memory_space<vmem_shared>>) target(%arg21 : memref<1024xf32, #tpu.memory_space<vmem>>) target_semaphore(%run_scoped3A : memref<!tpu.dma_semaphore, #tpu.memory_space<semaphore_mem>>)
      %dma_wait3A = tpu.memref_slice %arg10[%mul3A_118] : memref<163840xf32, #tpu.memory_space<vmem_shared>> -> memref<1024xf32, #tpu.memory_space<vmem_shared>>
      %dma_wait3A_150 = tpu.memref_slice %arg10[%mul3A_118] : memref<163840xf32, #tpu.memory_space<vmem_shared>> -> memref<1024xf32, #tpu.memory_space<vmem_shared>>
      tpu.wait_dma2 semaphore(%run_scoped3A : memref<!tpu.dma_semaphore, #tpu.memory_space<semaphore_mem>>) src(%dma_wait3A_150 : memref<1024xf32, #tpu.memory_space<vmem_shared>>) dst(%arg21 : memref<1024xf32, #tpu.memory_space<vmem>>)
      tpu.yield
    }) : () -> ()
    %scan3A_119 = arith.constant 0 : i32
    %scan3A_120 = arith.constant 0 : i32
    %scan3A_121 = arith.constant 64 : i32
    %scan3A_122 = arith.addi %scan3A_120, %scan3A_121 : i32
    %scan3A_123 = arith.constant 1 : i32
    scf.for %scan3A_149 = %scan3A_120 to %scan3A_122 step %scan3A_123  : i32 {
      %broadcast_in_dim3A_150 = vector.broadcast %scan3A_149 : i32 to vector<16xi32>
      %add3A_151 = arith.addi %add3A_116, %scan3A_149 : i32
      %broadcast_in_dim3A_152 = vector.broadcast %add3A_151 : i32 to vector<16xi32>
      %gather3A = tpu.vector_load_idx %arg11[%broadcast_in_dim3A_152] : memref<10240xf32, #tpu.memory_space<vmem>>[vector<16xi32>], vector<16xf32>,
      %add3A_153 = arith.constant 0 : i32
      %add3A_154 = vector.broadcast %add3A_153 : i32 to vector<16xi32>
      %add3A_155 = arith.addi %iota3A, %add3A_154 : vector<16xi32>
      %mul3A_156 = arith.constant 16 : i32
      %mul3A_157 = arith.muli %scan3A_149, %mul3A_156 : i32
      %broadcast_in_dim3A_158 = vector.broadcast %mul3A_157 : i32 to vector<16xi32>
      %add3A_159 = arith.addi %broadcast_in_dim3A_158, %add3A_155 : vector<16xi32>
      %gather3A_160 = tpu.vector_load_idx %arg21[%add3A_159] : memref<1024xf32, #tpu.memory_space<vmem>>[vector<16xi32>], vector<16xf32>,
      %gather3A_161 = tpu.vector_load_idx %arg20[%broadcast_in_dim3A_150, %add3A_155] : memref<64x128xf32, #tpu.memory_space<vmem>>[vector<16xi32>, vector<16xi32>], vector<16xf32>,
      %mul3A_162 = arith.mulf %broadcast_in_dim3A, %gather3A : vector<16xf32>
      %mul3A_163 = arith.mulf %mul3A_162, %gather3A_161 : vector<16xf32>
      %add3A_164 = arith.addf %gather3A_160, %mul3A_163 : vector<16xf32>
      %mul3A_165 = arith.mulf %gather3A, %add3A_164 : vector<16xf32>
      tpu.vector_store_idx %arg22[%broadcast_in_dim3A_150, %add3A_155], %mul3A_165 : memref<64x128xf32, #tpu.memory_space<vmem>>[vector<16xi32>, vector<16xi32>], vector<16xf32>,
    }
    %scan3A_124 = arith.constant 64 : i32
    "tpu.region"() ({
      %run_scoped3A = tpu.sem_alloc : memref<!tpu.dma_semaphore, #tpu.memory_space<semaphore_mem>>
      %dma_start3A = arith.constant 0 : i32
      %dma_start3A_149 = tpu.memref_slice %arg9[%arg0, %add3A_116, %dma_start3A] : memref<2x10240x128xf32, #tpu.memory_space<hbm>> -> memref<1x64x128xf32, #tpu.memory_space<hbm>>
      %dma_start3A_150 = tpu.memref_squeeze %dma_start3A_149 : memref<1x64x128xf32, #tpu.memory_space<hbm>> -> memref<64x128xf32, #tpu.memory_space<hbm>>
      %dma_start3A_151 = arith.constant 0 : i32
      %dma_start3A_152 = tpu.memref_slice %arg9[%arg0, %add3A_116, %dma_start3A_151] : memref<2x10240x128xf32, #tpu.memory_space<hbm>> -> memref<1x64x128xf32, #tpu.memory_space<hbm>>
      %dma_start3A_153 = tpu.memref_squeeze %dma_start3A_152 : memref<1x64x128xf32, #tpu.memory_space<hbm>> -> memref<64x128xf32, #tpu.memory_space<hbm>>
      tpu.enqueue_dma source(%arg22 : memref<64x128xf32, #tpu.memory_space<vmem>>) target(%dma_start3A_153 : memref<64x128xf32, #tpu.memory_space<hbm>>) target_semaphore(%run_scoped3A : memref<!tpu.dma_semaphore, #tpu.memory_space<semaphore_mem>>)
      %dma_wait3A = arith.constant 0 : i32
      %dma_wait3A_154 = tpu.memref_slice %arg9[%arg0, %add3A_116, %dma_wait3A] : memref<2x10240x128xf32, #tpu.memory_space<hbm>> -> memref<1x64x128xf32, #tpu.memory_space<hbm>>
      %dma_wait3A_155 = tpu.memref_squeeze %dma_wait3A_154 : memref<1x64x128xf32, #tpu.memory_space<hbm>> -> memref<64x128xf32, #tpu.memory_space<hbm>>
      %dma_wait3A_156 = arith.constant 0 : i32
      %dma_wait3A_157 = tpu.memref_slice %arg9[%arg0, %add3A_116, %dma_wait3A_156] : memref<2x10240x128xf32, #tpu.memory_space<hbm>> -> memref<1x64x128xf32, #tpu.memory_space<hbm>>
      %dma_wait3A_158 = tpu.memref_squeeze %dma_wait3A_157 : memref<1x64x128xf32, #tpu.memory_space<hbm>> -> memref<64x128xf32, #tpu.memory_space<hbm>>
      tpu.wait_dma2 semaphore(%run_scoped3A : memref<!tpu.dma_semaphore, #tpu.memory_space<semaphore_mem>>) src(%arg22 : memref<64x128xf32, #tpu.memory_space<vmem>>) dst(%dma_wait3A_158 : memref<64x128xf32, #tpu.memory_space<hbm>>)
      tpu.yield
    }) : () -> ()
    %mul3A_125 = arith.constant 640 : i32
    %mul3A_126 = arith.muli %arg1, %mul3A_125 : i32
    %add3A_127 = arith.constant 512 : i32
    %add3A_128 = arith.addi %mul3A_126, %add3A_127 : i32
    "tpu.region"() ({
      %run_scoped3A = tpu.sem_alloc : memref<!tpu.dma_semaphore, #tpu.memory_space<semaphore_mem>>
      %dma_start3A = arith.constant 0 : i32
      %dma_start3A_149 = tpu.memref_slice %arg2[%add3A_128, %dma_start3A] : memref<10240x128xf32, #tpu.memory_space<hbm>> -> memref<64x128xf32, #tpu.memory_space<hbm>>
      %dma_start3A_150 = arith.constant 0 : i32
      %dma_start3A_151 = tpu.memref_slice %arg2[%add3A_128, %dma_start3A_150] : memref<10240x128xf32, #tpu.memory_space<hbm>> -> memref<64x128xf32, #tpu.memory_space<hbm>>
      tpu.enqueue_dma source(%dma_start3A_151 : memref<64x128xf32, #tpu.memory_space<hbm>>) target(%arg20 : memref<64x128xf32, #tpu.memory_space<vmem>>) target_semaphore(%run_scoped3A : memref<!tpu.dma_semaphore, #tpu.memory_space<semaphore_mem>>)
      %dma_wait3A = arith.constant 0 : i32
      %dma_wait3A_152 = tpu.memref_slice %arg2[%add3A_128, %dma_wait3A] : memref<10240x128xf32, #tpu.memory_space<hbm>> -> memref<64x128xf32, #tpu.memory_space<hbm>>
      %dma_wait3A_153 = arith.constant 0 : i32
      %dma_wait3A_154 = tpu.memref_slice %arg2[%add3A_128, %dma_wait3A_153] : memref<10240x128xf32, #tpu.memory_space<hbm>> -> memref<64x128xf32, #tpu.memory_space<hbm>>
      tpu.wait_dma2 semaphore(%run_scoped3A : memref<!tpu.dma_semaphore, #tpu.memory_space<semaphore_mem>>) src(%dma_wait3A_154 : memref<64x128xf32, #tpu.memory_space<hbm>>) dst(%arg20 : memref<64x128xf32, #tpu.memory_space<vmem>>)
      tpu.yield
    }) : () -> ()
    %mul3A_129 = arith.constant 16 : i32
    %mul3A_130 = arith.muli %add3A_128, %mul3A_129 : i32
    "tpu.region"() ({
      %run_scoped3A = tpu.sem_alloc : memref<!tpu.dma_semaphore, #tpu.memory_space<semaphore_mem>>
      %dma_start3A = tpu.memref_slice %arg10[%mul3A_130] : memref<163840xf32, #tpu.memory_space<vmem_shared>> -> memref<1024xf32, #tpu.memory_space<vmem_shared>>
      %dma_start3A_149 = tpu.memref_slice %arg10[%mul3A_130] : memref<163840xf32, #tpu.memory_space<vmem_shared>> -> memref<1024xf32, #tpu.memory_space<vmem_shared>>
      tpu.enqueue_dma source(%dma_start3A_149 : memref<1024xf32, #tpu.memory_space<vmem_shared>>) target(%arg21 : memref<1024xf32, #tpu.memory_space<vmem>>) target_semaphore(%run_scoped3A : memref<!tpu.dma_semaphore, #tpu.memory_space<semaphore_mem>>)
      %dma_wait3A = tpu.memref_slice %arg10[%mul3A_130] : memref<163840xf32, #tpu.memory_space<vmem_shared>> -> memref<1024xf32, #tpu.memory_space<vmem_shared>>
      %dma_wait3A_150 = tpu.memref_slice %arg10[%mul3A_130] : memref<163840xf32, #tpu.memory_space<vmem_shared>> -> memref<1024xf32, #tpu.memory_space<vmem_shared>>
      tpu.wait_dma2 semaphore(%run_scoped3A : memref<!tpu.dma_semaphore, #tpu.memory_space<semaphore_mem>>) src(%dma_wait3A_150 : memref<1024xf32, #tpu.memory_space<vmem_shared>>) dst(%arg21 : memref<1024xf32, #tpu.memory_space<vmem>>)
      tpu.yield
    }) : () -> ()
    %scan3A_131 = arith.constant 0 : i32
    %scan3A_132 = arith.constant 0 : i32
    %scan3A_133 = arith.constant 64 : i32
    %scan3A_134 = arith.addi %scan3A_132, %scan3A_133 : i32
    %scan3A_135 = arith.constant 1 : i32
    scf.for %scan3A_149 = %scan3A_132 to %scan3A_134 step %scan3A_135  : i32 {
      %broadcast_in_dim3A_150 = vector.broadcast %scan3A_149 : i32 to vector<16xi32>
      %add3A_151 = arith.addi %add3A_128, %scan3A_149 : i32
      %broadcast_in_dim3A_152 = vector.broadcast %add3A_151 : i32 to vector<16xi32>
      %gather3A = tpu.vector_load_idx %arg11[%broadcast_in_dim3A_152] : memref<10240xf32, #tpu.memory_space<vmem>>[vector<16xi32>], vector<16xf32>,
      %add3A_153 = arith.constant 0 : i32
      %add3A_154 = vector.broadcast %add3A_153 : i32 to vector<16xi32>
      %add3A_155 = arith.addi %iota3A, %add3A_154 : vector<16xi32>
      %mul3A_156 = arith.constant 16 : i32
      %mul3A_157 = arith.muli %scan3A_149, %mul3A_156 : i32
      %broadcast_in_dim3A_158 = vector.broadcast %mul3A_157 : i32 to vector<16xi32>
      %add3A_159 = arith.addi %broadcast_in_dim3A_158, %add3A_155 : vector<16xi32>
      %gather3A_160 = tpu.vector_load_idx %arg21[%add3A_159] : memref<1024xf32, #tpu.memory_space<vmem>>[vector<16xi32>], vector<16xf32>,
      %gather3A_161 = tpu.vector_load_idx %arg20[%broadcast_in_dim3A_150, %add3A_155] : memref<64x128xf32, #tpu.memory_space<vmem>>[vector<16xi32>, vector<16xi32>], vector<16xf32>,
      %mul3A_162 = arith.mulf %broadcast_in_dim3A, %gather3A : vector<16xf32>
      %mul3A_163 = arith.mulf %mul3A_162, %gather3A_161 : vector<16xf32>
      %add3A_164 = arith.addf %gather3A_160, %mul3A_163 : vector<16xf32>
      %mul3A_165 = arith.mulf %gather3A, %add3A_164 : vector<16xf32>
      tpu.vector_store_idx %arg22[%broadcast_in_dim3A_150, %add3A_155], %mul3A_165 : memref<64x128xf32, #tpu.memory_space<vmem>>[vector<16xi32>, vector<16xi32>], vector<16xf32>,
    }
    %scan3A_136 = arith.constant 64 : i32
    "tpu.region"() ({
      %run_scoped3A = tpu.sem_alloc : memref<!tpu.dma_semaphore, #tpu.memory_space<semaphore_mem>>
      %dma_start3A = arith.constant 0 : i32
      %dma_start3A_149 = tpu.memref_slice %arg9[%arg0, %add3A_128, %dma_start3A] : memref<2x10240x128xf32, #tpu.memory_space<hbm>> -> memref<1x64x128xf32, #tpu.memory_space<hbm>>
      %dma_start3A_150 = tpu.memref_squeeze %dma_start3A_149 : memref<1x64x128xf32, #tpu.memory_space<hbm>> -> memref<64x128xf32, #tpu.memory_space<hbm>>
      %dma_start3A_151 = arith.constant 0 : i32
      %dma_start3A_152 = tpu.memref_slice %arg9[%arg0, %add3A_128, %dma_start3A_151] : memref<2x10240x128xf32, #tpu.memory_space<hbm>> -> memref<1x64x128xf32, #tpu.memory_space<hbm>>
      %dma_start3A_153 = tpu.memref_squeeze %dma_start3A_152 : memref<1x64x128xf32, #tpu.memory_space<hbm>> -> memref<64x128xf32, #tpu.memory_space<hbm>>
      tpu.enqueue_dma source(%arg22 : memref<64x128xf32, #tpu.memory_space<vmem>>) target(%dma_start3A_153 : memref<64x128xf32, #tpu.memory_space<hbm>>) target_semaphore(%run_scoped3A : memref<!tpu.dma_semaphore, #tpu.memory_space<semaphore_mem>>)
      %dma_wait3A = arith.constant 0 : i32
      %dma_wait3A_154 = tpu.memref_slice %arg9[%arg0, %add3A_128, %dma_wait3A] : memref<2x10240x128xf32, #tpu.memory_space<hbm>> -> memref<1x64x128xf32, #tpu.memory_space<hbm>>
      %dma_wait3A_155 = tpu.memref_squeeze %dma_wait3A_154 : memref<1x64x128xf32, #tpu.memory_space<hbm>> -> memref<64x128xf32, #tpu.memory_space<hbm>>
      %dma_wait3A_156 = arith.constant 0 : i32
      %dma_wait3A_157 = tpu.memref_slice %arg9[%arg0, %add3A_128, %dma_wait3A_156] : memref<2x10240x128xf32, #tpu.memory_space<hbm>> -> memref<1x64x128xf32, #tpu.memory_space<hbm>>
      %dma_wait3A_158 = tpu.memref_squeeze %dma_wait3A_157 : memref<1x64x128xf32, #tpu.memory_space<hbm>> -> memref<64x128xf32, #tpu.memory_space<hbm>>
      tpu.wait_dma2 semaphore(%run_scoped3A : memref<!tpu.dma_semaphore, #tpu.memory_space<semaphore_mem>>) src(%arg22 : memref<64x128xf32, #tpu.memory_space<vmem>>) dst(%dma_wait3A_158 : memref<64x128xf32, #tpu.memory_space<hbm>>)
      tpu.yield
    }) : () -> ()
    %mul3A_137 = arith.constant 640 : i32
    %mul3A_138 = arith.muli %arg1, %mul3A_137 : i32
    %add3A_139 = arith.constant 576 : i32
    %add3A_140 = arith.addi %mul3A_138, %add3A_139 : i32
    "tpu.region"() ({
      %run_scoped3A = tpu.sem_alloc : memref<!tpu.dma_semaphore, #tpu.memory_space<semaphore_mem>>
      %dma_start3A = arith.constant 0 : i32
      %dma_start3A_149 = tpu.memref_slice %arg2[%add3A_140, %dma_start3A] : memref<10240x128xf32, #tpu.memory_space<hbm>> -> memref<64x128xf32, #tpu.memory_space<hbm>>
      %dma_start3A_150 = arith.constant 0 : i32
      %dma_start3A_151 = tpu.memref_slice %arg2[%add3A_140, %dma_start3A_150] : memref<10240x128xf32, #tpu.memory_space<hbm>> -> memref<64x128xf32, #tpu.memory_space<hbm>>
      tpu.enqueue_dma source(%dma_start3A_151 : memref<64x128xf32, #tpu.memory_space<hbm>>) target(%arg20 : memref<64x128xf32, #tpu.memory_space<vmem>>) target_semaphore(%run_scoped3A : memref<!tpu.dma_semaphore, #tpu.memory_space<semaphore_mem>>)
      %dma_wait3A = arith.constant 0 : i32
      %dma_wait3A_152 = tpu.memref_slice %arg2[%add3A_140, %dma_wait3A] : memref<10240x128xf32, #tpu.memory_space<hbm>> -> memref<64x128xf32, #tpu.memory_space<hbm>>
      %dma_wait3A_153 = arith.constant 0 : i32
      %dma_wait3A_154 = tpu.memref_slice %arg2[%add3A_140, %dma_wait3A_153] : memref<10240x128xf32, #tpu.memory_space<hbm>> -> memref<64x128xf32, #tpu.memory_space<hbm>>
      tpu.wait_dma2 semaphore(%run_scoped3A : memref<!tpu.dma_semaphore, #tpu.memory_space<semaphore_mem>>) src(%dma_wait3A_154 : memref<64x128xf32, #tpu.memory_space<hbm>>) dst(%arg20 : memref<64x128xf32, #tpu.memory_space<vmem>>)
      tpu.yield
    }) : () -> ()
    %mul3A_141 = arith.constant 16 : i32
    %mul3A_142 = arith.muli %add3A_140, %mul3A_141 : i32
    "tpu.region"() ({
      %run_scoped3A = tpu.sem_alloc : memref<!tpu.dma_semaphore, #tpu.memory_space<semaphore_mem>>
      %dma_start3A = tpu.memref_slice %arg10[%mul3A_142] : memref<163840xf32, #tpu.memory_space<vmem_shared>> -> memref<1024xf32, #tpu.memory_space<vmem_shared>>
      %dma_start3A_149 = tpu.memref_slice %arg10[%mul3A_142] : memref<163840xf32, #tpu.memory_space<vmem_shared>> -> memref<1024xf32, #tpu.memory_space<vmem_shared>>
      tpu.enqueue_dma source(%dma_start3A_149 : memref<1024xf32, #tpu.memory_space<vmem_shared>>) target(%arg21 : memref<1024xf32, #tpu.memory_space<vmem>>) target_semaphore(%run_scoped3A : memref<!tpu.dma_semaphore, #tpu.memory_space<semaphore_mem>>)
      %dma_wait3A = tpu.memref_slice %arg10[%mul3A_142] : memref<163840xf32, #tpu.memory_space<vmem_shared>> -> memref<1024xf32, #tpu.memory_space<vmem_shared>>
      %dma_wait3A_150 = tpu.memref_slice %arg10[%mul3A_142] : memref<163840xf32, #tpu.memory_space<vmem_shared>> -> memref<1024xf32, #tpu.memory_space<vmem_shared>>
      tpu.wait_dma2 semaphore(%run_scoped3A : memref<!tpu.dma_semaphore, #tpu.memory_space<semaphore_mem>>) src(%dma_wait3A_150 : memref<1024xf32, #tpu.memory_space<vmem_shared>>) dst(%arg21 : memref<1024xf32, #tpu.memory_space<vmem>>)
      tpu.yield
    }) : () -> ()
    %scan3A_143 = arith.constant 0 : i32
    %scan3A_144 = arith.constant 0 : i32
    %scan3A_145 = arith.constant 64 : i32
    %scan3A_146 = arith.addi %scan3A_144, %scan3A_145 : i32
    %scan3A_147 = arith.constant 1 : i32
    scf.for %scan3A_149 = %scan3A_144 to %scan3A_146 step %scan3A_147  : i32 {
      %broadcast_in_dim3A_150 = vector.broadcast %scan3A_149 : i32 to vector<16xi32>
      %add3A_151 = arith.addi %add3A_140, %scan3A_149 : i32
      %broadcast_in_dim3A_152 = vector.broadcast %add3A_151 : i32 to vector<16xi32>
      %gather3A = tpu.vector_load_idx %arg11[%broadcast_in_dim3A_152] : memref<10240xf32, #tpu.memory_space<vmem>>[vector<16xi32>], vector<16xf32>,
      %add3A_153 = arith.constant 0 : i32
      %add3A_154 = vector.broadcast %add3A_153 : i32 to vector<16xi32>
      %add3A_155 = arith.addi %iota3A, %add3A_154 : vector<16xi32>
      %mul3A_156 = arith.constant 16 : i32
      %mul3A_157 = arith.muli %scan3A_149, %mul3A_156 : i32
      %broadcast_in_dim3A_158 = vector.broadcast %mul3A_157 : i32 to vector<16xi32>
      %add3A_159 = arith.addi %broadcast_in_dim3A_158, %add3A_155 : vector<16xi32>
      %gather3A_160 = tpu.vector_load_idx %arg21[%add3A_159] : memref<1024xf32, #tpu.memory_space<vmem>>[vector<16xi32>], vector<16xf32>,
      %gather3A_161 = tpu.vector_load_idx %arg20[%broadcast_in_dim3A_150, %add3A_155] : memref<64x128xf32, #tpu.memory_space<vmem>>[vector<16xi32>, vector<16xi32>], vector<16xf32>,
      %mul3A_162 = arith.mulf %broadcast_in_dim3A, %gather3A : vector<16xf32>
      %mul3A_163 = arith.mulf %mul3A_162, %gather3A_161 : vector<16xf32>
      %add3A_164 = arith.addf %gather3A_160, %mul3A_163 : vector<16xf32>
      %mul3A_165 = arith.mulf %gather3A, %add3A_164 : vector<16xf32>
      tpu.vector_store_idx %arg22[%broadcast_in_dim3A_150, %add3A_155], %mul3A_165 : memref<64x128xf32, #tpu.memory_space<vmem>>[vector<16xi32>, vector<16xi32>], vector<16xf32>,
    }
    %scan3A_148 = arith.constant 64 : i32
    "tpu.region"() ({
      %run_scoped3A = tpu.sem_alloc : memref<!tpu.dma_semaphore, #tpu.memory_space<semaphore_mem>>
      %dma_start3A = arith.constant 0 : i32
      %dma_start3A_149 = tpu.memref_slice %arg9[%arg0, %add3A_140, %dma_start3A] : memref<2x10240x128xf32, #tpu.memory_space<hbm>> -> memref<1x64x128xf32, #tpu.memory_space<hbm>>
      %dma_start3A_150 = tpu.memref_squeeze %dma_start3A_149 : memref<1x64x128xf32, #tpu.memory_space<hbm>> -> memref<64x128xf32, #tpu.memory_space<hbm>>
      %dma_start3A_151 = arith.constant 0 : i32
      %dma_start3A_152 = tpu.memref_slice %arg9[%arg0, %add3A_140, %dma_start3A_151] : memref<2x10240x128xf32, #tpu.memory_space<hbm>> -> memref<1x64x128xf32, #tpu.memory_space<hbm>>
      %dma_start3A_153 = tpu.memref_squeeze %dma_start3A_152 : memref<1x64x128xf32, #tpu.memory_space<hbm>> -> memref<64x128xf32, #tpu.memory_space<hbm>>
      tpu.enqueue_dma source(%arg22 : memref<64x128xf32, #tpu.memory_space<vmem>>) target(%dma_start3A_153 : memref<64x128xf32, #tpu.memory_space<hbm>>) target_semaphore(%run_scoped3A : memref<!tpu.dma_semaphore, #tpu.memory_space<semaphore_mem>>)
      %dma_wait3A = arith.constant 0 : i32
      %dma_wait3A_154 = tpu.memref_slice %arg9[%arg0, %add3A_140, %dma_wait3A] : memref<2x10240x128xf32, #tpu.memory_space<hbm>> -> memref<1x64x128xf32, #tpu.memory_space<hbm>>
      %dma_wait3A_155 = tpu.memref_squeeze %dma_wait3A_154 : memref<1x64x128xf32, #tpu.memory_space<hbm>> -> memref<64x128xf32, #tpu.memory_space<hbm>>
      %dma_wait3A_156 = arith.constant 0 : i32
      %dma_wait3A_157 = tpu.memref_slice %arg9[%arg0, %add3A_140, %dma_wait3A_156] : memref<2x10240x128xf32, #tpu.memory_space<hbm>> -> memref<1x64x128xf32, #tpu.memory_space<hbm>>
      %dma_wait3A_158 = tpu.memref_squeeze %dma_wait3A_157 : memref<1x64x128xf32, #tpu.memory_space<hbm>> -> memref<64x128xf32, #tpu.memory_space<hbm>>
      tpu.wait_dma2 semaphore(%run_scoped3A : memref<!tpu.dma_semaphore, #tpu.memory_space<semaphore_mem>>) src(%arg22 : memref<64x128xf32, #tpu.memory_space<vmem>>) dst(%dma_wait3A_158 : memref<64x128xf32, #tpu.memory_space<hbm>>)
      tpu.yield
    }) : () -> ()
    return
  }
}

module attributes {stable_mosaic.version = 14 : i64} {
  func.func @_dense1_body(%arg0: memref<10240x128xf32, #tpu.memory_space<vmem>>, %arg1: memref<128x128xf32, #tpu.memory_space<vmem>>, %arg2: memref<10240xf32, #tpu.memory_space<vmem>>, %arg3: memref<10240xf32, #tpu.memory_space<vmem>>, %arg4: memref<10240x128xf32, #tpu.memory_space<vmem>>, %arg5: memref<10240xf32, #tpu.memory_space<vmem>>) attributes {dimension_semantics = [], scalar_prefetch = 0 : i64, scratch_operands = 0 : i64, tpu.core_type = #tpu.core_type<tc>} {
    %get3A = arith.constant 0 : index
    %get3A_0 = vector.load %arg2[%get3A] : memref<10240xf32, #tpu.memory_space<vmem>>, vector<10240xf32>
    %get3A_1 = arith.constant 0 : index
    %get3A_2 = vector.load %arg3[%get3A_1] : memref<10240xf32, #tpu.memory_space<vmem>>, vector<10240xf32>
    %add3A = arith.addf %get3A_0, %get3A_2 : vector<10240xf32>
    %add3A_3 = arith.constant 1.000000e+00 : f32
    %add3A_4 = vector.broadcast %add3A_3 : f32 to vector<10240xf32>
    %add3A_5 = arith.addf %add3A, %add3A_4 : vector<10240xf32>
    %rsqrt3A = math.rsqrt %add3A_5 : vector<10240xf32>
    %swap3A = arith.constant 0 : index
    %swap3A_6 = vector.load %arg5[%swap3A] : memref<10240xf32, #tpu.memory_space<vmem>>, vector<10240xf32>
    tpu.vector_store %arg5[%swap3A], %rsqrt3A {strides = array<i32>} : memref<10240xf32, #tpu.memory_space<vmem>>, vector<10240xf32>,
    %get3A_7 = arith.constant 0 : index
    %get3A_8 = arith.constant 0 : index
    %get3A_9 = vector.load %arg0[%get3A_7, %get3A_8] : memref<10240x128xf32, #tpu.memory_space<vmem>>, vector<10240x128xf32>
    %get3A_10 = arith.constant 0 : index
    %get3A_11 = arith.constant 0 : index
    %get3A_12 = vector.load %arg1[%get3A_10, %get3A_11] : memref<128x128xf32, #tpu.memory_space<vmem>>, vector<128x128xf32>
    %dot_general3A = arith.constant dense<0.000000e+00> : vector<10240x128xf32>
    %dot_general3A_13 = tpu.matmul %get3A_9, %get3A_12, %dot_general3A {dimension_numbers = #tpu.dot_dimension_numbers<[1], [0], [0], [1], [0, 0, 1, 1], [], []>, precision = #tpu.contract_precision<fp32>, transpose_lhs_hint = false} : vector<10240x128xf32>, vector<128x128xf32>, vector<10240x128xf32> -> vector<10240x128xf32>
    %swap3A_14 = arith.constant 0 : index
    %swap3A_15 = arith.constant 0 : index
    %swap3A_16 = vector.load %arg4[%swap3A_14, %swap3A_15] : memref<10240x128xf32, #tpu.memory_space<vmem>>, vector<10240x128xf32>
    tpu.vector_store %arg4[%swap3A_14, %swap3A_15], %dot_general3A_13 {strides = array<i32>} : memref<10240x128xf32, #tpu.memory_space<vmem>>, vector<10240x128xf32>,
    return
  }
}

module attributes {stable_mosaic.version = 14 : i64} {
  func.func @_dense2_body(%arg0: memref<2x10240x128xf32, #tpu.memory_space<vmem>>, %arg1: memref<128xf32, #tpu.memory_space<vmem>>, %arg2: memref<128x128xf32, #tpu.memory_space<vmem>>, %arg3: memref<10240x128xf32, #tpu.memory_space<vmem>>) attributes {dimension_semantics = [], scalar_prefetch = 0 : i64, scratch_operands = 0 : i64, tpu.core_type = #tpu.core_type<tc>} {
    %get3A = arith.constant 0 : index
    %get3A_0 = arith.constant 0 : index
    %get3A_1 = arith.constant 0 : index
    %get3A_2 = vector.load %arg0[%get3A, %get3A_0, %get3A_1] : memref<2x10240x128xf32, #tpu.memory_space<vmem>>, vector<1x10240x128xf32>
    %get3A_3 = vector.shape_cast %get3A_2 : vector<1x10240x128xf32> to vector<10240x128xf32>
    %get3A_4 = arith.constant 1 : index
    %get3A_5 = arith.constant 0 : index
    %get3A_6 = arith.constant 0 : index
    %get3A_7 = vector.load %arg0[%get3A_4, %get3A_5, %get3A_6] : memref<2x10240x128xf32, #tpu.memory_space<vmem>>, vector<1x10240x128xf32>
    %get3A_8 = vector.shape_cast %get3A_7 : vector<1x10240x128xf32> to vector<10240x128xf32>
    %add3A = arith.addf %get3A_3, %get3A_8 : vector<10240x128xf32>
    %get3A_9 = arith.constant 0 : index
    %get3A_10 = vector.load %arg1[%get3A_9] : memref<128xf32, #tpu.memory_space<vmem>>, vector<128xf32>
    %broadcast_in_dim3A = vector.shape_cast %get3A_10 : vector<128xf32> to vector<1x128xf32>
    %add3A_11 = vector.broadcast %broadcast_in_dim3A : vector<1x128xf32> to vector<10240x128xf32>
    %add3A_12 = arith.addf %add3A, %add3A_11 : vector<10240x128xf32>
    %max3A = arith.constant 0.000000e+00 : f32
    %max3A_13 = vector.broadcast %max3A : f32 to vector<10240x128xf32>
    %max3A_14 = arith.maximumf %add3A_12, %max3A_13 : vector<10240x128xf32>
    %get3A_15 = arith.constant 0 : index
    %get3A_16 = arith.constant 0 : index
    %get3A_17 = vector.load %arg2[%get3A_15, %get3A_16] : memref<128x128xf32, #tpu.memory_space<vmem>>, vector<128x128xf32>
    %dot_general3A = arith.constant dense<0.000000e+00> : vector<10240x128xf32>
    %dot_general3A_18 = tpu.matmul %max3A_14, %get3A_17, %dot_general3A {dimension_numbers = #tpu.dot_dimension_numbers<[1], [0], [0], [1], [0, 0, 1, 1], [], []>, precision = #tpu.contract_precision<fp32>, transpose_lhs_hint = false} : vector<10240x128xf32>, vector<128x128xf32>, vector<10240x128xf32> -> vector<10240x128xf32>
    %swap3A = arith.constant 0 : index
    %swap3A_19 = arith.constant 0 : index
    %swap3A_20 = vector.load %arg3[%swap3A, %swap3A_19] : memref<10240x128xf32, #tpu.memory_space<vmem>>, vector<10240x128xf32>
    tpu.vector_store %arg3[%swap3A, %swap3A_19], %dot_general3A_18 {strides = array<i32>} : memref<10240x128xf32, #tpu.memory_space<vmem>>, vector<10240x128xf32>,
    return
  }
}

module attributes {stable_mosaic.version = 14 : i64} {
  func.func @_dense3_body(%arg0: memref<2x10240x128xf32, #tpu.memory_space<vmem>>, %arg1: memref<128xf32, #tpu.memory_space<vmem>>, %arg2: memref<10240xi32, #tpu.memory_space<vmem>>, %arg3: memref<128x1xf32, #tpu.memory_space<vmem>>, %arg4: memref<1xf32, #tpu.memory_space<vmem>>, %arg5: memref<16x1xf32, #tpu.memory_space<vmem>>) attributes {dimension_semantics = [], scalar_prefetch = 0 : i64, scratch_operands = 0 : i64, tpu.core_type = #tpu.core_type<tc>} {
    %get3A = arith.constant 0 : index
    %get3A_0 = arith.constant 0 : index
    %get3A_1 = arith.constant 0 : index
    %get3A_2 = vector.load %arg0[%get3A, %get3A_0, %get3A_1] : memref<2x10240x128xf32, #tpu.memory_space<vmem>>, vector<1x10240x128xf32>
    %get3A_3 = vector.shape_cast %get3A_2 : vector<1x10240x128xf32> to vector<10240x128xf32>
    %get3A_4 = arith.constant 1 : index
    %get3A_5 = arith.constant 0 : index
    %get3A_6 = arith.constant 0 : index
    %get3A_7 = vector.load %arg0[%get3A_4, %get3A_5, %get3A_6] : memref<2x10240x128xf32, #tpu.memory_space<vmem>>, vector<1x10240x128xf32>
    %get3A_8 = vector.shape_cast %get3A_7 : vector<1x10240x128xf32> to vector<10240x128xf32>
    %add3A = arith.addf %get3A_3, %get3A_8 : vector<10240x128xf32>
    %get3A_9 = arith.constant 0 : index
    %get3A_10 = vector.load %arg1[%get3A_9] : memref<128xf32, #tpu.memory_space<vmem>>, vector<128xf32>
    %broadcast_in_dim3A = vector.shape_cast %get3A_10 : vector<128xf32> to vector<1x128xf32>
    %add3A_11 = vector.broadcast %broadcast_in_dim3A : vector<1x128xf32> to vector<10240x128xf32>
    %add3A_12 = arith.addf %add3A, %add3A_11 : vector<10240x128xf32>
    %max3A = arith.constant 0.000000e+00 : f32
    %max3A_13 = vector.broadcast %max3A : f32 to vector<10240x128xf32>
    %max3A_14 = arith.maximumf %add3A_12, %max3A_13 : vector<10240x128xf32>
    %iota3A = tpu.iota {dimensions = array<i32: 0>} : vector<16x10240xi32>
    %get3A_15 = arith.constant 0 : index
    %get3A_16 = vector.load %arg2[%get3A_15] : memref<10240xi32, #tpu.memory_space<vmem>>, vector<10240xi32>
    %broadcast_in_dim3A_17 = vector.shape_cast %get3A_16 : vector<10240xi32> to vector<1x10240xi32>
    %eq3A = vector.broadcast %broadcast_in_dim3A_17 : vector<1x10240xi32> to vector<16x10240xi32>
    %eq3A_18 = arith.cmpi eq, %iota3A, %eq3A : vector<16x10240xi32>
    %convert_element_type3A = arith.extui %eq3A_18 : vector<16x10240xi1> to vector<16x10240xi32>
    %convert_element_type3A_19 = arith.sitofp %convert_element_type3A : vector<16x10240xi32> to vector<16x10240xf32>
    %dot_general3A = arith.constant dense<0.000000e+00> : vector<16x128xf32>
    %dot_general3A_20 = tpu.matmul %convert_element_type3A_19, %max3A_14, %dot_general3A {dimension_numbers = #tpu.dot_dimension_numbers<[1], [0], [0], [1], [0, 0, 1, 1], [], []>, precision = #tpu.contract_precision<fp32>, transpose_lhs_hint = false} : vector<16x10240xf32>, vector<10240x128xf32>, vector<16x128xf32> -> vector<16x128xf32>
    %reduce_sum3A = arith.constant dense<0.000000e+00> : vector<16xf32>
    %reduce_sum3A_21 = vector.multi_reduction <add>, %convert_element_type3A_19, %reduce_sum3A [1] : vector<16x10240xf32> to vector<16xf32>
    %broadcast_in_dim3A_22 = vector.shape_cast %reduce_sum3A_21 : vector<16xf32> to vector<16x1xf32>
    %max3A_23 = arith.constant 1.000000e+00 : f32
    %max3A_24 = vector.broadcast %max3A_23 : f32 to vector<16x1xf32>
    %max3A_25 = arith.maximumf %broadcast_in_dim3A_22, %max3A_24 : vector<16x1xf32>
    %div3A = vector.broadcast %max3A_25 : vector<16x1xf32> to vector<16x128xf32>
    %div3A_26 = arith.divf %dot_general3A_20, %div3A : vector<16x128xf32>
    %get3A_27 = arith.constant 0 : index
    %get3A_28 = arith.constant 0 : index
    %get3A_29 = vector.load %arg3[%get3A_27, %get3A_28] : memref<128x1xf32, #tpu.memory_space<vmem>>, vector<128x1xf32>
    %dot_general3A_30 = arith.constant dense<0.000000e+00> : vector<16x1xf32>
    %dot_general3A_31 = tpu.matmul %div3A_26, %get3A_29, %dot_general3A_30 {dimension_numbers = #tpu.dot_dimension_numbers<[1], [0], [0], [1], [0, 0, 1, 1], [], []>, precision = #tpu.contract_precision<fp32>, transpose_lhs_hint = false} : vector<16x128xf32>, vector<128x1xf32>, vector<16x1xf32> -> vector<16x1xf32>
    %get3A_32 = arith.constant 0 : index
    %get3A_33 = vector.load %arg4[%get3A_32] : memref<1xf32, #tpu.memory_space<vmem>>, vector<1xf32>
    %broadcast_in_dim3A_34 = vector.shape_cast %get3A_33 : vector<1xf32> to vector<1x1xf32>
    %add3A_35 = vector.broadcast %broadcast_in_dim3A_34 : vector<1x1xf32> to vector<16x1xf32>
    %add3A_36 = arith.addf %dot_general3A_31, %add3A_35 : vector<16x1xf32>
    %swap3A = arith.constant 0 : index
    %swap3A_37 = arith.constant 0 : index
    %swap3A_38 = vector.load %arg5[%swap3A, %swap3A_37] : memref<16x1xf32, #tpu.memory_space<vmem>>, vector<16x1xf32>
    tpu.vector_store %arg5[%swap3A, %swap3A_37], %add3A_36 {strides = array<i32>} : memref<16x1xf32, #tpu.memory_space<vmem>>, vector<16x1xf32>,
    return
  }
}

</mosaic_0001>

<sc_bundles>
// kernel: kernel.11.cloned.1.call-start
scs
__scs_entry_jumppad:
0x0: {  	(pc) =	sbr.rel $0x88, $3  }
0x1: {  	(tag) =	ssettag $0x0;
	lr =	simm.s32 $0x1  }
0x2: {  	[smem:$0x3F97] =	sst lr;
	_ =	strace $0xD0000000  }
0x3: {  	_ = 	snop  }
0x4: {  	_ = 	snop  }
0x5: {  	_ = 	snop  }
0x6: {  	_ = 	snop  }
0x7: {  	_ = 	snop  }
__scs_overlays_trampoline_lowered:
0x8: {  	[smem:$0x3FA6] =	sst s0  }
0x9: {  	[smem:$0x3FA7] =	sst s1  }
0xa: {  	[smem:$0x3FA8] =	sst s2  }
0xb: {  	[smem:$0x3FA9] =	sst s3  }
0xc: {  	[smem:$0x3FAA] =	sst s4  }
0xd: {  	[smem:$0x3FAB] =	sst s5  }
0xe: {  	[smem:$0x3FAC] =	sst s6  }
0xf: {  	[smem:$0x3FAD] =	sst s7  }
0x10: {  	[smem:$0x3FAE] =	sst s8  }
0x11: {  	[smem:$0x3FAF] =	sst s9;
	s0 =	simm.s32 @!p0 $0x0  }
0x12: {  	s1 =	sld [smem:$0x3F95];
	s0 =	simm.s32 @p0 $0x1  }
0x13: {  	[smem:$0x3FB0] =	sst s0;
	s0 =	simm.s32 @!p1 $0x0  }
0x14: {  	s2 =	sld [smem:$0x3F94];
	s0 =	simm.s32 @p1 $0x1  }
0x15: {  	[smem:$0x3FB1] =	sst s0;
	s0 =	simm.s32 @!p2 $0x0  }
0x16: {  	s3 =	sld [smem:$0x3FDB];
	s0 =	simm.s32 @p2 $0x1  }
0x17: {  	s4 =	simm.s32 $0x1BF5;
	[smem:$0x3FB3] =	sst s0  }
0x18: {  	s0 =	sld [smem:$0x3F96];
	_ =	swait.ge [sflag:s4], $0x0  }
0x19: {  	s7 =	sld [smem:$0x3F97]  }
0x1a: {  	s8 =	sadd.s32 $0xFFFFE003, lr  }
0x1b: {  	s9 =	sadd.s32 $0xFFFFFEF7, lr;
	s5 =	simm.s32 $0xFFFFFFFF;
	p2 =	slt.u32 s8, $0xFFFFF086  }
0x1c: {  	p1 =	slt.u32 s9, $0xF7A;
	s5 =	simm.s32 @!p2 $0x0  }
0x1d: {  	s5 =	simm.s32 @p1 $0x1;
	p0 =	seq.s32 s7, s2  }
0x1e: {  	s7 =	smul.u32 @!p0 $0xF7A, s2;
	p2 =	seq.s32 @!p0 s5, $0x0  }
0x1f: {  	s9 =	smul.u32 $0xF7A, s1;
	s8 =	simm.s32 @!p0 $0x1BF5;
	p2 =	por !p2, p0  }
0x20: {  	[sflag:s8] =	ssyncset.s32 @!p0 $0xFFFFF086;
	s6 =	sadd.s32 @!p0 s3, s7;
	s7 =	simm.s32 @!p0 $0x108  }
0x21: {  	s3 =	sadd.s32 s3, s9;
	s6 =	sadd.s32 @!p0 $0x88, s6;
	s7 =	simm.s32 @p2 $0x1082  }
0x22: {  	[simem:s7], [sflag:s8] =	dma.local @!p0 [hbm:s6], $0xF7A  }
0x23: {  	s9 =	sor.u32 $0xD0000000, s2;
	s6 =	simm.s32 $0x108;
	_ =	swait.ge @!p0 [sflag:s8], $0x0  }
0x24: {  	s3 =	sadd.s32 $0x88, s3;
	s6 =	simm.s32 @!p1 $0x1082;
	[sflag:s4] =	ssyncset.s32 $0xFFFFF086  }
0x25: {  	[simem:s6], [sflag:s4] =	dma.local [hbm:s3], $0xF7A  }
0x26: {  	[smem:$0x3F97] =	sst s1;
	(tag) =	ssettag s2;
	_ =	strace s9  }
0x27: {  	s1 =	sld [smem:$0x3FA7]  }
0x28: {  	s2 =	sld [smem:$0x3FA8]  }
0x29: {  	s4 =	sld [smem:$0x3FAA]  }
0x2a: {  	p0 =	seq.s32 s5, $0x0;
	s5 =	sld [smem:$0x3FAB]  }
0x2b: {  	s6 =	sld [smem:$0x3FAC]  }
0x2c: {  	s7 =	sld [smem:$0x3FAD]  }
0x2d: {  	s3 =	simm.s32 $0x108;
	s8 =	sld [smem:$0x3FAE]  }
0x2e: {  	s3 =	simm.s32 @!p0 $0x1082;
	s9 =	sld [smem:$0x3FAF]  }
0x2f: {  	lr =	sadd.s32 s0, s3;
	s0 =	sld [smem:$0x3FA6]  }
0x30: {  	s3 =	sld [smem:$0x3FA9]  }
0x31: {  	[smem:$0x3FB2] =	sst s10  }
0x32: {  	s10 =	sld [smem:$0x3FB0];
	_ =	sdelay $0x3  }
0x33: {  	p0 =	seq.s32 s10, $0x1;
	s10 =	sld [smem:$0x3FB2];
	_ =	sdelay $0x3  }
0x34: {  	[smem:$0x3FB2] =	sst s10  }
0x35: {  	s10 =	sld [smem:$0x3FB1];
	_ =	sdelay $0x3  }
0x36: {  	p1 =	seq.s32 s10, $0x1;
	s10 =	sld [smem:$0x3FB2];
	_ =	sdelay $0x3  }
0x37: {  	[smem:$0x3FB2] =	sst s10  }
0x38: {  	s10 =	sld [smem:$0x3FB3]  }
0x39: {  	_ = 	snop;
	(pc) =	sbr.ind lr, $3  }
0x3a: {  	_ = 	snop  }
0x3b: {  	_ = 	snop  }
0x3c: {  	p2 =	seq.s32 s10, $0x1;
	s10 =	sld [smem:$0x3FB2]  }
0x3d: {  	_ =	shalt  }
0x3e: {  	_ =	shalt  }
0x3f: {  	_ =	shalt  }
0x40: {  	_ =	shalt  }
0x41: {  	_ =	shalt  }
0x42: {  	_ =	shalt  }
0x43: {  	_ =	shalt  }
0x44: {  	_ =	shalt  }
0x45: {  	_ =	shalt  }
0x46: {  	_ =	shalt  }
0x47: {  	_ =	shalt  }
0x48: {  	_ =	shalt  }
0x49: {  	_ =	shalt  }
0x4a: {  	_ =	shalt  }
0x4b: {  	_ =	shalt  }
0x4c: {  	_ =	shalt  }
0x4d: {  	_ =	shalt  }
0x4e: {  	_ =	shalt  }
0x4f: {  	_ =	shalt  }
0x50: {  	_ =	shalt  }
0x51: {  	_ =	shalt  }
0x52: {  	_ =	shalt  }
0x53: {  	_ =	shalt  }
0x54: {  	_ =	shalt  }
0x55: {  	_ =	shalt  }
0x56: {  	_ =	shalt  }
0x57: {  	_ =	shalt  }
0x58: {  	_ =	shalt  }
0x59: {  	_ =	shalt  }
0x5a: {  	_ =	shalt  }
0x5b: {  	_ =	shalt  }
0x5c: {  	_ =	shalt  }
0x5d: {  	_ =	shalt  }
0x5e: {  	_ =	shalt  }
0x5f: {  	_ =	shalt  }
0x60: {  	_ =	shalt  }
0x61: {  	_ =	shalt  }
0x62: {  	_ =	shalt  }
0x63: {  	_ =	shalt  }
0x64: {  	_ =	shalt  }
0x65: {  	_ =	shalt  }
0x66: {  	_ =	shalt  }
0x67: {  	_ =	shalt  }
0x68: {  	_ =	shalt  }
0x69: {  	_ =	shalt  }
0x6a: {  	_ =	shalt  }
0x6b: {  	_ =	shalt  }
0x6c: {  	_ =	shalt  }
0x6d: {  	_ =	shalt  }
0x6e: {  	_ =	shalt  }
0x6f: {  	_ =	shalt  }
0x70: {  	_ =	shalt  }
0x71: {  	_ =	shalt  }
0x72: {  	_ =	shalt  }
0x73: {  	_ =	shalt  }
0x74: {  	_ =	shalt  }
0x75: {  	_ =	shalt  }
0x76: {  	_ =	shalt  }
0x77: {  	_ =	shalt  }
0x78: {  	_ =	shalt  }
0x79: {  	_ =	shalt  }
0x7a: {  	_ =	shalt  }
0x7b: {  	_ =	shalt  }
0x7c: {  	_ =	shalt  }
0x7d: {  	_ =	shalt  }
0x7e: {  	_ =	shalt  }
0x7f: {  	_ =	shalt  }
0x80: {  	_ =	shalt  }
0x81: {  	_ =	shalt  }
0x82: {  	_ =	shalt  }
0x83: {  	_ =	shalt  }
0x84: {  	_ =	shalt  }
0x85: {  	_ =	shalt  }
0x86: {  	_ =	shalt  }
0x87: {  	_ =	shalt  }
.Lfunc_end0:
.L_simem_size_0:
called_computation.1_lowered:
.L_overlay_start_0:
0x88: {  	s2 =	sld [smem:$0x3FD9]  }
0x89: {  	s3 =	sld [smem:$0x3FFE];
	_ =	sdelay $0x1  }
0x8a: {  	s1 =	srdreg.scid  }
0x8b: {  	s0 =	sand.u32 $0x1, s1  }
0x8c: {  	s16 =	sshll.u32 s0, $0xA;
	s2 =	sadd.s32 s3, s2  }
0x8d: {  	s2 =	sadd.s32 s2, s16  }
0x8e: {  	[smem:$0x3FBE] =	sst s2  }
0x8f: {  	_ = 	snop  }
0x90: {  	(tm) =	ssettm $0x1  }
0x91: {  	s17 =	sld [smem:$0x3FFB];
	_ =	sdelay $0x3  }
0x92: {  	_ =	strace s17  }
0x93: {  	s2 =	sld [smem:$0x3FFC];
	_ =	sdelay $0x3  }
0x94: {  	_ =	strace s2  }
0x95: {  	s2 =	sld [smem:$0x3FFD];
	_ =	sdelay $0x3  }
0x96: {  	_ =	strace s2  }
0x97: {  	_ =	strace $0x8FFFFFFF  }
0x98: {  	s18 =	sld [smem:$0x3FDB];
	_ =	sdelay $0x1  }
0x99: {  	s19 =	simm.s32 $_scs_section_size  }
0x9a: {  	s4 =	simm.s32 $_size__tile_overlayer_lowered;
	s5 =	simm.s32 $_tile_overlayer_lowered  }
0x9b: {  	s22 =	simm.s32 $0x1BFF;
	s21 =	sshll.u32 s5, $0x1;
	s2 =	sadd.s32 s19, s18  }
0x9c: {  	s6 =	simm.s32 $0x0;
	s20 =	sshll.u32 s4, $0x1;
	s4 =	sadd.s32 s21, s2  }
0x9d: {  	[timem:s6], [sflag:s22] =	dma.local [hbm:s4], s20  }
0x9e: {  	_ =	swait.ge [sflag:s22], s20  }
0x9f: {  	s3 =	ssub.s32 $0x0, s20;
	[sflag:s22] =	ssyncset.done $0x0  }
0xa0: {  	[sflag:s22] =	ssyncadd.s32 s3;
	_ =	sdelay $0x1  }
0xa1: {  	s23 =	simm.s32 $0x1B8B  }
0xa2: {  	_ =	swait.ge [sflag:s23], $0x1  }
0xa3: {  	[sflag:s23] =	ssyncset.done $0x0  }
0xa4: {  	s25 =	simm.s32 $0x1B8E;
	s24 =	sld [smem:$0x3FFE];
	[sflag:s23] =	ssyncadd.s32 $0xFFFFFFFF  }
0xa5: {  	s26 =	simm.s32 $execute0_lowered;
	[smem:$0x3FD2] =	sst s25  }
0xa6: {  	s4 =	sshll.u32 s26, $0x1;
	_ =	strace $0x80000049;
	[dreg:$0x1] =	wrdreg $0xFFFFFFFF  }
0xa7: {  	s28 =	simm.s32 $_size_execute0_lowered;
	s2 =	sadd.s32 s2, s4;
	[dreg:$0x0] =	wrdreg $0x0  }
0xa8: {  	s4 =	sshll.u32 s28, $0x1;
	[dreg:$0x2] =	wrdreg s2  }
0xa9: {  	[dreg:$0x3] =	wrdreg s4  }
0xaa: {  	[dreg:$0x4] =	wrdreg $0xC0  }
0xab: {  	_ =	task [dreg:s6], $0x5FFFF  }
0xac: {  	[dreg:$0x1] =	wrdreg $0xFFFFFFFF  }
0xad: {  	[dreg:$0x0] =	wrdreg $0x60  }
0xae: {  	[dreg:$0x2] =	wrdreg s24  }
0xaf: {  	[dreg:$0x3] =	wrdreg $0x0  }
0xb0: {  	[dreg:$0x4] =	wrdreg $0x9  }
0xb1: {  	_ =	task.clear_ibuf [dreg:s6], $0x5FFFF;
	_ =	strace $0x90000049  }
0xb2: {  	s29 =	simm.s32 $0x9;
	_ =	strace $0x8000004B  }
0xb3: {  	_ =	swait.ge [sflag:s29], $0x1  }
0xb4: {  	[sflag:s29] =	ssyncadd.s32 $0xFFFFFFFF  }
0xb5: {  	_ =	strace $0x9000004B  }
0xb6: {  	_ =	sfence  }
0xb7: {  	s30 =	sld [smem:$0x0];
	_ =	sdelay $0x2  }
0xb8: {  	s31 =	sshll.u32 s1, $0xD;
	s1 =	sshrl.u32 s1, $0x2  }
0xb9: {  	s3 =	sand.u32 $0x4000, s31;
	s1 =	sadd.s32 s1, s30  }
0xba: {  	s0 =	sor.u32 s3, s0;
	s1 =	sshll.u32 s1, $0x11  }
0xbb: {  	s0 =	sor.u32 s1, s0  }
0xbc: {  	s0 =	sadd.s32 $0x8F2B, s0  }
0xbd: {  	[sflag:s0] =	ssyncadd.remote.s32 $0x1  }
0xbe: {  	_ =	sfence.sel $0xFFFF  }
0xbf: {  	[dreg:$0x0] =	wrdreg $0xFFFFFFFF;
	(pc) =	sbr.abs _section_cstart, $3  }
0xc0: {  	[dreg:$0x1] =	wrdreg $0xFFFFFFFF  }
0xc1: {  	_ =	task.clear_ibuf [dreg:s6], $0x2FFFF;
	_ =	strace $0x9FFFFFFF  }
0xc2: {  	(tm) =	ssettm $0x7FFFFFFF  }
0xc3: {  	_ =	shalt  }
tec
execute0_lowered:
.L_overlay_start_1:
0x0: {  	(tag) =	ssettag $0x1  }
0x1: {  	s1 =	srdreg.scid  }
0x2: {  	s0 =	rddreg [dreg:$0x0];
	s25 =	stileid.u32  }
0x3: {  	s26 =	simm.s32 $0x0;
	s13 =	sand.u32 $0x1, s1;
	s2 =	smul.u32 $0x280, s25  }
0x4: {  	[smem:$0x7FF] =	sst s26;
	s12 =	smul.u32 $0x14000, s25;
	s1 =	ssub.s32 $0x2, s13  }
0x5: {  	s14 =	smul.u32 $0x140000, s13;
	s3 =	sshrl.u32 s1, $0x1;
	s4 =	sadd.s32 $0x80, s2  }
0x6: {  	s5 =	sadd.s32 $0xC0, s2;
	s8 =	sadd.s32 $0x180, s2;
	s11 =	sadd.s32 $0x240, s2  }
0x7: {  	s1 =	ssub.s32 s1, s3;
	s3 =	sor.u32 $0x40, s2;
	s23 =	sshll.u32 s4, $0x7  }
0x8: {  	s7 =	sshll.u32 s5, $0x7;
	s10 =	sshll.u32 s8, $0x7;
	s6 =	sshll.u32 s3, $0x7  }
0x9: {  	s16 =	sadd.s32 s14, s23;
	s17 =	sadd.s32 s14, s7;
	s7 =	sadd.s32 $0x140, s2  }
0xa: {  	s20 =	sadd.s32 s14, s10;
	s10 =	sadd.s32 $0x200, s2;
	s23 =	sshll.u32 s11, $0x7  }
0xb: {  	s15 =	sadd.s32 s14, s6;
	s6 =	sadd.s32 $0x100, s2;
	s24 =	sshll.u32 s7, $0x7  }
0xc: {  	s22 =	sshll.u32 s10, $0x7;
	s23 =	sadd.s32 s14, s23;
	s9 =	sshll.u32 s6, $0x7  }
0xd: {  	s19 =	sadd.s32 s14, s24;
	s22 =	sadd.s32 s14, s22;
	s15 =	sshrl.u32 s15, $0x3  }
0xe: {  	s24 =	sadd.s32 $0x49E00, s0;
	s18 =	sadd.s32 s14, s9;
	s9 =	sadd.s32 $0x1C0, s2  }
0xf: {  	s30 =	sadd.s32 s24, s15;
	s15 =	sshrl.u32 s16, $0x3;
	s16 =	sshrl.u32 s17, $0x3  }
0x10: {  	s21 =	sshll.u32 s9, $0x7;
	[dreg:$0x4] =	wrdreg s30;
	s17 =	sshrl.u32 s18, $0x3  }
0x11: {  	s21 =	sadd.s32 s14, s21;
	s14 =	sadd.s32 s12, s14;
	s18 =	sadd.s32 s24, s17  }
0x12: {  	s14 =	sshrl.u32 s14, $0x3;
	[dreg:$0x7] =	wrdreg s18  }
0x13: {  	s30 =	sshrl.u32 s21, $0x3;
	s21 =	rddreg [dreg:$0x1];
	s14 =	sadd.s32 s24, s14  }
0x14: {  	[dreg:$0x3] =	wrdreg s14;
	s14 =	sadd.s32 s24, s15  }
0x15: {  	[dreg:$0x5] =	wrdreg s14;
	s14 =	sadd.s32 s24, s16  }
0x16: {  	s19 =	sshrl.u32 s19, $0x3;
	s16 =	sadd.s32 s24, s30;
	[dreg:$0x6] =	wrdreg s14  }
0x17: {  	s18 =	sshrl.u32 s23, $0x3;
	s14 =	sadd.s32 s24, s19;
	[dreg:$0xa] =	wrdreg s16  }
0x18: {  	s20 =	sshrl.u32 s20, $0x3;
	s19 =	sadd.s32 s24, s18;
	[dreg:$0x8] =	wrdreg s14  }
0x19: {  	s17 =	sshrl.u32 s22, $0x3;
	s14 =	sadd.s32 s24, s20;
	[dreg:$0xc] =	wrdreg s19  }
0x1a: {  	p0 =	seq.s32 s13, $0x0;
	[dreg:$0x9] =	wrdreg s14;
	s14 =	sadd.s32 s24, s17  }
0x1b: {  	s13 =	sshll.u32 s13, $0x4;
	s20 =	sadd.s32 $0x17600, s0;
	[dreg:$0xb] =	wrdreg s14  }
0x1c: {  	s22 =	sadd.s32 $0x2800, s0;
	_ =	strace $0x8000004A;
	[dreg:$0xd] =	wrdreg s20  }
0x1d: {  	s23 =	smul.u32 $0xA000, s25;
	s30 =	sadd.s32 $0xC800, s0;
	[dreg:$0xe] =	wrdreg s22  }
0x1e: {  	s12 =	sshrl.u32 s12, $0x3;
	s16 =	sadd.s32 $0x16800, s0;
	[dreg:$0xf] =	wrdreg s30  }
0x1f: {  	s19 =	sshrl.u32 s23, $0x2;
	s17 =	sadd.s32 $0x16E00, s0;
	[dreg:$0x10] =	wrdreg s16  }
0x20: {  	s24 =	sadd.s32 $0x21600, s0;
	s0 =	sadd.s32 $0x49600, s0;
	[dreg:$0x11] =	wrdreg s17  }
0x21: {  	s23 =	sshll.u32 s4, $0x4;
	s12 =	sadd.s32 s24, s12;
	[dreg:$0x12] =	wrdreg s0  }
0x22: {  	s18 =	sor.u32 s25, s13;
	s25 =	sadd.s32 s24, s23;
	[dreg:$0x14] =	wrdreg s12  }
0x23: {  	s1 =	smax.u32 s1, $0x1;
	[dreg:$0x17] =	wrdreg s25  }
0x24: {  	s14 =	sadd.s32 s19, s21;
	[smem:$0x7F9] =	sst s1  }
0x25: {  	s20 =	sshll.u32 s3, $0x4;
	s12 =	sadd.s32 s23, s21;
	[dreg:$0x13] =	wrdreg s14  }
0x26: {  	s31 =	simm.s32 $0x2;
	s22 =	sadd.s32 s24, s20;
	[dreg:$0x18] =	wrdreg s12  }
0x27: {  	s30 =	sshll.u32 s5, $0x4;
	s13 =	sadd.s32 s20, s21;
	[dreg:$0x15] =	wrdreg s22  }
0x28: {  	s16 =	sshll.u32 s6, $0x4;
	s15 =	sadd.s32 s24, s30;
	[dreg:$0x16] =	wrdreg s13  }
0x29: {  	s29 =	simm.s32 $0x9200;
	s17 =	sadd.s32 s24, s16;
	[dreg:$0x19] =	wrdreg s15  }
0x2a: {  	s19 =	sshll.u32 s7, $0x4;
	s12 =	sadd.s32 s16, s21;
	[dreg:$0x1b] =	wrdreg s17  }
0x2b: {  	s28 =	simm.s32 $0x0;
	s20 =	sadd.s32 s24, s19;
	[dreg:$0x1c] =	wrdreg s12  }
0x2c: {  	s25 =	sshll.u32 s9, $0x4;
	s13 =	sadd.s32 s30, s21;
	[dreg:$0x1d] =	wrdreg s20  }
0x2d: {  	s0 =	smul.u32 $0x2800, s18;
	s30 =	sadd.s32 s24, s25;
	[dreg:$0x1a] =	wrdreg s13  }
0x2e: {  	s22 =	sshll.u32 s8, $0x4;
	s13 =	sadd.s32 s19, s21;
	[smem:$0x7F3] =	sst s30  }
0x2f: {  	s18 =	simm.f32 $1.000000000e+00;
	s23 =	sadd.s32 s24, s22;
	[dreg:$0x1e] =	wrdreg s13  }
0x30: {  	s15 =	sshll.u32 s10, $0x4;
	s12 =	sadd.s32 s22, s21;
	[dreg:$0x1f] =	wrdreg s23  }
0x31: {  	s17 =	sshll.u32 s11, $0x4;
	s16 =	sadd.s32 s24, s15;
	[smem:$0x7F2] =	sst s12  }
0x32: {  	s1 =	simm.s32 $0xAA00;
	s19 =	sadd.s32 s24, s17;
	[smem:$0x7F5] =	sst s16  }
0x33: {  	s18 =	simm.s32 @!p0 $0x0;
	s20 =	sadd.s32 s17, s21;
	[smem:$0x7F7] =	sst s19  }
0x34: {  	v1 =	vmov s18;
	s18 =	simm.s32 $0xCA00;
	s22 =	sadd.s32 $0x800, s14;
	[smem:$0x7F8] =	sst s20  }
0x35: {  	s30 =	sadd.s32 $0x2000, s14;
	s17 =	simm.s32 $0x80;
	[smem:$0x7FA] =	sst s22  }
0x36: {  	s13 =	sadd.s32 s25, s21;
	s12 =	sadd.s32 s15, s21;
	[smem:$0x7FD] =	sst s30  }
0x37: {  	s23 =	sadd.s32 $0x1000, s14;
	s25 =	sadd.s32 $0x1800, s14;
	[smem:$0x7F4] =	sst s13  }
0x38: {  	v0 =	vlaneseq.u32;
	s14 =	simm.s32 $0x5000;
	s15 =	simm.s32 $0x5080;
	[smem:$0x7F6] =	sst s12  }
0x39: {  	v2 =	vor.u32 $0x10, v0;
	v3 =	vor.u32 $0x20, v0;
	s16 =	simm.s32 $0x5100;
	s19 =	simm.s32 $0x5200;
	[smem:$0x7FB] =	sst s23  }
0x3a: {  	v4 =	vor.u32 $0x30, v0;
	v5 =	vor.u32 $0x40, v0;
	v6 =	vor.u32 $0x50, v0;
	s20 =	simm.s32 $0x1;
	s22 =	simm.s32 $0x5180;
	[smem:$0x7FC] =	sst s25  }
0x3b: {  	v7 =	vor.u32 $0x60, v0;
	v8 =	vor.u32 $0x70, v0;
	v9 =	vmul.u32 $0x80, v0;
	s12 =	simm.s32 $0xCE00;
	s13 =	simm.s32 $0x2800;
	s23 =	simm.s32 $0x9A00  }
.LBB2_1:
0x3c: {  	[smem:$0x7F1] =	sst s28  }
0x3d: {  	s25 =	rddreg [dreg:$0x11];
	s28 =	simm.s32 $0xA200  }
0x3e: {  	[tilespmem:s28], [sflag:$0x2] =	stream.linear.gather [hbm4b:s25+s26], $0x800, $0x38;
	[tilespmem:$0xEE00] =	vst v63  }
0x3f: {  	_ =	swait.ge [sflag:s31], $0x800  }
0x40: {  	[sflag:s31] =	ssyncset.done $0x0  }
0x41: {  	s25 =	rddreg [dreg:$0x12];
	[sflag:s31] =	ssyncadd.s32 $0xFFFFF800  }
0x42: {  	[tilespmem:s12], [sflag:$0x2] =	stream.linear.gather [hbm4b:s25+s26], $0x2000, $0x38;
	[tilespmem:$0xEE00] =	vst v63  }
0x43: {  	_ =	swait.ge [sflag:s31], $0x2000  }
0x44: {  	[sflag:s31] =	ssyncset.done $0x0  }
0x45: {  	s25 =	rddreg [dreg:$0x13];
	[sflag:s31] =	ssyncadd.s32 $0xFFFFE000  }
0x46: {  	[spmem:s25] =	stream.linear.scatter [tilespmem:s28], [sflag:$0x2], $0x800, $0x38;
	[tilespmem:$0xEE00] =	vst v63  }
0x47: {  	_ =	swait.ge [sflag:s31], $0x800  }
0x48: {  	s25 =	sld [smem:$0x7FA]  }
0x49: {  	[sflag:s31] =	ssyncset.done $0x0  }
0x4a: {  	[sflag:s31] =	ssyncadd.s32 $0xFFFFF800  }
0x4b: {  	[spmem:s25] =	stream.linear.scatter [tilespmem:s28], [sflag:$0x2], $0x800, $0x38;
	[tilespmem:$0xEE00] =	vst v63  }
0x4c: {  	_ =	swait.ge [sflag:s31], $0x800  }
0x4d: {  	s25 =	sld [smem:$0x7FB]  }
0x4e: {  	[sflag:s31] =	ssyncset.done $0x0  }
0x4f: {  	[sflag:s31] =	ssyncadd.s32 $0xFFFFF800  }
0x50: {  	[spmem:s25] =	stream.linear.scatter [tilespmem:s28], [sflag:$0x2], $0x800, $0x38;
	[tilespmem:$0xEE00] =	vst v63  }
0x51: {  	_ =	swait.ge [sflag:s31], $0x800  }
0x52: {  	s25 =	sld [smem:$0x7FC]  }
0x53: {  	[sflag:s31] =	ssyncset.done $0x0  }
0x54: {  	[sflag:s31] =	ssyncadd.s32 $0xFFFFF800  }
0x55: {  	[spmem:s25] =	stream.linear.scatter [tilespmem:s28], [sflag:$0x2], $0x800, $0x38;
	[tilespmem:$0xEE00] =	vst v63  }
0x56: {  	_ =	swait.ge [sflag:s31], $0x800  }
0x57: {  	s25 =	sld [smem:$0x7FD]  }
0x58: {  	[sflag:s31] =	ssyncset.done $0x0  }
0x59: {  	[sflag:s31] =	ssyncadd.s32 $0xFFFFF800  }
0x5a: {  	[spmem:s25] =	stream.linear.scatter [tilespmem:s28], [sflag:$0x2], $0x800, $0x38;
	[tilespmem:$0xEE00] =	vst v63  }
0x5b: {  	_ =	swait.ge [sflag:s31], $0x800  }
0x5c: {  	[sflag:s31] =	ssyncset.done $0x0  }
0x5d: {  	s28 =	rddreg [dreg:$0x10];
	[sflag:s31] =	ssyncadd.s32 $0xFFFFF800  }
0x5e: {  	[tilespmem:s13], [sflag:$0x2] =	stream.linear.gather [hbm4b:s28+s26], $0x2800, $0x38;
	[tilespmem:$0xEE00] =	vst v63  }
0x5f: {  	_ =	swait.ge [sflag:s31], $0x2800  }
0x60: {  	[sflag:s31] =	ssyncset.done $0x0  }
0x61: {  	[sflag:s31] =	ssyncadd.s32 $0xFFFFD800  }
0x62: {  	s30 =	simm.s32 $0x0;
	[bflag:$0x0] =	sbarrier.arrive $0xFFFF  }
.LBB2_2:
0x63: {  	s25 =	sshll.u32 s30, $0x7  }
0x64: {  	s26 =	sand.u32 $0x3C00, s25  }
0x65: {  	s25 =	sand.u32 $0x380, s25;
	s26 =	sadd.s32 s0, s26  }
0x66: {  	s25 =	sor.u32 s25, s26  }
0x67: {  	s28 =	rddreg [dreg:$0xd];
	s26 =	sshrl.u32 s25, $0x3  }
0x68: {  	s25 =	simm.s32 $0x0;
	s28 =	sadd.s32 s28, s26  }
0x69: {  	[tilespmem:s14], [sflag:$0x2] =	stream.linear.gather [hbm4b:s28+s25], $0x80, $0x38;
	[tilespmem:$0xEE00] =	vst v63  }
0x6a: {  	_ =	swait.ge [sflag:s31], $0x80  }
0x6b: {  	[sflag:s31] =	ssyncset.done $0x0;
	s28 =	rddreg [dreg:$0xe]  }
0x6c: {  	[sflag:s31] =	ssyncadd.s32 $0xFFFFFF80;
	s28 =	sadd.s32 s28, s26  }
0x6d: {  	[tilespmem:s15], [sflag:$0x2] =	stream.linear.gather [hbm4b:s28+s25], $0x80, $0x38;
	[tilespmem:$0xEE00] =	vst v63  }
0x6e: {  	_ =	swait.ge [sflag:s31], $0x80  }
0x6f: {  	[sflag:s31] =	ssyncset.done $0x0;
	s28 =	rddreg [dreg:$0xf]  }
0x70: {  	[sflag:s31] =	ssyncadd.s32 $0xFFFFFF80;
	s26 =	sadd.s32 s28, s26  }
0x71: {  	[tilespmem:s16], [sflag:$0x2] =	stream.linear.gather [hbm4b:s26+s25], $0x80, $0x38;
	[tilespmem:$0xEE00] =	vst v63  }
0x72: {  	_ =	swait.ge [sflag:s31], $0x80  }
0x73: {  	[sflag:s31] =	ssyncset.done $0x0  }
0x74: {  	[sflag:s31] =	ssyncadd.s32 $0xFFFFFF80  }
0x75: {  	[tilespmem:s19], [sflag:$0x1] =	stream.indirect.gather [hbm4b:s24+s17], $0x80, s14, s17, $0xb8;
	[tilespmem:$0xEE00] =	vst v63  }
0x76: {  	_ =	swait.ge [sflag:s20], $0x4000  }
0x77: {  	[sflag:s20] =	ssyncset.done $0x0  }
0x78: {  	[sflag:s20] =	ssyncadd.s32 $0xFFFFC000  }
0x79: {  	v10 =	vld.idx.msk [tilespmem:v0+s14+$0x0], $0xffff;
	_ =	sdelay $0x6  }
0x7a: {  	v11 =	vld.idx.msk [tilespmem:v0+s16+$0x0], $0xffff  }
0x7b: {  	v10 =	vld.idx.msk [tilespmem:v10+s13+$0x0], $0xffff;
	_ =	sdelay $0x4  }
0x7c: {  	v10 =	vmul.f32 v10, v11;
	_ =	sdelay $0x1  }
0x7d: {  	[tilespmem:v0+s22+$0x0] =	vst.idx.msk $0xffff, v10  }
0x7e: {  	v10 =	vld.idx.msk [tilespmem:v2+s14+$0x0], $0xffff;
	_ =	sdelay $0x6  }
0x7f: {  	v11 =	vld.idx.msk [tilespmem:v2+s16+$0x0], $0xffff  }
0x80: {  	v10 =	vld.idx.msk [tilespmem:v10+s13+$0x0], $0xffff;
	_ =	sdelay $0x4  }
0x81: {  	v10 =	vmul.f32 v10, v11;
	_ =	sdelay $0x1  }
0x82: {  	[tilespmem:v2+s22+$0x0] =	vst.idx.msk $0xffff, v10  }
0x83: {  	v10 =	vld.idx.msk [tilespmem:v3+s14+$0x0], $0xffff;
	_ =	sdelay $0x6  }
0x84: {  	v11 =	vld.idx.msk [tilespmem:v3+s16+$0x0], $0xffff  }
0x85: {  	v10 =	vld.idx.msk [tilespmem:v10+s13+$0x0], $0xffff;
	_ =	sdelay $0x4  }
0x86: {  	v10 =	vmul.f32 v10, v11;
	_ =	sdelay $0x1  }
0x87: {  	[tilespmem:v3+s22+$0x0] =	vst.idx.msk $0xffff, v10  }
0x88: {  	v10 =	vld.idx.msk [tilespmem:v4+s14+$0x0], $0xffff;
	_ =	sdelay $0x6  }
0x89: {  	v11 =	vld.idx.msk [tilespmem:v4+s16+$0x0], $0xffff  }
0x8a: {  	v10 =	vld.idx.msk [tilespmem:v10+s13+$0x0], $0xffff;
	_ =	sdelay $0x4  }
0x8b: {  	v10 =	vmul.f32 v10, v11;
	_ =	sdelay $0x1  }
0x8c: {  	[tilespmem:v4+s22+$0x0] =	vst.idx.msk $0xffff, v10  }
0x8d: {  	v10 =	vld.idx.msk [tilespmem:v5+s14+$0x0], $0xffff;
	_ =	sdelay $0x6  }
0x8e: {  	v11 =	vld.idx.msk [tilespmem:v5+s16+$0x0], $0xffff  }
0x8f: {  	v10 =	vld.idx.msk [tilespmem:v10+s13+$0x0], $0xffff;
	_ =	sdelay $0x4  }
0x90: {  	v10 =	vmul.f32 v10, v11;
	_ =	sdelay $0x1  }
0x91: {  	[tilespmem:v5+s22+$0x0] =	vst.idx.msk $0xffff, v10  }
0x92: {  	v10 =	vld.idx.msk [tilespmem:v6+s14+$0x0], $0xffff;
	_ =	sdelay $0x6  }
0x93: {  	v11 =	vld.idx.msk [tilespmem:v6+s16+$0x0], $0xffff  }
0x94: {  	v10 =	vld.idx.msk [tilespmem:v10+s13+$0x0], $0xffff;
	_ =	sdelay $0x4  }
0x95: {  	v10 =	vmul.f32 v10, v11;
	_ =	sdelay $0x1  }
0x96: {  	[tilespmem:v6+s22+$0x0] =	vst.idx.msk $0xffff, v10  }
0x97: {  	v10 =	vld.idx.msk [tilespmem:v7+s14+$0x0], $0xffff;
	_ =	sdelay $0x6  }
0x98: {  	v11 =	vld.idx.msk [tilespmem:v7+s16+$0x0], $0xffff  }
0x99: {  	v10 =	vld.idx.msk [tilespmem:v10+s13+$0x0], $0xffff;
	_ =	sdelay $0x4  }
0x9a: {  	v10 =	vmul.f32 v10, v11;
	_ =	sdelay $0x1  }
0x9b: {  	[tilespmem:v7+s22+$0x0] =	vst.idx.msk $0xffff, v10  }
0x9c: {  	v10 =	vld.idx.msk [tilespmem:v8+s14+$0x0], $0xffff;
	_ =	sdelay $0x6  }
0x9d: {  	v11 =	vld.idx.msk [tilespmem:v8+s16+$0x0], $0xffff  }
0x9e: {  	v10 =	vld.idx.msk [tilespmem:v10+s13+$0x0], $0xffff;
	_ =	sdelay $0x4  }
0x9f: {  	v10 =	vmul.f32 v10, v11;
	_ =	sdelay $0x1  }
0xa0: {  	[tilespmem:v8+s22+$0x0] =	vst.idx.msk $0xffff, v10  }
0xa1: {  	v11 =	vmov s25;
	v10 =	vld.idx.msk [tilespmem:v0+s15+$0x0], $0xffff  }
0xa2: {  	v11 =	vshll.u32 v11, $0x7  }
0xa3: {  	v12 =	vor.u32 v0, v11;
	_ =	sdelay $0x2  }
0xa4: {  	v10 =	vshll.u32 v10, $0x4  }
0xa5: {  	v10 =	vadd.s32 s25, v10  }
0xa6: {  	[tilespmem:v12+s23+$0x0] =	vst.idx.msk $0xffff, v10  }
0xa7: {  	v10 =	vld.idx.msk [tilespmem:v2+s15+$0x0], $0xffff;
	_ =	sdelay $0x1  }
0xa8: {  	v57 =	vor.u32 v2, v11;
	_ =	sdelay $0x2  }
0xa9: {  	v10 =	vshll.u32 v10, $0x4  }
0xaa: {  	v10 =	vadd.s32 s25, v10  }
0xab: {  	[tilespmem:v57+s23+$0x0] =	vst.idx.msk $0xffff, v10  }
0xac: {  	v10 =	vld.idx.msk [tilespmem:v3+s15+$0x0], $0xffff;
	_ =	sdelay $0x1  }
0xad: {  	v58 =	vor.u32 v3, v11;
	_ =	sdelay $0x2  }
0xae: {  	v10 =	vshll.u32 v10, $0x4  }
0xaf: {  	v10 =	vadd.s32 s25, v10  }
0xb0: {  	[tilespmem:v58+s23+$0x0] =	vst.idx.msk $0xffff, v10  }
0xb1: {  	v10 =	vld.idx.msk [tilespmem:v4+s15+$0x0], $0xffff;
	_ =	sdelay $0x1  }
0xb2: {  	v59 =	vor.u32 v4, v11;
	_ =	sdelay $0x2  }
0xb3: {  	v10 =	vshll.u32 v10, $0x4  }
0xb4: {  	v10 =	vadd.s32 s25, v10  }
0xb5: {  	[tilespmem:v59+s23+$0x0] =	vst.idx.msk $0xffff, v10  }
0xb6: {  	v10 =	vld.idx.msk [tilespmem:v5+s15+$0x0], $0xffff;
	_ =	sdelay $0x1  }
0xb7: {  	v60 =	vor.u32 v5, v11;
	_ =	sdelay $0x2  }
0xb8: {  	v10 =	vshll.u32 v10, $0x4  }
0xb9: {  	v10 =	vadd.s32 s25, v10  }
0xba: {  	[tilespmem:v60+s23+$0x0] =	vst.idx.msk $0xffff, v10  }
0xbb: {  	v10 =	vld.idx.msk [tilespmem:v6+s15+$0x0], $0xffff;
	_ =	sdelay $0x1  }
0xbc: {  	v61 =	vor.u32 v6, v11;
	_ =	sdelay $0x2  }
0xbd: {  	v10 =	vshll.u32 v10, $0x4  }
0xbe: {  	v10 =	vadd.s32 s25, v10  }
0xbf: {  	[tilespmem:v61+s23+$0x0] =	vst.idx.msk $0xffff, v10  }
0xc0: {  	v10 =	vld.idx.msk [tilespmem:v7+s15+$0x0], $0xffff;
	_ =	sdelay $0x1  }
0xc1: {  	v62 =	vor.u32 v7, v11;
	_ =	sdelay $0x2  }
0xc2: {  	v10 =	vshll.u32 v10, $0x4  }
0xc3: {  	v10 =	vadd.s32 s25, v10  }
0xc4: {  	[tilespmem:v62+s23+$0x0] =	vst.idx.msk $0xffff, v10  }
0xc5: {  	v10 =	vld.idx.msk [tilespmem:v8+s15+$0x0], $0xffff;
	_ =	sdelay $0x4  }
0xc6: {  	v63 =	vshll.u32 v10, $0x4;
	v10 =	vor.u32 v8, v11;
	_ =	sdelay $0x3  }
0xc7: {  	s26 =	simm.s32 $0x1;
	v11 =	vadd.s32 s25, v63  }
.LBB2_3:
0xc8: {  	p0 =	sne.s32 s26, $0xF;
	[tilespmem:v10+s23+$0x0] =	vst.idx.msk $0xffff, v11;
	s28 =	smov.u32 s26;
	s26 =	sadd.s32 $0x1, s26  }
0xc9: {  	v10 =	vld.idx.msk [tilespmem:v0+s15+$0x0], $0xffff  }
0xca: {  	v11 =	vmov s28  }
0xcb: {  	v11 =	vshll.u32 v11, $0x7  }
0xcc: {  	v12 =	vor.u32 v0, v11;
	_ =	sdelay $0x2  }
0xcd: {  	v10 =	vshll.u32 v10, $0x4  }
0xce: {  	v10 =	vadd.s32 s28, v10  }
0xcf: {  	[tilespmem:v12+s23+$0x0] =	vst.idx.msk $0xffff, v10  }
0xd0: {  	v10 =	vld.idx.msk [tilespmem:v2+s15+$0x0], $0xffff;
	_ =	sdelay $0x2  }
0xd1: {  	v12 =	vor.u32 v2, v11;
	_ =	sdelay $0x2  }
0xd2: {  	v10 =	vshll.u32 v10, $0x4  }
0xd3: {  	v10 =	vadd.s32 s28, v10  }
0xd4: {  	[tilespmem:v12+s23+$0x0] =	vst.idx.msk $0xffff, v10  }
0xd5: {  	v10 =	vld.idx.msk [tilespmem:v3+s15+$0x0], $0xffff;
	_ =	sdelay $0x2  }
0xd6: {  	v12 =	vor.u32 v3, v11;
	_ =	sdelay $0x2  }
0xd7: {  	v10 =	vshll.u32 v10, $0x4  }
0xd8: {  	v10 =	vadd.s32 s28, v10  }
0xd9: {  	[tilespmem:v12+s23+$0x0] =	vst.idx.msk $0xffff, v10  }
0xda: {  	v10 =	vld.idx.msk [tilespmem:v4+s15+$0x0], $0xffff;
	_ =	sdelay $0x2  }
0xdb: {  	v12 =	vor.u32 v4, v11;
	_ =	sdelay $0x2  }
0xdc: {  	v10 =	vshll.u32 v10, $0x4  }
0xdd: {  	v10 =	vadd.s32 s28, v10  }
0xde: {  	[tilespmem:v12+s23+$0x0] =	vst.idx.msk $0xffff, v10  }
0xdf: {  	v10 =	vld.idx.msk [tilespmem:v5+s15+$0x0], $0xffff;
	_ =	sdelay $0x2  }
0xe0: {  	v12 =	vor.u32 v5, v11;
	_ =	sdelay $0x2  }
0xe1: {  	v10 =	vshll.u32 v10, $0x4  }
0xe2: {  	v10 =	vadd.s32 s28, v10  }
0xe3: {  	[tilespmem:v12+s23+$0x0] =	vst.idx.msk $0xffff, v10  }
0xe4: {  	v10 =	vld.idx.msk [tilespmem:v6+s15+$0x0], $0xffff;
	_ =	sdelay $0x2  }
0xe5: {  	v12 =	vor.u32 v6, v11;
	_ =	sdelay $0x2  }
0xe6: {  	v10 =	vshll.u32 v10, $0x4  }
0xe7: {  	v10 =	vadd.s32 s28, v10  }
0xe8: {  	[tilespmem:v12+s23+$0x0] =	vst.idx.msk $0xffff, v10  }
0xe9: {  	v10 =	vld.idx.msk [tilespmem:v7+s15+$0x0], $0xffff;
	_ =	sdelay $0x2  }
0xea: {  	v12 =	vor.u32 v7, v11;
	_ =	sdelay $0x2  }
0xeb: {  	v10 =	vshll.u32 v10, $0x4  }
0xec: {  	v10 =	vadd.s32 s28, v10  }
0xed: {  	[tilespmem:v12+s23+$0x0] =	vst.idx.msk $0xffff, v10  }
0xee: {  	v12 =	vld.idx.msk [tilespmem:v8+s15+$0x0], $0xffff;
	_ =	sdelay $0x2  }
.Ltmp0:
0xef: {  	v10 =	vor.u32 v8, v11;
	(pc) =	sbr.rel @p0 .LBB2_3-.Ltmp0, $3  }
0xf0: {  	_ =	sdelay $0x1  }
0xf1: {  	v11 =	vshll.u32 v12, $0x4  }
0xf2: {  	v11 =	vadd.s32 s28, v11  }
0xf3: {  	v12 =	vmov s25  }
0xf4: {  	v13 =	vshll.u32 v12, $0x7  }
0xf5: {  	v13 =	vor.u32 v0, v13;
	_ =	sdelay $0x2  }
0xf6: {  	[tilespmem:v10+s23+$0x0] =	vst.idx.msk $0xffff, v11  }
0xf7: {  	v12 =	vld.idx.msk [tilespmem:v12+s22+$0x0], $0xffff  }
0xf8: {  	s26 =	simm.s32 $0x1;
	v11 =	vld.idx.msk [tilespmem:v13+s19+$0x0], $0xffff  }
0xf9: {  	v10 =	vmov s26  }
0xfa: {  	s28 =	simm.s32 $0x2;
	v14 =	vshll.u32 v10, $0x7;
	v13 =	vor.u32 s25, v9  }
.LBB2_5:
0xfb: {  	p0 =	sne.s32 s28, $0x7F;
	v14 =	vor.u32 v0, v14;
	_ =	sdelay $0x1  }
0xfc: {  	v11 =	vmul.f32 v11, v12;
	_ =	sdelay $0x1  }
0xfd: {  	[tilespmem:v13+s29+$0x0] =	vst.idx.msk $0xffff, v11  }
.Ltmp1:
0xfe: {  	v11 =	vld.idx.msk [tilespmem:v14+s19+$0x0], $0xffff;
	(pc) =	sbr.rel @p0 .LBB2_5-.Ltmp1, $3  }
0xff: {  	v12 =	vld.idx.msk [tilespmem:v10+s22+$0x0], $0xffff;
	_ =	sdelay $0x1  }
0x100: {  	v10 =	vmov s28  }
0x101: {  	v13 =	vor.u32 s26, v9;
	s26 =	smov.u32 s28;
	s28 =	sadd.s32 $0x1, s28;
	v14 =	vshll.u32 v10, $0x7  }
0x102: {  	_ = 	snop  }
0x103: {  	v14 =	vor.u32 v0, v14  }
0x104: {  	v11 =	vmul.f32 v11, v12;
	_ =	sdelay $0x1  }
0x105: {  	[tilespmem:v13+s29+$0x0] =	vst.idx.msk $0xffff, v11  }
0x106: {  	v10 =	vld.idx.msk [tilespmem:v10+s22+$0x0], $0xffff  }
0x107: {  	v11 =	vld.idx.msk [tilespmem:v14+s19+$0x0], $0xffff;
	_ =	sdelay $0x1  }
0x108: {  	v63 =	vor.u32 s26, v9;
	_ =	sdelay $0x2  }
0x109: {  	v10 =	vmul.f32 v11, v10;
	_ =	sdelay $0x1  }
0x10a: {  	[tilespmem:v63+s29+$0x0] =	vst.idx.msk $0xffff, v10  }
0x10b: {  	[spmem:s21] =	stream.indirect.scatter.add.f32 [tilespmem:s29], [sflag:$0x2], $0x1, s23, s17, $0xb8;
	[tilespmem:$0xEE00] =	vst v63  }
0x10c: {  	_ =	swait.ge [sflag:s31], $0x80  }
0x10d: {  	[sflag:s31] =	ssyncset.done $0x0  }
0x10e: {  	s25 =	simm.s32 $0x9A80;
	s28 =	simm.s32 $0x9280;
	[sflag:s31] =	ssyncadd.s32 $0xFFFFFF80  }
0x10f: {  	[spmem:s21] =	stream.indirect.scatter.add.f32 [tilespmem:s28], [sflag:$0x2], $0x1, s25, s17, $0xb8;
	[tilespmem:$0xEE00] =	vst v63  }
0x110: {  	_ =	swait.ge [sflag:s31], $0x80  }
0x111: {  	[sflag:s31] =	ssyncset.done $0x0  }
0x112: {  	s26 =	simm.s32 $0x9B00;
	s28 =	simm.s32 $0x9300;
	[sflag:s31] =	ssyncadd.s32 $0xFFFFFF80  }
0x113: {  	[spmem:s21] =	stream.indirect.scatter.add.f32 [tilespmem:s28], [sflag:$0x2], $0x1, s26, s17, $0xb8;
	[tilespmem:$0xEE00] =	vst v63  }
0x114: {  	_ =	swait.ge [sflag:s31], $0x80  }
0x115: {  	[sflag:s31] =	ssyncset.done $0x0  }
0x116: {  	s26 =	simm.s32 $0x9B80;
	s28 =	simm.s32 $0x9380;
	[sflag:s31] =	ssyncadd.s32 $0xFFFFFF80  }
0x117: {  	[spmem:s21] =	stream.indirect.scatter.add.f32 [tilespmem:s28], [sflag:$0x2], $0x1, s26, s17, $0xb8;
	[tilespmem:$0xEE00] =	vst v63  }
0x118: {  	_ =	swait.ge [sflag:s31], $0x80  }
0x119: {  	[sflag:s31] =	ssyncset.done $0x0  }
0x11a: {  	s26 =	simm.s32 $0x9C00;
	s28 =	simm.s32 $0x9400;
	[sflag:s31] =	ssyncadd.s32 $0xFFFFFF80  }
0x11b: {  	[spmem:s21] =	stream.indirect.scatter.add.f32 [tilespmem:s28], [sflag:$0x2], $0x1, s26, s17, $0xb8;
	[tilespmem:$0xEE00] =	vst v63  }
0x11c: {  	_ =	swait.ge [sflag:s31], $0x80  }
0x11d: {  	[sflag:s31] =	ssyncset.done $0x0  }
0x11e: {  	s26 =	simm.s32 $0x9C80;
	s28 =	simm.s32 $0x9480;
	[sflag:s31] =	ssyncadd.s32 $0xFFFFFF80  }
0x11f: {  	[spmem:s21] =	stream.indirect.scatter.add.f32 [tilespmem:s28], [sflag:$0x2], $0x1, s26, s17, $0xb8;
	[tilespmem:$0xEE00] =	vst v63  }
0x120: {  	_ =	swait.ge [sflag:s31], $0x80  }
0x121: {  	[sflag:s31] =	ssyncset.done $0x0  }
0x122: {  	s26 =	simm.s32 $0x9D00;
	s28 =	simm.s32 $0x9500;
	[sflag:s31] =	ssyncadd.s32 $0xFFFFFF80  }
0x123: {  	[spmem:s21] =	stream.indirect.scatter.add.f32 [tilespmem:s28], [sflag:$0x2], $0x1, s26, s17, $0xb8;
	[tilespmem:$0xEE00] =	vst v63  }
0x124: {  	_ =	swait.ge [sflag:s31], $0x80  }
0x125: {  	[sflag:s31] =	ssyncset.done $0x0  }
0x126: {  	s26 =	simm.s32 $0x9D80;
	s28 =	simm.s32 $0x9580;
	[sflag:s31] =	ssyncadd.s32 $0xFFFFFF80  }
0x127: {  	[spmem:s21] =	stream.indirect.scatter.add.f32 [tilespmem:s28], [sflag:$0x2], $0x1, s26, s17, $0xb8;
	[tilespmem:$0xEE00] =	vst v63  }
0x128: {  	_ =	swait.ge [sflag:s31], $0x80  }
0x129: {  	[sflag:s31] =	ssyncset.done $0x0  }
0x12a: {  	s26 =	simm.s32 $0x9E00;
	s28 =	simm.s32 $0x9600;
	[sflag:s31] =	ssyncadd.s32 $0xFFFFFF80  }
0x12b: {  	[spmem:s21] =	stream.indirect.scatter.add.f32 [tilespmem:s28], [sflag:$0x2], $0x1, s26, s17, $0xb8;
	[tilespmem:$0xEE00] =	vst v63  }
0x12c: {  	_ =	swait.ge [sflag:s31], $0x80  }
0x12d: {  	[sflag:s31] =	ssyncset.done $0x0  }
0x12e: {  	s26 =	simm.s32 $0x9E80;
	s28 =	simm.s32 $0x9680;
	[sflag:s31] =	ssyncadd.s32 $0xFFFFFF80  }
0x12f: {  	[spmem:s21] =	stream.indirect.scatter.add.f32 [tilespmem:s28], [sflag:$0x2], $0x1, s26, s17, $0xb8;
	[tilespmem:$0xEE00] =	vst v63  }
0x130: {  	_ =	swait.ge [sflag:s31], $0x80  }
0x131: {  	[sflag:s31] =	ssyncset.done $0x0  }
0x132: {  	s26 =	simm.s32 $0x9F00;
	s28 =	simm.s32 $0x9700;
	[sflag:s31] =	ssyncadd.s32 $0xFFFFFF80  }
0x133: {  	[spmem:s21] =	stream.indirect.scatter.add.f32 [tilespmem:s28], [sflag:$0x2], $0x1, s26, s17, $0xb8;
	[tilespmem:$0xEE00] =	vst v63  }
0x134: {  	_ =	swait.ge [sflag:s31], $0x80  }
0x135: {  	[sflag:s31] =	ssyncset.done $0x0  }
0x136: {  	s26 =	simm.s32 $0x9F80;
	s28 =	simm.s32 $0x9780;
	[sflag:s31] =	ssyncadd.s32 $0xFFFFFF80  }
0x137: {  	[spmem:s21] =	stream.indirect.scatter.add.f32 [tilespmem:s28], [sflag:$0x2], $0x1, s26, s17, $0xb8;
	[tilespmem:$0xEE00] =	vst v63  }
0x138: {  	_ =	swait.ge [sflag:s31], $0x80  }
0x139: {  	[sflag:s31] =	ssyncset.done $0x0  }
0x13a: {  	s26 =	simm.s32 $0xA000;
	s28 =	simm.s32 $0x9800;
	[sflag:s31] =	ssyncadd.s32 $0xFFFFFF80  }
0x13b: {  	[spmem:s21] =	stream.indirect.scatter.add.f32 [tilespmem:s28], [sflag:$0x2], $0x1, s26, s17, $0xb8;
	[tilespmem:$0xEE00] =	vst v63  }
0x13c: {  	_ =	swait.ge [sflag:s31], $0x80  }
0x13d: {  	[sflag:s31] =	ssyncset.done $0x0  }
0x13e: {  	s26 =	simm.s32 $0xA080;
	s28 =	simm.s32 $0x9880;
	[sflag:s31] =	ssyncadd.s32 $0xFFFFFF80  }
0x13f: {  	[spmem:s21] =	stream.indirect.scatter.add.f32 [tilespmem:s28], [sflag:$0x2], $0x1, s26, s17, $0xb8;
	[tilespmem:$0xEE00] =	vst v63  }
0x140: {  	_ =	swait.ge [sflag:s31], $0x80  }
0x141: {  	[sflag:s31] =	ssyncset.done $0x0  }
0x142: {  	s26 =	simm.s32 $0xA100;
	s28 =	simm.s32 $0x9900;
	[sflag:s31] =	ssyncadd.s32 $0xFFFFFF80  }
0x143: {  	[spmem:s21] =	stream.indirect.scatter.add.f32 [tilespmem:s28], [sflag:$0x2], $0x1, s26, s17, $0xb8;
	[tilespmem:$0xEE00] =	vst v63  }
0x144: {  	s30 =	sadd.s32 $0x1, s30;
	_ =	swait.ge [sflag:s31], $0x80  }
0x145: {  	p0 =	sne.s32 s30, $0x50;
	s26 =	simm.s32 $0xA180;
	[sflag:s31] =	ssyncset.done $0x0  }
.Ltmp2:
0x146: {  	s28 =	simm.s32 $0x9980;
	[sflag:s31] =	ssyncadd.s32 $0xFFFFFF80;
	(pc) =	sbr.rel @p0 .LBB2_2-.Ltmp2, $4  }
0x147: {  	[spmem:s21] =	stream.indirect.scatter.add.f32 [tilespmem:s28], [sflag:$0x2], $0x1, s26, s17, $0xb8;
	[tilespmem:$0xEE00] =	vst v63  }
0x148: {  	_ =	swait.ge [sflag:s31], $0x80  }
0x149: {  	[sflag:s31] =	ssyncset.done $0x0  }
0x14a: {  	[sflag:s31] =	ssyncadd.s32 $0xFFFFFF80  }
0x14b: {  	[bflag:$0x0] =	sbarrier.arrive $0xFFFF  }
0x14c: {  	s25 =	simm.s32 $0x0;
	s26 =	rddreg [dreg:$0x14]  }
0x14d: {  	[tilespmem:s1], [sflag:$0x2] =	stream.linear.gather [hbm4b:s26+s25], $0x2000, $0x38;
	[tilespmem:$0xEE00] =	vst v63  }
0x14e: {  	_ =	swait.ge [sflag:s31], $0x2000  }
0x14f: {  	s26 =	sadd.s32 $0x0, s2;
	[sflag:s31] =	ssyncset.done $0x0  }
0x150: {  	v11 =	vmov s26;
	s26 =	simm.s32 $0x0;
	s28 =	rddreg [dreg:$0x13];
	[sflag:s31] =	ssyncadd.s32 $0xFFFFE000  }
0x151: {  	[tilespmem:s18], [sflag:$0x2] =	stream.linear.gather [spmem:s28], $0x400, $0x38;
	[tilespmem:$0xEE00] =	vst v63  }
0x152: {  	v10 =	vor.u32 s26, v0;
	_ =	swait.ge [sflag:s31], $0x400  }
0x153: {  	[sflag:s31] =	ssyncset.done $0x0  }
0x154: {  	v12 =	vor.u32 s25, v0;
	[sflag:s31] =	ssyncadd.s32 $0xFFFFFC00  }
0x155: {  	v11 =	vld.idx.msk [tilespmem:v11+s13+$0x0], $0xffff;
	_ =	sdelay $0x1  }
0x156: {  	v13 =	vld.idx.msk [tilespmem:v10+s1+$0x0], $0xffff;
	_ =	sdelay $0x1  }
0x157: {  	v12 =	vld.idx.msk [tilespmem:v12+s18+$0x0], $0xffff  }
0x158: {  	v14 =	vmul.f32 v11, v1;
	_ =	sdelay $0x1  }
0x159: {  	v13 =	vmul.f32 v13, v14  }
0x15a: {  	s30 =	sadd.s32 $0x1, s2;
	s26 =	simm.s32 $0x1;
	s28 =	simm.s32 $0x2  }
.LBB2_8:
0x15b: {  	p0 =	sne.s32 s28, $0x3F;
	v14 =	vmov s30;
	v12 =	vadd.f32 v13, v12  }
0x15c: {  	s30 =	sshll.u32 s26, $0x7;
	s26 =	smov.u32 s28  }
0x15d: {  	v13 =	vor.u32 s30, v0;
	v11 =	vmul.f32 v12, v11  }
0x15e: {  	s25 =	sadd.s32 $0x10, s25  }
0x15f: {  	v12 =	vor.u32 s25, v0;
	[tilespmem:v10+s12+$0x0] =	vst.idx.msk $0xffff, v11;
	v10 =	vmov v13  }
0x160: {  	v11 =	vld.idx.msk [tilespmem:v14+s13+$0x0], $0xffff;
	_ =	sdelay $0x1  }
0x161: {  	v13 =	vld.idx.msk [tilespmem:v13+s1+$0x0], $0xffff;
	_ =	sdelay $0x1  }
0x162: {  	v12 =	vld.idx.msk [tilespmem:v12+s18+$0x0], $0xffff  }
.Ltmp3:
0x163: {  	(pc) =	sbr.rel @p0 .LBB2_8-.Ltmp3, $3  }
0x164: {  	v14 =	vmul.f32 v11, v1;
	_ =	sdelay $0x1  }
0x165: {  	v13 =	vmul.f32 v13, v14  }
0x166: {  	s28 =	sadd.s32 $0x1, s28;
	s30 =	sadd.s32 s26, s2  }
0x167: {  	v14 =	vmov s30;
	v12 =	vadd.f32 v13, v12  }
0x168: {  	s26 =	sshll.u32 s26, $0x7  }
0x169: {  	v13 =	vor.u32 s26, v0;
	v11 =	vmul.f32 v12, v11  }
0x16a: {  	s25 =	sadd.s32 $0x10, s25  }
0x16b: {  	v12 =	vor.u32 s25, v0;
	[tilespmem:v10+s12+$0x0] =	vst.idx.msk $0xffff, v11  }
0x16c: {  	v10 =	vld.idx.msk [tilespmem:v14+s13+$0x0], $0xffff;
	_ =	sdelay $0x1  }
0x16d: {  	v11 =	vld.idx.msk [tilespmem:v13+s1+$0x0], $0xffff;
	_ =	sdelay $0x1  }
0x16e: {  	v12 =	vld.idx.msk [tilespmem:v12+s18+$0x0], $0xffff  }
0x16f: {  	v14 =	vmul.f32 v10, v1;
	_ =	sdelay $0x1  }
0x170: {  	v11 =	vmul.f32 v11, v14;
	_ =	sdelay $0x1  }
0x171: {  	v11 =	vadd.f32 v11, v12;
	_ =	sdelay $0x1  }
0x172: {  	v10 =	vmul.f32 v11, v10;
	_ =	sdelay $0x1  }
0x173: {  	s26 =	rddreg [dreg:$0x3];
	s25 =	simm.s32 $0x0;
	[tilespmem:v13+s12+$0x0] =	vst.idx.msk $0xffff, v10  }
0x174: {  	[hbm4b:s26+s25] =	stream.linear.scatter [tilespmem:s12], [sflag:$0x2], $0x2000, $0x38;
	[tilespmem:$0xEE00] =	vst v63  }
0x175: {  	_ =	swait.ge [sflag:s31], $0x2000  }
0x176: {  	[sflag:s31] =	ssyncset.done $0x0  }
0x177: {  	s26 =	rddreg [dreg:$0x15];
	[sflag:s31] =	ssyncadd.s32 $0xFFFFE000  }
0x178: {  	[tilespmem:s1], [sflag:$0x2] =	stream.linear.gather [hbm4b:s26+s25], $0x2000, $0x38;
	[tilespmem:$0xEE00] =	vst v63  }
0x179: {  	_ =	swait.ge [sflag:s31], $0x2000  }
0x17a: {  	s26 =	sadd.s32 $0x0, s3;
	[sflag:s31] =	ssyncset.done $0x0  }
0x17b: {  	v11 =	vmov s26;
	s26 =	simm.s32 $0x0;
	s28 =	rddreg [dreg:$0x16];
	[sflag:s31] =	ssyncadd.s32 $0xFFFFE000  }
0x17c: {  	[tilespmem:s18], [sflag:$0x2] =	stream.linear.gather [spmem:s28], $0x400, $0x38;
	[tilespmem:$0xEE00] =	vst v63  }
0x17d: {  	v10 =	vor.u32 s26, v0;
	_ =	swait.ge [sflag:s31], $0x400  }
0x17e: {  	[sflag:s31] =	ssyncset.done $0x0  }
0x17f: {  	v12 =	vor.u32 s25, v0;
	[sflag:s31] =	ssyncadd.s32 $0xFFFFFC00  }
0x180: {  	v11 =	vld.idx.msk [tilespmem:v11+s13+$0x0], $0xffff;
	_ =	sdelay $0x1  }
0x181: {  	v13 =	vld.idx.msk [tilespmem:v10+s1+$0x0], $0xffff;
	_ =	sdelay $0x1  }
0x182: {  	v12 =	vld.idx.msk [tilespmem:v12+s18+$0x0], $0xffff  }
0x183: {  	v14 =	vmul.f32 v11, v1;
	_ =	sdelay $0x1  }
0x184: {  	v13 =	vmul.f32 v13, v14  }
0x185: {  	s30 =	sadd.s32 $0x1, s3;
	s26 =	simm.s32 $0x1;
	s28 =	simm.s32 $0x2  }
.LBB2_10:
0x186: {  	p0 =	sne.s32 s28, $0x3F;
	v14 =	vmov s30;
	v12 =	vadd.f32 v13, v12  }
0x187: {  	s30 =	sshll.u32 s26, $0x7;
	s26 =	smov.u32 s28  }
0x188: {  	v13 =	vor.u32 s30, v0;
	v11 =	vmul.f32 v12, v11  }
0x189: {  	s25 =	sadd.s32 $0x10, s25  }
0x18a: {  	v12 =	vor.u32 s25, v0;
	[tilespmem:v10+s12+$0x0] =	vst.idx.msk $0xffff, v11;
	v10 =	vmov v13  }
0x18b: {  	v11 =	vld.idx.msk [tilespmem:v14+s13+$0x0], $0xffff;
	_ =	sdelay $0x1  }
0x18c: {  	v13 =	vld.idx.msk [tilespmem:v13+s1+$0x0], $0xffff;
	_ =	sdelay $0x1  }
0x18d: {  	v12 =	vld.idx.msk [tilespmem:v12+s18+$0x0], $0xffff  }
.Ltmp4:
0x18e: {  	(pc) =	sbr.rel @p0 .LBB2_10-.Ltmp4, $3  }
0x18f: {  	v14 =	vmul.f32 v11, v1;
	_ =	sdelay $0x1  }
0x190: {  	v13 =	vmul.f32 v13, v14  }
0x191: {  	s28 =	sadd.s32 $0x1, s28;
	s30 =	sadd.s32 s26, s3  }
0x192: {  	v14 =	vmov s30;
	v12 =	vadd.f32 v13, v12  }
0x193: {  	s26 =	sshll.u32 s26, $0x7  }
0x194: {  	v13 =	vor.u32 s26, v0;
	v11 =	vmul.f32 v12, v11  }
0x195: {  	s25 =	sadd.s32 $0x10, s25  }
0x196: {  	v12 =	vor.u32 s25, v0;
	[tilespmem:v10+s12+$0x0] =	vst.idx.msk $0xffff, v11  }
0x197: {  	v10 =	vld.idx.msk [tilespmem:v14+s13+$0x0], $0xffff;
	_ =	sdelay $0x1  }
0x198: {  	v11 =	vld.idx.msk [tilespmem:v13+s1+$0x0], $0xffff;
	_ =	sdelay $0x1  }
0x199: {  	v12 =	vld.idx.msk [tilespmem:v12+s18+$0x0], $0xffff  }
0x19a: {  	v14 =	vmul.f32 v10, v1;
	_ =	sdelay $0x1  }
0x19b: {  	v11 =	vmul.f32 v11, v14;
	_ =	sdelay $0x1  }
0x19c: {  	v11 =	vadd.f32 v11, v12;
	_ =	sdelay $0x1  }
0x19d: {  	v10 =	vmul.f32 v11, v10;
	_ =	sdelay $0x1  }
0x19e: {  	s26 =	rddreg [dreg:$0x4];
	s25 =	simm.s32 $0x0;
	[tilespmem:v13+s12+$0x0] =	vst.idx.msk $0xffff, v10  }
0x19f: {  	[hbm4b:s26+s25] =	stream.linear.scatter [tilespmem:s12], [sflag:$0x2], $0x2000, $0x38;
	[tilespmem:$0xEE00] =	vst v63  }
0x1a0: {  	_ =	swait.ge [sflag:s31], $0x2000  }
0x1a1: {  	[sflag:s31] =	ssyncset.done $0x0  }
0x1a2: {  	s26 =	rddreg [dreg:$0x17];
	[sflag:s31] =	ssyncadd.s32 $0xFFFFE000  }
0x1a3: {  	[tilespmem:s1], [sflag:$0x2] =	stream.linear.gather [hbm4b:s26+s25], $0x2000, $0x38;
	[tilespmem:$0xEE00] =	vst v63  }
0x1a4: {  	_ =	swait.ge [sflag:s31], $0x2000  }
0x1a5: {  	s26 =	sadd.s32 $0x0, s4;
	[sflag:s31] =	ssyncset.done $0x0  }
0x1a6: {  	v11 =	vmov s26;
	s26 =	simm.s32 $0x0;
	s28 =	rddreg [dreg:$0x18];
	[sflag:s31] =	ssyncadd.s32 $0xFFFFE000  }
0x1a7: {  	[tilespmem:s18], [sflag:$0x2] =	stream.linear.gather [spmem:s28], $0x400, $0x38;
	[tilespmem:$0xEE00] =	vst v63  }
0x1a8: {  	v10 =	vor.u32 s26, v0;
	_ =	swait.ge [sflag:s31], $0x400  }
0x1a9: {  	[sflag:s31] =	ssyncset.done $0x0  }
0x1aa: {  	v12 =	vor.u32 s25, v0;
	[sflag:s31] =	ssyncadd.s32 $0xFFFFFC00  }
0x1ab: {  	v11 =	vld.idx.msk [tilespmem:v11+s13+$0x0], $0xffff;
	_ =	sdelay $0x1  }
0x1ac: {  	v13 =	vld.idx.msk [tilespmem:v10+s1+$0x0], $0xffff;
	_ =	sdelay $0x1  }
0x1ad: {  	v12 =	vld.idx.msk [tilespmem:v12+s18+$0x0], $0xffff  }
0x1ae: {  	v14 =	vmul.f32 v11, v1;
	_ =	sdelay $0x1  }
0x1af: {  	v13 =	vmul.f32 v13, v14  }
0x1b0: {  	s30 =	sadd.s32 $0x1, s4;
	s26 =	simm.s32 $0x1;
	s28 =	simm.s32 $0x2  }
.LBB2_12:
0x1b1: {  	p0 =	sne.s32 s28, $0x3F;
	v14 =	vmov s30;
	v12 =	vadd.f32 v13, v12  }
0x1b2: {  	s30 =	sshll.u32 s26, $0x7;
	s26 =	smov.u32 s28  }
0x1b3: {  	v13 =	vor.u32 s30, v0;
	v11 =	vmul.f32 v12, v11  }
0x1b4: {  	s25 =	sadd.s32 $0x10, s25  }
0x1b5: {  	v12 =	vor.u32 s25, v0;
	[tilespmem:v10+s12+$0x0] =	vst.idx.msk $0xffff, v11;
	v10 =	vmov v13  }
0x1b6: {  	v11 =	vld.idx.msk [tilespmem:v14+s13+$0x0], $0xffff;
	_ =	sdelay $0x1  }
0x1b7: {  	v13 =	vld.idx.msk [tilespmem:v13+s1+$0x0], $0xffff;
	_ =	sdelay $0x1  }
0x1b8: {  	v12 =	vld.idx.msk [tilespmem:v12+s18+$0x0], $0xffff  }
.Ltmp5:
0x1b9: {  	(pc) =	sbr.rel @p0 .LBB2_12-.Ltmp5, $3  }
0x1ba: {  	v14 =	vmul.f32 v11, v1;
	_ =	sdelay $0x1  }
0x1bb: {  	v13 =	vmul.f32 v13, v14  }
0x1bc: {  	s28 =	sadd.s32 $0x1, s28;
	s30 =	sadd.s32 s26, s4  }
0x1bd: {  	v14 =	vmov s30;
	v12 =	vadd.f32 v13, v12  }
0x1be: {  	s26 =	sshll.u32 s26, $0x7  }
0x1bf: {  	v13 =	vor.u32 s26, v0;
	v11 =	vmul.f32 v12, v11  }
0x1c0: {  	s25 =	sadd.s32 $0x10, s25  }
0x1c1: {  	v12 =	vor.u32 s25, v0;
	[tilespmem:v10+s12+$0x0] =	vst.idx.msk $0xffff, v11  }
0x1c2: {  	v10 =	vld.idx.msk [tilespmem:v14+s13+$0x0], $0xffff;
	_ =	sdelay $0x1  }
0x1c3: {  	v11 =	vld.idx.msk [tilespmem:v13+s1+$0x0], $0xffff;
	_ =	sdelay $0x1  }
0x1c4: {  	v12 =	vld.idx.msk [tilespmem:v12+s18+$0x0], $0xffff  }
0x1c5: {  	v14 =	vmul.f32 v10, v1;
	_ =	sdelay $0x1  }
0x1c6: {  	v11 =	vmul.f32 v11, v14;
	_ =	sdelay $0x1  }
0x1c7: {  	v11 =	vadd.f32 v11, v12;
	_ =	sdelay $0x1  }
0x1c8: {  	v10 =	vmul.f32 v11, v10;
	_ =	sdelay $0x1  }
0x1c9: {  	s26 =	rddreg [dreg:$0x5];
	s25 =	simm.s32 $0x0;
	[tilespmem:v13+s12+$0x0] =	vst.idx.msk $0xffff, v10  }
0x1ca: {  	[hbm4b:s26+s25] =	stream.linear.scatter [tilespmem:s12], [sflag:$0x2], $0x2000, $0x38;
	[tilespmem:$0xEE00] =	vst v63  }
0x1cb: {  	_ =	swait.ge [sflag:s31], $0x2000  }
0x1cc: {  	[sflag:s31] =	ssyncset.done $0x0  }
0x1cd: {  	s26 =	rddreg [dreg:$0x19];
	[sflag:s31] =	ssyncadd.s32 $0xFFFFE000  }
0x1ce: {  	[tilespmem:s1], [sflag:$0x2] =	stream.linear.gather [hbm4b:s26+s25], $0x2000, $0x38;
	[tilespmem:$0xEE00] =	vst v63  }
0x1cf: {  	_ =	swait.ge [sflag:s31], $0x2000  }
0x1d0: {  	s26 =	sadd.s32 $0x0, s5;
	[sflag:s31] =	ssyncset.done $0x0  }
0x1d1: {  	v11 =	vmov s26;
	s26 =	simm.s32 $0x0;
	s28 =	rddreg [dreg:$0x1a];
	[sflag:s31] =	ssyncadd.s32 $0xFFFFE000  }
0x1d2: {  	[tilespmem:s18], [sflag:$0x2] =	stream.linear.gather [spmem:s28], $0x400, $0x38;
	[tilespmem:$0xEE00] =	vst v63  }
0x1d3: {  	v10 =	vor.u32 s26, v0;
	_ =	swait.ge [sflag:s31], $0x400  }
0x1d4: {  	[sflag:s31] =	ssyncset.done $0x0  }
0x1d5: {  	v12 =	vor.u32 s25, v0;
	[sflag:s31] =	ssyncadd.s32 $0xFFFFFC00  }
0x1d6: {  	v11 =	vld.idx.msk [tilespmem:v11+s13+$0x0], $0xffff;
	_ =	sdelay $0x1  }
0x1d7: {  	v13 =	vld.idx.msk [tilespmem:v10+s1+$0x0], $0xffff;
	_ =	sdelay $0x1  }
0x1d8: {  	v12 =	vld.idx.msk [tilespmem:v12+s18+$0x0], $0xffff  }
0x1d9: {  	v14 =	vmul.f32 v11, v1;
	_ =	sdelay $0x1  }
0x1da: {  	v13 =	vmul.f32 v13, v14  }
0x1db: {  	s30 =	sadd.s32 $0x1, s5;
	s26 =	simm.s32 $0x1;
	s28 =	simm.s32 $0x2  }
.LBB2_14:
0x1dc: {  	p0 =	sne.s32 s28, $0x3F;
	v14 =	vmov s30;
	v12 =	vadd.f32 v13, v12  }
0x1dd: {  	s30 =	sshll.u32 s26, $0x7;
	s26 =	smov.u32 s28  }
0x1de: {  	v13 =	vor.u32 s30, v0;
	v11 =	vmul.f32 v12, v11  }
0x1df: {  	s25 =	sadd.s32 $0x10, s25  }
0x1e0: {  	v12 =	vor.u32 s25, v0;
	[tilespmem:v10+s12+$0x0] =	vst.idx.msk $0xffff, v11;
	v10 =	vmov v13  }
0x1e1: {  	v11 =	vld.idx.msk [tilespmem:v14+s13+$0x0], $0xffff;
	_ =	sdelay $0x1  }
0x1e2: {  	v13 =	vld.idx.msk [tilespmem:v13+s1+$0x0], $0xffff;
	_ =	sdelay $0x1  }
0x1e3: {  	v12 =	vld.idx.msk [tilespmem:v12+s18+$0x0], $0xffff  }
.Ltmp6:
0x1e4: {  	(pc) =	sbr.rel @p0 .LBB2_14-.Ltmp6, $3  }
0x1e5: {  	v14 =	vmul.f32 v11, v1;
	_ =	sdelay $0x1  }
0x1e6: {  	v13 =	vmul.f32 v13, v14  }
0x1e7: {  	s28 =	sadd.s32 $0x1, s28;
	s30 =	sadd.s32 s26, s5  }
0x1e8: {  	v14 =	vmov s30;
	v12 =	vadd.f32 v13, v12  }
0x1e9: {  	s26 =	sshll.u32 s26, $0x7  }
0x1ea: {  	v13 =	vor.u32 s26, v0;
	v11 =	vmul.f32 v12, v11  }
0x1eb: {  	s25 =	sadd.s32 $0x10, s25  }
0x1ec: {  	v12 =	vor.u32 s25, v0;
	[tilespmem:v10+s12+$0x0] =	vst.idx.msk $0xffff, v11  }
0x1ed: {  	v10 =	vld.idx.msk [tilespmem:v14+s13+$0x0], $0xffff;
	_ =	sdelay $0x1  }
0x1ee: {  	v11 =	vld.idx.msk [tilespmem:v13+s1+$0x0], $0xffff;
	_ =	sdelay $0x1  }
0x1ef: {  	v12 =	vld.idx.msk [tilespmem:v12+s18+$0x0], $0xffff  }
0x1f0: {  	v14 =	vmul.f32 v10, v1;
	_ =	sdelay $0x1  }
0x1f1: {  	v11 =	vmul.f32 v11, v14;
	_ =	sdelay $0x1  }
0x1f2: {  	v11 =	vadd.f32 v11, v12;
	_ =	sdelay $0x1  }
0x1f3: {  	v10 =	vmul.f32 v11, v10;
	_ =	sdelay $0x1  }
0x1f4: {  	s26 =	rddreg [dreg:$0x6];
	s25 =	simm.s32 $0x0;
	[tilespmem:v13+s12+$0x0] =	vst.idx.msk $0xffff, v10  }
0x1f5: {  	[hbm4b:s26+s25] =	stream.linear.scatter [tilespmem:s12], [sflag:$0x2], $0x2000, $0x38;
	[tilespmem:$0xEE00] =	vst v63  }
0x1f6: {  	_ =	swait.ge [sflag:s31], $0x2000  }
0x1f7: {  	[sflag:s31] =	ssyncset.done $0x0  }
0x1f8: {  	s26 =	rddreg [dreg:$0x1b];
	[sflag:s31] =	ssyncadd.s32 $0xFFFFE000  }
0x1f9: {  	[tilespmem:s1], [sflag:$0x2] =	stream.linear.gather [hbm4b:s26+s25], $0x2000, $0x38;
	[tilespmem:$0xEE00] =	vst v63  }
0x1fa: {  	_ =	swait.ge [sflag:s31], $0x2000  }
0x1fb: {  	s26 =	sadd.s32 $0x0, s6;
	[sflag:s31] =	ssyncset.done $0x0  }
0x1fc: {  	v11 =	vmov s26;
	s26 =	simm.s32 $0x0;
	s28 =	rddreg [dreg:$0x1c];
	[sflag:s31] =	ssyncadd.s32 $0xFFFFE000  }
0x1fd: {  	[tilespmem:s18], [sflag:$0x2] =	stream.linear.gather [spmem:s28], $0x400, $0x38;
	[tilespmem:$0xEE00] =	vst v63  }
0x1fe: {  	v10 =	vor.u32 s26, v0;
	_ =	swait.ge [sflag:s31], $0x400  }
0x1ff: {  	[sflag:s31] =	ssyncset.done $0x0  }
0x200: {  	v12 =	vor.u32 s25, v0;
	[sflag:s31] =	ssyncadd.s32 $0xFFFFFC00  }
0x201: {  	v11 =	vld.idx.msk [tilespmem:v11+s13+$0x0], $0xffff;
	_ =	sdelay $0x1  }
0x202: {  	v13 =	vld.idx.msk [tilespmem:v10+s1+$0x0], $0xffff;
	_ =	sdelay $0x1  }
0x203: {  	v12 =	vld.idx.msk [tilespmem:v12+s18+$0x0], $0xffff  }
0x204: {  	v14 =	vmul.f32 v11, v1;
	_ =	sdelay $0x1  }
0x205: {  	v13 =	vmul.f32 v13, v14  }
0x206: {  	s30 =	sadd.s32 $0x1, s6;
	s26 =	simm.s32 $0x1;
	s28 =	simm.s32 $0x2  }
.LBB2_16:
0x207: {  	p0 =	sne.s32 s28, $0x3F;
	v14 =	vmov s30;
	v12 =	vadd.f32 v13, v12  }
0x208: {  	s30 =	sshll.u32 s26, $0x7;
	s26 =	smov.u32 s28  }
0x209: {  	v13 =	vor.u32 s30, v0;
	v11 =	vmul.f32 v12, v11  }
0x20a: {  	s25 =	sadd.s32 $0x10, s25  }
0x20b: {  	v12 =	vor.u32 s25, v0;
	[tilespmem:v10+s12+$0x0] =	vst.idx.msk $0xffff, v11;
	v10 =	vmov v13  }
0x20c: {  	v11 =	vld.idx.msk [tilespmem:v14+s13+$0x0], $0xffff;
	_ =	sdelay $0x1  }
0x20d: {  	v13 =	vld.idx.msk [tilespmem:v13+s1+$0x0], $0xffff;
	_ =	sdelay $0x1  }
0x20e: {  	v12 =	vld.idx.msk [tilespmem:v12+s18+$0x0], $0xffff  }
.Ltmp7:
0x20f: {  	(pc) =	sbr.rel @p0 .LBB2_16-.Ltmp7, $3  }
0x210: {  	v14 =	vmul.f32 v11, v1;
	_ =	sdelay $0x1  }
0x211: {  	v13 =	vmul.f32 v13, v14  }
0x212: {  	s28 =	sadd.s32 $0x1, s28;
	s30 =	sadd.s32 s26, s6  }
0x213: {  	v14 =	vmov s30;
	v12 =	vadd.f32 v13, v12  }
0x214: {  	s26 =	sshll.u32 s26, $0x7  }
0x215: {  	v13 =	vor.u32 s26, v0;
	v11 =	vmul.f32 v12, v11  }
0x216: {  	s25 =	sadd.s32 $0x10, s25  }
0x217: {  	v12 =	vor.u32 s25, v0;
	[tilespmem:v10+s12+$0x0] =	vst.idx.msk $0xffff, v11  }
0x218: {  	v10 =	vld.idx.msk [tilespmem:v14+s13+$0x0], $0xffff;
	_ =	sdelay $0x1  }
0x219: {  	v11 =	vld.idx.msk [tilespmem:v13+s1+$0x0], $0xffff;
	_ =	sdelay $0x1  }
0x21a: {  	v12 =	vld.idx.msk [tilespmem:v12+s18+$0x0], $0xffff  }
0x21b: {  	v14 =	vmul.f32 v10, v1;
	_ =	sdelay $0x1  }
0x21c: {  	v11 =	vmul.f32 v11, v14;
	_ =	sdelay $0x1  }
0x21d: {  	v11 =	vadd.f32 v11, v12;
	_ =	sdelay $0x1  }
0x21e: {  	v10 =	vmul.f32 v11, v10;
	_ =	sdelay $0x1  }
0x21f: {  	s26 =	rddreg [dreg:$0x7];
	s25 =	simm.s32 $0x0;
	[tilespmem:v13+s12+$0x0] =	vst.idx.msk $0xffff, v10  }
0x220: {  	[hbm4b:s26+s25] =	stream.linear.scatter [tilespmem:s12], [sflag:$0x2], $0x2000, $0x38;
	[tilespmem:$0xEE00] =	vst v63  }
0x221: {  	_ =	swait.ge [sflag:s31], $0x2000  }
0x222: {  	[sflag:s31] =	ssyncset.done $0x0  }
0x223: {  	s26 =	rddreg [dreg:$0x1d];
	[sflag:s31] =	ssyncadd.s32 $0xFFFFE000  }
0x224: {  	[tilespmem:s1], [sflag:$0x2] =	stream.linear.gather [hbm4b:s26+s25], $0x2000, $0x38;
	[tilespmem:$0xEE00] =	vst v63  }
0x225: {  	_ =	swait.ge [sflag:s31], $0x2000  }
0x226: {  	s26 =	sadd.s32 $0x0, s7;
	[sflag:s31] =	ssyncset.done $0x0  }
0x227: {  	v11 =	vmov s26;
	s26 =	simm.s32 $0x0;
	s28 =	rddreg [dreg:$0x1e];
	[sflag:s31] =	ssyncadd.s32 $0xFFFFE000  }
0x228: {  	[tilespmem:s18], [sflag:$0x2] =	stream.linear.gather [spmem:s28], $0x400, $0x38;
	[tilespmem:$0xEE00] =	vst v63  }
0x229: {  	v10 =	vor.u32 s26, v0;
	_ =	swait.ge [sflag:s31], $0x400  }
0x22a: {  	[sflag:s31] =	ssyncset.done $0x0  }
0x22b: {  	v12 =	vor.u32 s25, v0;
	[sflag:s31] =	ssyncadd.s32 $0xFFFFFC00  }
0x22c: {  	v11 =	vld.idx.msk [tilespmem:v11+s13+$0x0], $0xffff;
	_ =	sdelay $0x1  }
0x22d: {  	v13 =	vld.idx.msk [tilespmem:v10+s1+$0x0], $0xffff;
	_ =	sdelay $0x1  }
0x22e: {  	v12 =	vld.idx.msk [tilespmem:v12+s18+$0x0], $0xffff  }
0x22f: {  	v14 =	vmul.f32 v11, v1;
	_ =	sdelay $0x1  }
0x230: {  	v13 =	vmul.f32 v13, v14  }
0x231: {  	s30 =	sadd.s32 $0x1, s7;
	s26 =	simm.s32 $0x1;
	s28 =	simm.s32 $0x2  }
.LBB2_18:
0x232: {  	p0 =	sne.s32 s28, $0x3F;
	v14 =	vmov s30;
	v12 =	vadd.f32 v13, v12  }
0x233: {  	s30 =	sshll.u32 s26, $0x7;
	s26 =	smov.u32 s28  }
0x234: {  	v13 =	vor.u32 s30, v0;
	v11 =	vmul.f32 v12, v11  }
0x235: {  	s25 =	sadd.s32 $0x10, s25  }
0x236: {  	v12 =	vor.u32 s25, v0;
	[tilespmem:v10+s12+$0x0] =	vst.idx.msk $0xffff, v11;
	v10 =	vmov v13  }
0x237: {  	v11 =	vld.idx.msk [tilespmem:v14+s13+$0x0], $0xffff;
	_ =	sdelay $0x1  }
0x238: {  	v13 =	vld.idx.msk [tilespmem:v13+s1+$0x0], $0xffff;
	_ =	sdelay $0x1  }
0x239: {  	v12 =	vld.idx.msk [tilespmem:v12+s18+$0x0], $0xffff  }
.Ltmp8:
0x23a: {  	(pc) =	sbr.rel @p0 .LBB2_18-.Ltmp8, $3  }
0x23b: {  	v14 =	vmul.f32 v11, v1;
	_ =	sdelay $0x1  }
0x23c: {  	v13 =	vmul.f32 v13, v14  }
0x23d: {  	s28 =	sadd.s32 $0x1, s28;
	s30 =	sadd.s32 s26, s7  }
0x23e: {  	v14 =	vmov s30;
	v12 =	vadd.f32 v13, v12  }
0x23f: {  	s26 =	sshll.u32 s26, $0x7  }
0x240: {  	v13 =	vor.u32 s26, v0;
	v11 =	vmul.f32 v12, v11  }
0x241: {  	s25 =	sadd.s32 $0x10, s25  }
0x242: {  	v12 =	vor.u32 s25, v0;
	[tilespmem:v10+s12+$0x0] =	vst.idx.msk $0xffff, v11  }
0x243: {  	v10 =	vld.idx.msk [tilespmem:v14+s13+$0x0], $0xffff;
	_ =	sdelay $0x1  }
0x244: {  	v11 =	vld.idx.msk [tilespmem:v13+s1+$0x0], $0xffff;
	_ =	sdelay $0x1  }
0x245: {  	v12 =	vld.idx.msk [tilespmem:v12+s18+$0x0], $0xffff  }
0x246: {  	v14 =	vmul.f32 v10, v1;
	_ =	sdelay $0x1  }
0x247: {  	v11 =	vmul.f32 v11, v14;
	_ =	sdelay $0x1  }
0x248: {  	v11 =	vadd.f32 v11, v12;
	_ =	sdelay $0x1  }
0x249: {  	v10 =	vmul.f32 v11, v10;
	_ =	sdelay $0x1  }
0x24a: {  	s26 =	rddreg [dreg:$0x8];
	s25 =	simm.s32 $0x0;
	[tilespmem:v13+s12+$0x0] =	vst.idx.msk $0xffff, v10  }
0x24b: {  	[hbm4b:s26+s25] =	stream.linear.scatter [tilespmem:s12], [sflag:$0x2], $0x2000, $0x38;
	[tilespmem:$0xEE00] =	vst v63  }
0x24c: {  	_ =	swait.ge [sflag:s31], $0x2000  }
0x24d: {  	[sflag:s31] =	ssyncset.done $0x0  }
0x24e: {  	s26 =	rddreg [dreg:$0x1f];
	[sflag:s31] =	ssyncadd.s32 $0xFFFFE000  }
0x24f: {  	[tilespmem:s1], [sflag:$0x2] =	stream.linear.gather [hbm4b:s26+s25], $0x2000, $0x38;
	[tilespmem:$0xEE00] =	vst v63  }
0x250: {  	_ =	swait.ge [sflag:s31], $0x2000  }
0x251: {  	s28 =	sld [smem:$0x7F2]  }
0x252: {  	s26 =	sadd.s32 $0x0, s8;
	[sflag:s31] =	ssyncset.done $0x0  }
0x253: {  	v11 =	vmov s26;
	s26 =	simm.s32 $0x0;
	[sflag:s31] =	ssyncadd.s32 $0xFFFFE000  }
0x254: {  	[tilespmem:s18], [sflag:$0x2] =	stream.linear.gather [spmem:s28], $0x400, $0x38;
	[tilespmem:$0xEE00] =	vst v63  }
0x255: {  	v10 =	vor.u32 s26, v0;
	_ =	swait.ge [sflag:s31], $0x400  }
0x256: {  	[sflag:s31] =	ssyncset.done $0x0  }
0x257: {  	v12 =	vor.u32 s25, v0;
	[sflag:s31] =	ssyncadd.s32 $0xFFFFFC00  }
0x258: {  	v11 =	vld.idx.msk [tilespmem:v11+s13+$0x0], $0xffff;
	_ =	sdelay $0x1  }
0x259: {  	v13 =	vld.idx.msk [tilespmem:v10+s1+$0x0], $0xffff;
	_ =	sdelay $0x1  }
0x25a: {  	v12 =	vld.idx.msk [tilespmem:v12+s18+$0x0], $0xffff  }
0x25b: {  	v14 =	vmul.f32 v11, v1;
	_ =	sdelay $0x1  }
0x25c: {  	v13 =	vmul.f32 v13, v14  }
0x25d: {  	s30 =	sadd.s32 $0x1, s8;
	s26 =	simm.s32 $0x1;
	s28 =	simm.s32 $0x2  }
.LBB2_20:
0x25e: {  	p0 =	sne.s32 s28, $0x3F;
	v14 =	vmov s30;
	v12 =	vadd.f32 v13, v12  }
0x25f: {  	s30 =	sshll.u32 s26, $0x7;
	s26 =	smov.u32 s28  }
0x260: {  	v13 =	vor.u32 s30, v0;
	v11 =	vmul.f32 v12, v11  }
0x261: {  	s25 =	sadd.s32 $0x10, s25  }
0x262: {  	v12 =	vor.u32 s25, v0;
	[tilespmem:v10+s12+$0x0] =	vst.idx.msk $0xffff, v11;
	v10 =	vmov v13  }
0x263: {  	v11 =	vld.idx.msk [tilespmem:v14+s13+$0x0], $0xffff;
	_ =	sdelay $0x1  }
0x264: {  	v13 =	vld.idx.msk [tilespmem:v13+s1+$0x0], $0xffff;
	_ =	sdelay $0x1  }
0x265: {  	v12 =	vld.idx.msk [tilespmem:v12+s18+$0x0], $0xffff  }
.Ltmp9:
0x266: {  	(pc) =	sbr.rel @p0 .LBB2_20-.Ltmp9, $3  }
0x267: {  	v14 =	vmul.f32 v11, v1;
	_ =	sdelay $0x1  }
0x268: {  	v13 =	vmul.f32 v13, v14  }
0x269: {  	s28 =	sadd.s32 $0x1, s28;
	s30 =	sadd.s32 s26, s8  }
0x26a: {  	v14 =	vmov s30;
	v12 =	vadd.f32 v13, v12  }
0x26b: {  	s26 =	sshll.u32 s26, $0x7  }
0x26c: {  	v13 =	vor.u32 s26, v0;
	v11 =	vmul.f32 v12, v11  }
0x26d: {  	s25 =	sadd.s32 $0x10, s25  }
0x26e: {  	v12 =	vor.u32 s25, v0;
	[tilespmem:v10+s12+$0x0] =	vst.idx.msk $0xffff, v11  }
0x26f: {  	v10 =	vld.idx.msk [tilespmem:v14+s13+$0x0], $0xffff;
	_ =	sdelay $0x1  }
0x270: {  	v11 =	vld.idx.msk [tilespmem:v13+s1+$0x0], $0xffff;
	_ =	sdelay $0x1  }
0x271: {  	v12 =	vld.idx.msk [tilespmem:v12+s18+$0x0], $0xffff  }
0x272: {  	v14 =	vmul.f32 v10, v1;
	_ =	sdelay $0x1  }
0x273: {  	v11 =	vmul.f32 v11, v14;
	_ =	sdelay $0x1  }
0x274: {  	v11 =	vadd.f32 v11, v12;
	_ =	sdelay $0x1  }
0x275: {  	v10 =	vmul.f32 v11, v10;
	_ =	sdelay $0x1  }
0x276: {  	s26 =	rddreg [dreg:$0x9];
	s25 =	simm.s32 $0x0;
	[tilespmem:v13+s12+$0x0] =	vst.idx.msk $0xffff, v10  }
0x277: {  	[hbm4b:s26+s25] =	stream.linear.scatter [tilespmem:s12], [sflag:$0x2], $0x2000, $0x38;
	[tilespmem:$0xEE00] =	vst v63  }
0x278: {  	_ =	swait.ge [sflag:s31], $0x2000  }
0x279: {  	s26 =	sld [smem:$0x7F3]  }
0x27a: {  	[sflag:s31] =	ssyncset.done $0x0  }
0x27b: {  	[sflag:s31] =	ssyncadd.s32 $0xFFFFE000  }
0x27c: {  	[tilespmem:s1], [sflag:$0x2] =	stream.linear.gather [hbm4b:s26+s25], $0x2000, $0x38;
	[tilespmem:$0xEE00] =	vst v63  }
0x27d: {  	_ =	swait.ge [sflag:s31], $0x2000  }
0x27e: {  	s28 =	sld [smem:$0x7F4]  }
0x27f: {  	s26 =	sadd.s32 $0x0, s9;
	[sflag:s31] =	ssyncset.done $0x0  }
0x280: {  	v11 =	vmov s26;
	s26 =	simm.s32 $0x0;
	[sflag:s31] =	ssyncadd.s32 $0xFFFFE000  }
0x281: {  	[tilespmem:s18], [sflag:$0x2] =	stream.linear.gather [spmem:s28], $0x400, $0x38;
	[tilespmem:$0xEE00] =	vst v63  }
0x282: {  	v10 =	vor.u32 s26, v0;
	_ =	swait.ge [sflag:s31], $0x400  }
0x283: {  	[sflag:s31] =	ssyncset.done $0x0  }
0x284: {  	v12 =	vor.u32 s25, v0;
	[sflag:s31] =	ssyncadd.s32 $0xFFFFFC00  }
0x285: {  	v11 =	vld.idx.msk [tilespmem:v11+s13+$0x0], $0xffff;
	_ =	sdelay $0x1  }
0x286: {  	v13 =	vld.idx.msk [tilespmem:v10+s1+$0x0], $0xffff;
	_ =	sdelay $0x1  }
0x287: {  	v12 =	vld.idx.msk [tilespmem:v12+s18+$0x0], $0xffff  }
0x288: {  	v14 =	vmul.f32 v11, v1;
	_ =	sdelay $0x1  }
0x289: {  	v13 =	vmul.f32 v13, v14  }
0x28a: {  	s30 =	sadd.s32 $0x1, s9;
	s26 =	simm.s32 $0x1;
	s28 =	simm.s32 $0x2  }
.LBB2_22:
0x28b: {  	p0 =	sne.s32 s28, $0x3F;
	v14 =	vmov s30;
	v12 =	vadd.f32 v13, v12  }
0x28c: {  	s30 =	sshll.u32 s26, $0x7;
	s26 =	smov.u32 s28  }
0x28d: {  	v13 =	vor.u32 s30, v0;
	v11 =	vmul.f32 v12, v11  }
0x28e: {  	s25 =	sadd.s32 $0x10, s25  }
0x28f: {  	v12 =	vor.u32 s25, v0;
	[tilespmem:v10+s12+$0x0] =	vst.idx.msk $0xffff, v11;
	v10 =	vmov v13  }
0x290: {  	v11 =	vld.idx.msk [tilespmem:v14+s13+$0x0], $0xffff;
	_ =	sdelay $0x1  }
0x291: {  	v13 =	vld.idx.msk [tilespmem:v13+s1+$0x0], $0xffff;
	_ =	sdelay $0x1  }
0x292: {  	v12 =	vld.idx.msk [tilespmem:v12+s18+$0x0], $0xffff  }
.Ltmp10:
0x293: {  	(pc) =	sbr.rel @p0 .LBB2_22-.Ltmp10, $3  }
0x294: {  	v14 =	vmul.f32 v11, v1;
	_ =	sdelay $0x1  }
0x295: {  	v13 =	vmul.f32 v13, v14  }
0x296: {  	s28 =	sadd.s32 $0x1, s28;
	s30 =	sadd.s32 s26, s9  }
0x297: {  	v14 =	vmov s30;
	v12 =	vadd.f32 v13, v12  }
0x298: {  	s26 =	sshll.u32 s26, $0x7  }
0x299: {  	v13 =	vor.u32 s26, v0;
	v11 =	vmul.f32 v12, v11  }
0x29a: {  	s25 =	sadd.s32 $0x10, s25  }
0x29b: {  	v12 =	vor.u32 s25, v0;
	[tilespmem:v10+s12+$0x0] =	vst.idx.msk $0xffff, v11  }
0x29c: {  	v10 =	vld.idx.msk [tilespmem:v14+s13+$0x0], $0xffff;
	_ =	sdelay $0x1  }
0x29d: {  	v11 =	vld.idx.msk [tilespmem:v13+s1+$0x0], $0xffff;
	_ =	sdelay $0x1  }
0x29e: {  	v12 =	vld.idx.msk [tilespmem:v12+s18+$0x0], $0xffff  }
0x29f: {  	v14 =	vmul.f32 v10, v1;
	_ =	sdelay $0x1  }
0x2a0: {  	v11 =	vmul.f32 v11, v14;
	_ =	sdelay $0x1  }
0x2a1: {  	v11 =	vadd.f32 v11, v12;
	_ =	sdelay $0x1  }
0x2a2: {  	v10 =	vmul.f32 v11, v10;
	_ =	sdelay $0x1  }
0x2a3: {  	s26 =	rddreg [dreg:$0xa];
	s25 =	simm.s32 $0x0;
	[tilespmem:v13+s12+$0x0] =	vst.idx.msk $0xffff, v10  }
0x2a4: {  	[hbm4b:s26+s25] =	stream.linear.scatter [tilespmem:s12], [sflag:$0x2], $0x2000, $0x38;
	[tilespmem:$0xEE00] =	vst v63  }
0x2a5: {  	_ =	swait.ge [sflag:s31], $0x2000  }
0x2a6: {  	s26 =	sld [smem:$0x7F5]  }
0x2a7: {  	[sflag:s31] =	ssyncset.done $0x0  }
0x2a8: {  	[sflag:s31] =	ssyncadd.s32 $0xFFFFE000  }
0x2a9: {  	[tilespmem:s1], [sflag:$0x2] =	stream.linear.gather [hbm4b:s26+s25], $0x2000, $0x38;
	[tilespmem:$0xEE00] =	vst v63  }
0x2aa: {  	_ =	swait.ge [sflag:s31], $0x2000  }
0x2ab: {  	s28 =	sld [smem:$0x7F6]  }
0x2ac: {  	s26 =	sadd.s32 $0x0, s10;
	[sflag:s31] =	ssyncset.done $0x0  }
0x2ad: {  	v11 =	vmov s26;
	s26 =	simm.s32 $0x0;
	[sflag:s31] =	ssyncadd.s32 $0xFFFFE000  }
0x2ae: {  	[tilespmem:s18], [sflag:$0x2] =	stream.linear.gather [spmem:s28], $0x400, $0x38;
	[tilespmem:$0xEE00] =	vst v63  }
0x2af: {  	v10 =	vor.u32 s26, v0;
	_ =	swait.ge [sflag:s31], $0x400  }
0x2b0: {  	[sflag:s31] =	ssyncset.done $0x0  }
0x2b1: {  	v12 =	vor.u32 s25, v0;
	[sflag:s31] =	ssyncadd.s32 $0xFFFFFC00  }
0x2b2: {  	v11 =	vld.idx.msk [tilespmem:v11+s13+$0x0], $0xffff;
	_ =	sdelay $0x1  }
0x2b3: {  	v13 =	vld.idx.msk [tilespmem:v10+s1+$0x0], $0xffff;
	_ =	sdelay $0x1  }
0x2b4: {  	v12 =	vld.idx.msk [tilespmem:v12+s18+$0x0], $0xffff  }
0x2b5: {  	v14 =	vmul.f32 v11, v1;
	_ =	sdelay $0x1  }
0x2b6: {  	v13 =	vmul.f32 v13, v14  }
0x2b7: {  	s30 =	sadd.s32 $0x1, s10;
	s26 =	simm.s32 $0x1;
	s28 =	simm.s32 $0x2  }
.LBB2_24:
0x2b8: {  	p0 =	sne.s32 s28, $0x3F;
	v14 =	vmov s30;
	v12 =	vadd.f32 v13, v12  }
0x2b9: {  	s30 =	sshll.u32 s26, $0x7;
	s26 =	smov.u32 s28  }
0x2ba: {  	v13 =	vor.u32 s30, v0;
	v11 =	vmul.f32 v12, v11  }
0x2bb: {  	s25 =	sadd.s32 $0x10, s25  }
0x2bc: {  	v12 =	vor.u32 s25, v0;
	[tilespmem:v10+s12+$0x0] =	vst.idx.msk $0xffff, v11;
	v10 =	vmov v13  }
0x2bd: {  	v11 =	vld.idx.msk [tilespmem:v14+s13+$0x0], $0xffff;
	_ =	sdelay $0x1  }
0x2be: {  	v13 =	vld.idx.msk [tilespmem:v13+s1+$0x0], $0xffff;
	_ =	sdelay $0x1  }
0x2bf: {  	v12 =	vld.idx.msk [tilespmem:v12+s18+$0x0], $0xffff  }
.Ltmp11:
0x2c0: {  	(pc) =	sbr.rel @p0 .LBB2_24-.Ltmp11, $3  }
0x2c1: {  	v14 =	vmul.f32 v11, v1;
	_ =	sdelay $0x1  }
0x2c2: {  	v13 =	vmul.f32 v13, v14  }
0x2c3: {  	s28 =	sadd.s32 $0x1, s28;
	s30 =	sadd.s32 s26, s10  }
0x2c4: {  	v14 =	vmov s30;
	v12 =	vadd.f32 v13, v12  }
0x2c5: {  	s26 =	sshll.u32 s26, $0x7  }
0x2c6: {  	v13 =	vor.u32 s26, v0;
	v11 =	vmul.f32 v12, v11  }
0x2c7: {  	s25 =	sadd.s32 $0x10, s25  }
0x2c8: {  	v12 =	vor.u32 s25, v0;
	[tilespmem:v10+s12+$0x0] =	vst.idx.msk $0xffff, v11  }
0x2c9: {  	v10 =	vld.idx.msk [tilespmem:v14+s13+$0x0], $0xffff;
	_ =	sdelay $0x1  }
0x2ca: {  	v11 =	vld.idx.msk [tilespmem:v13+s1+$0x0], $0xffff;
	_ =	sdelay $0x1  }
0x2cb: {  	v12 =	vld.idx.msk [tilespmem:v12+s18+$0x0], $0xffff  }
0x2cc: {  	v14 =	vmul.f32 v10, v1;
	_ =	sdelay $0x1  }
0x2cd: {  	v11 =	vmul.f32 v11, v14;
	_ =	sdelay $0x1  }
0x2ce: {  	v11 =	vadd.f32 v11, v12;
	_ =	sdelay $0x1  }
0x2cf: {  	v10 =	vmul.f32 v11, v10;
	_ =	sdelay $0x1  }
0x2d0: {  	s26 =	rddreg [dreg:$0xb];
	s25 =	simm.s32 $0x0;
	[tilespmem:v13+s12+$0x0] =	vst.idx.msk $0xffff, v10  }
0x2d1: {  	[hbm4b:s26+s25] =	stream.linear.scatter [tilespmem:s12], [sflag:$0x2], $0x2000, $0x38;
	[tilespmem:$0xEE00] =	vst v63  }
0x2d2: {  	_ =	swait.ge [sflag:s31], $0x2000  }
0x2d3: {  	s26 =	sld [smem:$0x7F7]  }
0x2d4: {  	[sflag:s31] =	ssyncset.done $0x0  }
0x2d5: {  	[sflag:s31] =	ssyncadd.s32 $0xFFFFE000  }
0x2d6: {  	[tilespmem:s1], [sflag:$0x2] =	stream.linear.gather [hbm4b:s26+s25], $0x2000, $0x38;
	[tilespmem:$0xEE00] =	vst v63  }
0x2d7: {  	_ =	swait.ge [sflag:s31], $0x2000  }
0x2d8: {  	s28 =	sld [smem:$0x7F8]  }
0x2d9: {  	s26 =	sadd.s32 $0x0, s11;
	[sflag:s31] =	ssyncset.done $0x0  }
0x2da: {  	v11 =	vmov s26;
	s26 =	simm.s32 $0x0;
	[sflag:s31] =	ssyncadd.s32 $0xFFFFE000  }
0x2db: {  	[tilespmem:s18], [sflag:$0x2] =	stream.linear.gather [spmem:s28], $0x400, $0x38;
	[tilespmem:$0xEE00] =	vst v63  }
0x2dc: {  	v10 =	vor.u32 s26, v0;
	_ =	swait.ge [sflag:s31], $0x400  }
0x2dd: {  	[sflag:s31] =	ssyncset.done $0x0  }
0x2de: {  	v12 =	vor.u32 s25, v0;
	[sflag:s31] =	ssyncadd.s32 $0xFFFFFC00  }
0x2df: {  	v11 =	vld.idx.msk [tilespmem:v11+s13+$0x0], $0xffff;
	_ =	sdelay $0x1  }
0x2e0: {  	v13 =	vld.idx.msk [tilespmem:v10+s1+$0x0], $0xffff;
	_ =	sdelay $0x1  }
0x2e1: {  	v12 =	vld.idx.msk [tilespmem:v12+s18+$0x0], $0xffff  }
0x2e2: {  	v14 =	vmul.f32 v11, v1;
	_ =	sdelay $0x1  }
0x2e3: {  	v13 =	vmul.f32 v13, v14  }
0x2e4: {  	s30 =	sadd.s32 $0x1, s11;
	s26 =	simm.s32 $0x1;
	s28 =	simm.s32 $0x2  }
.LBB2_26:
0x2e5: {  	p0 =	sne.s32 s28, $0x3F;
	v14 =	vmov s30;
	v12 =	vadd.f32 v13, v12  }
0x2e6: {  	s30 =	sshll.u32 s26, $0x7;
	s26 =	smov.u32 s28  }
0x2e7: {  	v13 =	vor.u32 s30, v0;
	v11 =	vmul.f32 v12, v11  }
0x2e8: {  	s25 =	sadd.s32 $0x10, s25  }
0x2e9: {  	v12 =	vor.u32 s25, v0;
	[tilespmem:v10+s12+$0x0] =	vst.idx.msk $0xffff, v11;
	v10 =	vmov v13  }
0x2ea: {  	v11 =	vld.idx.msk [tilespmem:v14+s13+$0x0], $0xffff;
	_ =	sdelay $0x1  }
0x2eb: {  	v13 =	vld.idx.msk [tilespmem:v13+s1+$0x0], $0xffff;
	_ =	sdelay $0x1  }
0x2ec: {  	v12 =	vld.idx.msk [tilespmem:v12+s18+$0x0], $0xffff  }
.Ltmp12:
0x2ed: {  	(pc) =	sbr.rel @p0 .LBB2_26-.Ltmp12, $3  }
0x2ee: {  	v14 =	vmul.f32 v11, v1;
	_ =	sdelay $0x1  }
0x2ef: {  	v13 =	vmul.f32 v13, v14  }
0x2f0: {  	s28 =	sadd.s32 $0x1, s28;
	s30 =	sadd.s32 s26, s11  }
0x2f1: {  	v14 =	vmov s30;
	v12 =	vadd.f32 v13, v12  }
0x2f2: {  	s26 =	sshll.u32 s26, $0x7  }
0x2f3: {  	v62 =	vor.u32 s26, v0;
	v11 =	vmul.f32 v12, v11  }
0x2f4: {  	s25 =	sadd.s32 $0x10, s25  }
0x2f5: {  	v63 =	vor.u32 s25, v0;
	[tilespmem:v10+s12+$0x0] =	vst.idx.msk $0xffff, v11  }
0x2f6: {  	v10 =	vld.idx.msk [tilespmem:v14+s13+$0x0], $0xffff;
	_ =	sdelay $0x1  }
0x2f7: {  	v11 =	vld.idx.msk [tilespmem:v62+s1+$0x0], $0xffff;
	_ =	sdelay $0x1  }
0x2f8: {  	v12 =	vld.idx.msk [tilespmem:v63+s18+$0x0], $0xffff  }
0x2f9: {  	v14 =	vmul.f32 v10, v1;
	_ =	sdelay $0x1  }
0x2fa: {  	v11 =	vmul.f32 v11, v14;
	_ =	sdelay $0x1  }
0x2fb: {  	v11 =	vadd.f32 v11, v12;
	_ =	sdelay $0x1  }
0x2fc: {  	v10 =	vmul.f32 v11, v10;
	_ =	sdelay $0x1  }
0x2fd: {  	s30 =	rddreg [dreg:$0xc];
	s26 =	simm.s32 $0x0;
	[tilespmem:v62+s12+$0x0] =	vst.idx.msk $0xffff, v10  }
0x2fe: {  	[hbm4b:s30+s26] =	stream.linear.scatter [tilespmem:s12], [sflag:$0x2], $0x2000, $0x38;
	[tilespmem:$0xEE00] =	vst v63  }
0x2ff: {  	_ =	swait.ge [sflag:s31], $0x2000  }
0x300: {  	s28 =	sld [smem:$0x7F1]  }
0x301: {  	s30 =	sld [smem:$0x7F9];
	_ =	sdelay $0x1  }
0x302: {  	s28 =	sadd.s32 $0x1, s28  }
0x303: {  	p0 =	sne.s32 s28, s30  }
.Ltmp13:
0x304: {  	_ = 	snop;
	(pc) =	sbr.rel @p0 .LBB2_1-.Ltmp13, $3  }
0x305: {  	_ =	sdelay $0x1  }
0x306: {  	[sflag:s31] =	ssyncset.done $0x0  }
0x307: {  	[sflag:s31] =	ssyncadd.s32 $0xFFFFE000  }
0x308: {  	_ =	sfence.sel $0x180000  }
0x309: {  	[bflag:$0x0] =	sbarrier.arrive $0xFFFF  }
0x30a: {  	_ =	strace $0x9000004A  }
0x30b: {  	s0 =	stileid.u32;
	[bflag:$0x2] =	sbarrier.arrive $0xFFFF  }
0x30c: {  	p0 =	sne.s32 s0, $0x0;
	s0 =	rddreg [dreg:$0x2]  }
0x30d: {  	s0 =	sadd.s32 @!p0 $0x100000, s0  }
0x30e: {  	[sflag:s0] =	ssyncadd.tile.s32 @!p0 $0x1;
	_ =	shalt  }
.Lfunc_end2:
_tile_overlayer_lowered:
.L_overlay_start_2:
0x30f: {  	(tag) =	ssettag $0x2  }
0x310: {  	s0 =	rddreg [dreg:$0x0];
	s2 =	stileid.u32  }
0x311: {  	s1 =	rddreg [dreg:$0x1];
	p0 =	sne.s32 s2, $0x0  }
0x312: {  	s3 =	rddreg [dreg:$0x2];
	[bflag:$0x3] =	sbarrier.arrive $0xFFFF;
	s2 =	simm.s32 @!p0 $0x1C02  }
0x313: {  	[timem:s3], [sflag:s2] =	dma.local @!p0 [hbm:s0], s1  }
0x314: {  	s0 =	simm.s32 @!p0 $0x2  }
0x315: {  	_ =	swait.ge @!p0 [sflag:s0], s1  }
0x316: {  	s1 =	ssub.s32 @!p0 $0x0, s1;
	[sflag:s0] =	ssyncset.done @!p0 $0x0  }
0x317: {  	[sflag:s0] =	ssyncadd.s32 @!p0 s1  }
0x318: {  	[bflag:$0x3] =	sbarrier.arrive $0xFFFF  }
0x319: {  	_ =	shalt  }

// kernel: kernel.14.cloned.1.call-start
scs
__scs_entry_jumppad:
0x0: {  	(pc) =	sbr.rel $0x88, $3  }
0x1: {  	(tag) =	ssettag $0x0;
	lr =	simm.s32 $0x1  }
0x2: {  	[smem:$0x3F97] =	sst lr;
	_ =	strace $0xD0000000  }
0x3: {  	_ = 	snop  }
0x4: {  	_ = 	snop  }
0x5: {  	_ = 	snop  }
0x6: {  	_ = 	snop  }
0x7: {  	_ = 	snop  }
__scs_overlays_trampoline_lowered:
0x8: {  	[smem:$0x3FA6] =	sst s0  }
0x9: {  	[smem:$0x3FA7] =	sst s1  }
0xa: {  	[smem:$0x3FA8] =	sst s2  }
0xb: {  	[smem:$0x3FA9] =	sst s3  }
0xc: {  	[smem:$0x3FAA] =	sst s4  }
0xd: {  	[smem:$0x3FAB] =	sst s5  }
0xe: {  	[smem:$0x3FAC] =	sst s6  }
0xf: {  	[smem:$0x3FAD] =	sst s7  }
0x10: {  	[smem:$0x3FAE] =	sst s8  }
0x11: {  	[smem:$0x3FAF] =	sst s9;
	s0 =	simm.s32 @!p0 $0x0  }
0x12: {  	s1 =	sld [smem:$0x3F95];
	s0 =	simm.s32 @p0 $0x1  }
0x13: {  	[smem:$0x3FB0] =	sst s0;
	s0 =	simm.s32 @!p1 $0x0  }
0x14: {  	s2 =	sld [smem:$0x3F94];
	s0 =	simm.s32 @p1 $0x1  }
0x15: {  	[smem:$0x3FB1] =	sst s0;
	s0 =	simm.s32 @!p2 $0x0  }
0x16: {  	s3 =	sld [smem:$0x3FDB];
	s0 =	simm.s32 @p2 $0x1  }
0x17: {  	s4 =	simm.s32 $0x1BF5;
	[smem:$0x3FB3] =	sst s0  }
0x18: {  	s0 =	sld [smem:$0x3F96];
	_ =	swait.ge [sflag:s4], $0x0  }
0x19: {  	s7 =	sld [smem:$0x3F97]  }
0x1a: {  	s8 =	sadd.s32 $0xFFFFE003, lr  }
0x1b: {  	s9 =	sadd.s32 $0xFFFFFEF7, lr;
	s5 =	simm.s32 $0xFFFFFFFF;
	p2 =	slt.u32 s8, $0xFFFFF086  }
0x1c: {  	p1 =	slt.u32 s9, $0xF7A;
	s5 =	simm.s32 @!p2 $0x0  }
0x1d: {  	s5 =	simm.s32 @p1 $0x1;
	p0 =	seq.s32 s7, s2  }
0x1e: {  	s7 =	smul.u32 @!p0 $0xF7A, s2;
	p2 =	seq.s32 @!p0 s5, $0x0  }
0x1f: {  	s9 =	smul.u32 $0xF7A, s1;
	s8 =	simm.s32 @!p0 $0x1BF5;
	p2 =	por !p2, p0  }
0x20: {  	[sflag:s8] =	ssyncset.s32 @!p0 $0xFFFFF086;
	s6 =	sadd.s32 @!p0 s3, s7;
	s7 =	simm.s32 @!p0 $0x108  }
0x21: {  	s3 =	sadd.s32 s3, s9;
	s6 =	sadd.s32 @!p0 $0x88, s6;
	s7 =	simm.s32 @p2 $0x1082  }
0x22: {  	[simem:s7], [sflag:s8] =	dma.local @!p0 [hbm:s6], $0xF7A  }
0x23: {  	s9 =	sor.u32 $0xD0000000, s2;
	s6 =	simm.s32 $0x108;
	_ =	swait.ge @!p0 [sflag:s8], $0x0  }
0x24: {  	s3 =	sadd.s32 $0x88, s3;
	s6 =	simm.s32 @!p1 $0x1082;
	[sflag:s4] =	ssyncset.s32 $0xFFFFF086  }
0x25: {  	[simem:s6], [sflag:s4] =	dma.local [hbm:s3], $0xF7A  }
0x26: {  	[smem:$0x3F97] =	sst s1;
	(tag) =	ssettag s2;
	_ =	strace s9  }
0x27: {  	s1 =	sld [smem:$0x3FA7]  }
0x28: {  	s2 =	sld [smem:$0x3FA8]  }
0x29: {  	s4 =	sld [smem:$0x3FAA]  }
0x2a: {  	p0 =	seq.s32 s5, $0x0;
	s5 =	sld [smem:$0x3FAB]  }
0x2b: {  	s6 =	sld [smem:$0x3FAC]  }
0x2c: {  	s7 =	sld [smem:$0x3FAD]  }
0x2d: {  	s3 =	simm.s32 $0x108;
	s8 =	sld [smem:$0x3FAE]  }
0x2e: {  	s3 =	simm.s32 @!p0 $0x1082;
	s9 =	sld [smem:$0x3FAF]  }
0x2f: {  	lr =	sadd.s32 s0, s3;
	s0 =	sld [smem:$0x3FA6]  }
0x30: {  	s3 =	sld [smem:$0x3FA9]  }
0x31: {  	[smem:$0x3FB2] =	sst s10  }
0x32: {  	s10 =	sld [smem:$0x3FB0];
	_ =	sdelay $0x3  }
0x33: {  	p0 =	seq.s32 s10, $0x1;
	s10 =	sld [smem:$0x3FB2];
	_ =	sdelay $0x3  }
0x34: {  	[smem:$0x3FB2] =	sst s10  }
0x35: {  	s10 =	sld [smem:$0x3FB1];
	_ =	sdelay $0x3  }
0x36: {  	p1 =	seq.s32 s10, $0x1;
	s10 =	sld [smem:$0x3FB2];
	_ =	sdelay $0x3  }
0x37: {  	[smem:$0x3FB2] =	sst s10  }
0x38: {  	s10 =	sld [smem:$0x3FB3]  }
0x39: {  	_ = 	snop;
	(pc) =	sbr.ind lr, $3  }
0x3a: {  	_ = 	snop  }
0x3b: {  	_ = 	snop  }
0x3c: {  	p2 =	seq.s32 s10, $0x1;
	s10 =	sld [smem:$0x3FB2]  }
0x3d: {  	_ =	shalt  }
0x3e: {  	_ =	shalt  }
0x3f: {  	_ =	shalt  }
0x40: {  	_ =	shalt  }
0x41: {  	_ =	shalt  }
0x42: {  	_ =	shalt  }
0x43: {  	_ =	shalt  }
0x44: {  	_ =	shalt  }
0x45: {  	_ =	shalt  }
0x46: {  	_ =	shalt  }
0x47: {  	_ =	shalt  }
0x48: {  	_ =	shalt  }
0x49: {  	_ =	shalt  }
0x4a: {  	_ =	shalt  }
0x4b: {  	_ =	shalt  }
0x4c: {  	_ =	shalt  }
0x4d: {  	_ =	shalt  }
0x4e: {  	_ =	shalt  }
0x4f: {  	_ =	shalt  }
0x50: {  	_ =	shalt  }
0x51: {  	_ =	shalt  }
0x52: {  	_ =	shalt  }
0x53: {  	_ =	shalt  }
0x54: {  	_ =	shalt  }
0x55: {  	_ =	shalt  }
0x56: {  	_ =	shalt  }
0x57: {  	_ =	shalt  }
0x58: {  	_ =	shalt  }
0x59: {  	_ =	shalt  }
0x5a: {  	_ =	shalt  }
0x5b: {  	_ =	shalt  }
0x5c: {  	_ =	shalt  }
0x5d: {  	_ =	shalt  }
0x5e: {  	_ =	shalt  }
0x5f: {  	_ =	shalt  }
0x60: {  	_ =	shalt  }
0x61: {  	_ =	shalt  }
0x62: {  	_ =	shalt  }
0x63: {  	_ =	shalt  }
0x64: {  	_ =	shalt  }
0x65: {  	_ =	shalt  }
0x66: {  	_ =	shalt  }
0x67: {  	_ =	shalt  }
0x68: {  	_ =	shalt  }
0x69: {  	_ =	shalt  }
0x6a: {  	_ =	shalt  }
0x6b: {  	_ =	shalt  }
0x6c: {  	_ =	shalt  }
0x6d: {  	_ =	shalt  }
0x6e: {  	_ =	shalt  }
0x6f: {  	_ =	shalt  }
0x70: {  	_ =	shalt  }
0x71: {  	_ =	shalt  }
0x72: {  	_ =	shalt  }
0x73: {  	_ =	shalt  }
0x74: {  	_ =	shalt  }
0x75: {  	_ =	shalt  }
0x76: {  	_ =	shalt  }
0x77: {  	_ =	shalt  }
0x78: {  	_ =	shalt  }
0x79: {  	_ =	shalt  }
0x7a: {  	_ =	shalt  }
0x7b: {  	_ =	shalt  }
0x7c: {  	_ =	shalt  }
0x7d: {  	_ =	shalt  }
0x7e: {  	_ =	shalt  }
0x7f: {  	_ =	shalt  }
0x80: {  	_ =	shalt  }
0x81: {  	_ =	shalt  }
0x82: {  	_ =	shalt  }
0x83: {  	_ =	shalt  }
0x84: {  	_ =	shalt  }
0x85: {  	_ =	shalt  }
0x86: {  	_ =	shalt  }
0x87: {  	_ =	shalt  }
.Lfunc_end0:
.L_simem_size_0:
called_computation.2_lowered:
.L_overlay_start_0:
0x88: {  	s2 =	sld [smem:$0x3FD9]  }
0x89: {  	s3 =	sld [smem:$0x3FFE];
	_ =	sdelay $0x1  }
0x8a: {  	s1 =	srdreg.scid  }
0x8b: {  	s0 =	sand.u32 $0x1, s1  }
0x8c: {  	s16 =	sshll.u32 s0, $0xA;
	s2 =	sadd.s32 s3, s2  }
0x8d: {  	s2 =	sadd.s32 s2, s16  }
0x8e: {  	[smem:$0x3FBE] =	sst s2  }
0x8f: {  	_ = 	snop  }
0x90: {  	(tm) =	ssettm $0x1  }
0x91: {  	s17 =	sld [smem:$0x3FFB];
	_ =	sdelay $0x3  }
0x92: {  	_ =	strace s17  }
0x93: {  	s2 =	sld [smem:$0x3FFC];
	_ =	sdelay $0x3  }
0x94: {  	_ =	strace s2  }
0x95: {  	s2 =	sld [smem:$0x3FFD];
	_ =	sdelay $0x3  }
0x96: {  	_ =	strace s2  }
0x97: {  	_ =	strace $0x8FFFFFFF  }
0x98: {  	s18 =	sld [smem:$0x3FDB];
	_ =	sdelay $0x1  }
0x99: {  	s19 =	simm.s32 $_scs_section_size  }
0x9a: {  	s4 =	simm.s32 $_size__tile_overlayer_lowered;
	s5 =	simm.s32 $_tile_overlayer_lowered  }
0x9b: {  	s22 =	simm.s32 $0x1BFF;
	s21 =	sshll.u32 s5, $0x1;
	s2 =	sadd.s32 s19, s18  }
0x9c: {  	s6 =	simm.s32 $0x0;
	s20 =	sshll.u32 s4, $0x1;
	s4 =	sadd.s32 s21, s2  }
0x9d: {  	[timem:s6], [sflag:s22] =	dma.local [hbm:s4], s20  }
0x9e: {  	_ =	swait.ge [sflag:s22], s20  }
0x9f: {  	s3 =	ssub.s32 $0x0, s20;
	[sflag:s22] =	ssyncset.done $0x0  }
0xa0: {  	[sflag:s22] =	ssyncadd.s32 s3;
	_ =	sdelay $0x1  }
0xa1: {  	s23 =	simm.s32 $0x1B8B  }
0xa2: {  	_ =	swait.ge [sflag:s23], $0x1  }
0xa3: {  	[sflag:s23] =	ssyncset.done $0x0  }
0xa4: {  	s25 =	simm.s32 $0x1B8E;
	s24 =	sld [smem:$0x3FFE];
	[sflag:s23] =	ssyncadd.s32 $0xFFFFFFFF  }
0xa5: {  	s26 =	simm.s32 $execute0_lowered;
	[smem:$0x3FD2] =	sst s25  }
0xa6: {  	s4 =	sshll.u32 s26, $0x1;
	_ =	strace $0x8000004C;
	[dreg:$0x1] =	wrdreg $0xFFFFFFFF  }
0xa7: {  	s28 =	simm.s32 $_size_execute0_lowered;
	s2 =	sadd.s32 s2, s4;
	[dreg:$0x0] =	wrdreg $0x0  }
0xa8: {  	s4 =	sshll.u32 s28, $0x1;
	[dreg:$0x2] =	wrdreg s2  }
0xa9: {  	[dreg:$0x3] =	wrdreg s4  }
0xaa: {  	[dreg:$0x4] =	wrdreg $0xC0  }
0xab: {  	_ =	task [dreg:s6], $0x5FFFF  }
0xac: {  	[dreg:$0x1] =	wrdreg $0xFFFFFFFF  }
0xad: {  	[dreg:$0x0] =	wrdreg $0x60  }
0xae: {  	[dreg:$0x2] =	wrdreg s24  }
0xaf: {  	[dreg:$0x3] =	wrdreg $0x0  }
0xb0: {  	[dreg:$0x4] =	wrdreg $0x9  }
0xb1: {  	_ =	task.clear_ibuf [dreg:s6], $0x5FFFF;
	_ =	strace $0x9000004C  }
0xb2: {  	s29 =	simm.s32 $0x9;
	_ =	strace $0x8000004E  }
0xb3: {  	_ =	swait.ge [sflag:s29], $0x1  }
0xb4: {  	[sflag:s29] =	ssyncadd.s32 $0xFFFFFFFF  }
0xb5: {  	_ =	strace $0x9000004E  }
0xb6: {  	_ =	sfence  }
0xb7: {  	s30 =	sld [smem:$0x0];
	_ =	sdelay $0x2  }
0xb8: {  	s31 =	sshll.u32 s1, $0xD;
	s1 =	sshrl.u32 s1, $0x2  }
0xb9: {  	s3 =	sand.u32 $0x4000, s31;
	s1 =	sadd.s32 s1, s30  }
0xba: {  	s0 =	sor.u32 s3, s0;
	s1 =	sshll.u32 s1, $0x11  }
0xbb: {  	s0 =	sor.u32 s1, s0  }
0xbc: {  	s0 =	sadd.s32 $0x8F2B, s0  }
0xbd: {  	[sflag:s0] =	ssyncadd.remote.s32 $0x1  }
0xbe: {  	_ =	sfence.sel $0xFFFF  }
0xbf: {  	[dreg:$0x0] =	wrdreg $0xFFFFFFFF;
	(pc) =	sbr.abs _section_cstart, $3  }
0xc0: {  	[dreg:$0x1] =	wrdreg $0xFFFFFFFF  }
0xc1: {  	_ =	task.clear_ibuf [dreg:s6], $0x2FFFF;
	_ =	strace $0x9FFFFFFF  }
0xc2: {  	(tm) =	ssettm $0x7FFFFFFF  }
0xc3: {  	_ =	shalt  }
tec
execute0_lowered:
.L_overlay_start_1:
0x0: {  	(tag) =	ssettag $0x1  }
0x1: {  	s0 =	srdreg.scid;
	s28 =	stileid.u32  }
0x2: {  	s13 =	sand.u32 $0x1, s0;
	s0 =	smul.u32 $0x14000, s28  }
0x3: {  	s4 =	rddreg [dreg:$0x0];
	s30 =	simm.s32 $0x0;
	s15 =	smul.u32 $0x140000, s13  }
0x4: {  	s31 =	simm.s32 $0x2;
	[smem:$0x7FF] =	sst s30;
	s2 =	smul.u32 $0x280, s28  }
0x5: {  	s16 =	sadd.s32 $0x49E00, s4;
	s1 =	ssub.s32 $0x2, s13;
	s3 =	sadd.s32 s0, s15  }
0x6: {  	s5 =	sshrl.u32 s1, $0x1;
	s6 =	sshrl.u32 s3, $0x3;
	s3 =	sor.u32 $0x40, s2  }
0x7: {  	s1 =	ssub.s32 s1, s5;
	s5 =	sadd.s32 $0x80, s2;
	s10 =	sshll.u32 s3, $0x7  }
0x8: {  	s21 =	sadd.s32 s16, s6;
	s6 =	sadd.s32 $0xC0, s2;
	s7 =	sadd.s32 s15, s10  }
0x9: {  	[dreg:$0x3] =	wrdreg s21;
	s9 =	sshll.u32 s6, $0x7;
	s8 =	sshrl.u32 s7, $0x3  }
0xa: {  	s7 =	sshll.u32 s5, $0x7;
	s11 =	sadd.s32 s15, s9;
	s8 =	sadd.s32 s16, s8  }
0xb: {  	s22 =	sadd.s32 s15, s7;
	s11 =	sshrl.u32 s11, $0x3;
	[dreg:$0x4] =	wrdreg s8  }
0xc: {  	s12 =	sshrl.u32 s22, $0x3;
	s8 =	sadd.s32 $0x100, s2;
	s11 =	sadd.s32 s16, s11  }
0xd: {  	s12 =	sadd.s32 s16, s12;
	[dreg:$0x6] =	wrdreg s11;
	s19 =	sshll.u32 s8, $0x7  }
0xe: {  	s11 =	sadd.s32 $0x140, s2;
	[dreg:$0x5] =	wrdreg s12;
	s14 =	sadd.s32 s15, s19  }
0xf: {  	s12 =	sadd.s32 $0x180, s2;
	s20 =	sshll.u32 s11, $0x7;
	s14 =	sshrl.u32 s14, $0x3  }
0x10: {  	s22 =	sshll.u32 s12, $0x7;
	s23 =	sadd.s32 s15, s20;
	s14 =	sadd.s32 s16, s14  }
0x11: {  	s17 =	sadd.s32 s15, s22;
	s18 =	sshrl.u32 s23, $0x3;
	[dreg:$0x7] =	wrdreg s14  }
0x12: {  	s17 =	sshrl.u32 s17, $0x3;
	s14 =	sadd.s32 $0x1C0, s2;
	s18 =	sadd.s32 s16, s18  }
0x13: {  	[dreg:$0x8] =	wrdreg s18;
	s17 =	sadd.s32 s16, s17;
	s23 =	sshll.u32 s14, $0x7  }
0x14: {  	[dreg:$0x9] =	wrdreg s17;
	s21 =	sadd.s32 s15, s23;
	s17 =	sadd.s32 $0x200, s2  }
0x15: {  	s18 =	sadd.s32 $0x240, s2;
	s21 =	sshrl.u32 s21, $0x3;
	s25 =	sshll.u32 s17, $0x7  }
0x16: {  	s26 =	sshll.u32 s18, $0x7;
	s21 =	sadd.s32 s16, s21;
	s24 =	sadd.s32 s15, s25  }
0x17: {  	s15 =	sadd.s32 s15, s26;
	[dreg:$0xa] =	wrdreg s21;
	s24 =	sshrl.u32 s24, $0x3  }
0x18: {  	s15 =	sshrl.u32 s15, $0x3;
	s21 =	rddreg [dreg:$0x1];
	s24 =	sadd.s32 s16, s24  }
0x19: {  	s29 =	simm.s32 $0xBA00;
	s15 =	sadd.s32 s16, s15;
	[dreg:$0xb] =	wrdreg s24  }
0x1a: {  	p0 =	seq.s32 s13, $0x0;
	s16 =	sadd.s32 $0x17600, s4;
	[dreg:$0xc] =	wrdreg s15  }
0x1b: {  	_ =	strace $0x8000004D;
	[dreg:$0xd] =	wrdreg s16;
	s16 =	sadd.s32 $0x2800, s4  }
0x1c: {  	s13 =	sshll.u32 s13, $0x4;
	[dreg:$0xe] =	wrdreg s16;
	s16 =	sadd.s32 $0xC800, s4  }
0x1d: {  	s25 =	sshrl.u32 s25, $0x2;
	[dreg:$0xf] =	wrdreg s16;
	s16 =	sadd.s32 $0x16800, s4  }
0x1e: {  	s24 =	sadd.s32 $0x21600, s4;
	[dreg:$0x10] =	wrdreg s16;
	s16 =	sadd.s32 $0x16E00, s4  }
0x1f: {  	s15 =	simm.f32 $1.000000000e+00;
	s4 =	sadd.s32 $0x49600, s4;
	[dreg:$0x11] =	wrdreg s16  }
0x20: {  	[dreg:$0x12] =	wrdreg s4;
	s4 =	sor.u32 s28, s13;
	s28 =	sshrl.u32 s0, $0x3  }
0x21: {  	s16 =	sshrl.u32 s0, $0x2;
	s0 =	sshll.u32 s3, $0x4;
	s13 =	sadd.s32 s24, s28  }
0x22: {  	s28 =	sshrl.u32 s10, $0x2;
	s10 =	sadd.s32 s24, s0;
	[dreg:$0x15] =	wrdreg s13  }
0x23: {  	s16 =	sadd.s32 s16, s21;
	s4 =	smul.u32 $0x2800, s4;
	[dreg:$0x16] =	wrdreg s10  }
0x24: {  	s15 =	simm.s32 @!p0 $0x0;
	s13 =	sshll.u32 s5, $0x4;
	[dreg:$0x13] =	wrdreg s16  }
0x25: {  	s28 =	sadd.s32 s28, s21;
	s10 =	sshrl.u32 s7, $0x2;
	[dreg:$0x14] =	wrdreg s4  }
0x26: {  	[dreg:$0x17] =	wrdreg s28;
	s4 =	sadd.s32 s24, s13;
	s13 =	sshrl.u32 s9, $0x2  }
0x27: {  	s28 =	sshll.u32 s6, $0x4;
	[dreg:$0x18] =	wrdreg s4;
	s4 =	sadd.s32 s10, s21  }
0x28: {  	s9 =	sadd.s32 s24, s28;
	s10 =	sadd.s32 s13, s21;
	[dreg:$0x19] =	wrdreg s4  }
0x29: {  	s13 =	sshrl.u32 s19, $0x2;
	s19 =	sshll.u32 s8, $0x4;
	[dreg:$0x1a] =	wrdreg s9  }
0x2a: {  	s28 =	sshll.u32 s11, $0x4;
	[dreg:$0x1b] =	wrdreg s10;
	s7 =	sadd.s32 s24, s19  }
0x2b: {  	s10 =	sadd.s32 s13, s21;
	s13 =	sadd.s32 s24, s28;
	[dreg:$0x1c] =	wrdreg s7  }
0x2c: {  	s19 =	sshrl.u32 s20, $0x2;
	s20 =	sshrl.u32 s22, $0x2;
	[dreg:$0x1d] =	wrdreg s10  }
0x2d: {  	s22 =	sshll.u32 s12, $0x4;
	[dreg:$0x1e] =	wrdreg s13;
	s28 =	sadd.s32 s19, s21  }
0x2e: {  	v0 =	vmov s15;
	s15 =	simm.s32 $0x80;
	s4 =	sadd.s32 s24, s22;
	[dreg:$0x1f] =	wrdreg s28  }
0x2f: {  	s9 =	sadd.s32 s20, s21;
	s13 =	sshll.u32 s14, $0x4;
	[smem:$0x7F1] =	sst s4  }
0x30: {  	s10 =	sshrl.u32 s23, $0x2;
	[smem:$0x7F2] =	sst s9;
	s20 =	sadd.s32 s24, s13  }
0x31: {  	s19 =	sshll.u32 s17, $0x4;
	s22 =	sadd.s32 s10, s21;
	[smem:$0x7F3] =	sst s20  }
0x32: {  	s7 =	simm.s32 $0x5000;
	s23 =	sadd.s32 s24, s19;
	[smem:$0x7F4] =	sst s22  }
0x33: {  	s28 =	sshrl.u32 s26, $0x2;
	s13 =	sadd.s32 s25, s21;
	[smem:$0x7F5] =	sst s23  }
0x34: {  	s10 =	sshll.u32 s18, $0x4;
	s25 =	sadd.s32 $0x2000, s16;
	[smem:$0x7F6] =	sst s13  }
0x35: {  	s26 =	sadd.s32 $0x3000, s16;
	s4 =	simm.s32 $0x11200;
	[smem:$0x7FB] =	sst s25  }
0x36: {  	s9 =	simm.s32 $0x7800;
	s19 =	sadd.s32 s24, s10;
	[smem:$0x7FC] =	sst s26  }
0x37: {  	s20 =	sadd.s32 s28, s21;
	s22 =	smax.u32 s1, $0x1;
	[smem:$0x7F7] =	sst s19  }
0x38: {  	s23 =	sadd.s32 $0x1000, s16;
	s28 =	sadd.s32 $0x4000, s16;
	[smem:$0x7F8] =	sst s20  }
0x39: {  	v1 =	vlaneseq.u32;
	s10 =	simm.s32 $0x7880;
	s13 =	simm.s32 $0x7900;
	[smem:$0x7F9] =	sst s22  }
0x3a: {  	v2 =	vor.u32 $0x10, v1;
	v3 =	vor.u32 $0x20, v1;
	v4 =	vmul.u32 $0x80, v1;
	s16 =	simm.s32 $0x7A00;
	s1 =	simm.s32 $0xEA00;
	[smem:$0x7FA] =	sst s23  }
0x3b: {  	v5 =	vor.u32 $0x30, v1;
	v6 =	vor.u32 $0x40, v1;
	v7 =	vor.u32 $0x50, v1;
	s25 =	simm.s32 $0x0;
	[smem:$0x7FD] =	sst s28;
	s19 =	simm.s32 $0x1  }
0x3c: {  	v8 =	vor.u32 $0x60, v1;
	v9 =	vor.u32 $0x70, v1;
	v10 =	vor.u32 $0x800, v4;
	s22 =	simm.s32 $0x7980;
	s23 =	simm.s32 $0xCA00;
	s20 =	simm.s32 $0x10A00  }
.LBB2_1:
0x3d: {  	[smem:$0x7F0] =	sst s25  }
0x3e: {  	s0 =	rddreg [dreg:$0x11];
	s25 =	simm.s32 $0xDA00  }
0x3f: {  	[tilespmem:s25], [sflag:$0x2] =	stream.linear.gather [hbm4b:s0+s30], $0x1000, $0x38;
	[tilespmem:$0x13200] =	vst v63  }
0x40: {  	_ =	swait.ge [sflag:s31], $0x1000  }
0x41: {  	[sflag:s31] =	ssyncset.done $0x0  }
0x42: {  	s28 =	rddreg [dreg:$0x12];
	[sflag:s31] =	ssyncadd.s32 $0xFFFFF000  }
0x43: {  	[tilespmem:s4], [sflag:$0x2] =	stream.linear.gather [hbm4b:s28+s30], $0x2000, $0x38;
	[tilespmem:$0x13200] =	vst v63  }
0x44: {  	_ =	swait.ge [sflag:s31], $0x2000  }
0x45: {  	[sflag:s31] =	ssyncset.done $0x0  }
0x46: {  	s26 =	rddreg [dreg:$0x13];
	[sflag:s31] =	ssyncadd.s32 $0xFFFFE000  }
0x47: {  	[spmem:s26] =	stream.linear.scatter [tilespmem:s25], [sflag:$0x2], $0x1000, $0x38;
	[tilespmem:$0x13200] =	vst v63  }
0x48: {  	_ =	swait.ge [sflag:s31], $0x1000  }
0x49: {  	s28 =	sld [smem:$0x7FA]  }
0x4a: {  	[sflag:s31] =	ssyncset.done $0x0  }
0x4b: {  	[sflag:s31] =	ssyncadd.s32 $0xFFFFF000  }
0x4c: {  	[spmem:s28] =	stream.linear.scatter [tilespmem:s25], [sflag:$0x2], $0x1000, $0x38;
	[tilespmem:$0x13200] =	vst v63  }
0x4d: {  	_ =	swait.ge [sflag:s31], $0x1000  }
0x4e: {  	s26 =	sld [smem:$0x7FB]  }
0x4f: {  	[sflag:s31] =	ssyncset.done $0x0  }
0x50: {  	[sflag:s31] =	ssyncadd.s32 $0xFFFFF000  }
0x51: {  	[spmem:s26] =	stream.linear.scatter [tilespmem:s25], [sflag:$0x2], $0x1000, $0x38;
	[tilespmem:$0x13200] =	vst v63  }
0x52: {  	_ =	swait.ge [sflag:s31], $0x1000  }
0x53: {  	s28 =	sld [smem:$0x7FC]  }
0x54: {  	[sflag:s31] =	ssyncset.done $0x0  }
0x55: {  	[sflag:s31] =	ssyncadd.s32 $0xFFFFF000  }
0x56: {  	[spmem:s28] =	stream.linear.scatter [tilespmem:s25], [sflag:$0x2], $0x1000, $0x38;
	[tilespmem:$0x13200] =	vst v63  }
0x57: {  	_ =	swait.ge [sflag:s31], $0x1000  }
0x58: {  	s26 =	sld [smem:$0x7FD]  }
0x59: {  	[sflag:s31] =	ssyncset.done $0x0  }
0x5a: {  	[sflag:s31] =	ssyncadd.s32 $0xFFFFF000  }
0x5b: {  	[spmem:s26] =	stream.linear.scatter [tilespmem:s25], [sflag:$0x2], $0x1000, $0x38;
	[tilespmem:$0x13200] =	vst v63  }
0x5c: {  	_ =	swait.ge [sflag:s31], $0x1000  }
0x5d: {  	[sflag:s31] =	ssyncset.done $0x0  }
0x5e: {  	s28 =	rddreg [dreg:$0x10];
	[sflag:s31] =	ssyncadd.s32 $0xFFFFF000  }
0x5f: {  	[tilespmem:s7], [sflag:$0x2] =	stream.linear.gather [hbm4b:s28+s30], $0x2800, $0x38;
	[tilespmem:$0x13200] =	vst v63  }
0x60: {  	_ =	swait.ge [sflag:s31], $0x2800  }
0x61: {  	[sflag:s31] =	ssyncset.done $0x0  }
0x62: {  	[sflag:s31] =	ssyncadd.s32 $0xFFFFD800  }
0x63: {  	[bflag:$0x0] =	sbarrier.arrive $0xFFFF  }
0x64: {  	s30 =	simm.s32 $0x0;
	s0 =	rddreg [dreg:$0xd]  }
.LBB2_2:
0x65: {  	s25 =	sshll.u32 s30, $0x7  }
0x66: {  	s28 =	rddreg [dreg:$0x14];
	s26 =	sand.u32 $0x3C00, s25  }
0x67: {  	s25 =	sand.u32 $0x380, s25;
	s26 =	sadd.s32 s28, s26  }
0x68: {  	s25 =	sor.u32 s25, s26  }
0x69: {  	s26 =	sshrl.u32 s25, $0x3  }
0x6a: {  	s25 =	simm.s32 $0x0;
	s28 =	sadd.s32 s0, s26  }
0x6b: {  	[tilespmem:s9], [sflag:$0x2] =	stream.linear.gather [hbm4b:s28+s25], $0x80, $0x38;
	[tilespmem:$0x13200] =	vst v63  }
0x6c: {  	_ =	swait.ge [sflag:s31], $0x80  }
0x6d: {  	[sflag:s31] =	ssyncset.done $0x0;
	s28 =	rddreg [dreg:$0xe]  }
0x6e: {  	[sflag:s31] =	ssyncadd.s32 $0xFFFFFF80;
	s28 =	sadd.s32 s28, s26  }
0x6f: {  	[tilespmem:s10], [sflag:$0x2] =	stream.linear.gather [hbm4b:s28+s25], $0x80, $0x38;
	[tilespmem:$0x13200] =	vst v63  }
0x70: {  	_ =	swait.ge [sflag:s31], $0x80  }
0x71: {  	[sflag:s31] =	ssyncset.done $0x0;
	s28 =	rddreg [dreg:$0xf]  }
0x72: {  	[sflag:s31] =	ssyncadd.s32 $0xFFFFFF80;
	s26 =	sadd.s32 s28, s26  }
0x73: {  	[tilespmem:s13], [sflag:$0x2] =	stream.linear.gather [hbm4b:s26+s25], $0x80, $0x38;
	[tilespmem:$0x13200] =	vst v63  }
0x74: {  	_ =	swait.ge [sflag:s31], $0x80  }
0x75: {  	[sflag:s31] =	ssyncset.done $0x0  }
0x76: {  	[sflag:s31] =	ssyncadd.s32 $0xFFFFFF80  }
0x77: {  	[tilespmem:s16], [sflag:$0x1] =	stream.indirect.gather [hbm4b:s24+s15], $0x80, s9, s15, $0xb8;
	[tilespmem:$0x13200] =	vst v63  }
0x78: {  	_ =	swait.ge [sflag:s19], $0x4000  }
0x79: {  	[sflag:s19] =	ssyncset.done $0x0  }
0x7a: {  	[sflag:s19] =	ssyncadd.s32 $0xFFFFC000  }
0x7b: {  	v11 =	vld.idx.msk [tilespmem:v1+s9+$0x0], $0xffff;
	_ =	sdelay $0x6  }
0x7c: {  	v12 =	vld.idx.msk [tilespmem:v1+s13+$0x0], $0xffff  }
0x7d: {  	v11 =	vld.idx.msk [tilespmem:v11+s7+$0x0], $0xffff;
	_ =	sdelay $0x4  }
0x7e: {  	v11 =	vmul.f32 v11, v12;
	_ =	sdelay $0x1  }
0x7f: {  	[tilespmem:v1+s22+$0x0] =	vst.idx.msk $0xffff, v11  }
0x80: {  	v11 =	vld.idx.msk [tilespmem:v2+s9+$0x0], $0xffff;
	_ =	sdelay $0x6  }
0x81: {  	v12 =	vld.idx.msk [tilespmem:v2+s13+$0x0], $0xffff  }
0x82: {  	v11 =	vld.idx.msk [tilespmem:v11+s7+$0x0], $0xffff;
	_ =	sdelay $0x4  }
0x83: {  	v11 =	vmul.f32 v11, v12;
	_ =	sdelay $0x1  }
0x84: {  	[tilespmem:v2+s22+$0x0] =	vst.idx.msk $0xffff, v11  }
0x85: {  	v11 =	vld.idx.msk [tilespmem:v3+s9+$0x0], $0xffff;
	_ =	sdelay $0x6  }
0x86: {  	v12 =	vld.idx.msk [tilespmem:v3+s13+$0x0], $0xffff  }
0x87: {  	v11 =	vld.idx.msk [tilespmem:v11+s7+$0x0], $0xffff;
	_ =	sdelay $0x4  }
0x88: {  	v11 =	vmul.f32 v11, v12;
	_ =	sdelay $0x1  }
0x89: {  	[tilespmem:v3+s22+$0x0] =	vst.idx.msk $0xffff, v11  }
0x8a: {  	v11 =	vld.idx.msk [tilespmem:v5+s9+$0x0], $0xffff;
	_ =	sdelay $0x6  }
0x8b: {  	v12 =	vld.idx.msk [tilespmem:v5+s13+$0x0], $0xffff  }
0x8c: {  	v11 =	vld.idx.msk [tilespmem:v11+s7+$0x0], $0xffff;
	_ =	sdelay $0x4  }
0x8d: {  	v11 =	vmul.f32 v11, v12;
	_ =	sdelay $0x1  }
0x8e: {  	[tilespmem:v5+s22+$0x0] =	vst.idx.msk $0xffff, v11  }
0x8f: {  	v11 =	vld.idx.msk [tilespmem:v6+s9+$0x0], $0xffff;
	_ =	sdelay $0x6  }
0x90: {  	v12 =	vld.idx.msk [tilespmem:v6+s13+$0x0], $0xffff  }
0x91: {  	v11 =	vld.idx.msk [tilespmem:v11+s7+$0x0], $0xffff;
	_ =	sdelay $0x4  }
0x92: {  	v11 =	vmul.f32 v11, v12;
	_ =	sdelay $0x1  }
0x93: {  	[tilespmem:v6+s22+$0x0] =	vst.idx.msk $0xffff, v11  }
0x94: {  	v11 =	vld.idx.msk [tilespmem:v7+s9+$0x0], $0xffff;
	_ =	sdelay $0x6  }
0x95: {  	v12 =	vld.idx.msk [tilespmem:v7+s13+$0x0], $0xffff  }
0x96: {  	v11 =	vld.idx.msk [tilespmem:v11+s7+$0x0], $0xffff;
	_ =	sdelay $0x4  }
0x97: {  	v11 =	vmul.f32 v11, v12;
	_ =	sdelay $0x1  }
0x98: {  	[tilespmem:v7+s22+$0x0] =	vst.idx.msk $0xffff, v11  }
0x99: {  	v11 =	vld.idx.msk [tilespmem:v8+s9+$0x0], $0xffff;
	_ =	sdelay $0x6  }
0x9a: {  	v12 =	vld.idx.msk [tilespmem:v8+s13+$0x0], $0xffff  }
0x9b: {  	v11 =	vld.idx.msk [tilespmem:v11+s7+$0x0], $0xffff;
	_ =	sdelay $0x4  }
0x9c: {  	v11 =	vmul.f32 v11, v12;
	_ =	sdelay $0x1  }
0x9d: {  	[tilespmem:v8+s22+$0x0] =	vst.idx.msk $0xffff, v11  }
0x9e: {  	v11 =	vld.idx.msk [tilespmem:v9+s9+$0x0], $0xffff;
	_ =	sdelay $0x6  }
0x9f: {  	v12 =	vld.idx.msk [tilespmem:v9+s13+$0x0], $0xffff  }
0xa0: {  	v11 =	vld.idx.msk [tilespmem:v11+s7+$0x0], $0xffff;
	_ =	sdelay $0x4  }
0xa1: {  	v11 =	vmul.f32 v11, v12;
	_ =	sdelay $0x1  }
0xa2: {  	[tilespmem:v9+s22+$0x0] =	vst.idx.msk $0xffff, v11  }
0xa3: {  	v11 =	vmov s25;
	v13 =	vld.idx.msk [tilespmem:v1+s10+$0x0], $0xffff  }
0xa4: {  	v14 =	vshll.u32 v11, $0x7  }
0xa5: {  	v12 =	vor.u32 v1, v14;
	_ =	sdelay $0x2  }
0xa6: {  	v13 =	vshll.u32 v13, $0x5  }
0xa7: {  	v13 =	vadd.s32 s25, v13  }
0xa8: {  	[tilespmem:v12+s23+$0x0] =	vst.idx.msk $0xffff, v13  }
0xa9: {  	v15 =	vld.idx.msk [tilespmem:v2+s10+$0x0], $0xffff;
	_ =	sdelay $0x1  }
0xaa: {  	v13 =	vor.u32 v2, v14;
	_ =	sdelay $0x2  }
0xab: {  	v15 =	vshll.u32 v15, $0x5  }
0xac: {  	v15 =	vadd.s32 s25, v15  }
0xad: {  	[tilespmem:v13+s23+$0x0] =	vst.idx.msk $0xffff, v15  }
0xae: {  	v15 =	vld.idx.msk [tilespmem:v3+s10+$0x0], $0xffff;
	_ =	sdelay $0x1  }
0xaf: {  	v16 =	vor.u32 v3, v14;
	_ =	sdelay $0x2  }
0xb0: {  	v15 =	vshll.u32 v15, $0x5  }
0xb1: {  	v15 =	vadd.s32 s25, v15  }
0xb2: {  	[tilespmem:v16+s23+$0x0] =	vst.idx.msk $0xffff, v15  }
0xb3: {  	v15 =	vld.idx.msk [tilespmem:v5+s10+$0x0], $0xffff;
	_ =	sdelay $0x1  }
0xb4: {  	v16 =	vor.u32 v5, v14;
	_ =	sdelay $0x2  }
0xb5: {  	v15 =	vshll.u32 v15, $0x5  }
0xb6: {  	v15 =	vadd.s32 s25, v15  }
0xb7: {  	[tilespmem:v16+s23+$0x0] =	vst.idx.msk $0xffff, v15  }
0xb8: {  	v15 =	vld.idx.msk [tilespmem:v6+s10+$0x0], $0xffff;
	_ =	sdelay $0x1  }
0xb9: {  	v16 =	vor.u32 v6, v14;
	_ =	sdelay $0x2  }
0xba: {  	v15 =	vshll.u32 v15, $0x5  }
0xbb: {  	v15 =	vadd.s32 s25, v15  }
0xbc: {  	[tilespmem:v16+s23+$0x0] =	vst.idx.msk $0xffff, v15  }
0xbd: {  	v15 =	vld.idx.msk [tilespmem:v7+s10+$0x0], $0xffff;
	_ =	sdelay $0x1  }
0xbe: {  	v16 =	vor.u32 v7, v14;
	_ =	sdelay $0x2  }
0xbf: {  	v15 =	vshll.u32 v15, $0x5  }
0xc0: {  	v15 =	vadd.s32 s25, v15  }
0xc1: {  	[tilespmem:v16+s23+$0x0] =	vst.idx.msk $0xffff, v15  }
0xc2: {  	v15 =	vld.idx.msk [tilespmem:v8+s10+$0x0], $0xffff;
	_ =	sdelay $0x1  }
0xc3: {  	v16 =	vor.u32 v8, v14;
	_ =	sdelay $0x2  }
0xc4: {  	v15 =	vshll.u32 v15, $0x5  }
0xc5: {  	v15 =	vadd.s32 s25, v15  }
0xc6: {  	[tilespmem:v16+s23+$0x0] =	vst.idx.msk $0xffff, v15  }
0xc7: {  	v15 =	vld.idx.msk [tilespmem:v9+s10+$0x0], $0xffff;
	_ =	sdelay $0x1  }
0xc8: {  	v14 =	vor.u32 v9, v14;
	_ =	sdelay $0x2  }
0xc9: {  	v15 =	vshll.u32 v15, $0x5  }
0xca: {  	s26 =	simm.s32 $0x1;
	v15 =	vadd.s32 s25, v15  }
.LBB2_3:
0xcb: {  	p0 =	sne.s32 s26, $0x1F;
	[tilespmem:v14+s23+$0x0] =	vst.idx.msk $0xffff, v15;
	s28 =	smov.u32 s26;
	s26 =	sadd.s32 $0x1, s26  }
0xcc: {  	v14 =	vld.idx.msk [tilespmem:v1+s10+$0x0], $0xffff  }
0xcd: {  	v15 =	vmov s28  }
0xce: {  	v15 =	vshll.u32 v15, $0x7  }
0xcf: {  	v16 =	vor.u32 v1, v15;
	_ =	sdelay $0x2  }
0xd0: {  	v14 =	vshll.u32 v14, $0x5  }
0xd1: {  	v14 =	vadd.s32 s28, v14  }
0xd2: {  	[tilespmem:v16+s23+$0x0] =	vst.idx.msk $0xffff, v14  }
0xd3: {  	v14 =	vld.idx.msk [tilespmem:v2+s10+$0x0], $0xffff;
	_ =	sdelay $0x2  }
0xd4: {  	v16 =	vor.u32 v2, v15;
	_ =	sdelay $0x2  }
0xd5: {  	v14 =	vshll.u32 v14, $0x5  }
0xd6: {  	v14 =	vadd.s32 s28, v14  }
0xd7: {  	[tilespmem:v16+s23+$0x0] =	vst.idx.msk $0xffff, v14  }
0xd8: {  	v14 =	vld.idx.msk [tilespmem:v3+s10+$0x0], $0xffff;
	_ =	sdelay $0x2  }
0xd9: {  	v16 =	vor.u32 v3, v15;
	_ =	sdelay $0x2  }
0xda: {  	v14 =	vshll.u32 v14, $0x5  }
0xdb: {  	v14 =	vadd.s32 s28, v14  }
0xdc: {  	[tilespmem:v16+s23+$0x0] =	vst.idx.msk $0xffff, v14  }
0xdd: {  	v14 =	vld.idx.msk [tilespmem:v5+s10+$0x0], $0xffff;
	_ =	sdelay $0x2  }
0xde: {  	v16 =	vor.u32 v5, v15;
	_ =	sdelay $0x2  }
0xdf: {  	v14 =	vshll.u32 v14, $0x5  }
0xe0: {  	v14 =	vadd.s32 s28, v14  }
0xe1: {  	[tilespmem:v16+s23+$0x0] =	vst.idx.msk $0xffff, v14  }
0xe2: {  	v14 =	vld.idx.msk [tilespmem:v6+s10+$0x0], $0xffff;
	_ =	sdelay $0x2  }
0xe3: {  	v16 =	vor.u32 v6, v15;
	_ =	sdelay $0x2  }
0xe4: {  	v14 =	vshll.u32 v14, $0x5  }
0xe5: {  	v14 =	vadd.s32 s28, v14  }
0xe6: {  	[tilespmem:v16+s23+$0x0] =	vst.idx.msk $0xffff, v14  }
0xe7: {  	v14 =	vld.idx.msk [tilespmem:v7+s10+$0x0], $0xffff;
	_ =	sdelay $0x2  }
0xe8: {  	v16 =	vor.u32 v7, v15;
	_ =	sdelay $0x2  }
0xe9: {  	v14 =	vshll.u32 v14, $0x5  }
0xea: {  	v14 =	vadd.s32 s28, v14  }
0xeb: {  	[tilespmem:v16+s23+$0x0] =	vst.idx.msk $0xffff, v14  }
0xec: {  	v14 =	vld.idx.msk [tilespmem:v8+s10+$0x0], $0xffff;
	_ =	sdelay $0x2  }
0xed: {  	v16 =	vor.u32 v8, v15;
	_ =	sdelay $0x2  }
0xee: {  	v14 =	vshll.u32 v14, $0x5  }
0xef: {  	v14 =	vadd.s32 s28, v14  }
0xf0: {  	[tilespmem:v16+s23+$0x0] =	vst.idx.msk $0xffff, v14  }
0xf1: {  	v16 =	vld.idx.msk [tilespmem:v9+s10+$0x0], $0xffff;
	_ =	sdelay $0x2  }
.Ltmp0:
0xf2: {  	v14 =	vor.u32 v9, v15;
	(pc) =	sbr.rel @p0 .LBB2_3-.Ltmp0, $3  }
0xf3: {  	_ =	sdelay $0x1  }
0xf4: {  	v15 =	vshll.u32 v16, $0x5  }
0xf5: {  	v15 =	vadd.s32 s28, v15  }
0xf6: {  	_ =	sdelay $0x3  }
0xf7: {  	[tilespmem:v14+s23+$0x0] =	vst.idx.msk $0xffff, v15  }
0xf8: {  	v15 =	vld.idx.msk [tilespmem:v11+s22+$0x0], $0xffff  }
0xf9: {  	v11 =	vld.idx.msk [tilespmem:v12+s16+$0x0], $0xffff;
	_ =	sdelay $0x1  }
0xfa: {  	v12 =	vor.u32 s25, v4;
	_ =	sdelay $0x2  }
0xfb: {  	v11 =	vmul.f32 v11, v15;
	_ =	sdelay $0x1  }
0xfc: {  	[tilespmem:v12+s29+$0x0] =	vst.idx.msk $0xffff, v11  }
0xfd: {  	v16 =	vld.idx.msk [tilespmem:v13+s16+$0x0], $0xffff  }
0xfe: {  	s26 =	simm.s32 $0x1  }
0xff: {  	v14 =	vor.u32 s25, v10;
	v12 =	vmov s26  }
0x100: {  	v11 =	vshll.u32 v12, $0x7  }
0x101: {  	v13 =	vor.u32 v1, v11  }
0x102: {  	s28 =	simm.s32 $0x2;
	v15 =	vmul.f32 v16, v15  }
.LBB2_5:
0x103: {  	_ = 	snop  }
0x104: {  	p0 =	sne.s32 s28, $0x7F;
	s25 =	smov.u32 s28;
	s28 =	sadd.s32 $0x1, s28;
	[tilespmem:v14+s29+$0x0] =	vst.idx.msk $0xffff, v15  }
0x105: {  	v15 =	vld.idx.msk [tilespmem:v12+s22+$0x0], $0xffff  }
0x106: {  	v12 =	vld.idx.msk [tilespmem:v13+s16+$0x0], $0xffff;
	_ =	sdelay $0x2  }
0x107: {  	v13 =	vor.u32 s26, v4  }
0x108: {  	v11 =	vor.u32 v2, v11;
	_ =	sdelay $0x1  }
0x109: {  	v12 =	vmul.f32 v12, v15;
	_ =	sdelay $0x1  }
0x10a: {  	[tilespmem:v13+s29+$0x0] =	vst.idx.msk $0xffff, v12  }
0x10b: {  	v16 =	vld.idx.msk [tilespmem:v11+s16+$0x0], $0xffff;
	_ =	sdelay $0x1  }
.Ltmp1:
0x10c: {  	(pc) =	sbr.rel @p0 .LBB2_5-.Ltmp1, $4  }
0x10d: {  	v14 =	vor.u32 s26, v10;
	s26 =	smov.u32 s25;
	v12 =	vmov s25  }
0x10e: {  	v11 =	vshll.u32 v12, $0x7  }
0x10f: {  	v13 =	vor.u32 v1, v11  }
0x110: {  	v15 =	vmul.f32 v16, v15  }
0x111: {  	_ =	sdelay $0x3  }
0x112: {  	[tilespmem:v14+s29+$0x0] =	vst.idx.msk $0xffff, v15  }
0x113: {  	v12 =	vld.idx.msk [tilespmem:v12+s22+$0x0], $0xffff  }
0x114: {  	v13 =	vld.idx.msk [tilespmem:v13+s16+$0x0], $0xffff;
	_ =	sdelay $0x1  }
0x115: {  	v62 =	vor.u32 s26, v4  }
0x116: {  	v11 =	vor.u32 v2, v11;
	_ =	sdelay $0x1  }
0x117: {  	v13 =	vmul.f32 v13, v12;
	_ =	sdelay $0x1  }
0x118: {  	[tilespmem:v62+s29+$0x0] =	vst.idx.msk $0xffff, v13  }
0x119: {  	v11 =	vld.idx.msk [tilespmem:v11+s16+$0x0], $0xffff;
	_ =	sdelay $0x1  }
0x11a: {  	v63 =	vor.u32 s26, v10;
	_ =	sdelay $0x2  }
0x11b: {  	v11 =	vmul.f32 v11, v12;
	_ =	sdelay $0x1  }
0x11c: {  	s25 =	simm.s32 $0xBA00;
	s28 =	simm.s32 $0xCA00;
	[tilespmem:v63+s29+$0x0] =	vst.idx.msk $0xffff, v11  }
0x11d: {  	[spmem:s21] =	stream.indirect.scatter.add.f32 [tilespmem:s25], [sflag:$0x2], $0x1, s28, s15, $0xb8;
	[tilespmem:$0x13200] =	vst v63  }
0x11e: {  	s25 =	simm.s32 $0x200;
	_ =	swait.ge [sflag:s31], $0x80  }
.LBB2_7:
0x11f: {  	s26 =	sshra.s32 s25, $0x2  }
0x120: {  	[sflag:s31] =	ssyncset.done $0x0;
	p0 =	sne.s32 s25, $0x3E00;
	s28 =	sadd.s32 $0xBA00, s26  }
.Ltmp2:
0x121: {  	s26 =	sadd.s32 $0xCA00, s26;
	[sflag:s31] =	ssyncadd.s32 $0xFFFFFF80;
	(pc) =	sbr.rel @p0 .LBB2_7-.Ltmp2, $3  }
0x122: {  	[spmem:s21] =	stream.indirect.scatter.add.f32 [tilespmem:s28], [sflag:$0x2], $0x1, s26, s15, $0xb8;
	[tilespmem:$0x13200] =	vst v63  }
0x123: {  	s25 =	sadd.s32 $0x200, s25;
	_ =	sdelay $0x1  }
0x124: {  	_ =	swait.ge [sflag:s31], $0x80  }
0x125: {  	s30 =	sadd.s32 $0x1, s30  }
0x126: {  	p0 =	sne.s32 s30, $0x50  }
.Ltmp3:
0x127: {  	_ = 	snop;
	(pc) =	sbr.rel @p0 .LBB2_2-.Ltmp3, $3  }
0x128: {  	_ =	sdelay $0x1  }
0x129: {  	[sflag:s31] =	ssyncset.done $0x0  }
0x12a: {  	[sflag:s31] =	ssyncadd.s32 $0xFFFFFF80  }
0x12b: {  	[bflag:$0x0] =	sbarrier.arrive $0xFFFF  }
0x12c: {  	s25 =	simm.s32 $0x0;
	s0 =	rddreg [dreg:$0x15]  }
0x12d: {  	[tilespmem:s1], [sflag:$0x2] =	stream.linear.gather [hbm4b:s0+s25], $0x2000, $0x38;
	[tilespmem:$0x13200] =	vst v63  }
0x12e: {  	_ =	swait.ge [sflag:s31], $0x2000  }
0x12f: {  	[sflag:s31] =	ssyncset.done $0x0  }
0x130: {  	s26 =	sadd.s32 $0x0, s2;
	s0 =	rddreg [dreg:$0x13];
	[sflag:s31] =	ssyncadd.s32 $0xFFFFE000  }
0x131: {  	v11 =	vmov s26;
	[tilespmem:s20], [sflag:$0x2] =	stream.linear.gather [spmem:s0], $0x800, $0x38;
	[tilespmem:$0x13200] =	vst v63  }
0x132: {  	s0 =	simm.s32 $0x0  }
0x133: {  	_ =	swait.ge [sflag:s31], $0x800;
	v13 =	vor.u32 s0, v1  }
0x134: {  	[sflag:s31] =	ssyncset.done $0x0  }
0x135: {  	v12 =	vor.u32 s25, v1;
	[sflag:s31] =	ssyncadd.s32 $0xFFFFF800  }
0x136: {  	v15 =	vld.idx.msk [tilespmem:v11+s7+$0x0], $0xffff;
	_ =	sdelay $0x1  }
0x137: {  	v11 =	vld.idx.msk [tilespmem:v13+s1+$0x0], $0xffff;
	_ =	sdelay $0x1  }
0x138: {  	v12 =	vld.idx.msk [tilespmem:v12+s20+$0x0], $0xffff  }
0x139: {  	v14 =	vmul.f32 v15, v0;
	_ =	sdelay $0x1  }
0x13a: {  	v11 =	vmul.f32 v11, v14;
	_ =	sdelay $0x1  }
0x13b: {  	v11 =	vadd.f32 v11, v12;
	v12 =	vor.u32 s0, v2;
	_ =	sdelay $0x1  }
0x13c: {  	v16 =	vor.u32 s25, v2;
	v11 =	vmul.f32 v11, v15;
	_ =	sdelay $0x1  }
0x13d: {  	[tilespmem:v13+s4+$0x0] =	vst.idx.msk $0xffff, v11  }
0x13e: {  	v11 =	vld.idx.msk [tilespmem:v12+s1+$0x0], $0xffff;
	_ =	sdelay $0x1  }
0x13f: {  	v13 =	vld.idx.msk [tilespmem:v16+s20+$0x0], $0xffff;
	_ =	sdelay $0x2  }
0x140: {  	v11 =	vmul.f32 v11, v14  }
0x141: {  	s28 =	sadd.s32 $0x1, s2  }
0x142: {  	v14 =	vmov s28;
	v16 =	vadd.f32 v11, v13  }
0x143: {  	s30 =	simm.s32 $0x80  }
0x144: {  	s25 =	simm.s32 $0x20;
	v13 =	vor.u32 s30, v1;
	v15 =	vmul.f32 v16, v15  }
0x145: {  	s26 =	simm.s32 $0x2;
	s28 =	simm.s32 $0x40;
	v11 =	vor.u32 s25, v1  }
.LBB2_10:
0x146: {  	v16 =	vor.u32 s28, v1;
	p0 =	sne.s32 s26, $0x3F;
	[tilespmem:v12+s4+$0x0] =	vst.idx.msk $0xffff, v15;
	s0 =	smov.u32 s26;
	s26 =	sadd.s32 $0x1, s26  }
0x147: {  	v15 =	vld.idx.msk [tilespmem:v14+s7+$0x0], $0xffff;
	_ =	sdelay $0x1  }
0x148: {  	v12 =	vld.idx.msk [tilespmem:v13+s1+$0x0], $0xffff;
	_ =	sdelay $0x1  }
0x149: {  	v14 =	vld.idx.msk [tilespmem:v11+s20+$0x0], $0xffff;
	v11 =	vmov v16;
	_ =	sdelay $0x1  }
0x14a: {  	v16 =	vmul.f32 v15, v0;
	_ =	sdelay $0x1  }
0x14b: {  	v12 =	vmul.f32 v12, v16;
	_ =	sdelay $0x1  }
0x14c: {  	v14 =	vadd.f32 v12, v14;
	v12 =	vor.u32 s30, v2;
	_ =	sdelay $0x1  }
0x14d: {  	v17 =	vor.u32 s25, v2;
	s25 =	smov.u32 s28;
	v14 =	vmul.f32 v14, v15;
	_ =	sdelay $0x1  }
0x14e: {  	[tilespmem:v13+s4+$0x0] =	vst.idx.msk $0xffff, v14  }
0x14f: {  	v13 =	vld.idx.msk [tilespmem:v12+s1+$0x0], $0xffff;
	_ =	sdelay $0x1  }
0x150: {  	v17 =	vld.idx.msk [tilespmem:v17+s20+$0x0], $0xffff;
	_ =	sdelay $0x3  }
0x151: {  	v13 =	vmul.f32 v13, v16  }
.Ltmp4:
0x152: {  	s30 =	sadd.s32 s0, s2;
	(pc) =	sbr.rel @p0 .LBB2_10-.Ltmp4, $4  }
0x153: {  	v14 =	vmov s30;
	v16 =	vadd.f32 v13, v17  }
0x154: {  	s30 =	sshll.u32 s0, $0x7  }
0x155: {  	v13 =	vor.u32 s30, v1;
	v15 =	vmul.f32 v16, v15  }
0x156: {  	s28 =	sadd.s32 $0x20, s28  }
0x157: {  	_ =	sdelay $0x3  }
0x158: {  	[tilespmem:v12+s4+$0x0] =	vst.idx.msk $0xffff, v15  }
0x159: {  	v12 =	vld.idx.msk [tilespmem:v14+s7+$0x0], $0xffff;
	_ =	sdelay $0x1  }
0x15a: {  	v14 =	vld.idx.msk [tilespmem:v13+s1+$0x0], $0xffff;
	_ =	sdelay $0x1  }
0x15b: {  	v11 =	vld.idx.msk [tilespmem:v11+s20+$0x0], $0xffff  }
0x15c: {  	v15 =	vmul.f32 v12, v0;
	_ =	sdelay $0x1  }
0x15d: {  	v14 =	vmul.f32 v14, v15;
	_ =	sdelay $0x1  }
0x15e: {  	v11 =	vadd.f32 v14, v11;
	v14 =	vor.u32 s30, v2;
	_ =	sdelay $0x1  }
0x15f: {  	v16 =	vor.u32 s25, v2;
	v11 =	vmul.f32 v11, v12;
	_ =	sdelay $0x1  }
0x160: {  	[tilespmem:v13+s4+$0x0] =	vst.idx.msk $0xffff, v11  }
0x161: {  	v11 =	vld.idx.msk [tilespmem:v14+s1+$0x0], $0xffff;
	_ =	sdelay $0x1  }
0x162: {  	v13 =	vld.idx.msk [tilespmem:v16+s20+$0x0], $0xffff;
	_ =	sdelay $0x2  }
0x163: {  	v11 =	vmul.f32 v11, v15;
	_ =	sdelay $0x1  }
0x164: {  	v11 =	vadd.f32 v11, v13;
	_ =	sdelay $0x1  }
0x165: {  	v11 =	vmul.f32 v11, v12;
	_ =	sdelay $0x1  }
0x166: {  	s0 =	simm.s32 $0x0;
	s26 =	rddreg [dreg:$0x3];
	[tilespmem:v14+s4+$0x0] =	vst.idx.msk $0xffff, v11  }
0x167: {  	[hbm4b:s26+s0] =	stream.linear.scatter [tilespmem:s4], [sflag:$0x2], $0x2000, $0x38;
	[tilespmem:$0x13200] =	vst v63  }
0x168: {  	_ =	swait.ge [sflag:s31], $0x2000  }
0x169: {  	[sflag:s31] =	ssyncset.done $0x0  }
0x16a: {  	s26 =	rddreg [dreg:$0x16];
	[sflag:s31] =	ssyncadd.s32 $0xFFFFE000  }
0x16b: {  	[tilespmem:s1], [sflag:$0x2] =	stream.linear.gather [hbm4b:s26+s0], $0x2000, $0x38;
	[tilespmem:$0x13200] =	vst v63  }
0x16c: {  	_ =	swait.ge [sflag:s31], $0x2000  }
0x16d: {  	[sflag:s31] =	ssyncset.done $0x0  }
0x16e: {  	s25 =	sadd.s32 $0x0, s3;
	s26 =	rddreg [dreg:$0x17];
	[sflag:s31] =	ssyncadd.s32 $0xFFFFE000  }
0x16f: {  	v11 =	vmov s25;
	[tilespmem:s20], [sflag:$0x2] =	stream.linear.gather [spmem:s26], $0x800, $0x38;
	[tilespmem:$0x13200] =	vst v63  }
0x170: {  	s26 =	simm.s32 $0x0  }
0x171: {  	_ =	swait.ge [sflag:s31], $0x800;
	v13 =	vor.u32 s26, v1  }
0x172: {  	[sflag:s31] =	ssyncset.done $0x0  }
0x173: {  	v12 =	vor.u32 s0, v1;
	[sflag:s31] =	ssyncadd.s32 $0xFFFFF800  }
0x174: {  	v15 =	vld.idx.msk [tilespmem:v11+s7+$0x0], $0xffff;
	_ =	sdelay $0x1  }
0x175: {  	v11 =	vld.idx.msk [tilespmem:v13+s1+$0x0], $0xffff;
	_ =	sdelay $0x1  }
0x176: {  	v12 =	vld.idx.msk [tilespmem:v12+s20+$0x0], $0xffff  }
0x177: {  	v14 =	vmul.f32 v15, v0;
	_ =	sdelay $0x1  }
0x178: {  	v11 =	vmul.f32 v11, v14;
	_ =	sdelay $0x1  }
0x179: {  	v11 =	vadd.f32 v11, v12;
	v12 =	vor.u32 s26, v2;
	_ =	sdelay $0x1  }
0x17a: {  	v16 =	vor.u32 s0, v2;
	v11 =	vmul.f32 v11, v15;
	_ =	sdelay $0x1  }
0x17b: {  	[tilespmem:v13+s4+$0x0] =	vst.idx.msk $0xffff, v11  }
0x17c: {  	v11 =	vld.idx.msk [tilespmem:v12+s1+$0x0], $0xffff;
	_ =	sdelay $0x1  }
0x17d: {  	v13 =	vld.idx.msk [tilespmem:v16+s20+$0x0], $0xffff;
	_ =	sdelay $0x2  }
0x17e: {  	v11 =	vmul.f32 v11, v14  }
0x17f: {  	s0 =	sadd.s32 $0x1, s3  }
0x180: {  	v14 =	vmov s0;
	v16 =	vadd.f32 v11, v13  }
0x181: {  	s30 =	simm.s32 $0x80  }
0x182: {  	s25 =	simm.s32 $0x20;
	v13 =	vor.u32 s30, v1;
	v15 =	vmul.f32 v16, v15  }
0x183: {  	s28 =	simm.s32 $0x40;
	s26 =	simm.s32 $0x2;
	v11 =	vor.u32 s25, v1  }
.LBB2_12:
0x184: {  	v16 =	vor.u32 s28, v1;
	p0 =	sne.s32 s26, $0x3F;
	[tilespmem:v12+s4+$0x0] =	vst.idx.msk $0xffff, v15;
	s0 =	smov.u32 s26;
	s26 =	sadd.s32 $0x1, s26  }
0x185: {  	v15 =	vld.idx.msk [tilespmem:v14+s7+$0x0], $0xffff;
	_ =	sdelay $0x1  }
0x186: {  	v12 =	vld.idx.msk [tilespmem:v13+s1+$0x0], $0xffff;
	_ =	sdelay $0x1  }
0x187: {  	v14 =	vld.idx.msk [tilespmem:v11+s20+$0x0], $0xffff;
	v11 =	vmov v16;
	_ =	sdelay $0x1  }
0x188: {  	v16 =	vmul.f32 v15, v0;
	_ =	sdelay $0x1  }
0x189: {  	v12 =	vmul.f32 v12, v16;
	_ =	sdelay $0x1  }
0x18a: {  	v14 =	vadd.f32 v12, v14;
	v12 =	vor.u32 s30, v2;
	_ =	sdelay $0x1  }
0x18b: {  	v17 =	vor.u32 s25, v2;
	s25 =	smov.u32 s28;
	v14 =	vmul.f32 v14, v15;
	_ =	sdelay $0x1  }
0x18c: {  	[tilespmem:v13+s4+$0x0] =	vst.idx.msk $0xffff, v14  }
0x18d: {  	v13 =	vld.idx.msk [tilespmem:v12+s1+$0x0], $0xffff;
	_ =	sdelay $0x1  }
0x18e: {  	v17 =	vld.idx.msk [tilespmem:v17+s20+$0x0], $0xffff;
	_ =	sdelay $0x3  }
0x18f: {  	v13 =	vmul.f32 v13, v16  }
.Ltmp5:
0x190: {  	s30 =	sadd.s32 s0, s3;
	(pc) =	sbr.rel @p0 .LBB2_12-.Ltmp5, $4  }
0x191: {  	v14 =	vmov s30;
	v16 =	vadd.f32 v13, v17  }
0x192: {  	s30 =	sshll.u32 s0, $0x7  }
0x193: {  	v13 =	vor.u32 s30, v1;
	v15 =	vmul.f32 v16, v15  }
0x194: {  	s28 =	sadd.s32 $0x20, s28  }
0x195: {  	_ =	sdelay $0x3  }
0x196: {  	[tilespmem:v12+s4+$0x0] =	vst.idx.msk $0xffff, v15  }
0x197: {  	v12 =	vld.idx.msk [tilespmem:v14+s7+$0x0], $0xffff;
	_ =	sdelay $0x1  }
0x198: {  	v14 =	vld.idx.msk [tilespmem:v13+s1+$0x0], $0xffff;
	_ =	sdelay $0x1  }
0x199: {  	v11 =	vld.idx.msk [tilespmem:v11+s20+$0x0], $0xffff  }
0x19a: {  	v15 =	vmul.f32 v12, v0;
	_ =	sdelay $0x1  }
0x19b: {  	v14 =	vmul.f32 v14, v15;
	_ =	sdelay $0x1  }
0x19c: {  	v11 =	vadd.f32 v14, v11;
	v14 =	vor.u32 s30, v2;
	_ =	sdelay $0x1  }
0x19d: {  	v16 =	vor.u32 s25, v2;
	v11 =	vmul.f32 v11, v12;
	_ =	sdelay $0x1  }
0x19e: {  	[tilespmem:v13+s4+$0x0] =	vst.idx.msk $0xffff, v11  }
0x19f: {  	v11 =	vld.idx.msk [tilespmem:v14+s1+$0x0], $0xffff;
	_ =	sdelay $0x1  }
0x1a0: {  	v13 =	vld.idx.msk [tilespmem:v16+s20+$0x0], $0xffff;
	_ =	sdelay $0x2  }
0x1a1: {  	v11 =	vmul.f32 v11, v15;
	_ =	sdelay $0x1  }
0x1a2: {  	v11 =	vadd.f32 v11, v13;
	_ =	sdelay $0x1  }
0x1a3: {  	v11 =	vmul.f32 v11, v12;
	_ =	sdelay $0x1  }
0x1a4: {  	s0 =	simm.s32 $0x0;
	s26 =	rddreg [dreg:$0x4];
	[tilespmem:v14+s4+$0x0] =	vst.idx.msk $0xffff, v11  }
0x1a5: {  	[hbm4b:s26+s0] =	stream.linear.scatter [tilespmem:s4], [sflag:$0x2], $0x2000, $0x38;
	[tilespmem:$0x13200] =	vst v63  }
0x1a6: {  	_ =	swait.ge [sflag:s31], $0x2000  }
0x1a7: {  	[sflag:s31] =	ssyncset.done $0x0  }
0x1a8: {  	s26 =	rddreg [dreg:$0x18];
	[sflag:s31] =	ssyncadd.s32 $0xFFFFE000  }
0x1a9: {  	[tilespmem:s1], [sflag:$0x2] =	stream.linear.gather [hbm4b:s26+s0], $0x2000, $0x38;
	[tilespmem:$0x13200] =	vst v63  }
0x1aa: {  	_ =	swait.ge [sflag:s31], $0x2000  }
0x1ab: {  	[sflag:s31] =	ssyncset.done $0x0  }
0x1ac: {  	s25 =	sadd.s32 $0x0, s5;
	s26 =	rddreg [dreg:$0x19];
	[sflag:s31] =	ssyncadd.s32 $0xFFFFE000  }
0x1ad: {  	v11 =	vmov s25;
	[tilespmem:s20], [sflag:$0x2] =	stream.linear.gather [spmem:s26], $0x800, $0x38;
	[tilespmem:$0x13200] =	vst v63  }
0x1ae: {  	s26 =	simm.s32 $0x0  }
0x1af: {  	_ =	swait.ge [sflag:s31], $0x800;
	v13 =	vor.u32 s26, v1  }
0x1b0: {  	[sflag:s31] =	ssyncset.done $0x0  }
0x1b1: {  	v12 =	vor.u32 s0, v1;
	[sflag:s31] =	ssyncadd.s32 $0xFFFFF800  }
0x1b2: {  	v15 =	vld.idx.msk [tilespmem:v11+s7+$0x0], $0xffff;
	_ =	sdelay $0x1  }
0x1b3: {  	v11 =	vld.idx.msk [tilespmem:v13+s1+$0x0], $0xffff;
	_ =	sdelay $0x1  }
0x1b4: {  	v12 =	vld.idx.msk [tilespmem:v12+s20+$0x0], $0xffff  }
0x1b5: {  	v14 =	vmul.f32 v15, v0;
	_ =	sdelay $0x1  }
0x1b6: {  	v11 =	vmul.f32 v11, v14;
	_ =	sdelay $0x1  }
0x1b7: {  	v11 =	vadd.f32 v11, v12;
	v12 =	vor.u32 s26, v2;
	_ =	sdelay $0x1  }
0x1b8: {  	v16 =	vor.u32 s0, v2;
	v11 =	vmul.f32 v11, v15;
	_ =	sdelay $0x1  }
0x1b9: {  	[tilespmem:v13+s4+$0x0] =	vst.idx.msk $0xffff, v11  }
0x1ba: {  	v11 =	vld.idx.msk [tilespmem:v12+s1+$0x0], $0xffff;
	_ =	sdelay $0x1  }
0x1bb: {  	v13 =	vld.idx.msk [tilespmem:v16+s20+$0x0], $0xffff;
	_ =	sdelay $0x2  }
0x1bc: {  	v11 =	vmul.f32 v11, v14  }
0x1bd: {  	s0 =	sadd.s32 $0x1, s5  }
0x1be: {  	v14 =	vmov s0;
	v16 =	vadd.f32 v11, v13  }
0x1bf: {  	s30 =	simm.s32 $0x80  }
0x1c0: {  	s25 =	simm.s32 $0x20;
	v13 =	vor.u32 s30, v1;
	v15 =	vmul.f32 v16, v15  }
0x1c1: {  	s28 =	simm.s32 $0x40;
	s26 =	simm.s32 $0x2;
	v11 =	vor.u32 s25, v1  }
.LBB2_14:
0x1c2: {  	v16 =	vor.u32 s28, v1;
	p0 =	sne.s32 s26, $0x3F;
	[tilespmem:v12+s4+$0x0] =	vst.idx.msk $0xffff, v15;
	s0 =	smov.u32 s26;
	s26 =	sadd.s32 $0x1, s26  }
0x1c3: {  	v15 =	vld.idx.msk [tilespmem:v14+s7+$0x0], $0xffff;
	_ =	sdelay $0x1  }
0x1c4: {  	v12 =	vld.idx.msk [tilespmem:v13+s1+$0x0], $0xffff;
	_ =	sdelay $0x1  }
0x1c5: {  	v14 =	vld.idx.msk [tilespmem:v11+s20+$0x0], $0xffff;
	v11 =	vmov v16;
	_ =	sdelay $0x1  }
0x1c6: {  	v16 =	vmul.f32 v15, v0;
	_ =	sdelay $0x1  }
0x1c7: {  	v12 =	vmul.f32 v12, v16;
	_ =	sdelay $0x1  }
0x1c8: {  	v14 =	vadd.f32 v12, v14;
	v12 =	vor.u32 s30, v2;
	_ =	sdelay $0x1  }
0x1c9: {  	v17 =	vor.u32 s25, v2;
	s25 =	smov.u32 s28;
	v14 =	vmul.f32 v14, v15;
	_ =	sdelay $0x1  }
0x1ca: {  	[tilespmem:v13+s4+$0x0] =	vst.idx.msk $0xffff, v14  }
0x1cb: {  	v13 =	vld.idx.msk [tilespmem:v12+s1+$0x0], $0xffff;
	_ =	sdelay $0x1  }
0x1cc: {  	v17 =	vld.idx.msk [tilespmem:v17+s20+$0x0], $0xffff;
	_ =	sdelay $0x3  }
0x1cd: {  	v13 =	vmul.f32 v13, v16  }
.Ltmp6:
0x1ce: {  	s30 =	sadd.s32 s0, s5;
	(pc) =	sbr.rel @p0 .LBB2_14-.Ltmp6, $4  }
0x1cf: {  	v14 =	vmov s30;
	v16 =	vadd.f32 v13, v17  }
0x1d0: {  	s30 =	sshll.u32 s0, $0x7  }
0x1d1: {  	v13 =	vor.u32 s30, v1;
	v15 =	vmul.f32 v16, v15  }
0x1d2: {  	s28 =	sadd.s32 $0x20, s28  }
0x1d3: {  	_ =	sdelay $0x3  }
0x1d4: {  	[tilespmem:v12+s4+$0x0] =	vst.idx.msk $0xffff, v15  }
0x1d5: {  	v12 =	vld.idx.msk [tilespmem:v14+s7+$0x0], $0xffff;
	_ =	sdelay $0x1  }
0x1d6: {  	v14 =	vld.idx.msk [tilespmem:v13+s1+$0x0], $0xffff;
	_ =	sdelay $0x1  }
0x1d7: {  	v11 =	vld.idx.msk [tilespmem:v11+s20+$0x0], $0xffff  }
0x1d8: {  	v15 =	vmul.f32 v12, v0;
	_ =	sdelay $0x1  }
0x1d9: {  	v14 =	vmul.f32 v14, v15;
	_ =	sdelay $0x1  }
0x1da: {  	v11 =	vadd.f32 v14, v11;
	v14 =	vor.u32 s30, v2;
	_ =	sdelay $0x1  }
0x1db: {  	v16 =	vor.u32 s25, v2;
	v11 =	vmul.f32 v11, v12;
	_ =	sdelay $0x1  }
0x1dc: {  	[tilespmem:v13+s4+$0x0] =	vst.idx.msk $0xffff, v11  }
0x1dd: {  	v11 =	vld.idx.msk [tilespmem:v14+s1+$0x0], $0xffff;
	_ =	sdelay $0x1  }
0x1de: {  	v13 =	vld.idx.msk [tilespmem:v16+s20+$0x0], $0xffff;
	_ =	sdelay $0x2  }
0x1df: {  	v11 =	vmul.f32 v11, v15;
	_ =	sdelay $0x1  }
0x1e0: {  	v11 =	vadd.f32 v11, v13;
	_ =	sdelay $0x1  }
0x1e1: {  	v11 =	vmul.f32 v11, v12;
	_ =	sdelay $0x1  }
0x1e2: {  	s0 =	simm.s32 $0x0;
	s26 =	rddreg [dreg:$0x5];
	[tilespmem:v14+s4+$0x0] =	vst.idx.msk $0xffff, v11  }
0x1e3: {  	[hbm4b:s26+s0] =	stream.linear.scatter [tilespmem:s4], [sflag:$0x2], $0x2000, $0x38;
	[tilespmem:$0x13200] =	vst v63  }
0x1e4: {  	_ =	swait.ge [sflag:s31], $0x2000  }
0x1e5: {  	[sflag:s31] =	ssyncset.done $0x0  }
0x1e6: {  	s26 =	rddreg [dreg:$0x1a];
	[sflag:s31] =	ssyncadd.s32 $0xFFFFE000  }
0x1e7: {  	[tilespmem:s1], [sflag:$0x2] =	stream.linear.gather [hbm4b:s26+s0], $0x2000, $0x38;
	[tilespmem:$0x13200] =	vst v63  }
0x1e8: {  	_ =	swait.ge [sflag:s31], $0x2000  }
0x1e9: {  	[sflag:s31] =	ssyncset.done $0x0  }
0x1ea: {  	s25 =	sadd.s32 $0x0, s6;
	s26 =	rddreg [dreg:$0x1b];
	[sflag:s31] =	ssyncadd.s32 $0xFFFFE000  }
0x1eb: {  	v11 =	vmov s25;
	[tilespmem:s20], [sflag:$0x2] =	stream.linear.gather [spmem:s26], $0x800, $0x38;
	[tilespmem:$0x13200] =	vst v63  }
0x1ec: {  	s26 =	simm.s32 $0x0  }
0x1ed: {  	_ =	swait.ge [sflag:s31], $0x800;
	v13 =	vor.u32 s26, v1  }
0x1ee: {  	[sflag:s31] =	ssyncset.done $0x0  }
0x1ef: {  	v12 =	vor.u32 s0, v1;
	[sflag:s31] =	ssyncadd.s32 $0xFFFFF800  }
0x1f0: {  	v15 =	vld.idx.msk [tilespmem:v11+s7+$0x0], $0xffff;
	_ =	sdelay $0x1  }
0x1f1: {  	v11 =	vld.idx.msk [tilespmem:v13+s1+$0x0], $0xffff;
	_ =	sdelay $0x1  }
0x1f2: {  	v12 =	vld.idx.msk [tilespmem:v12+s20+$0x0], $0xffff  }
0x1f3: {  	v14 =	vmul.f32 v15, v0;
	_ =	sdelay $0x1  }
0x1f4: {  	v11 =	vmul.f32 v11, v14;
	_ =	sdelay $0x1  }
0x1f5: {  	v11 =	vadd.f32 v11, v12;
	v12 =	vor.u32 s26, v2;
	_ =	sdelay $0x1  }
0x1f6: {  	v16 =	vor.u32 s0, v2;
	v11 =	vmul.f32 v11, v15;
	_ =	sdelay $0x1  }
0x1f7: {  	[tilespmem:v13+s4+$0x0] =	vst.idx.msk $0xffff, v11  }
0x1f8: {  	v11 =	vld.idx.msk [tilespmem:v12+s1+$0x0], $0xffff;
	_ =	sdelay $0x1  }
0x1f9: {  	v13 =	vld.idx.msk [tilespmem:v16+s20+$0x0], $0xffff;
	_ =	sdelay $0x2  }
0x1fa: {  	v11 =	vmul.f32 v11, v14  }
0x1fb: {  	s0 =	sadd.s32 $0x1, s6  }
0x1fc: {  	v14 =	vmov s0;
	v16 =	vadd.f32 v11, v13  }
0x1fd: {  	s30 =	simm.s32 $0x80  }
0x1fe: {  	s25 =	simm.s32 $0x20;
	v13 =	vor.u32 s30, v1;
	v15 =	vmul.f32 v16, v15  }
0x1ff: {  	s28 =	simm.s32 $0x40;
	s26 =	simm.s32 $0x2;
	v11 =	vor.u32 s25, v1  }
.LBB2_16:
0x200: {  	v16 =	vor.u32 s28, v1;
	p0 =	sne.s32 s26, $0x3F;
	[tilespmem:v12+s4+$0x0] =	vst.idx.msk $0xffff, v15;
	s0 =	smov.u32 s26;
	s26 =	sadd.s32 $0x1, s26  }
0x201: {  	v15 =	vld.idx.msk [tilespmem:v14+s7+$0x0], $0xffff;
	_ =	sdelay $0x1  }
0x202: {  	v12 =	vld.idx.msk [tilespmem:v13+s1+$0x0], $0xffff;
	_ =	sdelay $0x1  }
0x203: {  	v14 =	vld.idx.msk [tilespmem:v11+s20+$0x0], $0xffff;
	v11 =	vmov v16;
	_ =	sdelay $0x1  }
0x204: {  	v16 =	vmul.f32 v15, v0;
	_ =	sdelay $0x1  }
0x205: {  	v12 =	vmul.f32 v12, v16;
	_ =	sdelay $0x1  }
0x206: {  	v14 =	vadd.f32 v12, v14;
	v12 =	vor.u32 s30, v2;
	_ =	sdelay $0x1  }
0x207: {  	v17 =	vor.u32 s25, v2;
	s25 =	smov.u32 s28;
	v14 =	vmul.f32 v14, v15;
	_ =	sdelay $0x1  }
0x208: {  	[tilespmem:v13+s4+$0x0] =	vst.idx.msk $0xffff, v14  }
0x209: {  	v13 =	vld.idx.msk [tilespmem:v12+s1+$0x0], $0xffff;
	_ =	sdelay $0x1  }
0x20a: {  	v17 =	vld.idx.msk [tilespmem:v17+s20+$0x0], $0xffff;
	_ =	sdelay $0x3  }
0x20b: {  	v13 =	vmul.f32 v13, v16  }
.Ltmp7:
0x20c: {  	s30 =	sadd.s32 s0, s6;
	(pc) =	sbr.rel @p0 .LBB2_16-.Ltmp7, $4  }
0x20d: {  	v14 =	vmov s30;
	v16 =	vadd.f32 v13, v17  }
0x20e: {  	s30 =	sshll.u32 s0, $0x7  }
0x20f: {  	v13 =	vor.u32 s30, v1;
	v15 =	vmul.f32 v16, v15  }
0x210: {  	s28 =	sadd.s32 $0x20, s28  }
0x211: {  	_ =	sdelay $0x3  }
0x212: {  	[tilespmem:v12+s4+$0x0] =	vst.idx.msk $0xffff, v15  }
0x213: {  	v12 =	vld.idx.msk [tilespmem:v14+s7+$0x0], $0xffff;
	_ =	sdelay $0x1  }
0x214: {  	v14 =	vld.idx.msk [tilespmem:v13+s1+$0x0], $0xffff;
	_ =	sdelay $0x1  }
0x215: {  	v11 =	vld.idx.msk [tilespmem:v11+s20+$0x0], $0xffff  }
0x216: {  	v15 =	vmul.f32 v12, v0;
	_ =	sdelay $0x1  }
0x217: {  	v14 =	vmul.f32 v14, v15;
	_ =	sdelay $0x1  }
0x218: {  	v11 =	vadd.f32 v14, v11;
	v14 =	vor.u32 s30, v2;
	_ =	sdelay $0x1  }
0x219: {  	v16 =	vor.u32 s25, v2;
	v11 =	vmul.f32 v11, v12;
	_ =	sdelay $0x1  }
0x21a: {  	[tilespmem:v13+s4+$0x0] =	vst.idx.msk $0xffff, v11  }
0x21b: {  	v11 =	vld.idx.msk [tilespmem:v14+s1+$0x0], $0xffff;
	_ =	sdelay $0x1  }
0x21c: {  	v13 =	vld.idx.msk [tilespmem:v16+s20+$0x0], $0xffff;
	_ =	sdelay $0x2  }
0x21d: {  	v11 =	vmul.f32 v11, v15;
	_ =	sdelay $0x1  }
0x21e: {  	v11 =	vadd.f32 v11, v13;
	_ =	sdelay $0x1  }
0x21f: {  	v11 =	vmul.f32 v11, v12;
	_ =	sdelay $0x1  }
0x220: {  	s0 =	simm.s32 $0x0;
	s26 =	rddreg [dreg:$0x6];
	[tilespmem:v14+s4+$0x0] =	vst.idx.msk $0xffff, v11  }
0x221: {  	[hbm4b:s26+s0] =	stream.linear.scatter [tilespmem:s4], [sflag:$0x2], $0x2000, $0x38;
	[tilespmem:$0x13200] =	vst v63  }
0x222: {  	_ =	swait.ge [sflag:s31], $0x2000  }
0x223: {  	[sflag:s31] =	ssyncset.done $0x0  }
0x224: {  	s26 =	rddreg [dreg:$0x1c];
	[sflag:s31] =	ssyncadd.s32 $0xFFFFE000  }
0x225: {  	[tilespmem:s1], [sflag:$0x2] =	stream.linear.gather [hbm4b:s26+s0], $0x2000, $0x38;
	[tilespmem:$0x13200] =	vst v63  }
0x226: {  	_ =	swait.ge [sflag:s31], $0x2000  }
0x227: {  	[sflag:s31] =	ssyncset.done $0x0  }
0x228: {  	s25 =	sadd.s32 $0x0, s8;
	s26 =	rddreg [dreg:$0x1d];
	[sflag:s31] =	ssyncadd.s32 $0xFFFFE000  }
0x229: {  	v11 =	vmov s25;
	[tilespmem:s20], [sflag:$0x2] =	stream.linear.gather [spmem:s26], $0x800, $0x38;
	[tilespmem:$0x13200] =	vst v63  }
0x22a: {  	s26 =	simm.s32 $0x0  }
0x22b: {  	_ =	swait.ge [sflag:s31], $0x800;
	v13 =	vor.u32 s26, v1  }
0x22c: {  	[sflag:s31] =	ssyncset.done $0x0  }
0x22d: {  	v12 =	vor.u32 s0, v1;
	[sflag:s31] =	ssyncadd.s32 $0xFFFFF800  }
0x22e: {  	v15 =	vld.idx.msk [tilespmem:v11+s7+$0x0], $0xffff;
	_ =	sdelay $0x1  }
0x22f: {  	v11 =	vld.idx.msk [tilespmem:v13+s1+$0x0], $0xffff;
	_ =	sdelay $0x1  }
0x230: {  	v12 =	vld.idx.msk [tilespmem:v12+s20+$0x0], $0xffff  }
0x231: {  	v14 =	vmul.f32 v15, v0;
	_ =	sdelay $0x1  }
0x232: {  	v11 =	vmul.f32 v11, v14;
	_ =	sdelay $0x1  }
0x233: {  	v11 =	vadd.f32 v11, v12;
	v12 =	vor.u32 s26, v2;
	_ =	sdelay $0x1  }
0x234: {  	v16 =	vor.u32 s0, v2;
	v11 =	vmul.f32 v11, v15;
	_ =	sdelay $0x1  }
0x235: {  	[tilespmem:v13+s4+$0x0] =	vst.idx.msk $0xffff, v11  }
0x236: {  	v11 =	vld.idx.msk [tilespmem:v12+s1+$0x0], $0xffff;
	_ =	sdelay $0x1  }
0x237: {  	v13 =	vld.idx.msk [tilespmem:v16+s20+$0x0], $0xffff;
	_ =	sdelay $0x2  }
0x238: {  	v11 =	vmul.f32 v11, v14  }
0x239: {  	s0 =	sadd.s32 $0x1, s8  }
0x23a: {  	v14 =	vmov s0;
	v16 =	vadd.f32 v11, v13  }
0x23b: {  	s30 =	simm.s32 $0x80  }
0x23c: {  	s25 =	simm.s32 $0x20;
	v13 =	vor.u32 s30, v1;
	v15 =	vmul.f32 v16, v15  }
0x23d: {  	s28 =	simm.s32 $0x40;
	s26 =	simm.s32 $0x2;
	v11 =	vor.u32 s25, v1  }
.LBB2_18:
0x23e: {  	v16 =	vor.u32 s28, v1;
	p0 =	sne.s32 s26, $0x3F;
	[tilespmem:v12+s4+$0x0] =	vst.idx.msk $0xffff, v15;
	s0 =	smov.u32 s26;
	s26 =	sadd.s32 $0x1, s26  }
0x23f: {  	v15 =	vld.idx.msk [tilespmem:v14+s7+$0x0], $0xffff;
	_ =	sdelay $0x1  }
0x240: {  	v12 =	vld.idx.msk [tilespmem:v13+s1+$0x0], $0xffff;
	_ =	sdelay $0x1  }
0x241: {  	v14 =	vld.idx.msk [tilespmem:v11+s20+$0x0], $0xffff;
	v11 =	vmov v16;
	_ =	sdelay $0x1  }
0x242: {  	v16 =	vmul.f32 v15, v0;
	_ =	sdelay $0x1  }
0x243: {  	v12 =	vmul.f32 v12, v16;
	_ =	sdelay $0x1  }
0x244: {  	v14 =	vadd.f32 v12, v14;
	v12 =	vor.u32 s30, v2;
	_ =	sdelay $0x1  }
0x245: {  	v17 =	vor.u32 s25, v2;
	s25 =	smov.u32 s28;
	v14 =	vmul.f32 v14, v15;
	_ =	sdelay $0x1  }
0x246: {  	[tilespmem:v13+s4+$0x0] =	vst.idx.msk $0xffff, v14  }
0x247: {  	v13 =	vld.idx.msk [tilespmem:v12+s1+$0x0], $0xffff;
	_ =	sdelay $0x1  }
0x248: {  	v17 =	vld.idx.msk [tilespmem:v17+s20+$0x0], $0xffff;
	_ =	sdelay $0x3  }
0x249: {  	v13 =	vmul.f32 v13, v16  }
.Ltmp8:
0x24a: {  	s30 =	sadd.s32 s0, s8;
	(pc) =	sbr.rel @p0 .LBB2_18-.Ltmp8, $4  }
0x24b: {  	v14 =	vmov s30;
	v16 =	vadd.f32 v13, v17  }
0x24c: {  	s30 =	sshll.u32 s0, $0x7  }
0x24d: {  	v13 =	vor.u32 s30, v1;
	v15 =	vmul.f32 v16, v15  }
0x24e: {  	s28 =	sadd.s32 $0x20, s28  }
0x24f: {  	_ =	sdelay $0x3  }
0x250: {  	[tilespmem:v12+s4+$0x0] =	vst.idx.msk $0xffff, v15  }
0x251: {  	v12 =	vld.idx.msk [tilespmem:v14+s7+$0x0], $0xffff;
	_ =	sdelay $0x1  }
0x252: {  	v14 =	vld.idx.msk [tilespmem:v13+s1+$0x0], $0xffff;
	_ =	sdelay $0x1  }
0x253: {  	v11 =	vld.idx.msk [tilespmem:v11+s20+$0x0], $0xffff  }
0x254: {  	v15 =	vmul.f32 v12, v0;
	_ =	sdelay $0x1  }
0x255: {  	v14 =	vmul.f32 v14, v15;
	_ =	sdelay $0x1  }
0x256: {  	v11 =	vadd.f32 v14, v11;
	v14 =	vor.u32 s30, v2;
	_ =	sdelay $0x1  }
0x257: {  	v16 =	vor.u32 s25, v2;
	v11 =	vmul.f32 v11, v12;
	_ =	sdelay $0x1  }
0x258: {  	[tilespmem:v13+s4+$0x0] =	vst.idx.msk $0xffff, v11  }
0x259: {  	v11 =	vld.idx.msk [tilespmem:v14+s1+$0x0], $0xffff;
	_ =	sdelay $0x1  }
0x25a: {  	v13 =	vld.idx.msk [tilespmem:v16+s20+$0x0], $0xffff;
	_ =	sdelay $0x2  }
0x25b: {  	v11 =	vmul.f32 v11, v15;
	_ =	sdelay $0x1  }
0x25c: {  	v11 =	vadd.f32 v11, v13;
	_ =	sdelay $0x1  }
0x25d: {  	v11 =	vmul.f32 v11, v12;
	_ =	sdelay $0x1  }
0x25e: {  	s0 =	simm.s32 $0x0;
	s26 =	rddreg [dreg:$0x7];
	[tilespmem:v14+s4+$0x0] =	vst.idx.msk $0xffff, v11  }
0x25f: {  	[hbm4b:s26+s0] =	stream.linear.scatter [tilespmem:s4], [sflag:$0x2], $0x2000, $0x38;
	[tilespmem:$0x13200] =	vst v63  }
0x260: {  	_ =	swait.ge [sflag:s31], $0x2000  }
0x261: {  	[sflag:s31] =	ssyncset.done $0x0  }
0x262: {  	s26 =	rddreg [dreg:$0x1e];
	[sflag:s31] =	ssyncadd.s32 $0xFFFFE000  }
0x263: {  	[tilespmem:s1], [sflag:$0x2] =	stream.linear.gather [hbm4b:s26+s0], $0x2000, $0x38;
	[tilespmem:$0x13200] =	vst v63  }
0x264: {  	_ =	swait.ge [sflag:s31], $0x2000  }
0x265: {  	[sflag:s31] =	ssyncset.done $0x0  }
0x266: {  	s25 =	sadd.s32 $0x0, s11;
	s26 =	rddreg [dreg:$0x1f];
	[sflag:s31] =	ssyncadd.s32 $0xFFFFE000  }
0x267: {  	v11 =	vmov s25;
	[tilespmem:s20], [sflag:$0x2] =	stream.linear.gather [spmem:s26], $0x800, $0x38;
	[tilespmem:$0x13200] =	vst v63  }
0x268: {  	s26 =	simm.s32 $0x0  }
0x269: {  	_ =	swait.ge [sflag:s31], $0x800;
	v13 =	vor.u32 s26, v1  }
0x26a: {  	[sflag:s31] =	ssyncset.done $0x0  }
0x26b: {  	v12 =	vor.u32 s0, v1;
	[sflag:s31] =	ssyncadd.s32 $0xFFFFF800  }
0x26c: {  	v15 =	vld.idx.msk [tilespmem:v11+s7+$0x0], $0xffff;
	_ =	sdelay $0x1  }
0x26d: {  	v11 =	vld.idx.msk [tilespmem:v13+s1+$0x0], $0xffff;
	_ =	sdelay $0x1  }
0x26e: {  	v12 =	vld.idx.msk [tilespmem:v12+s20+$0x0], $0xffff  }
0x26f: {  	v14 =	vmul.f32 v15, v0;
	_ =	sdelay $0x1  }
0x270: {  	v11 =	vmul.f32 v11, v14;
	_ =	sdelay $0x1  }
0x271: {  	v11 =	vadd.f32 v11, v12;
	v12 =	vor.u32 s26, v2;
	_ =	sdelay $0x1  }
0x272: {  	v16 =	vor.u32 s0, v2;
	v11 =	vmul.f32 v11, v15;
	_ =	sdelay $0x1  }
0x273: {  	[tilespmem:v13+s4+$0x0] =	vst.idx.msk $0xffff, v11  }
0x274: {  	v11 =	vld.idx.msk [tilespmem:v12+s1+$0x0], $0xffff;
	_ =	sdelay $0x1  }
0x275: {  	v13 =	vld.idx.msk [tilespmem:v16+s20+$0x0], $0xffff;
	_ =	sdelay $0x2  }
0x276: {  	v11 =	vmul.f32 v11, v14  }
0x277: {  	s0 =	sadd.s32 $0x1, s11  }
0x278: {  	v14 =	vmov s0;
	v16 =	vadd.f32 v11, v13  }
0x279: {  	s30 =	simm.s32 $0x80  }
0x27a: {  	s25 =	simm.s32 $0x20;
	v13 =	vor.u32 s30, v1;
	v15 =	vmul.f32 v16, v15  }
0x27b: {  	s28 =	simm.s32 $0x40;
	s26 =	simm.s32 $0x2;
	v11 =	vor.u32 s25, v1  }
.LBB2_20:
0x27c: {  	v16 =	vor.u32 s28, v1;
	p0 =	sne.s32 s26, $0x3F;
	[tilespmem:v12+s4+$0x0] =	vst.idx.msk $0xffff, v15;
	s0 =	smov.u32 s26;
	s26 =	sadd.s32 $0x1, s26  }
0x27d: {  	v15 =	vld.idx.msk [tilespmem:v14+s7+$0x0], $0xffff;
	_ =	sdelay $0x1  }
0x27e: {  	v12 =	vld.idx.msk [tilespmem:v13+s1+$0x0], $0xffff;
	_ =	sdelay $0x1  }
0x27f: {  	v14 =	vld.idx.msk [tilespmem:v11+s20+$0x0], $0xffff;
	v11 =	vmov v16;
	_ =	sdelay $0x1  }
0x280: {  	v16 =	vmul.f32 v15, v0;
	_ =	sdelay $0x1  }
0x281: {  	v12 =	vmul.f32 v12, v16;
	_ =	sdelay $0x1  }
0x282: {  	v14 =	vadd.f32 v12, v14;
	v12 =	vor.u32 s30, v2;
	_ =	sdelay $0x1  }
0x283: {  	v17 =	vor.u32 s25, v2;
	s25 =	smov.u32 s28;
	v14 =	vmul.f32 v14, v15;
	_ =	sdelay $0x1  }
0x284: {  	[tilespmem:v13+s4+$0x0] =	vst.idx.msk $0xffff, v14  }
0x285: {  	v13 =	vld.idx.msk [tilespmem:v12+s1+$0x0], $0xffff;
	_ =	sdelay $0x1  }
0x286: {  	v17 =	vld.idx.msk [tilespmem:v17+s20+$0x0], $0xffff;
	_ =	sdelay $0x3  }
0x287: {  	v13 =	vmul.f32 v13, v16  }
.Ltmp9:
0x288: {  	s30 =	sadd.s32 s0, s11;
	(pc) =	sbr.rel @p0 .LBB2_20-.Ltmp9, $4  }
0x289: {  	v14 =	vmov s30;
	v16 =	vadd.f32 v13, v17  }
0x28a: {  	s30 =	sshll.u32 s0, $0x7  }
0x28b: {  	v13 =	vor.u32 s30, v1;
	v15 =	vmul.f32 v16, v15  }
0x28c: {  	s28 =	sadd.s32 $0x20, s28  }
0x28d: {  	_ =	sdelay $0x3  }
0x28e: {  	[tilespmem:v12+s4+$0x0] =	vst.idx.msk $0xffff, v15  }
0x28f: {  	v12 =	vld.idx.msk [tilespmem:v14+s7+$0x0], $0xffff;
	_ =	sdelay $0x1  }
0x290: {  	v14 =	vld.idx.msk [tilespmem:v13+s1+$0x0], $0xffff;
	_ =	sdelay $0x1  }
0x291: {  	v11 =	vld.idx.msk [tilespmem:v11+s20+$0x0], $0xffff  }
0x292: {  	v15 =	vmul.f32 v12, v0;
	_ =	sdelay $0x1  }
0x293: {  	v14 =	vmul.f32 v14, v15;
	_ =	sdelay $0x1  }
0x294: {  	v11 =	vadd.f32 v14, v11;
	v14 =	vor.u32 s30, v2;
	_ =	sdelay $0x1  }
0x295: {  	v16 =	vor.u32 s25, v2;
	v11 =	vmul.f32 v11, v12;
	_ =	sdelay $0x1  }
0x296: {  	[tilespmem:v13+s4+$0x0] =	vst.idx.msk $0xffff, v11  }
0x297: {  	v11 =	vld.idx.msk [tilespmem:v14+s1+$0x0], $0xffff;
	_ =	sdelay $0x1  }
0x298: {  	v13 =	vld.idx.msk [tilespmem:v16+s20+$0x0], $0xffff;
	_ =	sdelay $0x2  }
0x299: {  	v11 =	vmul.f32 v11, v15;
	_ =	sdelay $0x1  }
0x29a: {  	v11 =	vadd.f32 v11, v13;
	_ =	sdelay $0x1  }
0x29b: {  	v11 =	vmul.f32 v11, v12;
	_ =	sdelay $0x1  }
0x29c: {  	s0 =	simm.s32 $0x0;
	s26 =	rddreg [dreg:$0x8];
	[tilespmem:v14+s4+$0x0] =	vst.idx.msk $0xffff, v11  }
0x29d: {  	[hbm4b:s26+s0] =	stream.linear.scatter [tilespmem:s4], [sflag:$0x2], $0x2000, $0x38;
	[tilespmem:$0x13200] =	vst v63  }
0x29e: {  	_ =	swait.ge [sflag:s31], $0x2000  }
0x29f: {  	s26 =	sld [smem:$0x7F1]  }
0x2a0: {  	[sflag:s31] =	ssyncset.done $0x0  }
0x2a1: {  	[sflag:s31] =	ssyncadd.s32 $0xFFFFE000  }
0x2a2: {  	[tilespmem:s1], [sflag:$0x2] =	stream.linear.gather [hbm4b:s26+s0], $0x2000, $0x38;
	[tilespmem:$0x13200] =	vst v63  }
0x2a3: {  	_ =	swait.ge [sflag:s31], $0x2000  }
0x2a4: {  	s26 =	sld [smem:$0x7F2]  }
0x2a5: {  	[sflag:s31] =	ssyncset.done $0x0  }
0x2a6: {  	s25 =	sadd.s32 $0x0, s12;
	[sflag:s31] =	ssyncadd.s32 $0xFFFFE000  }
0x2a7: {  	v11 =	vmov s25;
	[tilespmem:s20], [sflag:$0x2] =	stream.linear.gather [spmem:s26], $0x800, $0x38;
	[tilespmem:$0x13200] =	vst v63  }
0x2a8: {  	s26 =	simm.s32 $0x0  }
0x2a9: {  	_ =	swait.ge [sflag:s31], $0x800;
	v13 =	vor.u32 s26, v1  }
0x2aa: {  	[sflag:s31] =	ssyncset.done $0x0  }
0x2ab: {  	v12 =	vor.u32 s0, v1;
	[sflag:s31] =	ssyncadd.s32 $0xFFFFF800  }
0x2ac: {  	v15 =	vld.idx.msk [tilespmem:v11+s7+$0x0], $0xffff;
	_ =	sdelay $0x1  }
0x2ad: {  	v11 =	vld.idx.msk [tilespmem:v13+s1+$0x0], $0xffff;
	_ =	sdelay $0x1  }
0x2ae: {  	v12 =	vld.idx.msk [tilespmem:v12+s20+$0x0], $0xffff  }
0x2af: {  	v14 =	vmul.f32 v15, v0;
	_ =	sdelay $0x1  }
0x2b0: {  	v11 =	vmul.f32 v11, v14;
	_ =	sdelay $0x1  }
0x2b1: {  	v11 =	vadd.f32 v11, v12;
	v12 =	vor.u32 s26, v2;
	_ =	sdelay $0x1  }
0x2b2: {  	v16 =	vor.u32 s0, v2;
	v11 =	vmul.f32 v11, v15;
	_ =	sdelay $0x1  }
0x2b3: {  	[tilespmem:v13+s4+$0x0] =	vst.idx.msk $0xffff, v11  }
0x2b4: {  	v11 =	vld.idx.msk [tilespmem:v12+s1+$0x0], $0xffff;
	_ =	sdelay $0x1  }
0x2b5: {  	v13 =	vld.idx.msk [tilespmem:v16+s20+$0x0], $0xffff;
	_ =	sdelay $0x2  }
0x2b6: {  	v11 =	vmul.f32 v11, v14  }
0x2b7: {  	s0 =	sadd.s32 $0x1, s12  }
0x2b8: {  	v14 =	vmov s0;
	v16 =	vadd.f32 v11, v13  }
0x2b9: {  	s30 =	simm.s32 $0x80  }
0x2ba: {  	s25 =	simm.s32 $0x20;
	v13 =	vor.u32 s30, v1;
	v15 =	vmul.f32 v16, v15  }
0x2bb: {  	s28 =	simm.s32 $0x40;
	s26 =	simm.s32 $0x2;
	v11 =	vor.u32 s25, v1  }
.LBB2_22:
0x2bc: {  	v16 =	vor.u32 s28, v1;
	p0 =	sne.s32 s26, $0x3F;
	[tilespmem:v12+s4+$0x0] =	vst.idx.msk $0xffff, v15;
	s0 =	smov.u32 s26;
	s26 =	sadd.s32 $0x1, s26  }
0x2bd: {  	v15 =	vld.idx.msk [tilespmem:v14+s7+$0x0], $0xffff;
	_ =	sdelay $0x1  }
0x2be: {  	v12 =	vld.idx.msk [tilespmem:v13+s1+$0x0], $0xffff;
	_ =	sdelay $0x1  }
0x2bf: {  	v14 =	vld.idx.msk [tilespmem:v11+s20+$0x0], $0xffff;
	v11 =	vmov v16;
	_ =	sdelay $0x1  }
0x2c0: {  	v16 =	vmul.f32 v15, v0;
	_ =	sdelay $0x1  }
0x2c1: {  	v12 =	vmul.f32 v12, v16;
	_ =	sdelay $0x1  }
0x2c2: {  	v14 =	vadd.f32 v12, v14;
	v12 =	vor.u32 s30, v2;
	_ =	sdelay $0x1  }
0x2c3: {  	v17 =	vor.u32 s25, v2;
	s25 =	smov.u32 s28;
	v14 =	vmul.f32 v14, v15;
	_ =	sdelay $0x1  }
0x2c4: {  	[tilespmem:v13+s4+$0x0] =	vst.idx.msk $0xffff, v14  }
0x2c5: {  	v13 =	vld.idx.msk [tilespmem:v12+s1+$0x0], $0xffff;
	_ =	sdelay $0x1  }
0x2c6: {  	v17 =	vld.idx.msk [tilespmem:v17+s20+$0x0], $0xffff;
	_ =	sdelay $0x3  }
0x2c7: {  	v13 =	vmul.f32 v13, v16  }
.Ltmp10:
0x2c8: {  	s30 =	sadd.s32 s0, s12;
	(pc) =	sbr.rel @p0 .LBB2_22-.Ltmp10, $4  }
0x2c9: {  	v14 =	vmov s30;
	v16 =	vadd.f32 v13, v17  }
0x2ca: {  	s30 =	sshll.u32 s0, $0x7  }
0x2cb: {  	v13 =	vor.u32 s30, v1;
	v15 =	vmul.f32 v16, v15  }
0x2cc: {  	s28 =	sadd.s32 $0x20, s28  }
0x2cd: {  	_ =	sdelay $0x3  }
0x2ce: {  	[tilespmem:v12+s4+$0x0] =	vst.idx.msk $0xffff, v15  }
0x2cf: {  	v12 =	vld.idx.msk [tilespmem:v14+s7+$0x0], $0xffff;
	_ =	sdelay $0x1  }
0x2d0: {  	v14 =	vld.idx.msk [tilespmem:v13+s1+$0x0], $0xffff;
	_ =	sdelay $0x1  }
0x2d1: {  	v11 =	vld.idx.msk [tilespmem:v11+s20+$0x0], $0xffff  }
0x2d2: {  	v15 =	vmul.f32 v12, v0;
	_ =	sdelay $0x1  }
0x2d3: {  	v14 =	vmul.f32 v14, v15;
	_ =	sdelay $0x1  }
0x2d4: {  	v11 =	vadd.f32 v14, v11;
	v14 =	vor.u32 s30, v2;
	_ =	sdelay $0x1  }
0x2d5: {  	v16 =	vor.u32 s25, v2;
	v11 =	vmul.f32 v11, v12;
	_ =	sdelay $0x1  }
0x2d6: {  	[tilespmem:v13+s4+$0x0] =	vst.idx.msk $0xffff, v11  }
0x2d7: {  	v11 =	vld.idx.msk [tilespmem:v14+s1+$0x0], $0xffff;
	_ =	sdelay $0x1  }
0x2d8: {  	v13 =	vld.idx.msk [tilespmem:v16+s20+$0x0], $0xffff;
	_ =	sdelay $0x2  }
0x2d9: {  	v11 =	vmul.f32 v11, v15;
	_ =	sdelay $0x1  }
0x2da: {  	v11 =	vadd.f32 v11, v13;
	_ =	sdelay $0x1  }
0x2db: {  	v11 =	vmul.f32 v11, v12;
	_ =	sdelay $0x1  }
0x2dc: {  	s0 =	simm.s32 $0x0;
	s26 =	rddreg [dreg:$0x9];
	[tilespmem:v14+s4+$0x0] =	vst.idx.msk $0xffff, v11  }
0x2dd: {  	[hbm4b:s26+s0] =	stream.linear.scatter [tilespmem:s4], [sflag:$0x2], $0x2000, $0x38;
	[tilespmem:$0x13200] =	vst v63  }
0x2de: {  	_ =	swait.ge [sflag:s31], $0x2000  }
0x2df: {  	s26 =	sld [smem:$0x7F3]  }
0x2e0: {  	[sflag:s31] =	ssyncset.done $0x0  }
0x2e1: {  	[sflag:s31] =	ssyncadd.s32 $0xFFFFE000  }
0x2e2: {  	[tilespmem:s1], [sflag:$0x2] =	stream.linear.gather [hbm4b:s26+s0], $0x2000, $0x38;
	[tilespmem:$0x13200] =	vst v63  }
0x2e3: {  	_ =	swait.ge [sflag:s31], $0x2000  }
0x2e4: {  	s26 =	sld [smem:$0x7F4]  }
0x2e5: {  	[sflag:s31] =	ssyncset.done $0x0  }
0x2e6: {  	s25 =	sadd.s32 $0x0, s14;
	[sflag:s31] =	ssyncadd.s32 $0xFFFFE000  }
0x2e7: {  	v11 =	vmov s25;
	[tilespmem:s20], [sflag:$0x2] =	stream.linear.gather [spmem:s26], $0x800, $0x38;
	[tilespmem:$0x13200] =	vst v63  }
0x2e8: {  	s26 =	simm.s32 $0x0  }
0x2e9: {  	_ =	swait.ge [sflag:s31], $0x800;
	v13 =	vor.u32 s26, v1  }
0x2ea: {  	[sflag:s31] =	ssyncset.done $0x0  }
0x2eb: {  	v12 =	vor.u32 s0, v1;
	[sflag:s31] =	ssyncadd.s32 $0xFFFFF800  }
0x2ec: {  	v15 =	vld.idx.msk [tilespmem:v11+s7+$0x0], $0xffff;
	_ =	sdelay $0x1  }
0x2ed: {  	v11 =	vld.idx.msk [tilespmem:v13+s1+$0x0], $0xffff;
	_ =	sdelay $0x1  }
0x2ee: {  	v12 =	vld.idx.msk [tilespmem:v12+s20+$0x0], $0xffff  }
0x2ef: {  	v14 =	vmul.f32 v15, v0;
	_ =	sdelay $0x1  }
0x2f0: {  	v11 =	vmul.f32 v11, v14;
	_ =	sdelay $0x1  }
0x2f1: {  	v11 =	vadd.f32 v11, v12;
	v12 =	vor.u32 s26, v2;
	_ =	sdelay $0x1  }
0x2f2: {  	v16 =	vor.u32 s0, v2;
	v11 =	vmul.f32 v11, v15;
	_ =	sdelay $0x1  }
0x2f3: {  	[tilespmem:v13+s4+$0x0] =	vst.idx.msk $0xffff, v11  }
0x2f4: {  	v11 =	vld.idx.msk [tilespmem:v12+s1+$0x0], $0xffff;
	_ =	sdelay $0x1  }
0x2f5: {  	v13 =	vld.idx.msk [tilespmem:v16+s20+$0x0], $0xffff;
	_ =	sdelay $0x2  }
0x2f6: {  	v11 =	vmul.f32 v11, v14  }
0x2f7: {  	s0 =	sadd.s32 $0x1, s14  }
0x2f8: {  	v14 =	vmov s0;
	v16 =	vadd.f32 v11, v13  }
0x2f9: {  	s30 =	simm.s32 $0x80  }
0x2fa: {  	s25 =	simm.s32 $0x20;
	v13 =	vor.u32 s30, v1;
	v15 =	vmul.f32 v16, v15  }
0x2fb: {  	s28 =	simm.s32 $0x40;
	s26 =	simm.s32 $0x2;
	v11 =	vor.u32 s25, v1  }
.LBB2_24:
0x2fc: {  	v16 =	vor.u32 s28, v1;
	p0 =	sne.s32 s26, $0x3F;
	[tilespmem:v12+s4+$0x0] =	vst.idx.msk $0xffff, v15;
	s0 =	smov.u32 s26;
	s26 =	sadd.s32 $0x1, s26  }
0x2fd: {  	v15 =	vld.idx.msk [tilespmem:v14+s7+$0x0], $0xffff;
	_ =	sdelay $0x1  }
0x2fe: {  	v12 =	vld.idx.msk [tilespmem:v13+s1+$0x0], $0xffff;
	_ =	sdelay $0x1  }
0x2ff: {  	v14 =	vld.idx.msk [tilespmem:v11+s20+$0x0], $0xffff;
	v11 =	vmov v16;
	_ =	sdelay $0x1  }
0x300: {  	v16 =	vmul.f32 v15, v0;
	_ =	sdelay $0x1  }
0x301: {  	v12 =	vmul.f32 v12, v16;
	_ =	sdelay $0x1  }
0x302: {  	v14 =	vadd.f32 v12, v14;
	v12 =	vor.u32 s30, v2;
	_ =	sdelay $0x1  }
0x303: {  	v17 =	vor.u32 s25, v2;
	s25 =	smov.u32 s28;
	v14 =	vmul.f32 v14, v15;
	_ =	sdelay $0x1  }
0x304: {  	[tilespmem:v13+s4+$0x0] =	vst.idx.msk $0xffff, v14  }
0x305: {  	v13 =	vld.idx.msk [tilespmem:v12+s1+$0x0], $0xffff;
	_ =	sdelay $0x1  }
0x306: {  	v17 =	vld.idx.msk [tilespmem:v17+s20+$0x0], $0xffff;
	_ =	sdelay $0x3  }
0x307: {  	v13 =	vmul.f32 v13, v16  }
.Ltmp11:
0x308: {  	s30 =	sadd.s32 s0, s14;
	(pc) =	sbr.rel @p0 .LBB2_24-.Ltmp11, $4  }
0x309: {  	v14 =	vmov s30;
	v16 =	vadd.f32 v13, v17  }
0x30a: {  	s30 =	sshll.u32 s0, $0x7  }
0x30b: {  	v13 =	vor.u32 s30, v1;
	v15 =	vmul.f32 v16, v15  }
0x30c: {  	s28 =	sadd.s32 $0x20, s28  }
0x30d: {  	_ =	sdelay $0x3  }
0x30e: {  	[tilespmem:v12+s4+$0x0] =	vst.idx.msk $0xffff, v15  }
0x30f: {  	v12 =	vld.idx.msk [tilespmem:v14+s7+$0x0], $0xffff;
	_ =	sdelay $0x1  }
0x310: {  	v14 =	vld.idx.msk [tilespmem:v13+s1+$0x0], $0xffff;
	_ =	sdelay $0x1  }
0x311: {  	v11 =	vld.idx.msk [tilespmem:v11+s20+$0x0], $0xffff  }
0x312: {  	v15 =	vmul.f32 v12, v0;
	_ =	sdelay $0x1  }
0x313: {  	v14 =	vmul.f32 v14, v15;
	_ =	sdelay $0x1  }
0x314: {  	v11 =	vadd.f32 v14, v11;
	v14 =	vor.u32 s30, v2;
	_ =	sdelay $0x1  }
0x315: {  	v16 =	vor.u32 s25, v2;
	v11 =	vmul.f32 v11, v12;
	_ =	sdelay $0x1  }
0x316: {  	[tilespmem:v13+s4+$0x0] =	vst.idx.msk $0xffff, v11  }
0x317: {  	v11 =	vld.idx.msk [tilespmem:v14+s1+$0x0], $0xffff;
	_ =	sdelay $0x1  }
0x318: {  	v13 =	vld.idx.msk [tilespmem:v16+s20+$0x0], $0xffff;
	_ =	sdelay $0x2  }
0x319: {  	v11 =	vmul.f32 v11, v15;
	_ =	sdelay $0x1  }
0x31a: {  	v11 =	vadd.f32 v11, v13;
	_ =	sdelay $0x1  }
0x31b: {  	v11 =	vmul.f32 v11, v12;
	_ =	sdelay $0x1  }
0x31c: {  	s0 =	simm.s32 $0x0;
	s26 =	rddreg [dreg:$0xa];
	[tilespmem:v14+s4+$0x0] =	vst.idx.msk $0xffff, v11  }
0x31d: {  	[hbm4b:s26+s0] =	stream.linear.scatter [tilespmem:s4], [sflag:$0x2], $0x2000, $0x38;
	[tilespmem:$0x13200] =	vst v63  }
0x31e: {  	_ =	swait.ge [sflag:s31], $0x2000  }
0x31f: {  	s26 =	sld [smem:$0x7F5]  }
0x320: {  	[sflag:s31] =	ssyncset.done $0x0  }
0x321: {  	[sflag:s31] =	ssyncadd.s32 $0xFFFFE000  }
0x322: {  	[tilespmem:s1], [sflag:$0x2] =	stream.linear.gather [hbm4b:s26+s0], $0x2000, $0x38;
	[tilespmem:$0x13200] =	vst v63  }
0x323: {  	_ =	swait.ge [sflag:s31], $0x2000  }
0x324: {  	s26 =	sld [smem:$0x7F6]  }
0x325: {  	[sflag:s31] =	ssyncset.done $0x0  }
0x326: {  	s25 =	sadd.s32 $0x0, s17;
	[sflag:s31] =	ssyncadd.s32 $0xFFFFE000  }
0x327: {  	v11 =	vmov s25;
	[tilespmem:s20], [sflag:$0x2] =	stream.linear.gather [spmem:s26], $0x800, $0x38;
	[tilespmem:$0x13200] =	vst v63  }
0x328: {  	s26 =	simm.s32 $0x0  }
0x329: {  	_ =	swait.ge [sflag:s31], $0x800;
	v13 =	vor.u32 s26, v1  }
0x32a: {  	[sflag:s31] =	ssyncset.done $0x0  }
0x32b: {  	v12 =	vor.u32 s0, v1;
	[sflag:s31] =	ssyncadd.s32 $0xFFFFF800  }
0x32c: {  	v15 =	vld.idx.msk [tilespmem:v11+s7+$0x0], $0xffff;
	_ =	sdelay $0x1  }
0x32d: {  	v11 =	vld.idx.msk [tilespmem:v13+s1+$0x0], $0xffff;
	_ =	sdelay $0x1  }
0x32e: {  	v12 =	vld.idx.msk [tilespmem:v12+s20+$0x0], $0xffff  }
0x32f: {  	v14 =	vmul.f32 v15, v0;
	_ =	sdelay $0x1  }
0x330: {  	v11 =	vmul.f32 v11, v14;
	_ =	sdelay $0x1  }
0x331: {  	v11 =	vadd.f32 v11, v12;
	v12 =	vor.u32 s26, v2;
	_ =	sdelay $0x1  }
0x332: {  	v16 =	vor.u32 s0, v2;
	v11 =	vmul.f32 v11, v15;
	_ =	sdelay $0x1  }
0x333: {  	[tilespmem:v13+s4+$0x0] =	vst.idx.msk $0xffff, v11  }
0x334: {  	v11 =	vld.idx.msk [tilespmem:v12+s1+$0x0], $0xffff;
	_ =	sdelay $0x1  }
0x335: {  	v13 =	vld.idx.msk [tilespmem:v16+s20+$0x0], $0xffff;
	_ =	sdelay $0x2  }
0x336: {  	v11 =	vmul.f32 v11, v14  }
0x337: {  	s0 =	sadd.s32 $0x1, s17  }
0x338: {  	v14 =	vmov s0;
	v16 =	vadd.f32 v11, v13  }
0x339: {  	s30 =	simm.s32 $0x80  }
0x33a: {  	s25 =	simm.s32 $0x20;
	v13 =	vor.u32 s30, v1;
	v15 =	vmul.f32 v16, v15  }
0x33b: {  	s28 =	simm.s32 $0x40;
	s26 =	simm.s32 $0x2;
	v11 =	vor.u32 s25, v1  }
.LBB2_26:
0x33c: {  	v16 =	vor.u32 s28, v1;
	p0 =	sne.s32 s26, $0x3F;
	[tilespmem:v12+s4+$0x0] =	vst.idx.msk $0xffff, v15;
	s0 =	smov.u32 s26;
	s26 =	sadd.s32 $0x1, s26  }
0x33d: {  	v15 =	vld.idx.msk [tilespmem:v14+s7+$0x0], $0xffff;
	_ =	sdelay $0x1  }
0x33e: {  	v12 =	vld.idx.msk [tilespmem:v13+s1+$0x0], $0xffff;
	_ =	sdelay $0x1  }
0x33f: {  	v14 =	vld.idx.msk [tilespmem:v11+s20+$0x0], $0xffff;
	v11 =	vmov v16;
	_ =	sdelay $0x1  }
0x340: {  	v16 =	vmul.f32 v15, v0;
	_ =	sdelay $0x1  }
0x341: {  	v12 =	vmul.f32 v12, v16;
	_ =	sdelay $0x1  }
0x342: {  	v14 =	vadd.f32 v12, v14;
	v12 =	vor.u32 s30, v2;
	_ =	sdelay $0x1  }
0x343: {  	v17 =	vor.u32 s25, v2;
	s25 =	smov.u32 s28;
	v14 =	vmul.f32 v14, v15;
	_ =	sdelay $0x1  }
0x344: {  	[tilespmem:v13+s4+$0x0] =	vst.idx.msk $0xffff, v14  }
0x345: {  	v13 =	vld.idx.msk [tilespmem:v12+s1+$0x0], $0xffff;
	_ =	sdelay $0x1  }
0x346: {  	v17 =	vld.idx.msk [tilespmem:v17+s20+$0x0], $0xffff;
	_ =	sdelay $0x3  }
0x347: {  	v13 =	vmul.f32 v13, v16  }
.Ltmp12:
0x348: {  	s30 =	sadd.s32 s0, s17;
	(pc) =	sbr.rel @p0 .LBB2_26-.Ltmp12, $4  }
0x349: {  	v14 =	vmov s30;
	v16 =	vadd.f32 v13, v17  }
0x34a: {  	s30 =	sshll.u32 s0, $0x7  }
0x34b: {  	v13 =	vor.u32 s30, v1;
	v15 =	vmul.f32 v16, v15  }
0x34c: {  	s28 =	sadd.s32 $0x20, s28  }
0x34d: {  	_ =	sdelay $0x3  }
0x34e: {  	[tilespmem:v12+s4+$0x0] =	vst.idx.msk $0xffff, v15  }
0x34f: {  	v12 =	vld.idx.msk [tilespmem:v14+s7+$0x0], $0xffff;
	_ =	sdelay $0x1  }
0x350: {  	v14 =	vld.idx.msk [tilespmem:v13+s1+$0x0], $0xffff;
	_ =	sdelay $0x1  }
0x351: {  	v11 =	vld.idx.msk [tilespmem:v11+s20+$0x0], $0xffff  }
0x352: {  	v15 =	vmul.f32 v12, v0;
	_ =	sdelay $0x1  }
0x353: {  	v14 =	vmul.f32 v14, v15;
	_ =	sdelay $0x1  }
0x354: {  	v11 =	vadd.f32 v14, v11;
	v14 =	vor.u32 s30, v2;
	_ =	sdelay $0x1  }
0x355: {  	v16 =	vor.u32 s25, v2;
	v11 =	vmul.f32 v11, v12;
	_ =	sdelay $0x1  }
0x356: {  	[tilespmem:v13+s4+$0x0] =	vst.idx.msk $0xffff, v11  }
0x357: {  	v11 =	vld.idx.msk [tilespmem:v14+s1+$0x0], $0xffff;
	_ =	sdelay $0x1  }
0x358: {  	v13 =	vld.idx.msk [tilespmem:v16+s20+$0x0], $0xffff;
	_ =	sdelay $0x2  }
0x359: {  	v11 =	vmul.f32 v11, v15;
	_ =	sdelay $0x1  }
0x35a: {  	v11 =	vadd.f32 v11, v13;
	_ =	sdelay $0x1  }
0x35b: {  	v11 =	vmul.f32 v11, v12;
	_ =	sdelay $0x1  }
0x35c: {  	s0 =	simm.s32 $0x0;
	s26 =	rddreg [dreg:$0xb];
	[tilespmem:v14+s4+$0x0] =	vst.idx.msk $0xffff, v11  }
0x35d: {  	[hbm4b:s26+s0] =	stream.linear.scatter [tilespmem:s4], [sflag:$0x2], $0x2000, $0x38;
	[tilespmem:$0x13200] =	vst v63  }
0x35e: {  	_ =	swait.ge [sflag:s31], $0x2000  }
0x35f: {  	s26 =	sld [smem:$0x7F7]  }
0x360: {  	[sflag:s31] =	ssyncset.done $0x0  }
0x361: {  	[sflag:s31] =	ssyncadd.s32 $0xFFFFE000  }
0x362: {  	[tilespmem:s1], [sflag:$0x2] =	stream.linear.gather [hbm4b:s26+s0], $0x2000, $0x38;
	[tilespmem:$0x13200] =	vst v63  }
0x363: {  	_ =	swait.ge [sflag:s31], $0x2000  }
0x364: {  	s26 =	sld [smem:$0x7F8]  }
0x365: {  	[sflag:s31] =	ssyncset.done $0x0  }
0x366: {  	s25 =	sadd.s32 $0x0, s18;
	[sflag:s31] =	ssyncadd.s32 $0xFFFFE000  }
0x367: {  	v11 =	vmov s25;
	[tilespmem:s20], [sflag:$0x2] =	stream.linear.gather [spmem:s26], $0x800, $0x38;
	[tilespmem:$0x13200] =	vst v63  }
0x368: {  	s26 =	simm.s32 $0x0  }
0x369: {  	_ =	swait.ge [sflag:s31], $0x800;
	v13 =	vor.u32 s26, v1  }
0x36a: {  	[sflag:s31] =	ssyncset.done $0x0  }
0x36b: {  	v12 =	vor.u32 s0, v1;
	[sflag:s31] =	ssyncadd.s32 $0xFFFFF800  }
0x36c: {  	v15 =	vld.idx.msk [tilespmem:v11+s7+$0x0], $0xffff;
	_ =	sdelay $0x1  }
0x36d: {  	v11 =	vld.idx.msk [tilespmem:v13+s1+$0x0], $0xffff;
	_ =	sdelay $0x1  }
0x36e: {  	v12 =	vld.idx.msk [tilespmem:v12+s20+$0x0], $0xffff  }
0x36f: {  	v14 =	vmul.f32 v15, v0;
	_ =	sdelay $0x1  }
0x370: {  	v11 =	vmul.f32 v11, v14;
	_ =	sdelay $0x1  }
0x371: {  	v11 =	vadd.f32 v11, v12;
	v12 =	vor.u32 s26, v2;
	_ =	sdelay $0x1  }
0x372: {  	v16 =	vor.u32 s0, v2;
	v11 =	vmul.f32 v11, v15;
	_ =	sdelay $0x1  }
0x373: {  	[tilespmem:v13+s4+$0x0] =	vst.idx.msk $0xffff, v11  }
0x374: {  	v11 =	vld.idx.msk [tilespmem:v12+s1+$0x0], $0xffff;
	_ =	sdelay $0x1  }
0x375: {  	v13 =	vld.idx.msk [tilespmem:v16+s20+$0x0], $0xffff;
	_ =	sdelay $0x2  }
0x376: {  	v11 =	vmul.f32 v11, v14  }
0x377: {  	s0 =	sadd.s32 $0x1, s18  }
0x378: {  	v14 =	vmov s0;
	v16 =	vadd.f32 v11, v13  }
0x379: {  	s30 =	simm.s32 $0x80  }
0x37a: {  	s25 =	simm.s32 $0x20;
	v13 =	vor.u32 s30, v1;
	v15 =	vmul.f32 v16, v15  }
0x37b: {  	s28 =	simm.s32 $0x40;
	s26 =	simm.s32 $0x2;
	v11 =	vor.u32 s25, v1  }
.LBB2_28:
0x37c: {  	v16 =	vor.u32 s28, v1;
	p0 =	sne.s32 s26, $0x3F;
	[tilespmem:v12+s4+$0x0] =	vst.idx.msk $0xffff, v15;
	s0 =	smov.u32 s26;
	s26 =	sadd.s32 $0x1, s26  }
0x37d: {  	v15 =	vld.idx.msk [tilespmem:v14+s7+$0x0], $0xffff;
	_ =	sdelay $0x1  }
0x37e: {  	v12 =	vld.idx.msk [tilespmem:v13+s1+$0x0], $0xffff;
	_ =	sdelay $0x1  }
0x37f: {  	v14 =	vld.idx.msk [tilespmem:v11+s20+$0x0], $0xffff;
	v11 =	vmov v16;
	_ =	sdelay $0x1  }
0x380: {  	v16 =	vmul.f32 v15, v0;
	_ =	sdelay $0x1  }
0x381: {  	v12 =	vmul.f32 v12, v16;
	_ =	sdelay $0x1  }
0x382: {  	v14 =	vadd.f32 v12, v14;
	v12 =	vor.u32 s30, v2;
	_ =	sdelay $0x1  }
0x383: {  	v17 =	vor.u32 s25, v2;
	s25 =	smov.u32 s28;
	v14 =	vmul.f32 v14, v15;
	_ =	sdelay $0x1  }
0x384: {  	[tilespmem:v13+s4+$0x0] =	vst.idx.msk $0xffff, v14  }
0x385: {  	v13 =	vld.idx.msk [tilespmem:v12+s1+$0x0], $0xffff;
	_ =	sdelay $0x1  }
0x386: {  	v17 =	vld.idx.msk [tilespmem:v17+s20+$0x0], $0xffff;
	_ =	sdelay $0x3  }
0x387: {  	v13 =	vmul.f32 v13, v16  }
.Ltmp13:
0x388: {  	s30 =	sadd.s32 s0, s18;
	(pc) =	sbr.rel @p0 .LBB2_28-.Ltmp13, $4  }
0x389: {  	v14 =	vmov s30;
	v16 =	vadd.f32 v13, v17  }
0x38a: {  	s30 =	sshll.u32 s0, $0x7  }
0x38b: {  	v13 =	vor.u32 s30, v1;
	v15 =	vmul.f32 v16, v15  }
0x38c: {  	s28 =	sadd.s32 $0x20, s28  }
0x38d: {  	_ =	sdelay $0x3  }
0x38e: {  	[tilespmem:v12+s4+$0x0] =	vst.idx.msk $0xffff, v15  }
0x38f: {  	v12 =	vld.idx.msk [tilespmem:v14+s7+$0x0], $0xffff;
	_ =	sdelay $0x1  }
0x390: {  	v61 =	vld.idx.msk [tilespmem:v13+s1+$0x0], $0xffff;
	_ =	sdelay $0x1  }
0x391: {  	v11 =	vld.idx.msk [tilespmem:v11+s20+$0x0], $0xffff  }
0x392: {  	v62 =	vmul.f32 v12, v0;
	_ =	sdelay $0x1  }
0x393: {  	v14 =	vmul.f32 v61, v62;
	_ =	sdelay $0x1  }
0x394: {  	v63 =	vor.u32 s30, v2;
	v11 =	vadd.f32 v14, v11;
	_ =	sdelay $0x1  }
0x395: {  	v16 =	vor.u32 s25, v2;
	v11 =	vmul.f32 v11, v12;
	_ =	sdelay $0x1  }
0x396: {  	[tilespmem:v13+s4+$0x0] =	vst.idx.msk $0xffff, v11  }
0x397: {  	v11 =	vld.idx.msk [tilespmem:v63+s1+$0x0], $0xffff;
	_ =	sdelay $0x1  }
0x398: {  	v13 =	vld.idx.msk [tilespmem:v16+s20+$0x0], $0xffff;
	_ =	sdelay $0x2  }
0x399: {  	v11 =	vmul.f32 v11, v62;
	_ =	sdelay $0x1  }
0x39a: {  	v11 =	vadd.f32 v11, v13;
	_ =	sdelay $0x1  }
0x39b: {  	v11 =	vmul.f32 v11, v12;
	_ =	sdelay $0x1  }
0x39c: {  	s30 =	simm.s32 $0x0;
	s0 =	rddreg [dreg:$0xc];
	[tilespmem:v63+s4+$0x0] =	vst.idx.msk $0xffff, v11  }
0x39d: {  	[hbm4b:s0+s30] =	stream.linear.scatter [tilespmem:s4], [sflag:$0x2], $0x2000, $0x38;
	[tilespmem:$0x13200] =	vst v63  }
0x39e: {  	_ =	swait.ge [sflag:s31], $0x2000  }
0x39f: {  	s26 =	sld [smem:$0x7F0]  }
0x3a0: {  	s28 =	sld [smem:$0x7F9];
	_ =	sdelay $0x1  }
0x3a1: {  	s25 =	sadd.s32 $0x1, s26  }
0x3a2: {  	p0 =	sne.s32 s25, s28  }
.Ltmp14:
0x3a3: {  	_ = 	snop;
	(pc) =	sbr.rel @p0 .LBB2_1-.Ltmp14, $3  }
0x3a4: {  	_ =	sdelay $0x1  }
0x3a5: {  	[sflag:s31] =	ssyncset.done $0x0  }
0x3a6: {  	[sflag:s31] =	ssyncadd.s32 $0xFFFFE000  }
0x3a7: {  	_ =	sfence.sel $0x180000  }
0x3a8: {  	[bflag:$0x0] =	sbarrier.arrive $0xFFFF  }
0x3a9: {  	_ =	strace $0x9000004D  }
0x3aa: {  	s0 =	stileid.u32;
	[bflag:$0x2] =	sbarrier.arrive $0xFFFF  }
0x3ab: {  	p0 =	sne.s32 s0, $0x0;
	s0 =	rddreg [dreg:$0x2]  }
0x3ac: {  	s0 =	sadd.s32 @!p0 $0x100000, s0  }
0x3ad: {  	[sflag:s0] =	ssyncadd.tile.s32 @!p0 $0x1;
	_ =	shalt  }
.Lfunc_end2:
_tile_overlayer_lowered:
.L_overlay_start_2:
0x3ae: {  	(tag) =	ssettag $0x2  }
0x3af: {  	s0 =	rddreg [dreg:$0x0];
	s2 =	stileid.u32  }
0x3b0: {  	s1 =	rddreg [dreg:$0x1];
	p0 =	sne.s32 s2, $0x0  }
0x3b1: {  	s3 =	rddreg [dreg:$0x2];
	[bflag:$0x3] =	sbarrier.arrive $0xFFFF;
	s2 =	simm.s32 @!p0 $0x1C02  }
0x3b2: {  	[timem:s3], [sflag:s2] =	dma.local @!p0 [hbm:s0], s1  }
0x3b3: {  	s0 =	simm.s32 @!p0 $0x2  }
0x3b4: {  	_ =	swait.ge @!p0 [sflag:s0], s1  }
0x3b5: {  	s1 =	ssub.s32 @!p0 $0x0, s1;
	[sflag:s0] =	ssyncset.done @!p0 $0x0  }
0x3b6: {  	[sflag:s0] =	ssyncadd.s32 @!p0 s1  }
0x3b7: {  	[bflag:$0x3] =	sbarrier.arrive $0xFFFF  }
0x3b8: {  	_ =	shalt  }

// kernel: kernel.8.cloned.1.call-start
scs
__scs_entry_jumppad:
0x0: {  	(pc) =	sbr.rel $0x88, $3  }
0x1: {  	(tag) =	ssettag $0x0;
	lr =	simm.s32 $0x1  }
0x2: {  	[smem:$0x3F97] =	sst lr;
	_ =	strace $0xD0000000  }
0x3: {  	_ = 	snop  }
0x4: {  	_ = 	snop  }
0x5: {  	_ = 	snop  }
0x6: {  	_ = 	snop  }
0x7: {  	_ = 	snop  }
__scs_overlays_trampoline_lowered:
0x8: {  	[smem:$0x3FA6] =	sst s0  }
0x9: {  	[smem:$0x3FA7] =	sst s1  }
0xa: {  	[smem:$0x3FA8] =	sst s2  }
0xb: {  	[smem:$0x3FA9] =	sst s3  }
0xc: {  	[smem:$0x3FAA] =	sst s4  }
0xd: {  	[smem:$0x3FAB] =	sst s5  }
0xe: {  	[smem:$0x3FAC] =	sst s6  }
0xf: {  	[smem:$0x3FAD] =	sst s7  }
0x10: {  	[smem:$0x3FAE] =	sst s8  }
0x11: {  	[smem:$0x3FAF] =	sst s9;
	s0 =	simm.s32 @!p0 $0x0  }
0x12: {  	s1 =	sld [smem:$0x3F95];
	s0 =	simm.s32 @p0 $0x1  }
0x13: {  	[smem:$0x3FB0] =	sst s0;
	s0 =	simm.s32 @!p1 $0x0  }
0x14: {  	s2 =	sld [smem:$0x3F94];
	s0 =	simm.s32 @p1 $0x1  }
0x15: {  	[smem:$0x3FB1] =	sst s0;
	s0 =	simm.s32 @!p2 $0x0  }
0x16: {  	s3 =	sld [smem:$0x3FDB];
	s0 =	simm.s32 @p2 $0x1  }
0x17: {  	s4 =	simm.s32 $0x1BF5;
	[smem:$0x3FB3] =	sst s0  }
0x18: {  	s0 =	sld [smem:$0x3F96];
	_ =	swait.ge [sflag:s4], $0x0  }
0x19: {  	s7 =	sld [smem:$0x3F97]  }
0x1a: {  	s8 =	sadd.s32 $0xFFFFE003, lr  }
0x1b: {  	s9 =	sadd.s32 $0xFFFFFEF7, lr;
	s5 =	simm.s32 $0xFFFFFFFF;
	p2 =	slt.u32 s8, $0xFFFFF086  }
0x1c: {  	p1 =	slt.u32 s9, $0xF7A;
	s5 =	simm.s32 @!p2 $0x0  }
0x1d: {  	s5 =	simm.s32 @p1 $0x1;
	p0 =	seq.s32 s7, s2  }
0x1e: {  	s7 =	smul.u32 @!p0 $0xF7A, s2;
	p2 =	seq.s32 @!p0 s5, $0x0  }
0x1f: {  	s9 =	smul.u32 $0xF7A, s1;
	s8 =	simm.s32 @!p0 $0x1BF5;
	p2 =	por !p2, p0  }
0x20: {  	[sflag:s8] =	ssyncset.s32 @!p0 $0xFFFFF086;
	s6 =	sadd.s32 @!p0 s3, s7;
	s7 =	simm.s32 @!p0 $0x108  }
0x21: {  	s3 =	sadd.s32 s3, s9;
	s6 =	sadd.s32 @!p0 $0x88, s6;
	s7 =	simm.s32 @p2 $0x1082  }
0x22: {  	[simem:s7], [sflag:s8] =	dma.local @!p0 [hbm:s6], $0xF7A  }
0x23: {  	s9 =	sor.u32 $0xD0000000, s2;
	s6 =	simm.s32 $0x108;
	_ =	swait.ge @!p0 [sflag:s8], $0x0  }
0x24: {  	s3 =	sadd.s32 $0x88, s3;
	s6 =	simm.s32 @!p1 $0x1082;
	[sflag:s4] =	ssyncset.s32 $0xFFFFF086  }
0x25: {  	[simem:s6], [sflag:s4] =	dma.local [hbm:s3], $0xF7A  }
0x26: {  	[smem:$0x3F97] =	sst s1;
	(tag) =	ssettag s2;
	_ =	strace s9  }
0x27: {  	s1 =	sld [smem:$0x3FA7]  }
0x28: {  	s2 =	sld [smem:$0x3FA8]  }
0x29: {  	s4 =	sld [smem:$0x3FAA]  }
0x2a: {  	p0 =	seq.s32 s5, $0x0;
	s5 =	sld [smem:$0x3FAB]  }
0x2b: {  	s6 =	sld [smem:$0x3FAC]  }
0x2c: {  	s7 =	sld [smem:$0x3FAD]  }
0x2d: {  	s3 =	simm.s32 $0x108;
	s8 =	sld [smem:$0x3FAE]  }
0x2e: {  	s3 =	simm.s32 @!p0 $0x1082;
	s9 =	sld [smem:$0x3FAF]  }
0x2f: {  	lr =	sadd.s32 s0, s3;
	s0 =	sld [smem:$0x3FA6]  }
0x30: {  	s3 =	sld [smem:$0x3FA9]  }
0x31: {  	[smem:$0x3FB2] =	sst s10  }
0x32: {  	s10 =	sld [smem:$0x3FB0];
	_ =	sdelay $0x3  }
0x33: {  	p0 =	seq.s32 s10, $0x1;
	s10 =	sld [smem:$0x3FB2];
	_ =	sdelay $0x3  }
0x34: {  	[smem:$0x3FB2] =	sst s10  }
0x35: {  	s10 =	sld [smem:$0x3FB1];
	_ =	sdelay $0x3  }
0x36: {  	p1 =	seq.s32 s10, $0x1;
	s10 =	sld [smem:$0x3FB2];
	_ =	sdelay $0x3  }
0x37: {  	[smem:$0x3FB2] =	sst s10  }
0x38: {  	s10 =	sld [smem:$0x3FB3]  }
0x39: {  	_ = 	snop;
	(pc) =	sbr.ind lr, $3  }
0x3a: {  	_ = 	snop  }
0x3b: {  	_ = 	snop  }
0x3c: {  	p2 =	seq.s32 s10, $0x1;
	s10 =	sld [smem:$0x3FB2]  }
0x3d: {  	_ =	shalt  }
0x3e: {  	_ =	shalt  }
0x3f: {  	_ =	shalt  }
0x40: {  	_ =	shalt  }
0x41: {  	_ =	shalt  }
0x42: {  	_ =	shalt  }
0x43: {  	_ =	shalt  }
0x44: {  	_ =	shalt  }
0x45: {  	_ =	shalt  }
0x46: {  	_ =	shalt  }
0x47: {  	_ =	shalt  }
0x48: {  	_ =	shalt  }
0x49: {  	_ =	shalt  }
0x4a: {  	_ =	shalt  }
0x4b: {  	_ =	shalt  }
0x4c: {  	_ =	shalt  }
0x4d: {  	_ =	shalt  }
0x4e: {  	_ =	shalt  }
0x4f: {  	_ =	shalt  }
0x50: {  	_ =	shalt  }
0x51: {  	_ =	shalt  }
0x52: {  	_ =	shalt  }
0x53: {  	_ =	shalt  }
0x54: {  	_ =	shalt  }
0x55: {  	_ =	shalt  }
0x56: {  	_ =	shalt  }
0x57: {  	_ =	shalt  }
0x58: {  	_ =	shalt  }
0x59: {  	_ =	shalt  }
0x5a: {  	_ =	shalt  }
0x5b: {  	_ =	shalt  }
0x5c: {  	_ =	shalt  }
0x5d: {  	_ =	shalt  }
0x5e: {  	_ =	shalt  }
0x5f: {  	_ =	shalt  }
0x60: {  	_ =	shalt  }
0x61: {  	_ =	shalt  }
0x62: {  	_ =	shalt  }
0x63: {  	_ =	shalt  }
0x64: {  	_ =	shalt  }
0x65: {  	_ =	shalt  }
0x66: {  	_ =	shalt  }
0x67: {  	_ =	shalt  }
0x68: {  	_ =	shalt  }
0x69: {  	_ =	shalt  }
0x6a: {  	_ =	shalt  }
0x6b: {  	_ =	shalt  }
0x6c: {  	_ =	shalt  }
0x6d: {  	_ =	shalt  }
0x6e: {  	_ =	shalt  }
0x6f: {  	_ =	shalt  }
0x70: {  	_ =	shalt  }
0x71: {  	_ =	shalt  }
0x72: {  	_ =	shalt  }
0x73: {  	_ =	shalt  }
0x74: {  	_ =	shalt  }
0x75: {  	_ =	shalt  }
0x76: {  	_ =	shalt  }
0x77: {  	_ =	shalt  }
0x78: {  	_ =	shalt  }
0x79: {  	_ =	shalt  }
0x7a: {  	_ =	shalt  }
0x7b: {  	_ =	shalt  }
0x7c: {  	_ =	shalt  }
0x7d: {  	_ =	shalt  }
0x7e: {  	_ =	shalt  }
0x7f: {  	_ =	shalt  }
0x80: {  	_ =	shalt  }
0x81: {  	_ =	shalt  }
0x82: {  	_ =	shalt  }
0x83: {  	_ =	shalt  }
0x84: {  	_ =	shalt  }
0x85: {  	_ =	shalt  }
0x86: {  	_ =	shalt  }
0x87: {  	_ =	shalt  }
.Lfunc_end0:
.L_simem_size_0:
called_computation_lowered:
.L_overlay_start_0:
0x88: {  	s2 =	sld [smem:$0x3FD9]  }
0x89: {  	s3 =	sld [smem:$0x3FFE];
	_ =	sdelay $0x1  }
0x8a: {  	s1 =	srdreg.scid  }
0x8b: {  	s0 =	sand.u32 $0x1, s1  }
0x8c: {  	s16 =	sshll.u32 s0, $0xA;
	s2 =	sadd.s32 s3, s2  }
0x8d: {  	s2 =	sadd.s32 s2, s16  }
0x8e: {  	[smem:$0x3FBE] =	sst s2  }
0x8f: {  	_ = 	snop  }
0x90: {  	(tm) =	ssettm $0x1  }
0x91: {  	s17 =	sld [smem:$0x3FFB];
	_ =	sdelay $0x3  }
0x92: {  	_ =	strace s17  }
0x93: {  	s2 =	sld [smem:$0x3FFC];
	_ =	sdelay $0x3  }
0x94: {  	_ =	strace s2  }
0x95: {  	s2 =	sld [smem:$0x3FFD];
	_ =	sdelay $0x3  }
0x96: {  	_ =	strace s2  }
0x97: {  	_ =	strace $0x8FFFFFFF  }
0x98: {  	s18 =	sld [smem:$0x3FDB];
	_ =	sdelay $0x1  }
0x99: {  	s19 =	simm.s32 $_scs_section_size  }
0x9a: {  	s4 =	simm.s32 $_size__tile_overlayer_lowered;
	s5 =	simm.s32 $_tile_overlayer_lowered  }
0x9b: {  	s22 =	simm.s32 $0x1BFF;
	s21 =	sshll.u32 s5, $0x1;
	s2 =	sadd.s32 s19, s18  }
0x9c: {  	s6 =	simm.s32 $0x0;
	s20 =	sshll.u32 s4, $0x1;
	s4 =	sadd.s32 s21, s2  }
0x9d: {  	[timem:s6], [sflag:s22] =	dma.local [hbm:s4], s20  }
0x9e: {  	_ =	swait.ge [sflag:s22], s20  }
0x9f: {  	s3 =	ssub.s32 $0x0, s20;
	[sflag:s22] =	ssyncset.done $0x0  }
0xa0: {  	[sflag:s22] =	ssyncadd.s32 s3;
	_ =	sdelay $0x1  }
0xa1: {  	s23 =	simm.s32 $0x1B8B  }
0xa2: {  	_ =	swait.ge [sflag:s23], $0x1  }
0xa3: {  	[sflag:s23] =	ssyncset.done $0x0  }
0xa4: {  	s25 =	simm.s32 $0x1B8E;
	s24 =	sld [smem:$0x3FFE];
	[sflag:s23] =	ssyncadd.s32 $0xFFFFFFFF  }
0xa5: {  	s26 =	simm.s32 $execute0_lowered;
	[smem:$0x3FD2] =	sst s25  }
0xa6: {  	s4 =	sshll.u32 s26, $0x1;
	_ =	strace $0x80000046;
	[dreg:$0x1] =	wrdreg $0xFFFFFFFF  }
0xa7: {  	s28 =	simm.s32 $_size_execute0_lowered;
	s2 =	sadd.s32 s2, s4;
	[dreg:$0x0] =	wrdreg $0x0  }
0xa8: {  	s4 =	sshll.u32 s28, $0x1;
	[dreg:$0x2] =	wrdreg s2  }
0xa9: {  	[dreg:$0x3] =	wrdreg s4  }
0xaa: {  	[dreg:$0x4] =	wrdreg $0xC0  }
0xab: {  	_ =	task [dreg:s6], $0x5FFFF  }
0xac: {  	[dreg:$0x1] =	wrdreg $0xFFFFFFFF  }
0xad: {  	[dreg:$0x0] =	wrdreg $0x60  }
0xae: {  	[dreg:$0x2] =	wrdreg s24  }
0xaf: {  	[dreg:$0x3] =	wrdreg $0x0  }
0xb0: {  	[dreg:$0x4] =	wrdreg $0x9  }
0xb1: {  	_ =	task.clear_ibuf [dreg:s6], $0x5FFFF;
	_ =	strace $0x90000046  }
0xb2: {  	s29 =	simm.s32 $0x9;
	_ =	strace $0x80000048  }
0xb3: {  	_ =	swait.ge [sflag:s29], $0x1  }
0xb4: {  	[sflag:s29] =	ssyncadd.s32 $0xFFFFFFFF  }
0xb5: {  	_ =	strace $0x90000048  }
0xb6: {  	_ =	sfence  }
0xb7: {  	s30 =	sld [smem:$0x0];
	_ =	sdelay $0x2  }
0xb8: {  	s31 =	sshll.u32 s1, $0xD;
	s1 =	sshrl.u32 s1, $0x2  }
0xb9: {  	s3 =	sand.u32 $0x4000, s31;
	s1 =	sadd.s32 s1, s30  }
0xba: {  	s0 =	sor.u32 s3, s0;
	s1 =	sshll.u32 s1, $0x11  }
0xbb: {  	s0 =	sor.u32 s1, s0  }
0xbc: {  	s0 =	sadd.s32 $0x8F2B, s0  }
0xbd: {  	[sflag:s0] =	ssyncadd.remote.s32 $0x1  }
0xbe: {  	_ =	sfence.sel $0xFFFF  }
0xbf: {  	[dreg:$0x0] =	wrdreg $0xFFFFFFFF;
	(pc) =	sbr.abs _section_cstart, $3  }
0xc0: {  	[dreg:$0x1] =	wrdreg $0xFFFFFFFF  }
0xc1: {  	_ =	task.clear_ibuf [dreg:s6], $0x2FFFF;
	_ =	strace $0x9FFFFFFF  }
0xc2: {  	(tm) =	ssettm $0x7FFFFFFF  }
0xc3: {  	_ =	shalt  }
tec
execute0_lowered:
.L_overlay_start_1:
0x0: {  	(tag) =	ssettag $0x1  }
0x1: {  	s8 =	rddreg [dreg:$0x0]  }
0x2: {  	s1 =	rddreg [dreg:$0x1]  }
0x3: {  	s0 =	rddreg [dreg:$0x2]  }
0x4: {  	s2 =	simm.s32 $0x0;
	s4 =	srdreg.scid;
	s13 =	simm.s32 $0x17000  }
0x5: {  	s14 =	simm.s32 $0x300;
	s15 =	simm.s32 $0x80;
	s16 =	simm.s32 $0x0  }
0x6: {  	[smem:$0x7FF] =	sst s2;
	s3 =	sadd.s32 $0x2800, s8;
	s7 =	sand.u32 $0x1, s4  }
0x7: {  	s5 =	sadd.s32 $0xC800, s8;
	s6 =	sadd.s32 $0x16800, s8;
	s4 =	stileid.u32  }
0x8: {  	_ =	strace $0x80000047;
	s9 =	ssub.s32 $0x2, s7;
	s11 =	sshll.u32 s7, $0x4  }
0x9: {  	s12 =	smul.u32 $0x280, s4;
	p0 =	seq.s32 s7, $0x1;
	s10 =	sshrl.u32 s9, $0x1  }
0xa: {  	s29 =	sor.u32 s4, s11;
	s13 =	simm.s32 @!p0 $0x16A00;
	s11 =	simm.s32 $0x380  }
0xb: {  	s9 =	ssub.s32 s9, s10;
	s7 =	sadd.s32 s12, s1;
	s30 =	sshrl.u32 s12, $0x3  }
0xc: {  	s31 =	sadd.s32 s13, s8;
	s8 =	smul.u32 $0x2800, s29;
	s12 =	simm.s32 $0x1  }
0xd: {  	s13 =	simm.s32 $0x280;
	s9 =	smax.u32 s9, $0x1;
	s10 =	sadd.s32 s31, s30  }
.LBB2_1:
0xe: {  	[tilespmem:s11], [sflag:$0x1] =	stream.linear.gather [hbm4b:s6+s2], $0x280, $0x38;
	[tilespmem:$0x600] =	vst v63  }
0xf: {  	_ =	swait.ge [sflag:s12], $0x280  }
0x10: {  	[sflag:s12] =	ssyncset.done $0x0  }
0x11: {  	s17 =	sand.u32 $0x3C00, s2;
	[sflag:s12] =	ssyncadd.s32 $0xFFFFFD80  }
0x12: {  	[spmem:s7] =	stream.linear.scatter [tilespmem:s11], [sflag:$0x1], $0x280, $0x38;
	[tilespmem:$0x600] =	vst v63  }
0x13: {  	s18 =	sand.u32 $0x380, s2;
	s17 =	sadd.s32 s8, s17;
	_ =	swait.ge [sflag:s12], $0x280  }
0x14: {  	s17 =	sor.u32 s18, s17;
	[sflag:s12] =	ssyncset.done $0x0  }
0x15: {  	s17 =	sshrl.u32 s17, $0x3;
	[sflag:s12] =	ssyncadd.s32 $0xFFFFFD80  }
0x16: {  	s29 =	sadd.s32 s3, s17;
	[bflag:$0x0] =	sbarrier.arrive $0xFFFF  }
0x17: {  	[tilespmem:s13], [sflag:$0x1] =	stream.linear.gather [hbm4b:s29+s2], $0x80, $0x38;
	[tilespmem:$0x600] =	vst v63  }
0x18: {  	_ =	swait.ge [sflag:s12], $0x80  }
0x19: {  	[sflag:s12] =	ssyncset.done $0x0  }
0x1a: {  	s17 =	sadd.s32 s5, s17;
	[sflag:s12] =	ssyncadd.s32 $0xFFFFFF80  }
0x1b: {  	[tilespmem:s14], [sflag:$0x1] =	stream.linear.gather [hbm4b:s17+s2], $0x80, $0x38;
	[tilespmem:$0x600] =	vst v63  }
0x1c: {  	_ =	swait.ge [sflag:s12], $0x80  }
0x1d: {  	s30 =	simm.s32 $0x80;
	[sflag:s12] =	ssyncset.done $0x0  }
0x1e: {  	s31 =	sand.u32 $0x3C00, s30;
	[sflag:s12] =	ssyncadd.s32 $0xFFFFFF80  }
0x1f: {  	[spmem:s1] =	stream.indirect.scatter.add.f32 [tilespmem:s14], [sflag:$0x1], $0x1, s13, s15, $0xb8;
	[tilespmem:$0x600] =	vst v63  }
0x20: {  	s19 =	sand.u32 $0x380, s30;
	s18 =	sadd.s32 s8, s31;
	_ =	swait.ge [sflag:s12], $0x80  }
0x21: {  	s18 =	sor.u32 s19, s18;
	s17 =	simm.s32 $0x100;
	[sflag:s12] =	ssyncset.done $0x0  }
.LBB2_2:
0x22: {  	s18 =	sshrl.u32 s18, $0x3  }
0x23: {  	[sflag:s12] =	ssyncadd.s32 $0xFFFFFF80;
	s19 =	smov.u32 s17;
	s20 =	sadd.s32 $0x80, s17  }
0x24: {  	p0 =	sne.s32 s17, $0x2780;
	s17 =	sadd.s32 s3, s18  }
0x25: {  	[tilespmem:s13], [sflag:$0x1] =	stream.linear.gather [hbm4b:s17+s2], $0x80, $0x38;
	[tilespmem:$0x600] =	vst v63  }
0x26: {  	_ =	swait.ge [sflag:s12], $0x80  }
0x27: {  	[sflag:s12] =	ssyncset.done $0x0  }
0x28: {  	s17 =	sadd.s32 s5, s18;
	[sflag:s12] =	ssyncadd.s32 $0xFFFFFF80  }
0x29: {  	[tilespmem:s14], [sflag:$0x1] =	stream.linear.gather [hbm4b:s17+s2], $0x80, $0x38;
	[tilespmem:$0x600] =	vst v63  }
0x2a: {  	_ =	swait.ge [sflag:s12], $0x80  }
.Ltmp0:
0x2b: {  	[sflag:s12] =	ssyncset.done $0x0;
	(pc) =	sbr.rel @p0 .LBB2_2-.Ltmp0, $4  }
0x2c: {  	s17 =	sand.u32 $0x3C00, s19;
	[sflag:s12] =	ssyncadd.s32 $0xFFFFFF80  }
0x2d: {  	[spmem:s1] =	stream.indirect.scatter.add.f32 [tilespmem:s14], [sflag:$0x1], $0x1, s13, s15, $0xb8;
	[tilespmem:$0x600] =	vst v63  }
0x2e: {  	s18 =	sand.u32 $0x380, s19;
	s17 =	sadd.s32 s8, s17;
	_ =	swait.ge [sflag:s12], $0x80  }
0x2f: {  	s18 =	sor.u32 s18, s17;
	s17 =	smov.u32 s20;
	[sflag:s12] =	ssyncset.done $0x0  }
0x30: {  	s17 =	sshrl.u32 s18, $0x3  }
0x31: {  	[sflag:s12] =	ssyncadd.s32 $0xFFFFFF80;
	s18 =	sadd.s32 s3, s17  }
0x32: {  	[tilespmem:s13], [sflag:$0x1] =	stream.linear.gather [hbm4b:s18+s2], $0x80, $0x38;
	[tilespmem:$0x600] =	vst v63  }
0x33: {  	_ =	swait.ge [sflag:s12], $0x80  }
0x34: {  	[sflag:s12] =	ssyncset.done $0x0  }
0x35: {  	s17 =	sadd.s32 s5, s17;
	[sflag:s12] =	ssyncadd.s32 $0xFFFFFF80  }
0x36: {  	[tilespmem:s14], [sflag:$0x1] =	stream.linear.gather [hbm4b:s17+s2], $0x80, $0x38;
	[tilespmem:$0x600] =	vst v63  }
0x37: {  	_ =	swait.ge [sflag:s12], $0x80  }
0x38: {  	[sflag:s12] =	ssyncset.done $0x0  }
0x39: {  	[sflag:s12] =	ssyncadd.s32 $0xFFFFFF80  }
0x3a: {  	[spmem:s1] =	stream.indirect.scatter.add.f32 [tilespmem:s14], [sflag:$0x1], $0x1, s13, s15, $0xb8;
	[tilespmem:$0x600] =	vst v63  }
0x3b: {  	_ =	swait.ge [sflag:s12], $0x80  }
0x3c: {  	[sflag:s12] =	ssyncset.done $0x0  }
0x3d: {  	[sflag:s12] =	ssyncadd.s32 $0xFFFFFF80  }
0x3e: {  	[bflag:$0x0] =	sbarrier.arrive $0xFFFF  }
0x3f: {  	[tilespmem:s11], [sflag:$0x1] =	stream.linear.gather [spmem:s7], $0x280, $0x38;
	[tilespmem:$0x600] =	vst v63  }
0x40: {  	s16 =	sadd.s32 $0x1, s16;
	_ =	swait.ge [sflag:s12], $0x280  }
0x41: {  	p0 =	sne.s32 s16, s9;
	[sflag:s12] =	ssyncset.done $0x0  }
.Ltmp1:
0x42: {  	[sflag:s12] =	ssyncadd.s32 $0xFFFFFD80;
	(pc) =	sbr.rel @p0 .LBB2_1-.Ltmp1, $4  }
0x43: {  	[hbm4b:s10+s2] =	stream.linear.scatter [tilespmem:s11], [sflag:$0x1], $0x280, $0x38;
	[tilespmem:$0x600] =	vst v63  }
0x44: {  	_ =	swait.ge [sflag:s12], $0x280  }
0x45: {  	[sflag:s12] =	ssyncset.done $0x0  }
0x46: {  	[sflag:s12] =	ssyncadd.s32 $0xFFFFFD80  }
0x47: {  	_ =	sfence.sel $0x180000  }
0x48: {  	[bflag:$0x0] =	sbarrier.arrive $0xFFFF  }
0x49: {  	p0 =	sne.s32 s4, $0x0;
	_ =	strace $0x90000047  }
0x4a: {  	s0 =	sadd.s32 @!p0 $0x100000, s0;
	[bflag:$0x2] =	sbarrier.arrive $0xFFFF  }
0x4b: {  	[sflag:s0] =	ssyncadd.tile.s32 @!p0 $0x1;
	_ =	shalt  }
.Lfunc_end2:
_tile_overlayer_lowered:
.L_overlay_start_2:
0x4c: {  	(tag) =	ssettag $0x2  }
0x4d: {  	s0 =	rddreg [dreg:$0x0];
	s2 =	stileid.u32  }
0x4e: {  	s1 =	rddreg [dreg:$0x1];
	p0 =	sne.s32 s2, $0x0  }
0x4f: {  	s3 =	rddreg [dreg:$0x2];
	[bflag:$0x3] =	sbarrier.arrive $0xFFFF;
	s2 =	simm.s32 @!p0 $0x1C01  }
0x50: {  	[timem:s3], [sflag:s2] =	dma.local @!p0 [hbm:s0], s1  }
0x51: {  	s0 =	simm.s32 @!p0 $0x1  }
0x52: {  	_ =	swait.ge @!p0 [sflag:s0], s1  }
0x53: {  	s1 =	ssub.s32 @!p0 $0x0, s1;
	[sflag:s0] =	ssyncset.done @!p0 $0x0  }
0x54: {  	[sflag:s0] =	ssyncadd.s32 @!p0 s1  }
0x55: {  	[bflag:$0x3] =	sbarrier.arrive $0xFFFF  }
0x56: {  	_ =	shalt  }

</sc_bundles>
